<compile_context>
chip_gen: v7x
topology: tpu7x:2x2x1
jax: 0.10.2.dev20260603
libtpu: 0.0.44.dev20260713+nightly
codegen_flags: <defaults>
</compile_context>

<pallas_src>
import jax
import jax.numpy as jnp
from jax import lax
from jax.experimental import pallas as pl
from jax.experimental.pallas import tpu as pltpu
from jax.experimental.pallas import tpu_sc as plsc

NUM_SEGMENTS = 256
E = 320000
D = 128

NC = 2
NS = 16
NW = NC * NS
ROWS_PER_TILE = E // NW
BLK = 128
GBLK = 256
NSLOT = 3
NGB = ROWS_PER_TILE // GBLK
NSUB = GBLK // BLK
NFULL = NSUB * NGB
TAIL = ROWS_PER_TILE - NFULL * BLK
IDROWS = NFULL + 2
SEGS_PER_TILE = NUM_SEGMENTS // NS
RUNROLL = 8
PROWS = 64

_mesh = plsc.VectorSubcoreMesh(core_axis_name="c", subcore_axis_name="s")


def _seg_sum_body(feat, ids2, out, fbuf, ibuf, iibuf, pacc, acc,
                  sem0, sem1, sem2, semi):
    c = lax.axis_index("c")
    s = lax.axis_index("s")
    sems = (sem0, sem1, sem2)
    w = s * NC + c
    base = w * ROWS_PER_TILE

    pltpu.async_copy(ids2.at[pl.ds(w * IDROWS, IDROWS)], ibuf, semi)

    zero16 = jnp.zeros((16,), jnp.float32)

    def start_gblock(g, b):
        pltpu.async_copy(
            feat.at[pl.ds(base + g * GBLK, GBLK), :], fbuf.at[b], sems[b])

    def wait_gblock(b):
        pltpu.make_async_copy(
            feat.at[pl.ds(0, GBLK), :], fbuf.at[b], sems[b]).wait()

    for b0 in range(NSLOT):
        start_gblock(b0, b0)

    def zero_pacc(r, carry):
        for j in range(D // 16):
            pacc[r, pl.ds(j * 16, 16)] = zero16
        return carry

    lax.fori_loop(0, PROWS, zero_pacc, None)
    seg0 = s * SEGS_PER_TILE
    pltpu.sync_copy(
        pacc.at[pl.ds(0, SEGS_PER_TILE)],
        acc.at[pl.ds(seg0, SEGS_PER_TILE)])
    plsc.subcore_barrier()

    pltpu.make_async_copy(ids2.at[pl.ds(0, IDROWS)], ibuf, semi).wait()

    firstseg = ibuf[0, pl.ds(0, 16)][0]
    iota16 = lax.iota(jnp.int32, 16)
    for j in range(PROWS // 16):
        iibuf[0, pl.ds(j * 16, 16)] = jnp.minimum(
            iota16 + (j * 16) + firstseg, NUM_SEGMENTS - 1)

    def process_sub(i, b, h):
        m = ibuf[i, pl.ds(0, 16)][0]
        mx = ibuf[i, pl.ds(BLK - 16, 16)][15]
        p = m - firstseg

        @pl.when((m == mx) & (p < PROWS))
        def _dense():
            def row_body(it, regs):
                new = regs
                for u in range(RUNROLL):
                    r = h * BLK + it * RUNROLL + u
                    new = tuple(
                        new[j] + fbuf[b, r, pl.ds(j * 16, 16)]
                        for j in range(D // 16))
                return new

            regs = lax.fori_loop(
                0, BLK // RUNROLL, row_body,
                tuple(jnp.zeros((16,), jnp.float32)
                      for _ in range(D // 16)))
            for j in range(D // 16):
                pacc[p, pl.ds(j * 16, 16)] = (
                    pacc[p, pl.ds(j * 16, 16)] + regs[j])

        @pl.when((m != mx) | (p >= PROWS))
        def _mixed():
            pltpu.sync_copy(
                fbuf.at[b, pl.ds(h * BLK, BLK)], acc.at[ibuf.at[i]],
                add=True)

    def loop_body(iv, carry):
        for b in range(NSLOT):
            g = NSLOT * iv + b
            wait_gblock(b)
            for h in range(NSUB):
                process_sub(NSUB * g + h, b, h)

            @pl.when(g + NSLOT < NGB)
            def _prefetch():
                start_gblock(g + NSLOT, b)
        return carry

    lax.fori_loop(0, NGB // NSLOT, loop_body, None)

    def zero_tail_row(r, carry):
        for j in range(D // 16):
            fbuf[0, r, pl.ds(j * 16, 16)] = zero16
        return carry

    lax.fori_loop(TAIL, BLK, zero_tail_row, None)
    pltpu.sync_copy(
        feat.at[pl.ds(base + NFULL * BLK, TAIL), :], fbuf.at[0, pl.ds(0, TAIL)])
    pltpu.sync_copy(
        fbuf.at[0, pl.ds(0, BLK)], acc.at[ibuf.at[NFULL]], add=True)

    pltpu.sync_copy(pacc, acc.at[iibuf.at[0]], add=True)

    plsc.subcore_barrier()
    pltpu.sync_copy(
        acc.at[pl.ds(seg0, SEGS_PER_TILE)],
        out.at[c, pl.ds(seg0, SEGS_PER_TILE), :])


_seg_sum = pl.kernel(
    _seg_sum_body,
    out_type=jax.ShapeDtypeStruct((NC, NUM_SEGMENTS, D), jnp.float32),
    mesh=_mesh,
    scratch_types=[
        pltpu.VMEM((NSLOT, GBLK, D), jnp.float32),
        pltpu.VMEM((IDROWS, BLK), jnp.int32),
        pltpu.VMEM((1, PROWS), jnp.int32),
        pltpu.VMEM((PROWS, D), jnp.float32),
        pltpu.VMEM_SHARED((NUM_SEGMENTS, D), jnp.float32),
        pltpu.SemaphoreType.DMA,
        pltpu.SemaphoreType.DMA,
        pltpu.SemaphoreType.DMA,
        pltpu.SemaphoreType.DMA,
    ],
)


def _combine_body(p_ref, o_ref):
    o_ref[...] = p_ref[0] + p_ref[1]


_combine = pl.pallas_call(
    _combine_body,
    out_shape=jax.ShapeDtypeStruct((NUM_SEGMENTS, D), jnp.float32),
)


def kernel(feat, segment_ids):
    ids2 = jnp.pad(
        segment_ids.reshape(NW, ROWS_PER_TILE),
        ((0, 0), (0, IDROWS * BLK - ROWS_PER_TILE)),
    ).reshape(NW * IDROWS, BLK)
    partials = _seg_sum(feat, ids2)
    return _combine(partials)

# --- scband reference (transcript-rebuilt; emitter-appended) ---
"""Pipeline reference for scband-sum-pooling-edges-45500883533897 (READ-ONLY COPY).

The authoritative reference and input builder live on the scoring server;
editing this copy changes nothing except your own understanding.
"""

import jax, jax.numpy as jnp
import numpy as np

NUM_SEGMENTS = 256
E = 320000
D = 128

def setup_inputs(seed: int = 0):
    key = jax.random.key(seed)
    k1, k2 = jax.random.split(key)
    feat = jax.random.normal(k1, (E, D), dtype=jnp.float32)
    segment_ids = jnp.sort(jax.random.randint(k2, (E,), 0, NUM_SEGMENTS, dtype=jnp.int32))
    return {"feat": feat, "segment_ids": segment_ids}

def reference(feat, segment_ids):
    # SumPoolingEdges: readout = sum of edge features per graph in the batch.
    # The DGL batched graph's edge->graph assignment is represented by segment_ids.
    # weight=None path: plain segment sum over edge features.
    readout = jax.ops.segment_sum(feat, segment_ids, num_segments=NUM_SEGMENTS)
    return readout

if __name__ == "__main__":
    import jax
    _d = setup_inputs()
    print(jax.jit(kernel)(*tuple(_d.values())))

</pallas_src>

<mosaic_0001>
#map = affine_map<(d0, d1) -> (0, 0)>
#map1 = affine_map<(d0, d1) -> (0, 0, 0)>
module attributes {stable_mosaic.version = 14 : i64} {
  func.func @_seg_sum_body(%arg0: i32, %arg1: i32, %arg2: memref<320000x128xf32, #tpu.memory_space<hbm>>, %arg3: memref<2560x128xi32, #tpu.memory_space<hbm>>, %arg4: memref<2x256x128xf32, #tpu.memory_space<hbm>>, %arg5: memref<3x256x128xf32, #tpu.memory_space<vmem>>, %arg6: memref<80x128xi32, #tpu.memory_space<vmem>>, %arg7: memref<1x64xi32, #tpu.memory_space<vmem>>, %arg8: memref<64x128xf32, #tpu.memory_space<vmem>>, %arg9: memref<256x128xf32, #tpu.memory_space<vmem_shared>>, %arg10: memref<!tpu.dma_semaphore, #tpu.memory_space<semaphore_mem>>, %arg11: memref<!tpu.dma_semaphore, #tpu.memory_space<semaphore_mem>>, %arg12: memref<!tpu.dma_semaphore, #tpu.memory_space<semaphore_mem>>, %arg13: memref<!tpu.dma_semaphore, #tpu.memory_space<semaphore_mem>>) attributes {dimension_semantics = [#tpu.dimension_semantics<core_parallel>, #tpu.dimension_semantics<subcore_parallel>], iteration_bounds = array<i64: 2, 16>, scalar_prefetch = 0 : i64, scratch_operands = 9 : i64, tpu.core_type = #tpu.core_type<sc_vector_subcore>, window_params = [{transform_indices = #map}, {transform_indices = #map}, {transform_indices = #map1}]} {
    %mul3A = arith.constant 2 : i32
    %mul3A_0 = arith.muli %arg1, %mul3A : i32
    %add3A = arith.addi %mul3A_0, %arg0 : i32
    %mul3A_1 = arith.constant 10000 : i32
    %mul3A_2 = arith.muli %add3A, %mul3A_1 : i32
    %mul3A_3 = arith.constant 80 : i32
    %mul3A_4 = arith.muli %add3A, %mul3A_3 : i32
    %dma_start3A = arith.constant 0 : i32
    %dma_start3A_5 = tpu.memref_slice %arg3[%mul3A_4, %dma_start3A] : memref<2560x128xi32, #tpu.memory_space<hbm>> -> memref<80x128xi32, #tpu.memory_space<hbm>>
    %dma_start3A_6 = arith.constant 0 : i32
    %dma_start3A_7 = tpu.memref_slice %arg3[%mul3A_4, %dma_start3A_6] : memref<2560x128xi32, #tpu.memory_space<hbm>> -> memref<80x128xi32, #tpu.memory_space<hbm>>
    tpu.enqueue_dma source(%dma_start3A_7 : memref<80x128xi32, #tpu.memory_space<hbm>>) target(%arg6 : memref<80x128xi32, #tpu.memory_space<vmem>>) target_semaphore(%arg13 : memref<!tpu.dma_semaphore, #tpu.memory_space<semaphore_mem>>)
    %broadcast_in_dim3A = arith.constant 0.000000e+00 : f32
    %broadcast_in_dim3A_8 = vector.broadcast %broadcast_in_dim3A : f32 to vector<16xf32>
    %add3A_9 = arith.constant 0 : i32
    %add3A_10 = arith.addi %mul3A_2, %add3A_9 : i32
    %dma_start3A_11 = arith.constant 0 : i32
    %dma_start3A_12 = arith.constant 0 : i32
    %dma_start3A_13 = arith.constant 0 : i32
    %dma_start3A_14 = tpu.memref_slice %arg5[%dma_start3A_11, %dma_start3A_12, %dma_start3A_13] : memref<3x256x128xf32, #tpu.memory_space<vmem>> -> memref<1x256x128xf32, #tpu.memory_space<vmem>>
    %dma_start3A_15 = tpu.memref_squeeze %dma_start3A_14 : memref<1x256x128xf32, #tpu.memory_space<vmem>> -> memref<256x128xf32, #tpu.memory_space<vmem>>
    %dma_start3A_16 = arith.constant 0 : i32
    %dma_start3A_17 = tpu.memref_slice %arg2[%add3A_10, %dma_start3A_16] : memref<320000x128xf32, #tpu.memory_space<hbm>> -> memref<256x128xf32, #tpu.memory_space<hbm>>
    %dma_start3A_18 = arith.constant 0 : i32
    %dma_start3A_19 = arith.constant 0 : i32
    %dma_start3A_20 = tpu.memref_slice %arg5[%dma_start3A_11, %dma_start3A_18, %dma_start3A_19] : memref<3x256x128xf32, #tpu.memory_space<vmem>> -> memref<1x256x128xf32, #tpu.memory_space<vmem>>
    %dma_start3A_21 = tpu.memref_squeeze %dma_start3A_20 : memref<1x256x128xf32, #tpu.memory_space<vmem>> -> memref<256x128xf32, #tpu.memory_space<vmem>>
    %dma_start3A_22 = arith.constant 0 : i32
    %dma_start3A_23 = tpu.memref_slice %arg2[%add3A_10, %dma_start3A_22] : memref<320000x128xf32, #tpu.memory_space<hbm>> -> memref<256x128xf32, #tpu.memory_space<hbm>>
    tpu.enqueue_dma source(%dma_start3A_23 : memref<256x128xf32, #tpu.memory_space<hbm>>) target(%dma_start3A_21 : memref<256x128xf32, #tpu.memory_space<vmem>>) target_semaphore(%arg10 : memref<!tpu.dma_semaphore, #tpu.memory_space<semaphore_mem>>)
    %add3A_24 = arith.constant 256 : i32
    %add3A_25 = arith.addi %mul3A_2, %add3A_24 : i32
    %dma_start3A_26 = arith.constant 1 : i32
    %dma_start3A_27 = arith.constant 0 : i32
    %dma_start3A_28 = arith.constant 0 : i32
    %dma_start3A_29 = tpu.memref_slice %arg5[%dma_start3A_26, %dma_start3A_27, %dma_start3A_28] : memref<3x256x128xf32, #tpu.memory_space<vmem>> -> memref<1x256x128xf32, #tpu.memory_space<vmem>>
    %dma_start3A_30 = tpu.memref_squeeze %dma_start3A_29 : memref<1x256x128xf32, #tpu.memory_space<vmem>> -> memref<256x128xf32, #tpu.memory_space<vmem>>
    %dma_start3A_31 = arith.constant 0 : i32
    %dma_start3A_32 = tpu.memref_slice %arg2[%add3A_25, %dma_start3A_31] : memref<320000x128xf32, #tpu.memory_space<hbm>> -> memref<256x128xf32, #tpu.memory_space<hbm>>
    %dma_start3A_33 = arith.constant 0 : i32
    %dma_start3A_34 = arith.constant 0 : i32
    %dma_start3A_35 = tpu.memref_slice %arg5[%dma_start3A_26, %dma_start3A_33, %dma_start3A_34] : memref<3x256x128xf32, #tpu.memory_space<vmem>> -> memref<1x256x128xf32, #tpu.memory_space<vmem>>
    %dma_start3A_36 = tpu.memref_squeeze %dma_start3A_35 : memref<1x256x128xf32, #tpu.memory_space<vmem>> -> memref<256x128xf32, #tpu.memory_space<vmem>>
    %dma_start3A_37 = arith.constant 0 : i32
    %dma_start3A_38 = tpu.memref_slice %arg2[%add3A_25, %dma_start3A_37] : memref<320000x128xf32, #tpu.memory_space<hbm>> -> memref<256x128xf32, #tpu.memory_space<hbm>>
    tpu.enqueue_dma source(%dma_start3A_38 : memref<256x128xf32, #tpu.memory_space<hbm>>) target(%dma_start3A_36 : memref<256x128xf32, #tpu.memory_space<vmem>>) target_semaphore(%arg11 : memref<!tpu.dma_semaphore, #tpu.memory_space<semaphore_mem>>)
    %add3A_39 = arith.constant 512 : i32
    %add3A_40 = arith.addi %mul3A_2, %add3A_39 : i32
    %dma_start3A_41 = arith.constant 2 : i32
    %dma_start3A_42 = arith.constant 0 : i32
    %dma_start3A_43 = arith.constant 0 : i32
    %dma_start3A_44 = tpu.memref_slice %arg5[%dma_start3A_41, %dma_start3A_42, %dma_start3A_43] : memref<3x256x128xf32, #tpu.memory_space<vmem>> -> memref<1x256x128xf32, #tpu.memory_space<vmem>>
    %dma_start3A_45 = tpu.memref_squeeze %dma_start3A_44 : memref<1x256x128xf32, #tpu.memory_space<vmem>> -> memref<256x128xf32, #tpu.memory_space<vmem>>
    %dma_start3A_46 = arith.constant 0 : i32
    %dma_start3A_47 = tpu.memref_slice %arg2[%add3A_40, %dma_start3A_46] : memref<320000x128xf32, #tpu.memory_space<hbm>> -> memref<256x128xf32, #tpu.memory_space<hbm>>
    %dma_start3A_48 = arith.constant 0 : i32
    %dma_start3A_49 = arith.constant 0 : i32
    %dma_start3A_50 = tpu.memref_slice %arg5[%dma_start3A_41, %dma_start3A_48, %dma_start3A_49] : memref<3x256x128xf32, #tpu.memory_space<vmem>> -> memref<1x256x128xf32, #tpu.memory_space<vmem>>
    %dma_start3A_51 = tpu.memref_squeeze %dma_start3A_50 : memref<1x256x128xf32, #tpu.memory_space<vmem>> -> memref<256x128xf32, #tpu.memory_space<vmem>>
    %dma_start3A_52 = arith.constant 0 : i32
    %dma_start3A_53 = tpu.memref_slice %arg2[%add3A_40, %dma_start3A_52] : memref<320000x128xf32, #tpu.memory_space<hbm>> -> memref<256x128xf32, #tpu.memory_space<hbm>>
    tpu.enqueue_dma source(%dma_start3A_53 : memref<256x128xf32, #tpu.memory_space<hbm>>) target(%dma_start3A_51 : memref<256x128xf32, #tpu.memory_space<vmem>>) target_semaphore(%arg12 : memref<!tpu.dma_semaphore, #tpu.memory_space<semaphore_mem>>)
    %scan3A = arith.constant 0 : i32
    %scan3A_54 = arith.constant 64 : i32
    %scan3A_55 = arith.addi %scan3A, %scan3A_54 : i32
    %scan3A_56 = arith.constant 1 : i32
    scf.for %scan3A_139 = %scan3A to %scan3A_55 step %scan3A_56  : i32 {
      %swap3A_140 = arith.index_cast %scan3A_139 : i32 to index
      %swap3A_141 = arith.constant 0 : index
      %swap3A_142 = tpu.vector_load %arg8[%swap3A_140, %swap3A_141] {strides = array<i32>} : memref<64x128xf32, #tpu.memory_space<vmem>>, vector<1x16xf32>,
      %swap3A_143 = vector.shape_cast %swap3A_142 : vector<1x16xf32> to vector<16xf32>
      %swap3A_144 = vector.shape_cast %broadcast_in_dim3A_8 : vector<16xf32> to vector<1x16xf32>
      tpu.vector_store %arg8[%swap3A_140, %swap3A_141], %swap3A_144 {strides = array<i32>} : memref<64x128xf32, #tpu.memory_space<vmem>>, vector<1x16xf32>,
      %swap3A_145 = arith.index_cast %scan3A_139 : i32 to index
      %swap3A_146 = arith.constant 16 : index
      %swap3A_147 = tpu.vector_load %arg8[%swap3A_145, %swap3A_146] {strides = array<i32>} : memref<64x128xf32, #tpu.memory_space<vmem>>, vector<1x16xf32>,
      %swap3A_148 = vector.shape_cast %swap3A_147 : vector<1x16xf32> to vector<16xf32>
      %swap3A_149 = vector.shape_cast %broadcast_in_dim3A_8 : vector<16xf32> to vector<1x16xf32>
      tpu.vector_store %arg8[%swap3A_145, %swap3A_146], %swap3A_149 {strides = array<i32>} : memref<64x128xf32, #tpu.memory_space<vmem>>, vector<1x16xf32>,
      %swap3A_150 = arith.index_cast %scan3A_139 : i32 to index
      %swap3A_151 = arith.constant 32 : index
      %swap3A_152 = tpu.vector_load %arg8[%swap3A_150, %swap3A_151] {strides = array<i32>} : memref<64x128xf32, #tpu.memory_space<vmem>>, vector<1x16xf32>,
      %swap3A_153 = vector.shape_cast %swap3A_152 : vector<1x16xf32> to vector<16xf32>
      %swap3A_154 = vector.shape_cast %broadcast_in_dim3A_8 : vector<16xf32> to vector<1x16xf32>
      tpu.vector_store %arg8[%swap3A_150, %swap3A_151], %swap3A_154 {strides = array<i32>} : memref<64x128xf32, #tpu.memory_space<vmem>>, vector<1x16xf32>,
      %swap3A_155 = arith.index_cast %scan3A_139 : i32 to index
      %swap3A_156 = arith.constant 48 : index
      %swap3A_157 = tpu.vector_load %arg8[%swap3A_155, %swap3A_156] {strides = array<i32>} : memref<64x128xf32, #tpu.memory_space<vmem>>, vector<1x16xf32>,
      %swap3A_158 = vector.shape_cast %swap3A_157 : vector<1x16xf32> to vector<16xf32>
      %swap3A_159 = vector.shape_cast %broadcast_in_dim3A_8 : vector<16xf32> to vector<1x16xf32>
      tpu.vector_store %arg8[%swap3A_155, %swap3A_156], %swap3A_159 {strides = array<i32>} : memref<64x128xf32, #tpu.memory_space<vmem>>, vector<1x16xf32>,
      %swap3A_160 = arith.index_cast %scan3A_139 : i32 to index
      %swap3A_161 = arith.constant 64 : index
      %swap3A_162 = tpu.vector_load %arg8[%swap3A_160, %swap3A_161] {strides = array<i32>} : memref<64x128xf32, #tpu.memory_space<vmem>>, vector<1x16xf32>,
      %swap3A_163 = vector.shape_cast %swap3A_162 : vector<1x16xf32> to vector<16xf32>
      %swap3A_164 = vector.shape_cast %broadcast_in_dim3A_8 : vector<16xf32> to vector<1x16xf32>
      tpu.vector_store %arg8[%swap3A_160, %swap3A_161], %swap3A_164 {strides = array<i32>} : memref<64x128xf32, #tpu.memory_space<vmem>>, vector<1x16xf32>,
      %swap3A_165 = arith.index_cast %scan3A_139 : i32 to index
      %swap3A_166 = arith.constant 80 : index
      %swap3A_167 = tpu.vector_load %arg8[%swap3A_165, %swap3A_166] {strides = array<i32>} : memref<64x128xf32, #tpu.memory_space<vmem>>, vector<1x16xf32>,
      %swap3A_168 = vector.shape_cast %swap3A_167 : vector<1x16xf32> to vector<16xf32>
      %swap3A_169 = vector.shape_cast %broadcast_in_dim3A_8 : vector<16xf32> to vector<1x16xf32>
      tpu.vector_store %arg8[%swap3A_165, %swap3A_166], %swap3A_169 {strides = array<i32>} : memref<64x128xf32, #tpu.memory_space<vmem>>, vector<1x16xf32>,
      %swap3A_170 = arith.index_cast %scan3A_139 : i32 to index
      %swap3A_171 = arith.constant 96 : index
      %swap3A_172 = tpu.vector_load %arg8[%swap3A_170, %swap3A_171] {strides = array<i32>} : memref<64x128xf32, #tpu.memory_space<vmem>>, vector<1x16xf32>,
      %swap3A_173 = vector.shape_cast %swap3A_172 : vector<1x16xf32> to vector<16xf32>
      %swap3A_174 = vector.shape_cast %broadcast_in_dim3A_8 : vector<16xf32> to vector<1x16xf32>
      tpu.vector_store %arg8[%swap3A_170, %swap3A_171], %swap3A_174 {strides = array<i32>} : memref<64x128xf32, #tpu.memory_space<vmem>>, vector<1x16xf32>,
      %swap3A_175 = arith.index_cast %scan3A_139 : i32 to index
      %swap3A_176 = arith.constant 112 : index
      %swap3A_177 = tpu.vector_load %arg8[%swap3A_175, %swap3A_176] {strides = array<i32>} : memref<64x128xf32, #tpu.memory_space<vmem>>, vector<1x16xf32>,
      %swap3A_178 = vector.shape_cast %swap3A_177 : vector<1x16xf32> to vector<16xf32>
      %swap3A_179 = vector.shape_cast %broadcast_in_dim3A_8 : vector<16xf32> to vector<1x16xf32>
      tpu.vector_store %arg8[%swap3A_175, %swap3A_176], %swap3A_179 {strides = array<i32>} : memref<64x128xf32, #tpu.memory_space<vmem>>, vector<1x16xf32>,
    }
    %scan3A_57 = arith.constant 64 : i32
    %mul3A_58 = arith.constant 16 : i32
    %mul3A_59 = arith.muli %arg1, %mul3A_58 : i32
    "tpu.region"() ({
      %run_scoped3A_139 = tpu.sem_alloc : memref<!tpu.dma_semaphore, #tpu.memory_space<semaphore_mem>>
      %dma_start3A_140 = arith.constant 0 : i32
      %dma_start3A_141 = arith.constant 0 : i32
      %dma_start3A_142 = tpu.memref_slice %arg8[%dma_start3A_140, %dma_start3A_141] : memref<64x128xf32, #tpu.memory_space<vmem>> -> memref<16x128xf32, #tpu.memory_space<vmem>>
      %dma_start3A_143 = arith.constant 0 : i32
      %dma_start3A_144 = tpu.memref_slice %arg9[%mul3A_59, %dma_start3A_143] : memref<256x128xf32, #tpu.memory_space<vmem_shared>> -> memref<16x128xf32, #tpu.memory_space<vmem_shared>>
      %dma_start3A_145 = arith.constant 0 : i32
      %dma_start3A_146 = tpu.memref_slice %arg9[%mul3A_59, %dma_start3A_145] : memref<256x128xf32, #tpu.memory_space<vmem_shared>> -> memref<16x128xf32, #tpu.memory_space<vmem_shared>>
      %dma_start3A_147 = arith.constant 0 : i32
      %dma_start3A_148 = arith.constant 0 : i32
      %dma_start3A_149 = tpu.memref_slice %arg8[%dma_start3A_147, %dma_start3A_148] : memref<64x128xf32, #tpu.memory_space<vmem>> -> memref<16x128xf32, #tpu.memory_space<vmem>>
      tpu.enqueue_dma source(%dma_start3A_149 : memref<16x128xf32, #tpu.memory_space<vmem>>) target(%dma_start3A_146 : memref<16x128xf32, #tpu.memory_space<vmem_shared>>) target_semaphore(%run_scoped3A_139 : memref<!tpu.dma_semaphore, #tpu.memory_space<semaphore_mem>>)
      %dma_wait3A_150 = arith.constant 0 : i32
      %dma_wait3A_151 = arith.constant 0 : i32
      %dma_wait3A_152 = tpu.memref_slice %arg8[%dma_wait3A_150, %dma_wait3A_151] : memref<64x128xf32, #tpu.memory_space<vmem>> -> memref<16x128xf32, #tpu.memory_space<vmem>>
      %dma_wait3A_153 = arith.constant 0 : i32
      %dma_wait3A_154 = tpu.memref_slice %arg9[%mul3A_59, %dma_wait3A_153] : memref<256x128xf32, #tpu.memory_space<vmem_shared>> -> memref<16x128xf32, #tpu.memory_space<vmem_shared>>
      %dma_wait3A_155 = arith.constant 0 : i32
      %dma_wait3A_156 = tpu.memref_slice %arg9[%mul3A_59, %dma_wait3A_155] : memref<256x128xf32, #tpu.memory_space<vmem_shared>> -> memref<16x128xf32, #tpu.memory_space<vmem_shared>>
      %dma_wait3A_157 = arith.constant 0 : i32
      %dma_wait3A_158 = arith.constant 0 : i32
      %dma_wait3A_159 = tpu.memref_slice %arg8[%dma_wait3A_157, %dma_wait3A_158] : memref<64x128xf32, #tpu.memory_space<vmem>> -> memref<16x128xf32, #tpu.memory_space<vmem>>
      tpu.wait_dma2 semaphore(%run_scoped3A_139 : memref<!tpu.dma_semaphore, #tpu.memory_space<semaphore_mem>>) src(%dma_wait3A_159 : memref<16x128xf32, #tpu.memory_space<vmem>>) dst(%dma_wait3A_156 : memref<16x128xf32, #tpu.memory_space<vmem_shared>>)
      tpu.yield
    }) : () -> ()
    %barrier3A = arith.constant 0 : index
    tpu.barrier barrier_id(%barrier3A)
    %dma_wait3A = arith.constant 0 : i32
    %dma_wait3A_60 = arith.constant 0 : i32
    %dma_wait3A_61 = tpu.memref_slice %arg3[%dma_wait3A, %dma_wait3A_60] : memref<2560x128xi32, #tpu.memory_space<hbm>> -> memref<80x128xi32, #tpu.memory_space<hbm>>
    %dma_wait3A_62 = arith.constant 0 : i32
    %dma_wait3A_63 = arith.constant 0 : i32
    %dma_wait3A_64 = tpu.memref_slice %arg3[%dma_wait3A_62, %dma_wait3A_63] : memref<2560x128xi32, #tpu.memory_space<hbm>> -> memref<80x128xi32, #tpu.memory_space<hbm>>
    tpu.wait_dma2 semaphore(%arg13 : memref<!tpu.dma_semaphore, #tpu.memory_space<semaphore_mem>>) src(%dma_wait3A_64 : memref<80x128xi32, #tpu.memory_space<hbm>>) dst(%arg6 : memref<80x128xi32, #tpu.memory_space<vmem>>)
    %get3A = arith.constant 0 : i32
    %get3A_65 = arith.index_cast %get3A : i32 to index
    %get3A_66 = arith.constant 0 : index
    %get3A_67 = tpu.vector_load %arg6[%get3A_65, %get3A_66] {strides = array<i32>} : memref<80x128xi32, #tpu.memory_space<vmem>>, vector<1x16xi32>,
    %get3A_68 = vector.shape_cast %get3A_67 : vector<1x16xi32> to vector<16xi32>
    %slice3A = vector.extract_strided_slice %get3A_68 {offsets = [0], sizes = [1], strides = [1]} : vector<16xi32> to vector<1xi32>
    %squeeze3A = vector.extract %slice3A[0] : i32 from vector<1xi32>
    %iota3A = tpu.iota {dimensions = array<i32: 0>} : vector<16xi32>
    %add3A_69 = arith.constant 0 : i32
    %add3A_70 = vector.broadcast %add3A_69 : i32 to vector<16xi32>
    %add3A_71 = arith.addi %iota3A, %add3A_70 : vector<16xi32>
    %add3A_72 = vector.broadcast %squeeze3A : i32 to vector<16xi32>
    %add3A_73 = arith.addi %add3A_71, %add3A_72 : vector<16xi32>
    %min3A = arith.constant 255 : i32
    %min3A_74 = vector.broadcast %min3A : i32 to vector<16xi32>
    %min3A_75 = arith.minsi %add3A_73, %min3A_74 : vector<16xi32>
    %swap3A = arith.constant 0 : i32
    %swap3A_76 = arith.index_cast %swap3A : i32 to index
    %swap3A_77 = arith.constant 0 : index
    %swap3A_78 = tpu.vector_load %arg7[%swap3A_76, %swap3A_77] {strides = array<i32>} : memref<1x64xi32, #tpu.memory_space<vmem>>, vector<1x16xi32>,
    %swap3A_79 = vector.shape_cast %swap3A_78 : vector<1x16xi32> to vector<16xi32>
    %swap3A_80 = vector.shape_cast %min3A_75 : vector<16xi32> to vector<1x16xi32>
    tpu.vector_store %arg7[%swap3A_76, %swap3A_77], %swap3A_80 {strides = array<i32>} : memref<1x64xi32, #tpu.memory_space<vmem>>, vector<1x16xi32>,
    %add3A_81 = arith.constant 16 : i32
    %add3A_82 = vector.broadcast %add3A_81 : i32 to vector<16xi32>
    %add3A_83 = arith.addi %iota3A, %add3A_82 : vector<16xi32>
    %add3A_84 = vector.broadcast %squeeze3A : i32 to vector<16xi32>
    %add3A_85 = arith.addi %add3A_83, %add3A_84 : vector<16xi32>
    %min3A_86 = arith.constant 255 : i32
    %min3A_87 = vector.broadcast %min3A_86 : i32 to vector<16xi32>
    %min3A_88 = arith.minsi %add3A_85, %min3A_87 : vector<16xi32>
    %swap3A_89 = arith.constant 0 : i32
    %swap3A_90 = arith.index_cast %swap3A_89 : i32 to index
    %swap3A_91 = arith.constant 16 : index
    %swap3A_92 = tpu.vector_load %arg7[%swap3A_90, %swap3A_91] {strides = array<i32>} : memref<1x64xi32, #tpu.memory_space<vmem>>, vector<1x16xi32>,
    %swap3A_93 = vector.shape_cast %swap3A_92 : vector<1x16xi32> to vector<16xi32>
    %swap3A_94 = vector.shape_cast %min3A_88 : vector<16xi32> to vector<1x16xi32>
    tpu.vector_store %arg7[%swap3A_90, %swap3A_91], %swap3A_94 {strides = array<i32>} : memref<1x64xi32, #tpu.memory_space<vmem>>, vector<1x16xi32>,
    %add3A_95 = arith.constant 32 : i32
    %add3A_96 = vector.broadcast %add3A_95 : i32 to vector<16xi32>
    %add3A_97 = arith.addi %iota3A, %add3A_96 : vector<16xi32>
    %add3A_98 = vector.broadcast %squeeze3A : i32 to vector<16xi32>
    %add3A_99 = arith.addi %add3A_97, %add3A_98 : vector<16xi32>
    %min3A_100 = arith.constant 255 : i32
    %min3A_101 = vector.broadcast %min3A_100 : i32 to vector<16xi32>
    %min3A_102 = arith.minsi %add3A_99, %min3A_101 : vector<16xi32>
    %swap3A_103 = arith.constant 0 : i32
    %swap3A_104 = arith.index_cast %swap3A_103 : i32 to index
    %swap3A_105 = arith.constant 32 : index
    %swap3A_106 = tpu.vector_load %arg7[%swap3A_104, %swap3A_105] {strides = array<i32>} : memref<1x64xi32, #tpu.memory_space<vmem>>, vector<1x16xi32>,
    %swap3A_107 = vector.shape_cast %swap3A_106 : vector<1x16xi32> to vector<16xi32>
    %swap3A_108 = vector.shape_cast %min3A_102 : vector<16xi32> to vector<1x16xi32>
    tpu.vector_store %arg7[%swap3A_104, %swap3A_105], %swap3A_108 {strides = array<i32>} : memref<1x64xi32, #tpu.memory_space<vmem>>, vector<1x16xi32>,
    %add3A_109 = arith.constant 48 : i32
    %add3A_110 = vector.broadcast %add3A_109 : i32 to vector<16xi32>
    %add3A_111 = arith.addi %iota3A, %add3A_110 : vector<16xi32>
    %add3A_112 = vector.broadcast %squeeze3A : i32 to vector<16xi32>
    %add3A_113 = arith.addi %add3A_111, %add3A_112 : vector<16xi32>
    %min3A_114 = arith.constant 255 : i32
    %min3A_115 = vector.broadcast %min3A_114 : i32 to vector<16xi32>
    %min3A_116 = arith.minsi %add3A_113, %min3A_115 : vector<16xi32>
    %swap3A_117 = arith.constant 0 : i32
    %swap3A_118 = arith.index_cast %swap3A_117 : i32 to index
    %swap3A_119 = arith.constant 48 : index
    %swap3A_120 = tpu.vector_load %arg7[%swap3A_118, %swap3A_119] {strides = array<i32>} : memref<1x64xi32, #tpu.memory_space<vmem>>, vector<1x16xi32>,
    %swap3A_121 = vector.shape_cast %swap3A_120 : vector<1x16xi32> to vector<16xi32>
    %swap3A_122 = vector.shape_cast %min3A_116 : vector<16xi32> to vector<1x16xi32>
    tpu.vector_store %arg7[%swap3A_118, %swap3A_119], %swap3A_122 {strides = array<i32>} : memref<1x64xi32, #tpu.memory_space<vmem>>, vector<1x16xi32>,
    %scan3A_123 = arith.constant 0 : i32
    %scan3A_124 = arith.constant 13 : i32
    %scan3A_125 = arith.addi %scan3A_123, %scan3A_124 : i32
    %scan3A_126 = arith.constant 1 : i32
    scf.for %scan3A_139 = %scan3A_123 to %scan3A_125 step %scan3A_126  : i32 {
      %mul3A_140 = arith.constant 3 : i32
      %mul3A_141 = arith.muli %mul3A_140, %scan3A_139 : i32
      %add3A_142 = arith.constant 0 : i32
      %add3A_143 = arith.addi %mul3A_141, %add3A_142 : i32
      %dma_wait3A_144 = arith.constant 0 : i32
      %dma_wait3A_145 = arith.constant 0 : i32
      %dma_wait3A_146 = arith.constant 0 : i32
      %dma_wait3A_147 = tpu.memref_slice %arg5[%dma_wait3A_144, %dma_wait3A_145, %dma_wait3A_146] : memref<3x256x128xf32, #tpu.memory_space<vmem>> -> memref<1x256x128xf32, #tpu.memory_space<vmem>>
      %dma_wait3A_148 = tpu.memref_squeeze %dma_wait3A_147 : memref<1x256x128xf32, #tpu.memory_space<vmem>> -> memref<256x128xf32, #tpu.memory_space<vmem>>
      %dma_wait3A_149 = arith.constant 0 : i32
      %dma_wait3A_150 = arith.constant 0 : i32
      %dma_wait3A_151 = tpu.memref_slice %arg2[%dma_wait3A_149, %dma_wait3A_150] : memref<320000x128xf32, #tpu.memory_space<hbm>> -> memref<256x128xf32, #tpu.memory_space<hbm>>
      %dma_wait3A_152 = arith.constant 0 : i32
      %dma_wait3A_153 = arith.constant 0 : i32
      %dma_wait3A_154 = tpu.memref_slice %arg5[%dma_wait3A_144, %dma_wait3A_152, %dma_wait3A_153] : memref<3x256x128xf32, #tpu.memory_space<vmem>> -> memref<1x256x128xf32, #tpu.memory_space<vmem>>
      %dma_wait3A_155 = tpu.memref_squeeze %dma_wait3A_154 : memref<1x256x128xf32, #tpu.memory_space<vmem>> -> memref<256x128xf32, #tpu.memory_space<vmem>>
      %dma_wait3A_156 = arith.constant 0 : i32
      %dma_wait3A_157 = arith.constant 0 : i32
      %dma_wait3A_158 = tpu.memref_slice %arg2[%dma_wait3A_156, %dma_wait3A_157] : memref<320000x128xf32, #tpu.memory_space<hbm>> -> memref<256x128xf32, #tpu.memory_space<hbm>>
      tpu.wait_dma2 semaphore(%arg10 : memref<!tpu.dma_semaphore, #tpu.memory_space<semaphore_mem>>) src(%dma_wait3A_158 : memref<256x128xf32, #tpu.memory_space<hbm>>) dst(%dma_wait3A_155 : memref<256x128xf32, #tpu.memory_space<vmem>>)
      %mul3A_159 = arith.constant 2 : i32
      %mul3A_160 = arith.muli %mul3A_159, %add3A_143 : i32
      %add3A_161 = arith.constant 0 : i32
      %add3A_162 = arith.addi %mul3A_160, %add3A_161 : i32
      %get3A_163 = arith.index_cast %add3A_162 : i32 to index
      %get3A_164 = arith.constant 0 : index
      %get3A_165 = tpu.vector_load %arg6[%get3A_163, %get3A_164] {strides = array<i32>} : memref<80x128xi32, #tpu.memory_space<vmem>>, vector<1x16xi32>,
      %get3A_166 = vector.shape_cast %get3A_165 : vector<1x16xi32> to vector<16xi32>
      %slice3A_167 = vector.extract_strided_slice %get3A_166 {offsets = [0], sizes = [1], strides = [1]} : vector<16xi32> to vector<1xi32>
      %squeeze3A_168 = vector.extract %slice3A_167[0] : i32 from vector<1xi32>
      %get3A_169 = arith.index_cast %add3A_162 : i32 to index
      %get3A_170 = arith.constant 112 : index
      %get3A_171 = tpu.vector_load %arg6[%get3A_169, %get3A_170] {strides = array<i32>} : memref<80x128xi32, #tpu.memory_space<vmem>>, vector<1x16xi32>,
      %get3A_172 = vector.shape_cast %get3A_171 : vector<1x16xi32> to vector<16xi32>
      %slice3A_173 = vector.extract_strided_slice %get3A_172 {offsets = [15], sizes = [1], strides = [1]} : vector<16xi32> to vector<1xi32>
      %squeeze3A_174 = vector.extract %slice3A_173[0] : i32 from vector<1xi32>
      %sub3A = arith.subi %squeeze3A_168, %squeeze3A : i32
      %eq3A = arith.cmpi eq, %squeeze3A_168, %squeeze3A_174 : i32
      %lt3A = arith.constant 64 : i32
      %lt3A_175 = arith.cmpi slt, %sub3A, %lt3A : i32
      %and3A = arith.andi %eq3A, %lt3A_175 : i1
      %convert_element_type3A = arith.extui %and3A : i1 to i32
      %cond3A = arith.constant 0 : i32
      %cond3A_176 = arith.cmpi ne, %convert_element_type3A, %cond3A : i32
      scf.if %cond3A_176 {
        %broadcast_in_dim3A_395 = arith.constant 0.000000e+00 : f32
        %broadcast_in_dim3A_396 = vector.broadcast %broadcast_in_dim3A_395 : f32 to vector<16xf32>
        %broadcast_in_dim3A_397 = arith.constant 0.000000e+00 : f32
        %broadcast_in_dim3A_398 = vector.broadcast %broadcast_in_dim3A_397 : f32 to vector<16xf32>
        %broadcast_in_dim3A_399 = arith.constant 0.000000e+00 : f32
        %broadcast_in_dim3A_400 = vector.broadcast %broadcast_in_dim3A_399 : f32 to vector<16xf32>
        %broadcast_in_dim3A_401 = arith.constant 0.000000e+00 : f32
        %broadcast_in_dim3A_402 = vector.broadcast %broadcast_in_dim3A_401 : f32 to vector<16xf32>
        %broadcast_in_dim3A_403 = arith.constant 0.000000e+00 : f32
        %broadcast_in_dim3A_404 = vector.broadcast %broadcast_in_dim3A_403 : f32 to vector<16xf32>
        %broadcast_in_dim3A_405 = arith.constant 0.000000e+00 : f32
        %broadcast_in_dim3A_406 = vector.broadcast %broadcast_in_dim3A_405 : f32 to vector<16xf32>
        %broadcast_in_dim3A_407 = arith.constant 0.000000e+00 : f32
        %broadcast_in_dim3A_408 = vector.broadcast %broadcast_in_dim3A_407 : f32 to vector<16xf32>
        %broadcast_in_dim3A_409 = arith.constant 0.000000e+00 : f32
        %broadcast_in_dim3A_410 = vector.broadcast %broadcast_in_dim3A_409 : f32 to vector<16xf32>
        %scan3A_411 = arith.constant 0 : i32
        %scan3A_412 = arith.constant 16 : i32
        %scan3A_413 = arith.addi %scan3A_411, %scan3A_412 : i32
        %scan3A_414 = arith.constant 1 : i32
        %scan3A_415:8 = scf.for %scan3A_497 = %scan3A_411 to %scan3A_413 step %scan3A_414 iter_args(%scan3A_498 = %broadcast_in_dim3A_396, %scan3A_499 = %broadcast_in_dim3A_398, %scan3A_500 = %broadcast_in_dim3A_400, %scan3A_501 = %broadcast_in_dim3A_402, %scan3A_502 = %broadcast_in_dim3A_404, %scan3A_503 = %broadcast_in_dim3A_406, %scan3A_504 = %broadcast_in_dim3A_408, %scan3A_505 = %broadcast_in_dim3A_410) -> (vector<16xf32>, vector<16xf32>, vector<16xf32>, vector<16xf32>, vector<16xf32>, vector<16xf32>, vector<16xf32>, vector<16xf32>)  : i32 {
          %mul3A_506 = arith.constant 8 : i32
          %mul3A_507 = arith.muli %scan3A_497, %mul3A_506 : i32
          %add3A_508 = arith.constant 0 : i32
          %add3A_509 = arith.addi %add3A_508, %mul3A_507 : i32
          %add3A_510 = arith.constant 0 : i32
          %add3A_511 = arith.addi %add3A_509, %add3A_510 : i32
          %get3A_512 = arith.constant 0 : i32
          %get3A_513 = arith.index_cast %get3A_512 : i32 to index
          %get3A_514 = arith.index_cast %add3A_511 : i32 to index
          %get3A_515 = arith.constant 0 : index
          %get3A_516 = tpu.vector_load %arg5[%get3A_513, %get3A_514, %get3A_515] {strides = array<i32>} : memref<3x256x128xf32, #tpu.memory_space<vmem>>, vector<1x1x16xf32>,
          %get3A_517 = vector.shape_cast %get3A_516 : vector<1x1x16xf32> to vector<16xf32>
          %add3A_518 = arith.addf %scan3A_498, %get3A_517 : vector<16xf32>
          %get3A_519 = arith.constant 0 : i32
          %get3A_520 = arith.index_cast %get3A_519 : i32 to index
          %get3A_521 = arith.index_cast %add3A_511 : i32 to index
          %get3A_522 = arith.constant 16 : index
          %get3A_523 = tpu.vector_load %arg5[%get3A_520, %get3A_521, %get3A_522] {strides = array<i32>} : memref<3x256x128xf32, #tpu.memory_space<vmem>>, vector<1x1x16xf32>,
          %get3A_524 = vector.shape_cast %get3A_523 : vector<1x1x16xf32> to vector<16xf32>
          %add3A_525 = arith.addf %scan3A_499, %get3A_524 : vector<16xf32>
          %get3A_526 = arith.constant 0 : i32
          %get3A_527 = arith.index_cast %get3A_526 : i32 to index
          %get3A_528 = arith.index_cast %add3A_511 : i32 to index
          %get3A_529 = arith.constant 32 : index
          %get3A_530 = tpu.vector_load %arg5[%get3A_527, %get3A_528, %get3A_529] {strides = array<i32>} : memref<3x256x128xf32, #tpu.memory_space<vmem>>, vector<1x1x16xf32>,
          %get3A_531 = vector.shape_cast %get3A_530 : vector<1x1x16xf32> to vector<16xf32>
          %add3A_532 = arith.addf %scan3A_500, %get3A_531 : vector<16xf32>
          %get3A_533 = arith.constant 0 : i32
          %get3A_534 = arith.index_cast %get3A_533 : i32 to index
          %get3A_535 = arith.index_cast %add3A_511 : i32 to index
          %get3A_536 = arith.constant 48 : index
          %get3A_537 = tpu.vector_load %arg5[%get3A_534, %get3A_535, %get3A_536] {strides = array<i32>} : memref<3x256x128xf32, #tpu.memory_space<vmem>>, vector<1x1x16xf32>,
          %get3A_538 = vector.shape_cast %get3A_537 : vector<1x1x16xf32> to vector<16xf32>
          %add3A_539 = arith.addf %scan3A_501, %get3A_538 : vector<16xf32>
          %get3A_540 = arith.constant 0 : i32
          %get3A_541 = arith.index_cast %get3A_540 : i32 to index
          %get3A_542 = arith.index_cast %add3A_511 : i32 to index
          %get3A_543 = arith.constant 64 : index
          %get3A_544 = tpu.vector_load %arg5[%get3A_541, %get3A_542, %get3A_543] {strides = array<i32>} : memref<3x256x128xf32, #tpu.memory_space<vmem>>, vector<1x1x16xf32>,
          %get3A_545 = vector.shape_cast %get3A_544 : vector<1x1x16xf32> to vector<16xf32>
          %add3A_546 = arith.addf %scan3A_502, %get3A_545 : vector<16xf32>
          %get3A_547 = arith.constant 0 : i32
          %get3A_548 = arith.index_cast %get3A_547 : i32 to index
          %get3A_549 = arith.index_cast %add3A_511 : i32 to index
          %get3A_550 = arith.constant 80 : index
          %get3A_551 = tpu.vector_load %arg5[%get3A_548, %get3A_549, %get3A_550] {strides = array<i32>} : memref<3x256x128xf32, #tpu.memory_space<vmem>>, vector<1x1x16xf32>,
          %get3A_552 = vector.shape_cast %get3A_551 : vector<1x1x16xf32> to vector<16xf32>
          %add3A_553 = arith.addf %scan3A_503, %get3A_552 : vector<16xf32>
          %get3A_554 = arith.constant 0 : i32
          %get3A_555 = arith.index_cast %get3A_554 : i32 to index
          %get3A_556 = arith.index_cast %add3A_511 : i32 to index
          %get3A_557 = arith.constant 96 : index
          %get3A_558 = tpu.vector_load %arg5[%get3A_555, %get3A_556, %get3A_557] {strides = array<i32>} : memref<3x256x128xf32, #tpu.memory_space<vmem>>, vector<1x1x16xf32>,
          %get3A_559 = vector.shape_cast %get3A_558 : vector<1x1x16xf32> to vector<16xf32>
          %add3A_560 = arith.addf %scan3A_504, %get3A_559 : vector<16xf32>
          %get3A_561 = arith.constant 0 : i32
          %get3A_562 = arith.index_cast %get3A_561 : i32 to index
          %get3A_563 = arith.index_cast %add3A_511 : i32 to index
          %get3A_564 = arith.constant 112 : index
          %get3A_565 = tpu.vector_load %arg5[%get3A_562, %get3A_563, %get3A_564] {strides = array<i32>} : memref<3x256x128xf32, #tpu.memory_space<vmem>>, vector<1x1x16xf32>,
          %get3A_566 = vector.shape_cast %get3A_565 : vector<1x1x16xf32> to vector<16xf32>
          %add3A_567 = arith.addf %scan3A_505, %get3A_566 : vector<16xf32>
          %mul3A_568 = arith.constant 8 : i32
          %mul3A_569 = arith.muli %scan3A_497, %mul3A_568 : i32
          %add3A_570 = arith.constant 0 : i32
          %add3A_571 = arith.addi %add3A_570, %mul3A_569 : i32
          %add3A_572 = arith.constant 1 : i32
          %add3A_573 = arith.addi %add3A_571, %add3A_572 : i32
          %get3A_574 = arith.constant 0 : i32
          %get3A_575 = arith.index_cast %get3A_574 : i32 to index
          %get3A_576 = arith.index_cast %add3A_573 : i32 to index
          %get3A_577 = arith.constant 0 : index
          %get3A_578 = tpu.vector_load %arg5[%get3A_575, %get3A_576, %get3A_577] {strides = array<i32>} : memref<3x256x128xf32, #tpu.memory_space<vmem>>, vector<1x1x16xf32>,
          %get3A_579 = vector.shape_cast %get3A_578 : vector<1x1x16xf32> to vector<16xf32>
          %add3A_580 = arith.addf %add3A_518, %get3A_579 : vector<16xf32>
          %get3A_581 = arith.constant 0 : i32
          %get3A_582 = arith.index_cast %get3A_581 : i32 to index
          %get3A_583 = arith.index_cast %add3A_573 : i32 to index
          %get3A_584 = arith.constant 16 : index
          %get3A_585 = tpu.vector_load %arg5[%get3A_582, %get3A_583, %get3A_584] {strides = array<i32>} : memref<3x256x128xf32, #tpu.memory_space<vmem>>, vector<1x1x16xf32>,
          %get3A_586 = vector.shape_cast %get3A_585 : vector<1x1x16xf32> to vector<16xf32>
          %add3A_587 = arith.addf %add3A_525, %get3A_586 : vector<16xf32>
          %get3A_588 = arith.constant 0 : i32
          %get3A_589 = arith.index_cast %get3A_588 : i32 to index
          %get3A_590 = arith.index_cast %add3A_573 : i32 to index
          %get3A_591 = arith.constant 32 : index
          %get3A_592 = tpu.vector_load %arg5[%get3A_589, %get3A_590, %get3A_591] {strides = array<i32>} : memref<3x256x128xf32, #tpu.memory_space<vmem>>, vector<1x1x16xf32>,
          %get3A_593 = vector.shape_cast %get3A_592 : vector<1x1x16xf32> to vector<16xf32>
          %add3A_594 = arith.addf %add3A_532, %get3A_593 : vector<16xf32>
          %get3A_595 = arith.constant 0 : i32
          %get3A_596 = arith.index_cast %get3A_595 : i32 to index
          %get3A_597 = arith.index_cast %add3A_573 : i32 to index
          %get3A_598 = arith.constant 48 : index
          %get3A_599 = tpu.vector_load %arg5[%get3A_596, %get3A_597, %get3A_598] {strides = array<i32>} : memref<3x256x128xf32, #tpu.memory_space<vmem>>, vector<1x1x16xf32>,
          %get3A_600 = vector.shape_cast %get3A_599 : vector<1x1x16xf32> to vector<16xf32>
          %add3A_601 = arith.addf %add3A_539, %get3A_600 : vector<16xf32>
          %get3A_602 = arith.constant 0 : i32
          %get3A_603 = arith.index_cast %get3A_602 : i32 to index
          %get3A_604 = arith.index_cast %add3A_573 : i32 to index
          %get3A_605 = arith.constant 64 : index
          %get3A_606 = tpu.vector_load %arg5[%get3A_603, %get3A_604, %get3A_605] {strides = array<i32>} : memref<3x256x128xf32, #tpu.memory_space<vmem>>, vector<1x1x16xf32>,
          %get3A_607 = vector.shape_cast %get3A_606 : vector<1x1x16xf32> to vector<16xf32>
          %add3A_608 = arith.addf %add3A_546, %get3A_607 : vector<16xf32>
          %get3A_609 = arith.constant 0 : i32
          %get3A_610 = arith.index_cast %get3A_609 : i32 to index
          %get3A_611 = arith.index_cast %add3A_573 : i32 to index
          %get3A_612 = arith.constant 80 : index
          %get3A_613 = tpu.vector_load %arg5[%get3A_610, %get3A_611, %get3A_612] {strides = array<i32>} : memref<3x256x128xf32, #tpu.memory_space<vmem>>, vector<1x1x16xf32>,
          %get3A_614 = vector.shape_cast %get3A_613 : vector<1x1x16xf32> to vector<16xf32>
          %add3A_615 = arith.addf %add3A_553, %get3A_614 : vector<16xf32>
          %get3A_616 = arith.constant 0 : i32
          %get3A_617 = arith.index_cast %get3A_616 : i32 to index
          %get3A_618 = arith.index_cast %add3A_573 : i32 to index
          %get3A_619 = arith.constant 96 : index
          %get3A_620 = tpu.vector_load %arg5[%get3A_617, %get3A_618, %get3A_619] {strides = array<i32>} : memref<3x256x128xf32, #tpu.memory_space<vmem>>, vector<1x1x16xf32>,
          %get3A_621 = vector.shape_cast %get3A_620 : vector<1x1x16xf32> to vector<16xf32>
          %add3A_622 = arith.addf %add3A_560, %get3A_621 : vector<16xf32>
          %get3A_623 = arith.constant 0 : i32
          %get3A_624 = arith.index_cast %get3A_623 : i32 to index
          %get3A_625 = arith.index_cast %add3A_573 : i32 to index
          %get3A_626 = arith.constant 112 : index
          %get3A_627 = tpu.vector_load %arg5[%get3A_624, %get3A_625, %get3A_626] {strides = array<i32>} : memref<3x256x128xf32, #tpu.memory_space<vmem>>, vector<1x1x16xf32>,
          %get3A_628 = vector.shape_cast %get3A_627 : vector<1x1x16xf32> to vector<16xf32>
          %add3A_629 = arith.addf %add3A_567, %get3A_628 : vector<16xf32>
          %mul3A_630 = arith.constant 8 : i32
          %mul3A_631 = arith.muli %scan3A_497, %mul3A_630 : i32
          %add3A_632 = arith.constant 0 : i32
          %add3A_633 = arith.addi %add3A_632, %mul3A_631 : i32
          %add3A_634 = arith.constant 2 : i32
          %add3A_635 = arith.addi %add3A_633, %add3A_634 : i32
          %get3A_636 = arith.constant 0 : i32
          %get3A_637 = arith.index_cast %get3A_636 : i32 to index
          %get3A_638 = arith.index_cast %add3A_635 : i32 to index
          %get3A_639 = arith.constant 0 : index
          %get3A_640 = tpu.vector_load %arg5[%get3A_637, %get3A_638, %get3A_639] {strides = array<i32>} : memref<3x256x128xf32, #tpu.memory_space<vmem>>, vector<1x1x16xf32>,
          %get3A_641 = vector.shape_cast %get3A_640 : vector<1x1x16xf32> to vector<16xf32>
          %add3A_642 = arith.addf %add3A_580, %get3A_641 : vector<16xf32>
          %get3A_643 = arith.constant 0 : i32
          %get3A_644 = arith.index_cast %get3A_643 : i32 to index
          %get3A_645 = arith.index_cast %add3A_635 : i32 to index
          %get3A_646 = arith.constant 16 : index
          %get3A_647 = tpu.vector_load %arg5[%get3A_644, %get3A_645, %get3A_646] {strides = array<i32>} : memref<3x256x128xf32, #tpu.memory_space<vmem>>, vector<1x1x16xf32>,
          %get3A_648 = vector.shape_cast %get3A_647 : vector<1x1x16xf32> to vector<16xf32>
          %add3A_649 = arith.addf %add3A_587, %get3A_648 : vector<16xf32>
          %get3A_650 = arith.constant 0 : i32
          %get3A_651 = arith.index_cast %get3A_650 : i32 to index
          %get3A_652 = arith.index_cast %add3A_635 : i32 to index
          %get3A_653 = arith.constant 32 : index
          %get3A_654 = tpu.vector_load %arg5[%get3A_651, %get3A_652, %get3A_653] {strides = array<i32>} : memref<3x256x128xf32, #tpu.memory_space<vmem>>, vector<1x1x16xf32>,
          %get3A_655 = vector.shape_cast %get3A_654 : vector<1x1x16xf32> to vector<16xf32>
          %add3A_656 = arith.addf %add3A_594, %get3A_655 : vector<16xf32>
          %get3A_657 = arith.constant 0 : i32
          %get3A_658 = arith.index_cast %get3A_657 : i32 to index
          %get3A_659 = arith.index_cast %add3A_635 : i32 to index
          %get3A_660 = arith.constant 48 : index
          %get3A_661 = tpu.vector_load %arg5[%get3A_658, %get3A_659, %get3A_660] {strides = array<i32>} : memref<3x256x128xf32, #tpu.memory_space<vmem>>, vector<1x1x16xf32>,
          %get3A_662 = vector.shape_cast %get3A_661 : vector<1x1x16xf32> to vector<16xf32>
          %add3A_663 = arith.addf %add3A_601, %get3A_662 : vector<16xf32>
          %get3A_664 = arith.constant 0 : i32
          %get3A_665 = arith.index_cast %get3A_664 : i32 to index
          %get3A_666 = arith.index_cast %add3A_635 : i32 to index
          %get3A_667 = arith.constant 64 : index
          %get3A_668 = tpu.vector_load %arg5[%get3A_665, %get3A_666, %get3A_667] {strides = array<i32>} : memref<3x256x128xf32, #tpu.memory_space<vmem>>, vector<1x1x16xf32>,
          %get3A_669 = vector.shape_cast %get3A_668 : vector<1x1x16xf32> to vector<16xf32>
          %add3A_670 = arith.addf %add3A_608, %get3A_669 : vector<16xf32>
          %get3A_671 = arith.constant 0 : i32
          %get3A_672 = arith.index_cast %get3A_671 : i32 to index
          %get3A_673 = arith.index_cast %add3A_635 : i32 to index
          %get3A_674 = arith.constant 80 : index
          %get3A_675 = tpu.vector_load %arg5[%get3A_672, %get3A_673, %get3A_674] {strides = array<i32>} : memref<3x256x128xf32, #tpu.memory_space<vmem>>, vector<1x1x16xf32>,
          %get3A_676 = vector.shape_cast %get3A_675 : vector<1x1x16xf32> to vector<16xf32>
          %add3A_677 = arith.addf %add3A_615, %get3A_676 : vector<16xf32>
          %get3A_678 = arith.constant 0 : i32
          %get3A_679 = arith.index_cast %get3A_678 : i32 to index
          %get3A_680 = arith.index_cast %add3A_635 : i32 to index
          %get3A_681 = arith.constant 96 : index
          %get3A_682 = tpu.vector_load %arg5[%get3A_679, %get3A_680, %get3A_681] {strides = array<i32>} : memref<3x256x128xf32, #tpu.memory_space<vmem>>, vector<1x1x16xf32>,
          %get3A_683 = vector.shape_cast %get3A_682 : vector<1x1x16xf32> to vector<16xf32>
          %add3A_684 = arith.addf %add3A_622, %get3A_683 : vector<16xf32>
          %get3A_685 = arith.constant 0 : i32
          %get3A_686 = arith.index_cast %get3A_685 : i32 to index
          %get3A_687 = arith.index_cast %add3A_635 : i32 to index
          %get3A_688 = arith.constant 112 : index
          %get3A_689 = tpu.vector_load %arg5[%get3A_686, %get3A_687, %get3A_688] {strides = array<i32>} : memref<3x256x128xf32, #tpu.memory_space<vmem>>, vector<1x1x16xf32>,
          %get3A_690 = vector.shape_cast %get3A_689 : vector<1x1x16xf32> to vector<16xf32>
          %add3A_691 = arith.addf %add3A_629, %get3A_690 : vector<16xf32>
          %mul3A_692 = arith.constant 8 : i32
          %mul3A_693 = arith.muli %scan3A_497, %mul3A_692 : i32
          %add3A_694 = arith.constant 0 : i32
          %add3A_695 = arith.addi %add3A_694, %mul3A_693 : i32
          %add3A_696 = arith.constant 3 : i32
          %add3A_697 = arith.addi %add3A_695, %add3A_696 : i32
          %get3A_698 = arith.constant 0 : i32
          %get3A_699 = arith.index_cast %get3A_698 : i32 to index
          %get3A_700 = arith.index_cast %add3A_697 : i32 to index
          %get3A_701 = arith.constant 0 : index
          %get3A_702 = tpu.vector_load %arg5[%get3A_699, %get3A_700, %get3A_701] {strides = array<i32>} : memref<3x256x128xf32, #tpu.memory_space<vmem>>, vector<1x1x16xf32>,
          %get3A_703 = vector.shape_cast %get3A_702 : vector<1x1x16xf32> to vector<16xf32>
          %add3A_704 = arith.addf %add3A_642, %get3A_703 : vector<16xf32>
          %get3A_705 = arith.constant 0 : i32
          %get3A_706 = arith.index_cast %get3A_705 : i32 to index
          %get3A_707 = arith.index_cast %add3A_697 : i32 to index
          %get3A_708 = arith.constant 16 : index
          %get3A_709 = tpu.vector_load %arg5[%get3A_706, %get3A_707, %get3A_708] {strides = array<i32>} : memref<3x256x128xf32, #tpu.memory_space<vmem>>, vector<1x1x16xf32>,
          %get3A_710 = vector.shape_cast %get3A_709 : vector<1x1x16xf32> to vector<16xf32>
          %add3A_711 = arith.addf %add3A_649, %get3A_710 : vector<16xf32>
          %get3A_712 = arith.constant 0 : i32
          %get3A_713 = arith.index_cast %get3A_712 : i32 to index
          %get3A_714 = arith.index_cast %add3A_697 : i32 to index
          %get3A_715 = arith.constant 32 : index
          %get3A_716 = tpu.vector_load %arg5[%get3A_713, %get3A_714, %get3A_715] {strides = array<i32>} : memref<3x256x128xf32, #tpu.memory_space<vmem>>, vector<1x1x16xf32>,
          %get3A_717 = vector.shape_cast %get3A_716 : vector<1x1x16xf32> to vector<16xf32>
          %add3A_718 = arith.addf %add3A_656, %get3A_717 : vector<16xf32>
          %get3A_719 = arith.constant 0 : i32
          %get3A_720 = arith.index_cast %get3A_719 : i32 to index
          %get3A_721 = arith.index_cast %add3A_697 : i32 to index
          %get3A_722 = arith.constant 48 : index
          %get3A_723 = tpu.vector_load %arg5[%get3A_720, %get3A_721, %get3A_722] {strides = array<i32>} : memref<3x256x128xf32, #tpu.memory_space<vmem>>, vector<1x1x16xf32>,
          %get3A_724 = vector.shape_cast %get3A_723 : vector<1x1x16xf32> to vector<16xf32>
          %add3A_725 = arith.addf %add3A_663, %get3A_724 : vector<16xf32>
          %get3A_726 = arith.constant 0 : i32
          %get3A_727 = arith.index_cast %get3A_726 : i32 to index
          %get3A_728 = arith.index_cast %add3A_697 : i32 to index
          %get3A_729 = arith.constant 64 : index
          %get3A_730 = tpu.vector_load %arg5[%get3A_727, %get3A_728, %get3A_729] {strides = array<i32>} : memref<3x256x128xf32, #tpu.memory_space<vmem>>, vector<1x1x16xf32>,
          %get3A_731 = vector.shape_cast %get3A_730 : vector<1x1x16xf32> to vector<16xf32>
          %add3A_732 = arith.addf %add3A_670, %get3A_731 : vector<16xf32>
          %get3A_733 = arith.constant 0 : i32
          %get3A_734 = arith.index_cast %get3A_733 : i32 to index
          %get3A_735 = arith.index_cast %add3A_697 : i32 to index
          %get3A_736 = arith.constant 80 : index
          %get3A_737 = tpu.vector_load %arg5[%get3A_734, %get3A_735, %get3A_736] {strides = array<i32>} : memref<3x256x128xf32, #tpu.memory_space<vmem>>, vector<1x1x16xf32>,
          %get3A_738 = vector.shape_cast %get3A_737 : vector<1x1x16xf32> to vector<16xf32>
          %add3A_739 = arith.addf %add3A_677, %get3A_738 : vector<16xf32>
          %get3A_740 = arith.constant 0 : i32
          %get3A_741 = arith.index_cast %get3A_740 : i32 to index
          %get3A_742 = arith.index_cast %add3A_697 : i32 to index
          %get3A_743 = arith.constant 96 : index
          %get3A_744 = tpu.vector_load %arg5[%get3A_741, %get3A_742, %get3A_743] {strides = array<i32>} : memref<3x256x128xf32, #tpu.memory_space<vmem>>, vector<1x1x16xf32>,
          %get3A_745 = vector.shape_cast %get3A_744 : vector<1x1x16xf32> to vector<16xf32>
          %add3A_746 = arith.addf %add3A_684, %get3A_745 : vector<16xf32>
          %get3A_747 = arith.constant 0 : i32
          %get3A_748 = arith.index_cast %get3A_747 : i32 to index
          %get3A_749 = arith.index_cast %add3A_697 : i32 to index
          %get3A_750 = arith.constant 112 : index
          %get3A_751 = tpu.vector_load %arg5[%get3A_748, %get3A_749, %get3A_750] {strides = array<i32>} : memref<3x256x128xf32, #tpu.memory_space<vmem>>, vector<1x1x16xf32>,
          %get3A_752 = vector.shape_cast %get3A_751 : vector<1x1x16xf32> to vector<16xf32>
          %add3A_753 = arith.addf %add3A_691, %get3A_752 : vector<16xf32>
          %mul3A_754 = arith.constant 8 : i32
          %mul3A_755 = arith.muli %scan3A_497, %mul3A_754 : i32
          %add3A_756 = arith.constant 0 : i32
          %add3A_757 = arith.addi %add3A_756, %mul3A_755 : i32
          %add3A_758 = arith.constant 4 : i32
          %add3A_759 = arith.addi %add3A_757, %add3A_758 : i32
          %get3A_760 = arith.constant 0 : i32
          %get3A_761 = arith.index_cast %get3A_760 : i32 to index
          %get3A_762 = arith.index_cast %add3A_759 : i32 to index
          %get3A_763 = arith.constant 0 : index
          %get3A_764 = tpu.vector_load %arg5[%get3A_761, %get3A_762, %get3A_763] {strides = array<i32>} : memref<3x256x128xf32, #tpu.memory_space<vmem>>, vector<1x1x16xf32>,
          %get3A_765 = vector.shape_cast %get3A_764 : vector<1x1x16xf32> to vector<16xf32>
          %add3A_766 = arith.addf %add3A_704, %get3A_765 : vector<16xf32>
          %get3A_767 = arith.constant 0 : i32
          %get3A_768 = arith.index_cast %get3A_767 : i32 to index
          %get3A_769 = arith.index_cast %add3A_759 : i32 to index
          %get3A_770 = arith.constant 16 : index
          %get3A_771 = tpu.vector_load %arg5[%get3A_768, %get3A_769, %get3A_770] {strides = array<i32>} : memref<3x256x128xf32, #tpu.memory_space<vmem>>, vector<1x1x16xf32>,
          %get3A_772 = vector.shape_cast %get3A_771 : vector<1x1x16xf32> to vector<16xf32>
          %add3A_773 = arith.addf %add3A_711, %get3A_772 : vector<16xf32>
          %get3A_774 = arith.constant 0 : i32
          %get3A_775 = arith.index_cast %get3A_774 : i32 to index
          %get3A_776 = arith.index_cast %add3A_759 : i32 to index
          %get3A_777 = arith.constant 32 : index
          %get3A_778 = tpu.vector_load %arg5[%get3A_775, %get3A_776, %get3A_777] {strides = array<i32>} : memref<3x256x128xf32, #tpu.memory_space<vmem>>, vector<1x1x16xf32>,
          %get3A_779 = vector.shape_cast %get3A_778 : vector<1x1x16xf32> to vector<16xf32>
          %add3A_780 = arith.addf %add3A_718, %get3A_779 : vector<16xf32>
          %get3A_781 = arith.constant 0 : i32
          %get3A_782 = arith.index_cast %get3A_781 : i32 to index
          %get3A_783 = arith.index_cast %add3A_759 : i32 to index
          %get3A_784 = arith.constant 48 : index
          %get3A_785 = tpu.vector_load %arg5[%get3A_782, %get3A_783, %get3A_784] {strides = array<i32>} : memref<3x256x128xf32, #tpu.memory_space<vmem>>, vector<1x1x16xf32>,
          %get3A_786 = vector.shape_cast %get3A_785 : vector<1x1x16xf32> to vector<16xf32>
          %add3A_787 = arith.addf %add3A_725, %get3A_786 : vector<16xf32>
          %get3A_788 = arith.constant 0 : i32
          %get3A_789 = arith.index_cast %get3A_788 : i32 to index
          %get3A_790 = arith.index_cast %add3A_759 : i32 to index
          %get3A_791 = arith.constant 64 : index
          %get3A_792 = tpu.vector_load %arg5[%get3A_789, %get3A_790, %get3A_791] {strides = array<i32>} : memref<3x256x128xf32, #tpu.memory_space<vmem>>, vector<1x1x16xf32>,
          %get3A_793 = vector.shape_cast %get3A_792 : vector<1x1x16xf32> to vector<16xf32>
          %add3A_794 = arith.addf %add3A_732, %get3A_793 : vector<16xf32>
          %get3A_795 = arith.constant 0 : i32
          %get3A_796 = arith.index_cast %get3A_795 : i32 to index
          %get3A_797 = arith.index_cast %add3A_759 : i32 to index
          %get3A_798 = arith.constant 80 : index
          %get3A_799 = tpu.vector_load %arg5[%get3A_796, %get3A_797, %get3A_798] {strides = array<i32>} : memref<3x256x128xf32, #tpu.memory_space<vmem>>, vector<1x1x16xf32>,
          %get3A_800 = vector.shape_cast %get3A_799 : vector<1x1x16xf32> to vector<16xf32>
          %add3A_801 = arith.addf %add3A_739, %get3A_800 : vector<16xf32>
          %get3A_802 = arith.constant 0 : i32
          %get3A_803 = arith.index_cast %get3A_802 : i32 to index
          %get3A_804 = arith.index_cast %add3A_759 : i32 to index
          %get3A_805 = arith.constant 96 : index
          %get3A_806 = tpu.vector_load %arg5[%get3A_803, %get3A_804, %get3A_805] {strides = array<i32>} : memref<3x256x128xf32, #tpu.memory_space<vmem>>, vector<1x1x16xf32>,
          %get3A_807 = vector.shape_cast %get3A_806 : vector<1x1x16xf32> to vector<16xf32>
          %add3A_808 = arith.addf %add3A_746, %get3A_807 : vector<16xf32>
          %get3A_809 = arith.constant 0 : i32
          %get3A_810 = arith.index_cast %get3A_809 : i32 to index
          %get3A_811 = arith.index_cast %add3A_759 : i32 to index
          %get3A_812 = arith.constant 112 : index
          %get3A_813 = tpu.vector_load %arg5[%get3A_810, %get3A_811, %get3A_812] {strides = array<i32>} : memref<3x256x128xf32, #tpu.memory_space<vmem>>, vector<1x1x16xf32>,
          %get3A_814 = vector.shape_cast %get3A_813 : vector<1x1x16xf32> to vector<16xf32>
          %add3A_815 = arith.addf %add3A_753, %get3A_814 : vector<16xf32>
          %mul3A_816 = arith.constant 8 : i32
          %mul3A_817 = arith.muli %scan3A_497, %mul3A_816 : i32
          %add3A_818 = arith.constant 0 : i32
          %add3A_819 = arith.addi %add3A_818, %mul3A_817 : i32
          %add3A_820 = arith.constant 5 : i32
          %add3A_821 = arith.addi %add3A_819, %add3A_820 : i32
          %get3A_822 = arith.constant 0 : i32
          %get3A_823 = arith.index_cast %get3A_822 : i32 to index
          %get3A_824 = arith.index_cast %add3A_821 : i32 to index
          %get3A_825 = arith.constant 0 : index
          %get3A_826 = tpu.vector_load %arg5[%get3A_823, %get3A_824, %get3A_825] {strides = array<i32>} : memref<3x256x128xf32, #tpu.memory_space<vmem>>, vector<1x1x16xf32>,
          %get3A_827 = vector.shape_cast %get3A_826 : vector<1x1x16xf32> to vector<16xf32>
          %add3A_828 = arith.addf %add3A_766, %get3A_827 : vector<16xf32>
          %get3A_829 = arith.constant 0 : i32
          %get3A_830 = arith.index_cast %get3A_829 : i32 to index
          %get3A_831 = arith.index_cast %add3A_821 : i32 to index
          %get3A_832 = arith.constant 16 : index
          %get3A_833 = tpu.vector_load %arg5[%get3A_830, %get3A_831, %get3A_832] {strides = array<i32>} : memref<3x256x128xf32, #tpu.memory_space<vmem>>, vector<1x1x16xf32>,
          %get3A_834 = vector.shape_cast %get3A_833 : vector<1x1x16xf32> to vector<16xf32>
          %add3A_835 = arith.addf %add3A_773, %get3A_834 : vector<16xf32>
          %get3A_836 = arith.constant 0 : i32
          %get3A_837 = arith.index_cast %get3A_836 : i32 to index
          %get3A_838 = arith.index_cast %add3A_821 : i32 to index
          %get3A_839 = arith.constant 32 : index
          %get3A_840 = tpu.vector_load %arg5[%get3A_837, %get3A_838, %get3A_839] {strides = array<i32>} : memref<3x256x128xf32, #tpu.memory_space<vmem>>, vector<1x1x16xf32>,
          %get3A_841 = vector.shape_cast %get3A_840 : vector<1x1x16xf32> to vector<16xf32>
          %add3A_842 = arith.addf %add3A_780, %get3A_841 : vector<16xf32>
          %get3A_843 = arith.constant 0 : i32
          %get3A_844 = arith.index_cast %get3A_843 : i32 to index
          %get3A_845 = arith.index_cast %add3A_821 : i32 to index
          %get3A_846 = arith.constant 48 : index
          %get3A_847 = tpu.vector_load %arg5[%get3A_844, %get3A_845, %get3A_846] {strides = array<i32>} : memref<3x256x128xf32, #tpu.memory_space<vmem>>, vector<1x1x16xf32>,
          %get3A_848 = vector.shape_cast %get3A_847 : vector<1x1x16xf32> to vector<16xf32>
          %add3A_849 = arith.addf %add3A_787, %get3A_848 : vector<16xf32>
          %get3A_850 = arith.constant 0 : i32
          %get3A_851 = arith.index_cast %get3A_850 : i32 to index
          %get3A_852 = arith.index_cast %add3A_821 : i32 to index
          %get3A_853 = arith.constant 64 : index
          %get3A_854 = tpu.vector_load %arg5[%get3A_851, %get3A_852, %get3A_853] {strides = array<i32>} : memref<3x256x128xf32, #tpu.memory_space<vmem>>, vector<1x1x16xf32>,
          %get3A_855 = vector.shape_cast %get3A_854 : vector<1x1x16xf32> to vector<16xf32>
          %add3A_856 = arith.addf %add3A_794, %get3A_855 : vector<16xf32>
          %get3A_857 = arith.constant 0 : i32
          %get3A_858 = arith.index_cast %get3A_857 : i32 to index
          %get3A_859 = arith.index_cast %add3A_821 : i32 to index
          %get3A_860 = arith.constant 80 : index
          %get3A_861 = tpu.vector_load %arg5[%get3A_858, %get3A_859, %get3A_860] {strides = array<i32>} : memref<3x256x128xf32, #tpu.memory_space<vmem>>, vector<1x1x16xf32>,
          %get3A_862 = vector.shape_cast %get3A_861 : vector<1x1x16xf32> to vector<16xf32>
          %add3A_863 = arith.addf %add3A_801, %get3A_862 : vector<16xf32>
          %get3A_864 = arith.constant 0 : i32
          %get3A_865 = arith.index_cast %get3A_864 : i32 to index
          %get3A_866 = arith.index_cast %add3A_821 : i32 to index
          %get3A_867 = arith.constant 96 : index
          %get3A_868 = tpu.vector_load %arg5[%get3A_865, %get3A_866, %get3A_867] {strides = array<i32>} : memref<3x256x128xf32, #tpu.memory_space<vmem>>, vector<1x1x16xf32>,
          %get3A_869 = vector.shape_cast %get3A_868 : vector<1x1x16xf32> to vector<16xf32>
          %add3A_870 = arith.addf %add3A_808, %get3A_869 : vector<16xf32>
          %get3A_871 = arith.constant 0 : i32
          %get3A_872 = arith.index_cast %get3A_871 : i32 to index
          %get3A_873 = arith.index_cast %add3A_821 : i32 to index
          %get3A_874 = arith.constant 112 : index
          %get3A_875 = tpu.vector_load %arg5[%get3A_872, %get3A_873, %get3A_874] {strides = array<i32>} : memref<3x256x128xf32, #tpu.memory_space<vmem>>, vector<1x1x16xf32>,
          %get3A_876 = vector.shape_cast %get3A_875 : vector<1x1x16xf32> to vector<16xf32>
          %add3A_877 = arith.addf %add3A_815, %get3A_876 : vector<16xf32>
          %mul3A_878 = arith.constant 8 : i32
          %mul3A_879 = arith.muli %scan3A_497, %mul3A_878 : i32
          %add3A_880 = arith.constant 0 : i32
          %add3A_881 = arith.addi %add3A_880, %mul3A_879 : i32
          %add3A_882 = arith.constant 6 : i32
          %add3A_883 = arith.addi %add3A_881, %add3A_882 : i32
          %get3A_884 = arith.constant 0 : i32
          %get3A_885 = arith.index_cast %get3A_884 : i32 to index
          %get3A_886 = arith.index_cast %add3A_883 : i32 to index
          %get3A_887 = arith.constant 0 : index
          %get3A_888 = tpu.vector_load %arg5[%get3A_885, %get3A_886, %get3A_887] {strides = array<i32>} : memref<3x256x128xf32, #tpu.memory_space<vmem>>, vector<1x1x16xf32>,
          %get3A_889 = vector.shape_cast %get3A_888 : vector<1x1x16xf32> to vector<16xf32>
          %add3A_890 = arith.addf %add3A_828, %get3A_889 : vector<16xf32>
          %get3A_891 = arith.constant 0 : i32
          %get3A_892 = arith.index_cast %get3A_891 : i32 to index
          %get3A_893 = arith.index_cast %add3A_883 : i32 to index
          %get3A_894 = arith.constant 16 : index
          %get3A_895 = tpu.vector_load %arg5[%get3A_892, %get3A_893, %get3A_894] {strides = array<i32>} : memref<3x256x128xf32, #tpu.memory_space<vmem>>, vector<1x1x16xf32>,
          %get3A_896 = vector.shape_cast %get3A_895 : vector<1x1x16xf32> to vector<16xf32>
          %add3A_897 = arith.addf %add3A_835, %get3A_896 : vector<16xf32>
          %get3A_898 = arith.constant 0 : i32
          %get3A_899 = arith.index_cast %get3A_898 : i32 to index
          %get3A_900 = arith.index_cast %add3A_883 : i32 to index
          %get3A_901 = arith.constant 32 : index
          %get3A_902 = tpu.vector_load %arg5[%get3A_899, %get3A_900, %get3A_901] {strides = array<i32>} : memref<3x256x128xf32, #tpu.memory_space<vmem>>, vector<1x1x16xf32>,
          %get3A_903 = vector.shape_cast %get3A_902 : vector<1x1x16xf32> to vector<16xf32>
          %add3A_904 = arith.addf %add3A_842, %get3A_903 : vector<16xf32>
          %get3A_905 = arith.constant 0 : i32
          %get3A_906 = arith.index_cast %get3A_905 : i32 to index
          %get3A_907 = arith.index_cast %add3A_883 : i32 to index
          %get3A_908 = arith.constant 48 : index
          %get3A_909 = tpu.vector_load %arg5[%get3A_906, %get3A_907, %get3A_908] {strides = array<i32>} : memref<3x256x128xf32, #tpu.memory_space<vmem>>, vector<1x1x16xf32>,
          %get3A_910 = vector.shape_cast %get3A_909 : vector<1x1x16xf32> to vector<16xf32>
          %add3A_911 = arith.addf %add3A_849, %get3A_910 : vector<16xf32>
          %get3A_912 = arith.constant 0 : i32
          %get3A_913 = arith.index_cast %get3A_912 : i32 to index
          %get3A_914 = arith.index_cast %add3A_883 : i32 to index
          %get3A_915 = arith.constant 64 : index
          %get3A_916 = tpu.vector_load %arg5[%get3A_913, %get3A_914, %get3A_915] {strides = array<i32>} : memref<3x256x128xf32, #tpu.memory_space<vmem>>, vector<1x1x16xf32>,
          %get3A_917 = vector.shape_cast %get3A_916 : vector<1x1x16xf32> to vector<16xf32>
          %add3A_918 = arith.addf %add3A_856, %get3A_917 : vector<16xf32>
          %get3A_919 = arith.constant 0 : i32
          %get3A_920 = arith.index_cast %get3A_919 : i32 to index
          %get3A_921 = arith.index_cast %add3A_883 : i32 to index
          %get3A_922 = arith.constant 80 : index
          %get3A_923 = tpu.vector_load %arg5[%get3A_920, %get3A_921, %get3A_922] {strides = array<i32>} : memref<3x256x128xf32, #tpu.memory_space<vmem>>, vector<1x1x16xf32>,
          %get3A_924 = vector.shape_cast %get3A_923 : vector<1x1x16xf32> to vector<16xf32>
          %add3A_925 = arith.addf %add3A_863, %get3A_924 : vector<16xf32>
          %get3A_926 = arith.constant 0 : i32
          %get3A_927 = arith.index_cast %get3A_926 : i32 to index
          %get3A_928 = arith.index_cast %add3A_883 : i32 to index
          %get3A_929 = arith.constant 96 : index
          %get3A_930 = tpu.vector_load %arg5[%get3A_927, %get3A_928, %get3A_929] {strides = array<i32>} : memref<3x256x128xf32, #tpu.memory_space<vmem>>, vector<1x1x16xf32>,
          %get3A_931 = vector.shape_cast %get3A_930 : vector<1x1x16xf32> to vector<16xf32>
          %add3A_932 = arith.addf %add3A_870, %get3A_931 : vector<16xf32>
          %get3A_933 = arith.constant 0 : i32
          %get3A_934 = arith.index_cast %get3A_933 : i32 to index
          %get3A_935 = arith.index_cast %add3A_883 : i32 to index
          %get3A_936 = arith.constant 112 : index
          %get3A_937 = tpu.vector_load %arg5[%get3A_934, %get3A_935, %get3A_936] {strides = array<i32>} : memref<3x256x128xf32, #tpu.memory_space<vmem>>, vector<1x1x16xf32>,
          %get3A_938 = vector.shape_cast %get3A_937 : vector<1x1x16xf32> to vector<16xf32>
          %add3A_939 = arith.addf %add3A_877, %get3A_938 : vector<16xf32>
          %mul3A_940 = arith.constant 8 : i32
          %mul3A_941 = arith.muli %scan3A_497, %mul3A_940 : i32
          %add3A_942 = arith.constant 0 : i32
          %add3A_943 = arith.addi %add3A_942, %mul3A_941 : i32
          %add3A_944 = arith.constant 7 : i32
          %add3A_945 = arith.addi %add3A_943, %add3A_944 : i32
          %get3A_946 = arith.constant 0 : i32
          %get3A_947 = arith.index_cast %get3A_946 : i32 to index
          %get3A_948 = arith.index_cast %add3A_945 : i32 to index
          %get3A_949 = arith.constant 0 : index
          %get3A_950 = tpu.vector_load %arg5[%get3A_947, %get3A_948, %get3A_949] {strides = array<i32>} : memref<3x256x128xf32, #tpu.memory_space<vmem>>, vector<1x1x16xf32>,
          %get3A_951 = vector.shape_cast %get3A_950 : vector<1x1x16xf32> to vector<16xf32>
          %add3A_952 = arith.addf %add3A_890, %get3A_951 : vector<16xf32>
          %get3A_953 = arith.constant 0 : i32
          %get3A_954 = arith.index_cast %get3A_953 : i32 to index
          %get3A_955 = arith.index_cast %add3A_945 : i32 to index
          %get3A_956 = arith.constant 16 : index
          %get3A_957 = tpu.vector_load %arg5[%get3A_954, %get3A_955, %get3A_956] {strides = array<i32>} : memref<3x256x128xf32, #tpu.memory_space<vmem>>, vector<1x1x16xf32>,
          %get3A_958 = vector.shape_cast %get3A_957 : vector<1x1x16xf32> to vector<16xf32>
          %add3A_959 = arith.addf %add3A_897, %get3A_958 : vector<16xf32>
          %get3A_960 = arith.constant 0 : i32
          %get3A_961 = arith.index_cast %get3A_960 : i32 to index
          %get3A_962 = arith.index_cast %add3A_945 : i32 to index
          %get3A_963 = arith.constant 32 : index
          %get3A_964 = tpu.vector_load %arg5[%get3A_961, %get3A_962, %get3A_963] {strides = array<i32>} : memref<3x256x128xf32, #tpu.memory_space<vmem>>, vector<1x1x16xf32>,
          %get3A_965 = vector.shape_cast %get3A_964 : vector<1x1x16xf32> to vector<16xf32>
          %add3A_966 = arith.addf %add3A_904, %get3A_965 : vector<16xf32>
          %get3A_967 = arith.constant 0 : i32
          %get3A_968 = arith.index_cast %get3A_967 : i32 to index
          %get3A_969 = arith.index_cast %add3A_945 : i32 to index
          %get3A_970 = arith.constant 48 : index
          %get3A_971 = tpu.vector_load %arg5[%get3A_968, %get3A_969, %get3A_970] {strides = array<i32>} : memref<3x256x128xf32, #tpu.memory_space<vmem>>, vector<1x1x16xf32>,
          %get3A_972 = vector.shape_cast %get3A_971 : vector<1x1x16xf32> to vector<16xf32>
          %add3A_973 = arith.addf %add3A_911, %get3A_972 : vector<16xf32>
          %get3A_974 = arith.constant 0 : i32
          %get3A_975 = arith.index_cast %get3A_974 : i32 to index
          %get3A_976 = arith.index_cast %add3A_945 : i32 to index
          %get3A_977 = arith.constant 64 : index
          %get3A_978 = tpu.vector_load %arg5[%get3A_975, %get3A_976, %get3A_977] {strides = array<i32>} : memref<3x256x128xf32, #tpu.memory_space<vmem>>, vector<1x1x16xf32>,
          %get3A_979 = vector.shape_cast %get3A_978 : vector<1x1x16xf32> to vector<16xf32>
          %add3A_980 = arith.addf %add3A_918, %get3A_979 : vector<16xf32>
          %get3A_981 = arith.constant 0 : i32
          %get3A_982 = arith.index_cast %get3A_981 : i32 to index
          %get3A_983 = arith.index_cast %add3A_945 : i32 to index
          %get3A_984 = arith.constant 80 : index
          %get3A_985 = tpu.vector_load %arg5[%get3A_982, %get3A_983, %get3A_984] {strides = array<i32>} : memref<3x256x128xf32, #tpu.memory_space<vmem>>, vector<1x1x16xf32>,
          %get3A_986 = vector.shape_cast %get3A_985 : vector<1x1x16xf32> to vector<16xf32>
          %add3A_987 = arith.addf %add3A_925, %get3A_986 : vector<16xf32>
          %get3A_988 = arith.constant 0 : i32
          %get3A_989 = arith.index_cast %get3A_988 : i32 to index
          %get3A_990 = arith.index_cast %add3A_945 : i32 to index
          %get3A_991 = arith.constant 96 : index
          %get3A_992 = tpu.vector_load %arg5[%get3A_989, %get3A_990, %get3A_991] {strides = array<i32>} : memref<3x256x128xf32, #tpu.memory_space<vmem>>, vector<1x1x16xf32>,
          %get3A_993 = vector.shape_cast %get3A_992 : vector<1x1x16xf32> to vector<16xf32>
          %add3A_994 = arith.addf %add3A_932, %get3A_993 : vector<16xf32>
          %get3A_995 = arith.constant 0 : i32
          %get3A_996 = arith.index_cast %get3A_995 : i32 to index
          %get3A_997 = arith.index_cast %add3A_945 : i32 to index
          %get3A_998 = arith.constant 112 : index
          %get3A_999 = tpu.vector_load %arg5[%get3A_996, %get3A_997, %get3A_998] {strides = array<i32>} : memref<3x256x128xf32, #tpu.memory_space<vmem>>, vector<1x1x16xf32>,
          %get3A_1000 = vector.shape_cast %get3A_999 : vector<1x1x16xf32> to vector<16xf32>
          %add3A_1001 = arith.addf %add3A_939, %get3A_1000 : vector<16xf32>
          scf.yield %add3A_952, %add3A_959, %add3A_966, %add3A_973, %add3A_980, %add3A_987, %add3A_994, %add3A_1001 : vector<16xf32>, vector<16xf32>, vector<16xf32>, vector<16xf32>, vector<16xf32>, vector<16xf32>, vector<16xf32>, vector<16xf32>
        }
        %scan3A_416 = arith.constant 16 : i32
        %get3A_417 = arith.index_cast %sub3A : i32 to index
        %get3A_418 = arith.constant 0 : index
        %get3A_419 = tpu.vector_load %arg8[%get3A_417, %get3A_418] {strides = array<i32>} : memref<64x128xf32, #tpu.memory_space<vmem>>, vector<1x16xf32>,
        %get3A_420 = vector.shape_cast %get3A_419 : vector<1x16xf32> to vector<16xf32>
        %add3A_421 = arith.addf %get3A_420, %scan3A_415#0 : vector<16xf32>
        %swap3A_422 = arith.index_cast %sub3A : i32 to index
        %swap3A_423 = arith.constant 0 : index
        %swap3A_424 = tpu.vector_load %arg8[%swap3A_422, %swap3A_423] {strides = array<i32>} : memref<64x128xf32, #tpu.memory_space<vmem>>, vector<1x16xf32>,
        %swap3A_425 = vector.shape_cast %swap3A_424 : vector<1x16xf32> to vector<16xf32>
        %swap3A_426 = vector.shape_cast %add3A_421 : vector<16xf32> to vector<1x16xf32>
        tpu.vector_store %arg8[%swap3A_422, %swap3A_423], %swap3A_426 {strides = array<i32>} : memref<64x128xf32, #tpu.memory_space<vmem>>, vector<1x16xf32>,
        %get3A_427 = arith.index_cast %sub3A : i32 to index
        %get3A_428 = arith.constant 16 : index
        %get3A_429 = tpu.vector_load %arg8[%get3A_427, %get3A_428] {strides = array<i32>} : memref<64x128xf32, #tpu.memory_space<vmem>>, vector<1x16xf32>,
        %get3A_430 = vector.shape_cast %get3A_429 : vector<1x16xf32> to vector<16xf32>
        %add3A_431 = arith.addf %get3A_430, %scan3A_415#1 : vector<16xf32>
        %swap3A_432 = arith.index_cast %sub3A : i32 to index
        %swap3A_433 = arith.constant 16 : index
        %swap3A_434 = tpu.vector_load %arg8[%swap3A_432, %swap3A_433] {strides = array<i32>} : memref<64x128xf32, #tpu.memory_space<vmem>>, vector<1x16xf32>,
        %swap3A_435 = vector.shape_cast %swap3A_434 : vector<1x16xf32> to vector<16xf32>
        %swap3A_436 = vector.shape_cast %add3A_431 : vector<16xf32> to vector<1x16xf32>
        tpu.vector_store %arg8[%swap3A_432, %swap3A_433], %swap3A_436 {strides = array<i32>} : memref<64x128xf32, #tpu.memory_space<vmem>>, vector<1x16xf32>,
        %get3A_437 = arith.index_cast %sub3A : i32 to index
        %get3A_438 = arith.constant 32 : index
        %get3A_439 = tpu.vector_load %arg8[%get3A_437, %get3A_438] {strides = array<i32>} : memref<64x128xf32, #tpu.memory_space<vmem>>, vector<1x16xf32>,
        %get3A_440 = vector.shape_cast %get3A_439 : vector<1x16xf32> to vector<16xf32>
        %add3A_441 = arith.addf %get3A_440, %scan3A_415#2 : vector<16xf32>
        %swap3A_442 = arith.index_cast %sub3A : i32 to index
        %swap3A_443 = arith.constant 32 : index
        %swap3A_444 = tpu.vector_load %arg8[%swap3A_442, %swap3A_443] {strides = array<i32>} : memref<64x128xf32, #tpu.memory_space<vmem>>, vector<1x16xf32>,
        %swap3A_445 = vector.shape_cast %swap3A_444 : vector<1x16xf32> to vector<16xf32>
        %swap3A_446 = vector.shape_cast %add3A_441 : vector<16xf32> to vector<1x16xf32>
        tpu.vector_store %arg8[%swap3A_442, %swap3A_443], %swap3A_446 {strides = array<i32>} : memref<64x128xf32, #tpu.memory_space<vmem>>, vector<1x16xf32>,
        %get3A_447 = arith.index_cast %sub3A : i32 to index
        %get3A_448 = arith.constant 48 : index
        %get3A_449 = tpu.vector_load %arg8[%get3A_447, %get3A_448] {strides = array<i32>} : memref<64x128xf32, #tpu.memory_space<vmem>>, vector<1x16xf32>,
        %get3A_450 = vector.shape_cast %get3A_449 : vector<1x16xf32> to vector<16xf32>
        %add3A_451 = arith.addf %get3A_450, %scan3A_415#3 : vector<16xf32>
        %swap3A_452 = arith.index_cast %sub3A : i32 to index
        %swap3A_453 = arith.constant 48 : index
        %swap3A_454 = tpu.vector_load %arg8[%swap3A_452, %swap3A_453] {strides = array<i32>} : memref<64x128xf32, #tpu.memory_space<vmem>>, vector<1x16xf32>,
        %swap3A_455 = vector.shape_cast %swap3A_454 : vector<1x16xf32> to vector<16xf32>
        %swap3A_456 = vector.shape_cast %add3A_451 : vector<16xf32> to vector<1x16xf32>
        tpu.vector_store %arg8[%swap3A_452, %swap3A_453], %swap3A_456 {strides = array<i32>} : memref<64x128xf32, #tpu.memory_space<vmem>>, vector<1x16xf32>,
        %get3A_457 = arith.index_cast %sub3A : i32 to index
        %get3A_458 = arith.constant 64 : index
        %get3A_459 = tpu.vector_load %arg8[%get3A_457, %get3A_458] {strides = array<i32>} : memref<64x128xf32, #tpu.memory_space<vmem>>, vector<1x16xf32>,
        %get3A_460 = vector.shape_cast %get3A_459 : vector<1x16xf32> to vector<16xf32>
        %add3A_461 = arith.addf %get3A_460, %scan3A_415#4 : vector<16xf32>
        %swap3A_462 = arith.index_cast %sub3A : i32 to index
        %swap3A_463 = arith.constant 64 : index
        %swap3A_464 = tpu.vector_load %arg8[%swap3A_462, %swap3A_463] {strides = array<i32>} : memref<64x128xf32, #tpu.memory_space<vmem>>, vector<1x16xf32>,
        %swap3A_465 = vector.shape_cast %swap3A_464 : vector<1x16xf32> to vector<16xf32>
        %swap3A_466 = vector.shape_cast %add3A_461 : vector<16xf32> to vector<1x16xf32>
        tpu.vector_store %arg8[%swap3A_462, %swap3A_463], %swap3A_466 {strides = array<i32>} : memref<64x128xf32, #tpu.memory_space<vmem>>, vector<1x16xf32>,
        %get3A_467 = arith.index_cast %sub3A : i32 to index
        %get3A_468 = arith.constant 80 : index
        %get3A_469 = tpu.vector_load %arg8[%get3A_467, %get3A_468] {strides = array<i32>} : memref<64x128xf32, #tpu.memory_space<vmem>>, vector<1x16xf32>,
        %get3A_470 = vector.shape_cast %get3A_469 : vector<1x16xf32> to vector<16xf32>
        %add3A_471 = arith.addf %get3A_470, %scan3A_415#5 : vector<16xf32>
        %swap3A_472 = arith.index_cast %sub3A : i32 to index
        %swap3A_473 = arith.constant 80 : index
        %swap3A_474 = tpu.vector_load %arg8[%swap3A_472, %swap3A_473] {strides = array<i32>} : memref<64x128xf32, #tpu.memory_space<vmem>>, vector<1x16xf32>,
        %swap3A_475 = vector.shape_cast %swap3A_474 : vector<1x16xf32> to vector<16xf32>
        %swap3A_476 = vector.shape_cast %add3A_471 : vector<16xf32> to vector<1x16xf32>
        tpu.vector_store %arg8[%swap3A_472, %swap3A_473], %swap3A_476 {strides = array<i32>} : memref<64x128xf32, #tpu.memory_space<vmem>>, vector<1x16xf32>,
        %get3A_477 = arith.index_cast %sub3A : i32 to index
        %get3A_478 = arith.constant 96 : index
        %get3A_479 = tpu.vector_load %arg8[%get3A_477, %get3A_478] {strides = array<i32>} : memref<64x128xf32, #tpu.memory_space<vmem>>, vector<1x16xf32>,
        %get3A_480 = vector.shape_cast %get3A_479 : vector<1x16xf32> to vector<16xf32>
        %add3A_481 = arith.addf %get3A_480, %scan3A_415#6 : vector<16xf32>
        %swap3A_482 = arith.index_cast %sub3A : i32 to index
        %swap3A_483 = arith.constant 96 : index
        %swap3A_484 = tpu.vector_load %arg8[%swap3A_482, %swap3A_483] {strides = array<i32>} : memref<64x128xf32, #tpu.memory_space<vmem>>, vector<1x16xf32>,
        %swap3A_485 = vector.shape_cast %swap3A_484 : vector<1x16xf32> to vector<16xf32>
        %swap3A_486 = vector.shape_cast %add3A_481 : vector<16xf32> to vector<1x16xf32>
        tpu.vector_store %arg8[%swap3A_482, %swap3A_483], %swap3A_486 {strides = array<i32>} : memref<64x128xf32, #tpu.memory_space<vmem>>, vector<1x16xf32>,
        %get3A_487 = arith.index_cast %sub3A : i32 to index
        %get3A_488 = arith.constant 112 : index
        %get3A_489 = tpu.vector_load %arg8[%get3A_487, %get3A_488] {strides = array<i32>} : memref<64x128xf32, #tpu.memory_space<vmem>>, vector<1x16xf32>,
        %get3A_490 = vector.shape_cast %get3A_489 : vector<1x16xf32> to vector<16xf32>
        %add3A_491 = arith.addf %get3A_490, %scan3A_415#7 : vector<16xf32>
        %swap3A_492 = arith.index_cast %sub3A : i32 to index
        %swap3A_493 = arith.constant 112 : index
        %swap3A_494 = tpu.vector_load %arg8[%swap3A_492, %swap3A_493] {strides = array<i32>} : memref<64x128xf32, #tpu.memory_space<vmem>>, vector<1x16xf32>,
        %swap3A_495 = vector.shape_cast %swap3A_494 : vector<1x16xf32> to vector<16xf32>
        %swap3A_496 = vector.shape_cast %add3A_491 : vector<16xf32> to vector<1x16xf32>
        tpu.vector_store %arg8[%swap3A_492, %swap3A_493], %swap3A_496 {strides = array<i32>} : memref<64x128xf32, #tpu.memory_space<vmem>>, vector<1x16xf32>,
      } else {
      }
      %ne3A = arith.cmpi ne, %squeeze3A_168, %squeeze3A_174 : i32
      %ge3A = arith.constant 64 : i32
      %ge3A_177 = arith.cmpi sge, %sub3A, %ge3A : i32
      %or3A = arith.ori %ne3A, %ge3A_177 : i1
      %convert_element_type3A_178 = arith.extui %or3A : i1 to i32
      %cond3A_179 = arith.constant 0 : i32
      %cond3A_180 = arith.cmpi ne, %convert_element_type3A_178, %cond3A_179 : i32
      scf.if %cond3A_180 {
        %run_scoped3A_395 = arith.constant 0 : i32
        "tpu.region"() ({
          %run_scoped3A_396 = tpu.sem_alloc : memref<!tpu.dma_semaphore, #tpu.memory_space<semaphore_mem>>
          %dma_start3A_397 = arith.constant 0 : i32
          %dma_start3A_398 = arith.constant 0 : i32
          %dma_start3A_399 = tpu.memref_slice %arg5[%run_scoped3A_395, %dma_start3A_397, %dma_start3A_398] : memref<3x256x128xf32, #tpu.memory_space<vmem>> -> memref<1x128x128xf32, #tpu.memory_space<vmem>>
          %dma_start3A_400 = tpu.memref_squeeze %dma_start3A_399 : memref<1x128x128xf32, #tpu.memory_space<vmem>> -> memref<128x128xf32, #tpu.memory_space<vmem>>
          %dma_start3A_401 = arith.constant 0 : i32
          %dma_start3A_402 = tpu.memref_slice %arg6[%add3A_162, %dma_start3A_401] : memref<80x128xi32, #tpu.memory_space<vmem>> -> memref<1x128xi32, #tpu.memory_space<vmem>>
          %dma_start3A_403 = tpu.memref_squeeze %dma_start3A_402 : memref<1x128xi32, #tpu.memory_space<vmem>> -> memref<128xi32, #tpu.memory_space<vmem>>
          %dma_start3A_404 = arith.constant 0 : i32
          %dma_start3A_405 = arith.constant 0 : i32
          %dma_start3A_406 = tpu.memref_slice %arg9[%dma_start3A_404, %dma_start3A_405] : memref<256x128xf32, #tpu.memory_space<vmem_shared>> -> memref<256x128xf32, #tpu.memory_space<vmem_shared>>
          tpu.enqueue_indirect_dma source(%dma_start3A_400 : memref<128x128xf32, #tpu.memory_space<vmem>>) target(%dma_start3A_406 : memref<256x128xf32, #tpu.memory_space<vmem_shared>>) offsets(%dma_start3A_403 : memref<128xi32, #tpu.memory_space<vmem>>) semaphore(%run_scoped3A_396 : memref<!tpu.dma_semaphore, #tpu.memory_space<semaphore_mem>>) {add = true}
          %dma_wait3A_407 = arith.constant 0 : i32
          %dma_wait3A_408 = arith.constant 0 : i32
          %dma_wait3A_409 = tpu.memref_slice %arg5[%run_scoped3A_395, %dma_wait3A_407, %dma_wait3A_408] : memref<3x256x128xf32, #tpu.memory_space<vmem>> -> memref<1x128x128xf32, #tpu.memory_space<vmem>>
          %dma_wait3A_410 = tpu.memref_squeeze %dma_wait3A_409 : memref<1x128x128xf32, #tpu.memory_space<vmem>> -> memref<128x128xf32, #tpu.memory_space<vmem>>
          %dma_wait3A_411 = arith.constant 0 : i32
          %dma_wait3A_412 = tpu.memref_slice %arg6[%add3A_162, %dma_wait3A_411] : memref<80x128xi32, #tpu.memory_space<vmem>> -> memref<1x128xi32, #tpu.memory_space<vmem>>
          %dma_wait3A_413 = tpu.memref_squeeze %dma_wait3A_412 : memref<1x128xi32, #tpu.memory_space<vmem>> -> memref<128xi32, #tpu.memory_space<vmem>>
          %dma_wait3A_414 = arith.constant 0 : i32
          %dma_wait3A_415 = arith.constant 0 : i32
          %dma_wait3A_416 = tpu.memref_slice %arg9[%dma_wait3A_414, %dma_wait3A_415] : memref<256x128xf32, #tpu.memory_space<vmem_shared>> -> memref<256x128xf32, #tpu.memory_space<vmem_shared>>
          tpu.wait_indirect_dma semaphore(%run_scoped3A_396 : memref<!tpu.dma_semaphore, #tpu.memory_space<semaphore_mem>>) src(%dma_wait3A_410 : memref<128x128xf32, #tpu.memory_space<vmem>>) dst(%dma_wait3A_416 : memref<256x128xf32, #tpu.memory_space<vmem_shared>>)
          tpu.yield
        }) : () -> ()
      } else {
      }
      %mul3A_181 = arith.constant 2 : i32
      %mul3A_182 = arith.muli %mul3A_181, %add3A_143 : i32
      %add3A_183 = arith.constant 1 : i32
      %add3A_184 = arith.addi %mul3A_182, %add3A_183 : i32
      %get3A_185 = arith.index_cast %add3A_184 : i32 to index
      %get3A_186 = arith.constant 0 : index
      %get3A_187 = tpu.vector_load %arg6[%get3A_185, %get3A_186] {strides = array<i32>} : memref<80x128xi32, #tpu.memory_space<vmem>>, vector<1x16xi32>,
      %get3A_188 = vector.shape_cast %get3A_187 : vector<1x16xi32> to vector<16xi32>
      %slice3A_189 = vector.extract_strided_slice %get3A_188 {offsets = [0], sizes = [1], strides = [1]} : vector<16xi32> to vector<1xi32>
      %squeeze3A_190 = vector.extract %slice3A_189[0] : i32 from vector<1xi32>
      %get3A_191 = arith.index_cast %add3A_184 : i32 to index
      %get3A_192 = arith.constant 112 : index
      %get3A_193 = tpu.vector_load %arg6[%get3A_191, %get3A_192] {strides = array<i32>} : memref<80x128xi32, #tpu.memory_space<vmem>>, vector<1x16xi32>,
      %get3A_194 = vector.shape_cast %get3A_193 : vector<1x16xi32> to vector<16xi32>
      %slice3A_195 = vector.extract_strided_slice %get3A_194 {offsets = [15], sizes = [1], strides = [1]} : vector<16xi32> to vector<1xi32>
      %squeeze3A_196 = vector.extract %slice3A_195[0] : i32 from vector<1xi32>
      %sub3A_197 = arith.subi %squeeze3A_190, %squeeze3A : i32
      %eq3A_198 = arith.cmpi eq, %squeeze3A_190, %squeeze3A_196 : i32
      %lt3A_199 = arith.constant 64 : i32
      %lt3A_200 = arith.cmpi slt, %sub3A_197, %lt3A_199 : i32
      %and3A_201 = arith.andi %eq3A_198, %lt3A_200 : i1
      %convert_element_type3A_202 = arith.extui %and3A_201 : i1 to i32
      %cond3A_203 = arith.constant 0 : i32
      %cond3A_204 = arith.cmpi ne, %convert_element_type3A_202, %cond3A_203 : i32
      scf.if %cond3A_204 {
        %broadcast_in_dim3A_395 = arith.constant 0.000000e+00 : f32
        %broadcast_in_dim3A_396 = vector.broadcast %broadcast_in_dim3A_395 : f32 to vector<16xf32>
        %broadcast_in_dim3A_397 = arith.constant 0.000000e+00 : f32
        %broadcast_in_dim3A_398 = vector.broadcast %broadcast_in_dim3A_397 : f32 to vector<16xf32>
        %broadcast_in_dim3A_399 = arith.constant 0.000000e+00 : f32
        %broadcast_in_dim3A_400 = vector.broadcast %broadcast_in_dim3A_399 : f32 to vector<16xf32>
        %broadcast_in_dim3A_401 = arith.constant 0.000000e+00 : f32
        %broadcast_in_dim3A_402 = vector.broadcast %broadcast_in_dim3A_401 : f32 to vector<16xf32>
        %broadcast_in_dim3A_403 = arith.constant 0.000000e+00 : f32
        %broadcast_in_dim3A_404 = vector.broadcast %broadcast_in_dim3A_403 : f32 to vector<16xf32>
        %broadcast_in_dim3A_405 = arith.constant 0.000000e+00 : f32
        %broadcast_in_dim3A_406 = vector.broadcast %broadcast_in_dim3A_405 : f32 to vector<16xf32>
        %broadcast_in_dim3A_407 = arith.constant 0.000000e+00 : f32
        %broadcast_in_dim3A_408 = vector.broadcast %broadcast_in_dim3A_407 : f32 to vector<16xf32>
        %broadcast_in_dim3A_409 = arith.constant 0.000000e+00 : f32
        %broadcast_in_dim3A_410 = vector.broadcast %broadcast_in_dim3A_409 : f32 to vector<16xf32>
        %scan3A_411 = arith.constant 0 : i32
        %scan3A_412 = arith.constant 16 : i32
        %scan3A_413 = arith.addi %scan3A_411, %scan3A_412 : i32
        %scan3A_414 = arith.constant 1 : i32
        %scan3A_415:8 = scf.for %scan3A_497 = %scan3A_411 to %scan3A_413 step %scan3A_414 iter_args(%scan3A_498 = %broadcast_in_dim3A_396, %scan3A_499 = %broadcast_in_dim3A_398, %scan3A_500 = %broadcast_in_dim3A_400, %scan3A_501 = %broadcast_in_dim3A_402, %scan3A_502 = %broadcast_in_dim3A_404, %scan3A_503 = %broadcast_in_dim3A_406, %scan3A_504 = %broadcast_in_dim3A_408, %scan3A_505 = %broadcast_in_dim3A_410) -> (vector<16xf32>, vector<16xf32>, vector<16xf32>, vector<16xf32>, vector<16xf32>, vector<16xf32>, vector<16xf32>, vector<16xf32>)  : i32 {
          %mul3A_506 = arith.constant 8 : i32
          %mul3A_507 = arith.muli %scan3A_497, %mul3A_506 : i32
          %add3A_508 = arith.constant 128 : i32
          %add3A_509 = arith.addi %add3A_508, %mul3A_507 : i32
          %add3A_510 = arith.constant 0 : i32
          %add3A_511 = arith.addi %add3A_509, %add3A_510 : i32
          %get3A_512 = arith.constant 0 : i32
          %get3A_513 = arith.index_cast %get3A_512 : i32 to index
          %get3A_514 = arith.index_cast %add3A_511 : i32 to index
          %get3A_515 = arith.constant 0 : index
          %get3A_516 = tpu.vector_load %arg5[%get3A_513, %get3A_514, %get3A_515] {strides = array<i32>} : memref<3x256x128xf32, #tpu.memory_space<vmem>>, vector<1x1x16xf32>,
          %get3A_517 = vector.shape_cast %get3A_516 : vector<1x1x16xf32> to vector<16xf32>
          %add3A_518 = arith.addf %scan3A_498, %get3A_517 : vector<16xf32>
          %get3A_519 = arith.constant 0 : i32
          %get3A_520 = arith.index_cast %get3A_519 : i32 to index
          %get3A_521 = arith.index_cast %add3A_511 : i32 to index
          %get3A_522 = arith.constant 16 : index
          %get3A_523 = tpu.vector_load %arg5[%get3A_520, %get3A_521, %get3A_522] {strides = array<i32>} : memref<3x256x128xf32, #tpu.memory_space<vmem>>, vector<1x1x16xf32>,
          %get3A_524 = vector.shape_cast %get3A_523 : vector<1x1x16xf32> to vector<16xf32>
          %add3A_525 = arith.addf %scan3A_499, %get3A_524 : vector<16xf32>
          %get3A_526 = arith.constant 0 : i32
          %get3A_527 = arith.index_cast %get3A_526 : i32 to index
          %get3A_528 = arith.index_cast %add3A_511 : i32 to index
          %get3A_529 = arith.constant 32 : index
          %get3A_530 = tpu.vector_load %arg5[%get3A_527, %get3A_528, %get3A_529] {strides = array<i32>} : memref<3x256x128xf32, #tpu.memory_space<vmem>>, vector<1x1x16xf32>,
          %get3A_531 = vector.shape_cast %get3A_530 : vector<1x1x16xf32> to vector<16xf32>
          %add3A_532 = arith.addf %scan3A_500, %get3A_531 : vector<16xf32>
          %get3A_533 = arith.constant 0 : i32
          %get3A_534 = arith.index_cast %get3A_533 : i32 to index
          %get3A_535 = arith.index_cast %add3A_511 : i32 to index
          %get3A_536 = arith.constant 48 : index
          %get3A_537 = tpu.vector_load %arg5[%get3A_534, %get3A_535, %get3A_536] {strides = array<i32>} : memref<3x256x128xf32, #tpu.memory_space<vmem>>, vector<1x1x16xf32>,
          %get3A_538 = vector.shape_cast %get3A_537 : vector<1x1x16xf32> to vector<16xf32>
          %add3A_539 = arith.addf %scan3A_501, %get3A_538 : vector<16xf32>
          %get3A_540 = arith.constant 0 : i32
          %get3A_541 = arith.index_cast %get3A_540 : i32 to index
          %get3A_542 = arith.index_cast %add3A_511 : i32 to index
          %get3A_543 = arith.constant 64 : index
          %get3A_544 = tpu.vector_load %arg5[%get3A_541, %get3A_542, %get3A_543] {strides = array<i32>} : memref<3x256x128xf32, #tpu.memory_space<vmem>>, vector<1x1x16xf32>,
          %get3A_545 = vector.shape_cast %get3A_544 : vector<1x1x16xf32> to vector<16xf32>
          %add3A_546 = arith.addf %scan3A_502, %get3A_545 : vector<16xf32>
          %get3A_547 = arith.constant 0 : i32
          %get3A_548 = arith.index_cast %get3A_547 : i32 to index
          %get3A_549 = arith.index_cast %add3A_511 : i32 to index
          %get3A_550 = arith.constant 80 : index
          %get3A_551 = tpu.vector_load %arg5[%get3A_548, %get3A_549, %get3A_550] {strides = array<i32>} : memref<3x256x128xf32, #tpu.memory_space<vmem>>, vector<1x1x16xf32>,
          %get3A_552 = vector.shape_cast %get3A_551 : vector<1x1x16xf32> to vector<16xf32>
          %add3A_553 = arith.addf %scan3A_503, %get3A_552 : vector<16xf32>
          %get3A_554 = arith.constant 0 : i32
          %get3A_555 = arith.index_cast %get3A_554 : i32 to index
          %get3A_556 = arith.index_cast %add3A_511 : i32 to index
          %get3A_557 = arith.constant 96 : index
          %get3A_558 = tpu.vector_load %arg5[%get3A_555, %get3A_556, %get3A_557] {strides = array<i32>} : memref<3x256x128xf32, #tpu.memory_space<vmem>>, vector<1x1x16xf32>,
          %get3A_559 = vector.shape_cast %get3A_558 : vector<1x1x16xf32> to vector<16xf32>
          %add3A_560 = arith.addf %scan3A_504, %get3A_559 : vector<16xf32>
          %get3A_561 = arith.constant 0 : i32
          %get3A_562 = arith.index_cast %get3A_561 : i32 to index
          %get3A_563 = arith.index_cast %add3A_511 : i32 to index
          %get3A_564 = arith.constant 112 : index
          %get3A_565 = tpu.vector_load %arg5[%get3A_562, %get3A_563, %get3A_564] {strides = array<i32>} : memref<3x256x128xf32, #tpu.memory_space<vmem>>, vector<1x1x16xf32>,
          %get3A_566 = vector.shape_cast %get3A_565 : vector<1x1x16xf32> to vector<16xf32>
          %add3A_567 = arith.addf %scan3A_505, %get3A_566 : vector<16xf32>
          %mul3A_568 = arith.constant 8 : i32
          %mul3A_569 = arith.muli %scan3A_497, %mul3A_568 : i32
          %add3A_570 = arith.constant 128 : i32
          %add3A_571 = arith.addi %add3A_570, %mul3A_569 : i32
          %add3A_572 = arith.constant 1 : i32
          %add3A_573 = arith.addi %add3A_571, %add3A_572 : i32
          %get3A_574 = arith.constant 0 : i32
          %get3A_575 = arith.index_cast %get3A_574 : i32 to index
          %get3A_576 = arith.index_cast %add3A_573 : i32 to index
          %get3A_577 = arith.constant 0 : index
          %get3A_578 = tpu.vector_load %arg5[%get3A_575, %get3A_576, %get3A_577] {strides = array<i32>} : memref<3x256x128xf32, #tpu.memory_space<vmem>>, vector<1x1x16xf32>,
          %get3A_579 = vector.shape_cast %get3A_578 : vector<1x1x16xf32> to vector<16xf32>
          %add3A_580 = arith.addf %add3A_518, %get3A_579 : vector<16xf32>
          %get3A_581 = arith.constant 0 : i32
          %get3A_582 = arith.index_cast %get3A_581 : i32 to index
          %get3A_583 = arith.index_cast %add3A_573 : i32 to index
          %get3A_584 = arith.constant 16 : index
          %get3A_585 = tpu.vector_load %arg5[%get3A_582, %get3A_583, %get3A_584] {strides = array<i32>} : memref<3x256x128xf32, #tpu.memory_space<vmem>>, vector<1x1x16xf32>,
          %get3A_586 = vector.shape_cast %get3A_585 : vector<1x1x16xf32> to vector<16xf32>
          %add3A_587 = arith.addf %add3A_525, %get3A_586 : vector<16xf32>
          %get3A_588 = arith.constant 0 : i32
          %get3A_589 = arith.index_cast %get3A_588 : i32 to index
          %get3A_590 = arith.index_cast %add3A_573 : i32 to index
          %get3A_591 = arith.constant 32 : index
          %get3A_592 = tpu.vector_load %arg5[%get3A_589, %get3A_590, %get3A_591] {strides = array<i32>} : memref<3x256x128xf32, #tpu.memory_space<vmem>>, vector<1x1x16xf32>,
          %get3A_593 = vector.shape_cast %get3A_592 : vector<1x1x16xf32> to vector<16xf32>
          %add3A_594 = arith.addf %add3A_532, %get3A_593 : vector<16xf32>
          %get3A_595 = arith.constant 0 : i32
          %get3A_596 = arith.index_cast %get3A_595 : i32 to index
          %get3A_597 = arith.index_cast %add3A_573 : i32 to index
          %get3A_598 = arith.constant 48 : index
          %get3A_599 = tpu.vector_load %arg5[%get3A_596, %get3A_597, %get3A_598] {strides = array<i32>} : memref<3x256x128xf32, #tpu.memory_space<vmem>>, vector<1x1x16xf32>,
          %get3A_600 = vector.shape_cast %get3A_599 : vector<1x1x16xf32> to vector<16xf32>
          %add3A_601 = arith.addf %add3A_539, %get3A_600 : vector<16xf32>
          %get3A_602 = arith.constant 0 : i32
          %get3A_603 = arith.index_cast %get3A_602 : i32 to index
          %get3A_604 = arith.index_cast %add3A_573 : i32 to index
          %get3A_605 = arith.constant 64 : index
          %get3A_606 = tpu.vector_load %arg5[%get3A_603, %get3A_604, %get3A_605] {strides = array<i32>} : memref<3x256x128xf32, #tpu.memory_space<vmem>>, vector<1x1x16xf32>,
          %get3A_607 = vector.shape_cast %get3A_606 : vector<1x1x16xf32> to vector<16xf32>
          %add3A_608 = arith.addf %add3A_546, %get3A_607 : vector<16xf32>
          %get3A_609 = arith.constant 0 : i32
          %get3A_610 = arith.index_cast %get3A_609 : i32 to index
          %get3A_611 = arith.index_cast %add3A_573 : i32 to index
          %get3A_612 = arith.constant 80 : index
          %get3A_613 = tpu.vector_load %arg5[%get3A_610, %get3A_611, %get3A_612] {strides = array<i32>} : memref<3x256x128xf32, #tpu.memory_space<vmem>>, vector<1x1x16xf32>,
          %get3A_614 = vector.shape_cast %get3A_613 : vector<1x1x16xf32> to vector<16xf32>
          %add3A_615 = arith.addf %add3A_553, %get3A_614 : vector<16xf32>
          %get3A_616 = arith.constant 0 : i32
          %get3A_617 = arith.index_cast %get3A_616 : i32 to index
          %get3A_618 = arith.index_cast %add3A_573 : i32 to index
          %get3A_619 = arith.constant 96 : index
          %get3A_620 = tpu.vector_load %arg5[%get3A_617, %get3A_618, %get3A_619] {strides = array<i32>} : memref<3x256x128xf32, #tpu.memory_space<vmem>>, vector<1x1x16xf32>,
          %get3A_621 = vector.shape_cast %get3A_620 : vector<1x1x16xf32> to vector<16xf32>
          %add3A_622 = arith.addf %add3A_560, %get3A_621 : vector<16xf32>
          %get3A_623 = arith.constant 0 : i32
          %get3A_624 = arith.index_cast %get3A_623 : i32 to index
          %get3A_625 = arith.index_cast %add3A_573 : i32 to index
          %get3A_626 = arith.constant 112 : index
          %get3A_627 = tpu.vector_load %arg5[%get3A_624, %get3A_625, %get3A_626] {strides = array<i32>} : memref<3x256x128xf32, #tpu.memory_space<vmem>>, vector<1x1x16xf32>,
          %get3A_628 = vector.shape_cast %get3A_627 : vector<1x1x16xf32> to vector<16xf32>
          %add3A_629 = arith.addf %add3A_567, %get3A_628 : vector<16xf32>
          %mul3A_630 = arith.constant 8 : i32
          %mul3A_631 = arith.muli %scan3A_497, %mul3A_630 : i32
          %add3A_632 = arith.constant 128 : i32
          %add3A_633 = arith.addi %add3A_632, %mul3A_631 : i32
          %add3A_634 = arith.constant 2 : i32
          %add3A_635 = arith.addi %add3A_633, %add3A_634 : i32
          %get3A_636 = arith.constant 0 : i32
          %get3A_637 = arith.index_cast %get3A_636 : i32 to index
          %get3A_638 = arith.index_cast %add3A_635 : i32 to index
          %get3A_639 = arith.constant 0 : index
          %get3A_640 = tpu.vector_load %arg5[%get3A_637, %get3A_638, %get3A_639] {strides = array<i32>} : memref<3x256x128xf32, #tpu.memory_space<vmem>>, vector<1x1x16xf32>,
          %get3A_641 = vector.shape_cast %get3A_640 : vector<1x1x16xf32> to vector<16xf32>
          %add3A_642 = arith.addf %add3A_580, %get3A_641 : vector<16xf32>
          %get3A_643 = arith.constant 0 : i32
          %get3A_644 = arith.index_cast %get3A_643 : i32 to index
          %get3A_645 = arith.index_cast %add3A_635 : i32 to index
          %get3A_646 = arith.constant 16 : index
          %get3A_647 = tpu.vector_load %arg5[%get3A_644, %get3A_645, %get3A_646] {strides = array<i32>} : memref<3x256x128xf32, #tpu.memory_space<vmem>>, vector<1x1x16xf32>,
          %get3A_648 = vector.shape_cast %get3A_647 : vector<1x1x16xf32> to vector<16xf32>
          %add3A_649 = arith.addf %add3A_587, %get3A_648 : vector<16xf32>
          %get3A_650 = arith.constant 0 : i32
          %get3A_651 = arith.index_cast %get3A_650 : i32 to index
          %get3A_652 = arith.index_cast %add3A_635 : i32 to index
          %get3A_653 = arith.constant 32 : index
          %get3A_654 = tpu.vector_load %arg5[%get3A_651, %get3A_652, %get3A_653] {strides = array<i32>} : memref<3x256x128xf32, #tpu.memory_space<vmem>>, vector<1x1x16xf32>,
          %get3A_655 = vector.shape_cast %get3A_654 : vector<1x1x16xf32> to vector<16xf32>
          %add3A_656 = arith.addf %add3A_594, %get3A_655 : vector<16xf32>
          %get3A_657 = arith.constant 0 : i32
          %get3A_658 = arith.index_cast %get3A_657 : i32 to index
          %get3A_659 = arith.index_cast %add3A_635 : i32 to index
          %get3A_660 = arith.constant 48 : index
          %get3A_661 = tpu.vector_load %arg5[%get3A_658, %get3A_659, %get3A_660] {strides = array<i32>} : memref<3x256x128xf32, #tpu.memory_space<vmem>>, vector<1x1x16xf32>,
          %get3A_662 = vector.shape_cast %get3A_661 : vector<1x1x16xf32> to vector<16xf32>
          %add3A_663 = arith.addf %add3A_601, %get3A_662 : vector<16xf32>
          %get3A_664 = arith.constant 0 : i32
          %get3A_665 = arith.index_cast %get3A_664 : i32 to index
          %get3A_666 = arith.index_cast %add3A_635 : i32 to index
          %get3A_667 = arith.constant 64 : index
          %get3A_668 = tpu.vector_load %arg5[%get3A_665, %get3A_666, %get3A_667] {strides = array<i32>} : memref<3x256x128xf32, #tpu.memory_space<vmem>>, vector<1x1x16xf32>,
          %get3A_669 = vector.shape_cast %get3A_668 : vector<1x1x16xf32> to vector<16xf32>
          %add3A_670 = arith.addf %add3A_608, %get3A_669 : vector<16xf32>
          %get3A_671 = arith.constant 0 : i32
          %get3A_672 = arith.index_cast %get3A_671 : i32 to index
          %get3A_673 = arith.index_cast %add3A_635 : i32 to index
          %get3A_674 = arith.constant 80 : index
          %get3A_675 = tpu.vector_load %arg5[%get3A_672, %get3A_673, %get3A_674] {strides = array<i32>} : memref<3x256x128xf32, #tpu.memory_space<vmem>>, vector<1x1x16xf32>,
          %get3A_676 = vector.shape_cast %get3A_675 : vector<1x1x16xf32> to vector<16xf32>
          %add3A_677 = arith.addf %add3A_615, %get3A_676 : vector<16xf32>
          %get3A_678 = arith.constant 0 : i32
          %get3A_679 = arith.index_cast %get3A_678 : i32 to index
          %get3A_680 = arith.index_cast %add3A_635 : i32 to index
          %get3A_681 = arith.constant 96 : index
          %get3A_682 = tpu.vector_load %arg5[%get3A_679, %get3A_680, %get3A_681] {strides = array<i32>} : memref<3x256x128xf32, #tpu.memory_space<vmem>>, vector<1x1x16xf32>,
          %get3A_683 = vector.shape_cast %get3A_682 : vector<1x1x16xf32> to vector<16xf32>
          %add3A_684 = arith.addf %add3A_622, %get3A_683 : vector<16xf32>
          %get3A_685 = arith.constant 0 : i32
          %get3A_686 = arith.index_cast %get3A_685 : i32 to index
          %get3A_687 = arith.index_cast %add3A_635 : i32 to index
          %get3A_688 = arith.constant 112 : index
          %get3A_689 = tpu.vector_load %arg5[%get3A_686, %get3A_687, %get3A_688] {strides = array<i32>} : memref<3x256x128xf32, #tpu.memory_space<vmem>>, vector<1x1x16xf32>,
          %get3A_690 = vector.shape_cast %get3A_689 : vector<1x1x16xf32> to vector<16xf32>
          %add3A_691 = arith.addf %add3A_629, %get3A_690 : vector<16xf32>
          %mul3A_692 = arith.constant 8 : i32
          %mul3A_693 = arith.muli %scan3A_497, %mul3A_692 : i32
          %add3A_694 = arith.constant 128 : i32
          %add3A_695 = arith.addi %add3A_694, %mul3A_693 : i32
          %add3A_696 = arith.constant 3 : i32
          %add3A_697 = arith.addi %add3A_695, %add3A_696 : i32
          %get3A_698 = arith.constant 0 : i32
          %get3A_699 = arith.index_cast %get3A_698 : i32 to index
          %get3A_700 = arith.index_cast %add3A_697 : i32 to index
          %get3A_701 = arith.constant 0 : index
          %get3A_702 = tpu.vector_load %arg5[%get3A_699, %get3A_700, %get3A_701] {strides = array<i32>} : memref<3x256x128xf32, #tpu.memory_space<vmem>>, vector<1x1x16xf32>,
          %get3A_703 = vector.shape_cast %get3A_702 : vector<1x1x16xf32> to vector<16xf32>
          %add3A_704 = arith.addf %add3A_642, %get3A_703 : vector<16xf32>
          %get3A_705 = arith.constant 0 : i32
          %get3A_706 = arith.index_cast %get3A_705 : i32 to index
          %get3A_707 = arith.index_cast %add3A_697 : i32 to index
          %get3A_708 = arith.constant 16 : index
          %get3A_709 = tpu.vector_load %arg5[%get3A_706, %get3A_707, %get3A_708] {strides = array<i32>} : memref<3x256x128xf32, #tpu.memory_space<vmem>>, vector<1x1x16xf32>,
          %get3A_710 = vector.shape_cast %get3A_709 : vector<1x1x16xf32> to vector<16xf32>
          %add3A_711 = arith.addf %add3A_649, %get3A_710 : vector<16xf32>
          %get3A_712 = arith.constant 0 : i32
          %get3A_713 = arith.index_cast %get3A_712 : i32 to index
          %get3A_714 = arith.index_cast %add3A_697 : i32 to index
          %get3A_715 = arith.constant 32 : index
          %get3A_716 = tpu.vector_load %arg5[%get3A_713, %get3A_714, %get3A_715] {strides = array<i32>} : memref<3x256x128xf32, #tpu.memory_space<vmem>>, vector<1x1x16xf32>,
          %get3A_717 = vector.shape_cast %get3A_716 : vector<1x1x16xf32> to vector<16xf32>
          %add3A_718 = arith.addf %add3A_656, %get3A_717 : vector<16xf32>
          %get3A_719 = arith.constant 0 : i32
          %get3A_720 = arith.index_cast %get3A_719 : i32 to index
          %get3A_721 = arith.index_cast %add3A_697 : i32 to index
          %get3A_722 = arith.constant 48 : index
          %get3A_723 = tpu.vector_load %arg5[%get3A_720, %get3A_721, %get3A_722] {strides = array<i32>} : memref<3x256x128xf32, #tpu.memory_space<vmem>>, vector<1x1x16xf32>,
          %get3A_724 = vector.shape_cast %get3A_723 : vector<1x1x16xf32> to vector<16xf32>
          %add3A_725 = arith.addf %add3A_663, %get3A_724 : vector<16xf32>
          %get3A_726 = arith.constant 0 : i32
          %get3A_727 = arith.index_cast %get3A_726 : i32 to index
          %get3A_728 = arith.index_cast %add3A_697 : i32 to index
          %get3A_729 = arith.constant 64 : index
          %get3A_730 = tpu.vector_load %arg5[%get3A_727, %get3A_728, %get3A_729] {strides = array<i32>} : memref<3x256x128xf32, #tpu.memory_space<vmem>>, vector<1x1x16xf32>,
          %get3A_731 = vector.shape_cast %get3A_730 : vector<1x1x16xf32> to vector<16xf32>
          %add3A_732 = arith.addf %add3A_670, %get3A_731 : vector<16xf32>
          %get3A_733 = arith.constant 0 : i32
          %get3A_734 = arith.index_cast %get3A_733 : i32 to index
          %get3A_735 = arith.index_cast %add3A_697 : i32 to index
          %get3A_736 = arith.constant 80 : index
          %get3A_737 = tpu.vector_load %arg5[%get3A_734, %get3A_735, %get3A_736] {strides = array<i32>} : memref<3x256x128xf32, #tpu.memory_space<vmem>>, vector<1x1x16xf32>,
          %get3A_738 = vector.shape_cast %get3A_737 : vector<1x1x16xf32> to vector<16xf32>
          %add3A_739 = arith.addf %add3A_677, %get3A_738 : vector<16xf32>
          %get3A_740 = arith.constant 0 : i32
          %get3A_741 = arith.index_cast %get3A_740 : i32 to index
          %get3A_742 = arith.index_cast %add3A_697 : i32 to index
          %get3A_743 = arith.constant 96 : index
          %get3A_744 = tpu.vector_load %arg5[%get3A_741, %get3A_742, %get3A_743] {strides = array<i32>} : memref<3x256x128xf32, #tpu.memory_space<vmem>>, vector<1x1x16xf32>,
          %get3A_745 = vector.shape_cast %get3A_744 : vector<1x1x16xf32> to vector<16xf32>
          %add3A_746 = arith.addf %add3A_684, %get3A_745 : vector<16xf32>
          %get3A_747 = arith.constant 0 : i32
          %get3A_748 = arith.index_cast %get3A_747 : i32 to index
          %get3A_749 = arith.index_cast %add3A_697 : i32 to index
          %get3A_750 = arith.constant 112 : index
          %get3A_751 = tpu.vector_load %arg5[%get3A_748, %get3A_749, %get3A_750] {strides = array<i32>} : memref<3x256x128xf32, #tpu.memory_space<vmem>>, vector<1x1x16xf32>,
          %get3A_752 = vector.shape_cast %get3A_751 : vector<1x1x16xf32> to vector<16xf32>
          %add3A_753 = arith.addf %add3A_691, %get3A_752 : vector<16xf32>
          %mul3A_754 = arith.constant 8 : i32
          %mul3A_755 = arith.muli %scan3A_497, %mul3A_754 : i32
          %add3A_756 = arith.constant 128 : i32
          %add3A_757 = arith.addi %add3A_756, %mul3A_755 : i32
          %add3A_758 = arith.constant 4 : i32
          %add3A_759 = arith.addi %add3A_757, %add3A_758 : i32
          %get3A_760 = arith.constant 0 : i32
          %get3A_761 = arith.index_cast %get3A_760 : i32 to index
          %get3A_762 = arith.index_cast %add3A_759 : i32 to index
          %get3A_763 = arith.constant 0 : index
          %get3A_764 = tpu.vector_load %arg5[%get3A_761, %get3A_762, %get3A_763] {strides = array<i32>} : memref<3x256x128xf32, #tpu.memory_space<vmem>>, vector<1x1x16xf32>,
          %get3A_765 = vector.shape_cast %get3A_764 : vector<1x1x16xf32> to vector<16xf32>
          %add3A_766 = arith.addf %add3A_704, %get3A_765 : vector<16xf32>
          %get3A_767 = arith.constant 0 : i32
          %get3A_768 = arith.index_cast %get3A_767 : i32 to index
          %get3A_769 = arith.index_cast %add3A_759 : i32 to index
          %get3A_770 = arith.constant 16 : index
          %get3A_771 = tpu.vector_load %arg5[%get3A_768, %get3A_769, %get3A_770] {strides = array<i32>} : memref<3x256x128xf32, #tpu.memory_space<vmem>>, vector<1x1x16xf32>,
          %get3A_772 = vector.shape_cast %get3A_771 : vector<1x1x16xf32> to vector<16xf32>
          %add3A_773 = arith.addf %add3A_711, %get3A_772 : vector<16xf32>
          %get3A_774 = arith.constant 0 : i32
          %get3A_775 = arith.index_cast %get3A_774 : i32 to index
          %get3A_776 = arith.index_cast %add3A_759 : i32 to index
          %get3A_777 = arith.constant 32 : index
          %get3A_778 = tpu.vector_load %arg5[%get3A_775, %get3A_776, %get3A_777] {strides = array<i32>} : memref<3x256x128xf32, #tpu.memory_space<vmem>>, vector<1x1x16xf32>,
          %get3A_779 = vector.shape_cast %get3A_778 : vector<1x1x16xf32> to vector<16xf32>
          %add3A_780 = arith.addf %add3A_718, %get3A_779 : vector<16xf32>
          %get3A_781 = arith.constant 0 : i32
          %get3A_782 = arith.index_cast %get3A_781 : i32 to index
          %get3A_783 = arith.index_cast %add3A_759 : i32 to index
          %get3A_784 = arith.constant 48 : index
          %get3A_785 = tpu.vector_load %arg5[%get3A_782, %get3A_783, %get3A_784] {strides = array<i32>} : memref<3x256x128xf32, #tpu.memory_space<vmem>>, vector<1x1x16xf32>,
          %get3A_786 = vector.shape_cast %get3A_785 : vector<1x1x16xf32> to vector<16xf32>
          %add3A_787 = arith.addf %add3A_725, %get3A_786 : vector<16xf32>
          %get3A_788 = arith.constant 0 : i32
          %get3A_789 = arith.index_cast %get3A_788 : i32 to index
          %get3A_790 = arith.index_cast %add3A_759 : i32 to index
          %get3A_791 = arith.constant 64 : index
          %get3A_792 = tpu.vector_load %arg5[%get3A_789, %get3A_790, %get3A_791] {strides = array<i32>} : memref<3x256x128xf32, #tpu.memory_space<vmem>>, vector<1x1x16xf32>,
          %get3A_793 = vector.shape_cast %get3A_792 : vector<1x1x16xf32> to vector<16xf32>
          %add3A_794 = arith.addf %add3A_732, %get3A_793 : vector<16xf32>
          %get3A_795 = arith.constant 0 : i32
          %get3A_796 = arith.index_cast %get3A_795 : i32 to index
          %get3A_797 = arith.index_cast %add3A_759 : i32 to index
          %get3A_798 = arith.constant 80 : index
          %get3A_799 = tpu.vector_load %arg5[%get3A_796, %get3A_797, %get3A_798] {strides = array<i32>} : memref<3x256x128xf32, #tpu.memory_space<vmem>>, vector<1x1x16xf32>,
          %get3A_800 = vector.shape_cast %get3A_799 : vector<1x1x16xf32> to vector<16xf32>
          %add3A_801 = arith.addf %add3A_739, %get3A_800 : vector<16xf32>
          %get3A_802 = arith.constant 0 : i32
          %get3A_803 = arith.index_cast %get3A_802 : i32 to index
          %get3A_804 = arith.index_cast %add3A_759 : i32 to index
          %get3A_805 = arith.constant 96 : index
          %get3A_806 = tpu.vector_load %arg5[%get3A_803, %get3A_804, %get3A_805] {strides = array<i32>} : memref<3x256x128xf32, #tpu.memory_space<vmem>>, vector<1x1x16xf32>,
          %get3A_807 = vector.shape_cast %get3A_806 : vector<1x1x16xf32> to vector<16xf32>
          %add3A_808 = arith.addf %add3A_746, %get3A_807 : vector<16xf32>
          %get3A_809 = arith.constant 0 : i32
          %get3A_810 = arith.index_cast %get3A_809 : i32 to index
          %get3A_811 = arith.index_cast %add3A_759 : i32 to index
          %get3A_812 = arith.constant 112 : index
          %get3A_813 = tpu.vector_load %arg5[%get3A_810, %get3A_811, %get3A_812] {strides = array<i32>} : memref<3x256x128xf32, #tpu.memory_space<vmem>>, vector<1x1x16xf32>,
          %get3A_814 = vector.shape_cast %get3A_813 : vector<1x1x16xf32> to vector<16xf32>
          %add3A_815 = arith.addf %add3A_753, %get3A_814 : vector<16xf32>
          %mul3A_816 = arith.constant 8 : i32
          %mul3A_817 = arith.muli %scan3A_497, %mul3A_816 : i32
          %add3A_818 = arith.constant 128 : i32
          %add3A_819 = arith.addi %add3A_818, %mul3A_817 : i32
          %add3A_820 = arith.constant 5 : i32
          %add3A_821 = arith.addi %add3A_819, %add3A_820 : i32
          %get3A_822 = arith.constant 0 : i32
          %get3A_823 = arith.index_cast %get3A_822 : i32 to index
          %get3A_824 = arith.index_cast %add3A_821 : i32 to index
          %get3A_825 = arith.constant 0 : index
          %get3A_826 = tpu.vector_load %arg5[%get3A_823, %get3A_824, %get3A_825] {strides = array<i32>} : memref<3x256x128xf32, #tpu.memory_space<vmem>>, vector<1x1x16xf32>,
          %get3A_827 = vector.shape_cast %get3A_826 : vector<1x1x16xf32> to vector<16xf32>
          %add3A_828 = arith.addf %add3A_766, %get3A_827 : vector<16xf32>
          %get3A_829 = arith.constant 0 : i32
          %get3A_830 = arith.index_cast %get3A_829 : i32 to index
          %get3A_831 = arith.index_cast %add3A_821 : i32 to index
          %get3A_832 = arith.constant 16 : index
          %get3A_833 = tpu.vector_load %arg5[%get3A_830, %get3A_831, %get3A_832] {strides = array<i32>} : memref<3x256x128xf32, #tpu.memory_space<vmem>>, vector<1x1x16xf32>,
          %get3A_834 = vector.shape_cast %get3A_833 : vector<1x1x16xf32> to vector<16xf32>
          %add3A_835 = arith.addf %add3A_773, %get3A_834 : vector<16xf32>
          %get3A_836 = arith.constant 0 : i32
          %get3A_837 = arith.index_cast %get3A_836 : i32 to index
          %get3A_838 = arith.index_cast %add3A_821 : i32 to index
          %get3A_839 = arith.constant 32 : index
          %get3A_840 = tpu.vector_load %arg5[%get3A_837, %get3A_838, %get3A_839] {strides = array<i32>} : memref<3x256x128xf32, #tpu.memory_space<vmem>>, vector<1x1x16xf32>,
          %get3A_841 = vector.shape_cast %get3A_840 : vector<1x1x16xf32> to vector<16xf32>
          %add3A_842 = arith.addf %add3A_780, %get3A_841 : vector<16xf32>
          %get3A_843 = arith.constant 0 : i32
          %get3A_844 = arith.index_cast %get3A_843 : i32 to index
          %get3A_845 = arith.index_cast %add3A_821 : i32 to index
          %get3A_846 = arith.constant 48 : index
          %get3A_847 = tpu.vector_load %arg5[%get3A_844, %get3A_845, %get3A_846] {strides = array<i32>} : memref<3x256x128xf32, #tpu.memory_space<vmem>>, vector<1x1x16xf32>,
          %get3A_848 = vector.shape_cast %get3A_847 : vector<1x1x16xf32> to vector<16xf32>
          %add3A_849 = arith.addf %add3A_787, %get3A_848 : vector<16xf32>
          %get3A_850 = arith.constant 0 : i32
          %get3A_851 = arith.index_cast %get3A_850 : i32 to index
          %get3A_852 = arith.index_cast %add3A_821 : i32 to index
          %get3A_853 = arith.constant 64 : index
          %get3A_854 = tpu.vector_load %arg5[%get3A_851, %get3A_852, %get3A_853] {strides = array<i32>} : memref<3x256x128xf32, #tpu.memory_space<vmem>>, vector<1x1x16xf32>,
          %get3A_855 = vector.shape_cast %get3A_854 : vector<1x1x16xf32> to vector<16xf32>
          %add3A_856 = arith.addf %add3A_794, %get3A_855 : vector<16xf32>
          %get3A_857 = arith.constant 0 : i32
          %get3A_858 = arith.index_cast %get3A_857 : i32 to index
          %get3A_859 = arith.index_cast %add3A_821 : i32 to index
          %get3A_860 = arith.constant 80 : index
          %get3A_861 = tpu.vector_load %arg5[%get3A_858, %get3A_859, %get3A_860] {strides = array<i32>} : memref<3x256x128xf32, #tpu.memory_space<vmem>>, vector<1x1x16xf32>,
          %get3A_862 = vector.shape_cast %get3A_861 : vector<1x1x16xf32> to vector<16xf32>
          %add3A_863 = arith.addf %add3A_801, %get3A_862 : vector<16xf32>
          %get3A_864 = arith.constant 0 : i32
          %get3A_865 = arith.index_cast %get3A_864 : i32 to index
          %get3A_866 = arith.index_cast %add3A_821 : i32 to index
          %get3A_867 = arith.constant 96 : index
          %get3A_868 = tpu.vector_load %arg5[%get3A_865, %get3A_866, %get3A_867] {strides = array<i32>} : memref<3x256x128xf32, #tpu.memory_space<vmem>>, vector<1x1x16xf32>,
          %get3A_869 = vector.shape_cast %get3A_868 : vector<1x1x16xf32> to vector<16xf32>
          %add3A_870 = arith.addf %add3A_808, %get3A_869 : vector<16xf32>
          %get3A_871 = arith.constant 0 : i32
          %get3A_872 = arith.index_cast %get3A_871 : i32 to index
          %get3A_873 = arith.index_cast %add3A_821 : i32 to index
          %get3A_874 = arith.constant 112 : index
          %get3A_875 = tpu.vector_load %arg5[%get3A_872, %get3A_873, %get3A_874] {strides = array<i32>} : memref<3x256x128xf32, #tpu.memory_space<vmem>>, vector<1x1x16xf32>,
          %get3A_876 = vector.shape_cast %get3A_875 : vector<1x1x16xf32> to vector<16xf32>
          %add3A_877 = arith.addf %add3A_815, %get3A_876 : vector<16xf32>
          %mul3A_878 = arith.constant 8 : i32
          %mul3A_879 = arith.muli %scan3A_497, %mul3A_878 : i32
          %add3A_880 = arith.constant 128 : i32
          %add3A_881 = arith.addi %add3A_880, %mul3A_879 : i32
          %add3A_882 = arith.constant 6 : i32
          %add3A_883 = arith.addi %add3A_881, %add3A_882 : i32
          %get3A_884 = arith.constant 0 : i32
          %get3A_885 = arith.index_cast %get3A_884 : i32 to index
          %get3A_886 = arith.index_cast %add3A_883 : i32 to index
          %get3A_887 = arith.constant 0 : index
          %get3A_888 = tpu.vector_load %arg5[%get3A_885, %get3A_886, %get3A_887] {strides = array<i32>} : memref<3x256x128xf32, #tpu.memory_space<vmem>>, vector<1x1x16xf32>,
          %get3A_889 = vector.shape_cast %get3A_888 : vector<1x1x16xf32> to vector<16xf32>
          %add3A_890 = arith.addf %add3A_828, %get3A_889 : vector<16xf32>
          %get3A_891 = arith.constant 0 : i32
          %get3A_892 = arith.index_cast %get3A_891 : i32 to index
          %get3A_893 = arith.index_cast %add3A_883 : i32 to index
          %get3A_894 = arith.constant 16 : index
          %get3A_895 = tpu.vector_load %arg5[%get3A_892, %get3A_893, %get3A_894] {strides = array<i32>} : memref<3x256x128xf32, #tpu.memory_space<vmem>>, vector<1x1x16xf32>,
          %get3A_896 = vector.shape_cast %get3A_895 : vector<1x1x16xf32> to vector<16xf32>
          %add3A_897 = arith.addf %add3A_835, %get3A_896 : vector<16xf32>
          %get3A_898 = arith.constant 0 : i32
          %get3A_899 = arith.index_cast %get3A_898 : i32 to index
          %get3A_900 = arith.index_cast %add3A_883 : i32 to index
          %get3A_901 = arith.constant 32 : index
          %get3A_902 = tpu.vector_load %arg5[%get3A_899, %get3A_900, %get3A_901] {strides = array<i32>} : memref<3x256x128xf32, #tpu.memory_space<vmem>>, vector<1x1x16xf32>,
          %get3A_903 = vector.shape_cast %get3A_902 : vector<1x1x16xf32> to vector<16xf32>
          %add3A_904 = arith.addf %add3A_842, %get3A_903 : vector<16xf32>
          %get3A_905 = arith.constant 0 : i32
          %get3A_906 = arith.index_cast %get3A_905 : i32 to index
          %get3A_907 = arith.index_cast %add3A_883 : i32 to index
          %get3A_908 = arith.constant 48 : index
          %get3A_909 = tpu.vector_load %arg5[%get3A_906, %get3A_907, %get3A_908] {strides = array<i32>} : memref<3x256x128xf32, #tpu.memory_space<vmem>>, vector<1x1x16xf32>,
          %get3A_910 = vector.shape_cast %get3A_909 : vector<1x1x16xf32> to vector<16xf32>
          %add3A_911 = arith.addf %add3A_849, %get3A_910 : vector<16xf32>
          %get3A_912 = arith.constant 0 : i32
          %get3A_913 = arith.index_cast %get3A_912 : i32 to index
          %get3A_914 = arith.index_cast %add3A_883 : i32 to index
          %get3A_915 = arith.constant 64 : index
          %get3A_916 = tpu.vector_load %arg5[%get3A_913, %get3A_914, %get3A_915] {strides = array<i32>} : memref<3x256x128xf32, #tpu.memory_space<vmem>>, vector<1x1x16xf32>,
          %get3A_917 = vector.shape_cast %get3A_916 : vector<1x1x16xf32> to vector<16xf32>
          %add3A_918 = arith.addf %add3A_856, %get3A_917 : vector<16xf32>
          %get3A_919 = arith.constant 0 : i32
          %get3A_920 = arith.index_cast %get3A_919 : i32 to index
          %get3A_921 = arith.index_cast %add3A_883 : i32 to index
          %get3A_922 = arith.constant 80 : index
          %get3A_923 = tpu.vector_load %arg5[%get3A_920, %get3A_921, %get3A_922] {strides = array<i32>} : memref<3x256x128xf32, #tpu.memory_space<vmem>>, vector<1x1x16xf32>,
          %get3A_924 = vector.shape_cast %get3A_923 : vector<1x1x16xf32> to vector<16xf32>
          %add3A_925 = arith.addf %add3A_863, %get3A_924 : vector<16xf32>
          %get3A_926 = arith.constant 0 : i32
          %get3A_927 = arith.index_cast %get3A_926 : i32 to index
          %get3A_928 = arith.index_cast %add3A_883 : i32 to index
          %get3A_929 = arith.constant 96 : index
          %get3A_930 = tpu.vector_load %arg5[%get3A_927, %get3A_928, %get3A_929] {strides = array<i32>} : memref<3x256x128xf32, #tpu.memory_space<vmem>>, vector<1x1x16xf32>,
          %get3A_931 = vector.shape_cast %get3A_930 : vector<1x1x16xf32> to vector<16xf32>
          %add3A_932 = arith.addf %add3A_870, %get3A_931 : vector<16xf32>
          %get3A_933 = arith.constant 0 : i32
          %get3A_934 = arith.index_cast %get3A_933 : i32 to index
          %get3A_935 = arith.index_cast %add3A_883 : i32 to index
          %get3A_936 = arith.constant 112 : index
          %get3A_937 = tpu.vector_load %arg5[%get3A_934, %get3A_935, %get3A_936] {strides = array<i32>} : memref<3x256x128xf32, #tpu.memory_space<vmem>>, vector<1x1x16xf32>,
          %get3A_938 = vector.shape_cast %get3A_937 : vector<1x1x16xf32> to vector<16xf32>
          %add3A_939 = arith.addf %add3A_877, %get3A_938 : vector<16xf32>
          %mul3A_940 = arith.constant 8 : i32
          %mul3A_941 = arith.muli %scan3A_497, %mul3A_940 : i32
          %add3A_942 = arith.constant 128 : i32
          %add3A_943 = arith.addi %add3A_942, %mul3A_941 : i32
          %add3A_944 = arith.constant 7 : i32
          %add3A_945 = arith.addi %add3A_943, %add3A_944 : i32
          %get3A_946 = arith.constant 0 : i32
          %get3A_947 = arith.index_cast %get3A_946 : i32 to index
          %get3A_948 = arith.index_cast %add3A_945 : i32 to index
          %get3A_949 = arith.constant 0 : index
          %get3A_950 = tpu.vector_load %arg5[%get3A_947, %get3A_948, %get3A_949] {strides = array<i32>} : memref<3x256x128xf32, #tpu.memory_space<vmem>>, vector<1x1x16xf32>,
          %get3A_951 = vector.shape_cast %get3A_950 : vector<1x1x16xf32> to vector<16xf32>
          %add3A_952 = arith.addf %add3A_890, %get3A_951 : vector<16xf32>
          %get3A_953 = arith.constant 0 : i32
          %get3A_954 = arith.index_cast %get3A_953 : i32 to index
          %get3A_955 = arith.index_cast %add3A_945 : i32 to index
          %get3A_956 = arith.constant 16 : index
          %get3A_957 = tpu.vector_load %arg5[%get3A_954, %get3A_955, %get3A_956] {strides = array<i32>} : memref<3x256x128xf32, #tpu.memory_space<vmem>>, vector<1x1x16xf32>,
          %get3A_958 = vector.shape_cast %get3A_957 : vector<1x1x16xf32> to vector<16xf32>
          %add3A_959 = arith.addf %add3A_897, %get3A_958 : vector<16xf32>
          %get3A_960 = arith.constant 0 : i32
          %get3A_961 = arith.index_cast %get3A_960 : i32 to index
          %get3A_962 = arith.index_cast %add3A_945 : i32 to index
          %get3A_963 = arith.constant 32 : index
          %get3A_964 = tpu.vector_load %arg5[%get3A_961, %get3A_962, %get3A_963] {strides = array<i32>} : memref<3x256x128xf32, #tpu.memory_space<vmem>>, vector<1x1x16xf32>,
          %get3A_965 = vector.shape_cast %get3A_964 : vector<1x1x16xf32> to vector<16xf32>
          %add3A_966 = arith.addf %add3A_904, %get3A_965 : vector<16xf32>
          %get3A_967 = arith.constant 0 : i32
          %get3A_968 = arith.index_cast %get3A_967 : i32 to index
          %get3A_969 = arith.index_cast %add3A_945 : i32 to index
          %get3A_970 = arith.constant 48 : index
          %get3A_971 = tpu.vector_load %arg5[%get3A_968, %get3A_969, %get3A_970] {strides = array<i32>} : memref<3x256x128xf32, #tpu.memory_space<vmem>>, vector<1x1x16xf32>,
          %get3A_972 = vector.shape_cast %get3A_971 : vector<1x1x16xf32> to vector<16xf32>
          %add3A_973 = arith.addf %add3A_911, %get3A_972 : vector<16xf32>
          %get3A_974 = arith.constant 0 : i32
          %get3A_975 = arith.index_cast %get3A_974 : i32 to index
          %get3A_976 = arith.index_cast %add3A_945 : i32 to index
          %get3A_977 = arith.constant 64 : index
          %get3A_978 = tpu.vector_load %arg5[%get3A_975, %get3A_976, %get3A_977] {strides = array<i32>} : memref<3x256x128xf32, #tpu.memory_space<vmem>>, vector<1x1x16xf32>,
          %get3A_979 = vector.shape_cast %get3A_978 : vector<1x1x16xf32> to vector<16xf32>
          %add3A_980 = arith.addf %add3A_918, %get3A_979 : vector<16xf32>
          %get3A_981 = arith.constant 0 : i32
          %get3A_982 = arith.index_cast %get3A_981 : i32 to index
          %get3A_983 = arith.index_cast %add3A_945 : i32 to index
          %get3A_984 = arith.constant 80 : index
          %get3A_985 = tpu.vector_load %arg5[%get3A_982, %get3A_983, %get3A_984] {strides = array<i32>} : memref<3x256x128xf32, #tpu.memory_space<vmem>>, vector<1x1x16xf32>,
          %get3A_986 = vector.shape_cast %get3A_985 : vector<1x1x16xf32> to vector<16xf32>
          %add3A_987 = arith.addf %add3A_925, %get3A_986 : vector<16xf32>
          %get3A_988 = arith.constant 0 : i32
          %get3A_989 = arith.index_cast %get3A_988 : i32 to index
          %get3A_990 = arith.index_cast %add3A_945 : i32 to index
          %get3A_991 = arith.constant 96 : index
          %get3A_992 = tpu.vector_load %arg5[%get3A_989, %get3A_990, %get3A_991] {strides = array<i32>} : memref<3x256x128xf32, #tpu.memory_space<vmem>>, vector<1x1x16xf32>,
          %get3A_993 = vector.shape_cast %get3A_992 : vector<1x1x16xf32> to vector<16xf32>
          %add3A_994 = arith.addf %add3A_932, %get3A_993 : vector<16xf32>
          %get3A_995 = arith.constant 0 : i32
          %get3A_996 = arith.index_cast %get3A_995 : i32 to index
          %get3A_997 = arith.index_cast %add3A_945 : i32 to index
          %get3A_998 = arith.constant 112 : index
          %get3A_999 = tpu.vector_load %arg5[%get3A_996, %get3A_997, %get3A_998] {strides = array<i32>} : memref<3x256x128xf32, #tpu.memory_space<vmem>>, vector<1x1x16xf32>,
          %get3A_1000 = vector.shape_cast %get3A_999 : vector<1x1x16xf32> to vector<16xf32>
          %add3A_1001 = arith.addf %add3A_939, %get3A_1000 : vector<16xf32>
          scf.yield %add3A_952, %add3A_959, %add3A_966, %add3A_973, %add3A_980, %add3A_987, %add3A_994, %add3A_1001 : vector<16xf32>, vector<16xf32>, vector<16xf32>, vector<16xf32>, vector<16xf32>, vector<16xf32>, vector<16xf32>, vector<16xf32>
        }
        %scan3A_416 = arith.constant 16 : i32
        %get3A_417 = arith.index_cast %sub3A_197 : i32 to index
        %get3A_418 = arith.constant 0 : index
        %get3A_419 = tpu.vector_load %arg8[%get3A_417, %get3A_418] {strides = array<i32>} : memref<64x128xf32, #tpu.memory_space<vmem>>, vector<1x16xf32>,
        %get3A_420 = vector.shape_cast %get3A_419 : vector<1x16xf32> to vector<16xf32>
        %add3A_421 = arith.addf %get3A_420, %scan3A_415#0 : vector<16xf32>
        %swap3A_422 = arith.index_cast %sub3A_197 : i32 to index
        %swap3A_423 = arith.constant 0 : index
        %swap3A_424 = tpu.vector_load %arg8[%swap3A_422, %swap3A_423] {strides = array<i32>} : memref<64x128xf32, #tpu.memory_space<vmem>>, vector<1x16xf32>,
        %swap3A_425 = vector.shape_cast %swap3A_424 : vector<1x16xf32> to vector<16xf32>
        %swap3A_426 = vector.shape_cast %add3A_421 : vector<16xf32> to vector<1x16xf32>
        tpu.vector_store %arg8[%swap3A_422, %swap3A_423], %swap3A_426 {strides = array<i32>} : memref<64x128xf32, #tpu.memory_space<vmem>>, vector<1x16xf32>,
        %get3A_427 = arith.index_cast %sub3A_197 : i32 to index
        %get3A_428 = arith.constant 16 : index
        %get3A_429 = tpu.vector_load %arg8[%get3A_427, %get3A_428] {strides = array<i32>} : memref<64x128xf32, #tpu.memory_space<vmem>>, vector<1x16xf32>,
        %get3A_430 = vector.shape_cast %get3A_429 : vector<1x16xf32> to vector<16xf32>
        %add3A_431 = arith.addf %get3A_430, %scan3A_415#1 : vector<16xf32>
        %swap3A_432 = arith.index_cast %sub3A_197 : i32 to index
        %swap3A_433 = arith.constant 16 : index
        %swap3A_434 = tpu.vector_load %arg8[%swap3A_432, %swap3A_433] {strides = array<i32>} : memref<64x128xf32, #tpu.memory_space<vmem>>, vector<1x16xf32>,
        %swap3A_435 = vector.shape_cast %swap3A_434 : vector<1x16xf32> to vector<16xf32>
        %swap3A_436 = vector.shape_cast %add3A_431 : vector<16xf32> to vector<1x16xf32>
        tpu.vector_store %arg8[%swap3A_432, %swap3A_433], %swap3A_436 {strides = array<i32>} : memref<64x128xf32, #tpu.memory_space<vmem>>, vector<1x16xf32>,
        %get3A_437 = arith.index_cast %sub3A_197 : i32 to index
        %get3A_438 = arith.constant 32 : index
        %get3A_439 = tpu.vector_load %arg8[%get3A_437, %get3A_438] {strides = array<i32>} : memref<64x128xf32, #tpu.memory_space<vmem>>, vector<1x16xf32>,
        %get3A_440 = vector.shape_cast %get3A_439 : vector<1x16xf32> to vector<16xf32>
        %add3A_441 = arith.addf %get3A_440, %scan3A_415#2 : vector<16xf32>
        %swap3A_442 = arith.index_cast %sub3A_197 : i32 to index
        %swap3A_443 = arith.constant 32 : index
        %swap3A_444 = tpu.vector_load %arg8[%swap3A_442, %swap3A_443] {strides = array<i32>} : memref<64x128xf32, #tpu.memory_space<vmem>>, vector<1x16xf32>,
        %swap3A_445 = vector.shape_cast %swap3A_444 : vector<1x16xf32> to vector<16xf32>
        %swap3A_446 = vector.shape_cast %add3A_441 : vector<16xf32> to vector<1x16xf32>
        tpu.vector_store %arg8[%swap3A_442, %swap3A_443], %swap3A_446 {strides = array<i32>} : memref<64x128xf32, #tpu.memory_space<vmem>>, vector<1x16xf32>,
        %get3A_447 = arith.index_cast %sub3A_197 : i32 to index
        %get3A_448 = arith.constant 48 : index
        %get3A_449 = tpu.vector_load %arg8[%get3A_447, %get3A_448] {strides = array<i32>} : memref<64x128xf32, #tpu.memory_space<vmem>>, vector<1x16xf32>,
        %get3A_450 = vector.shape_cast %get3A_449 : vector<1x16xf32> to vector<16xf32>
        %add3A_451 = arith.addf %get3A_450, %scan3A_415#3 : vector<16xf32>
        %swap3A_452 = arith.index_cast %sub3A_197 : i32 to index
        %swap3A_453 = arith.constant 48 : index
        %swap3A_454 = tpu.vector_load %arg8[%swap3A_452, %swap3A_453] {strides = array<i32>} : memref<64x128xf32, #tpu.memory_space<vmem>>, vector<1x16xf32>,
        %swap3A_455 = vector.shape_cast %swap3A_454 : vector<1x16xf32> to vector<16xf32>
        %swap3A_456 = vector.shape_cast %add3A_451 : vector<16xf32> to vector<1x16xf32>
        tpu.vector_store %arg8[%swap3A_452, %swap3A_453], %swap3A_456 {strides = array<i32>} : memref<64x128xf32, #tpu.memory_space<vmem>>, vector<1x16xf32>,
        %get3A_457 = arith.index_cast %sub3A_197 : i32 to index
        %get3A_458 = arith.constant 64 : index
        %get3A_459 = tpu.vector_load %arg8[%get3A_457, %get3A_458] {strides = array<i32>} : memref<64x128xf32, #tpu.memory_space<vmem>>, vector<1x16xf32>,
        %get3A_460 = vector.shape_cast %get3A_459 : vector<1x16xf32> to vector<16xf32>
        %add3A_461 = arith.addf %get3A_460, %scan3A_415#4 : vector<16xf32>
        %swap3A_462 = arith.index_cast %sub3A_197 : i32 to index
        %swap3A_463 = arith.constant 64 : index
        %swap3A_464 = tpu.vector_load %arg8[%swap3A_462, %swap3A_463] {strides = array<i32>} : memref<64x128xf32, #tpu.memory_space<vmem>>, vector<1x16xf32>,
        %swap3A_465 = vector.shape_cast %swap3A_464 : vector<1x16xf32> to vector<16xf32>
        %swap3A_466 = vector.shape_cast %add3A_461 : vector<16xf32> to vector<1x16xf32>
        tpu.vector_store %arg8[%swap3A_462, %swap3A_463], %swap3A_466 {strides = array<i32>} : memref<64x128xf32, #tpu.memory_space<vmem>>, vector<1x16xf32>,
        %get3A_467 = arith.index_cast %sub3A_197 : i32 to index
        %get3A_468 = arith.constant 80 : index
        %get3A_469 = tpu.vector_load %arg8[%get3A_467, %get3A_468] {strides = array<i32>} : memref<64x128xf32, #tpu.memory_space<vmem>>, vector<1x16xf32>,
        %get3A_470 = vector.shape_cast %get3A_469 : vector<1x16xf32> to vector<16xf32>
        %add3A_471 = arith.addf %get3A_470, %scan3A_415#5 : vector<16xf32>
        %swap3A_472 = arith.index_cast %sub3A_197 : i32 to index
        %swap3A_473 = arith.constant 80 : index
        %swap3A_474 = tpu.vector_load %arg8[%swap3A_472, %swap3A_473] {strides = array<i32>} : memref<64x128xf32, #tpu.memory_space<vmem>>, vector<1x16xf32>,
        %swap3A_475 = vector.shape_cast %swap3A_474 : vector<1x16xf32> to vector<16xf32>
        %swap3A_476 = vector.shape_cast %add3A_471 : vector<16xf32> to vector<1x16xf32>
        tpu.vector_store %arg8[%swap3A_472, %swap3A_473], %swap3A_476 {strides = array<i32>} : memref<64x128xf32, #tpu.memory_space<vmem>>, vector<1x16xf32>,
        %get3A_477 = arith.index_cast %sub3A_197 : i32 to index
        %get3A_478 = arith.constant 96 : index
        %get3A_479 = tpu.vector_load %arg8[%get3A_477, %get3A_478] {strides = array<i32>} : memref<64x128xf32, #tpu.memory_space<vmem>>, vector<1x16xf32>,
        %get3A_480 = vector.shape_cast %get3A_479 : vector<1x16xf32> to vector<16xf32>
        %add3A_481 = arith.addf %get3A_480, %scan3A_415#6 : vector<16xf32>
        %swap3A_482 = arith.index_cast %sub3A_197 : i32 to index
        %swap3A_483 = arith.constant 96 : index
        %swap3A_484 = tpu.vector_load %arg8[%swap3A_482, %swap3A_483] {strides = array<i32>} : memref<64x128xf32, #tpu.memory_space<vmem>>, vector<1x16xf32>,
        %swap3A_485 = vector.shape_cast %swap3A_484 : vector<1x16xf32> to vector<16xf32>
        %swap3A_486 = vector.shape_cast %add3A_481 : vector<16xf32> to vector<1x16xf32>
        tpu.vector_store %arg8[%swap3A_482, %swap3A_483], %swap3A_486 {strides = array<i32>} : memref<64x128xf32, #tpu.memory_space<vmem>>, vector<1x16xf32>,
        %get3A_487 = arith.index_cast %sub3A_197 : i32 to index
        %get3A_488 = arith.constant 112 : index
        %get3A_489 = tpu.vector_load %arg8[%get3A_487, %get3A_488] {strides = array<i32>} : memref<64x128xf32, #tpu.memory_space<vmem>>, vector<1x16xf32>,
        %get3A_490 = vector.shape_cast %get3A_489 : vector<1x16xf32> to vector<16xf32>
        %add3A_491 = arith.addf %get3A_490, %scan3A_415#7 : vector<16xf32>
        %swap3A_492 = arith.index_cast %sub3A_197 : i32 to index
        %swap3A_493 = arith.constant 112 : index
        %swap3A_494 = tpu.vector_load %arg8[%swap3A_492, %swap3A_493] {strides = array<i32>} : memref<64x128xf32, #tpu.memory_space<vmem>>, vector<1x16xf32>,
        %swap3A_495 = vector.shape_cast %swap3A_494 : vector<1x16xf32> to vector<16xf32>
        %swap3A_496 = vector.shape_cast %add3A_491 : vector<16xf32> to vector<1x16xf32>
        tpu.vector_store %arg8[%swap3A_492, %swap3A_493], %swap3A_496 {strides = array<i32>} : memref<64x128xf32, #tpu.memory_space<vmem>>, vector<1x16xf32>,
      } else {
      }
      %ne3A_205 = arith.cmpi ne, %squeeze3A_190, %squeeze3A_196 : i32
      %ge3A_206 = arith.constant 64 : i32
      %ge3A_207 = arith.cmpi sge, %sub3A_197, %ge3A_206 : i32
      %or3A_208 = arith.ori %ne3A_205, %ge3A_207 : i1
      %convert_element_type3A_209 = arith.extui %or3A_208 : i1 to i32
      %cond3A_210 = arith.constant 0 : i32
      %cond3A_211 = arith.cmpi ne, %convert_element_type3A_209, %cond3A_210 : i32
      scf.if %cond3A_211 {
        %run_scoped3A_395 = arith.constant 0 : i32
        "tpu.region"() ({
          %run_scoped3A_396 = tpu.sem_alloc : memref<!tpu.dma_semaphore, #tpu.memory_space<semaphore_mem>>
          %dma_start3A_397 = arith.constant 128 : i32
          %dma_start3A_398 = arith.constant 0 : i32
          %dma_start3A_399 = tpu.memref_slice %arg5[%run_scoped3A_395, %dma_start3A_397, %dma_start3A_398] : memref<3x256x128xf32, #tpu.memory_space<vmem>> -> memref<1x128x128xf32, #tpu.memory_space<vmem>>
          %dma_start3A_400 = tpu.memref_squeeze %dma_start3A_399 : memref<1x128x128xf32, #tpu.memory_space<vmem>> -> memref<128x128xf32, #tpu.memory_space<vmem>>
          %dma_start3A_401 = arith.constant 0 : i32
          %dma_start3A_402 = tpu.memref_slice %arg6[%add3A_184, %dma_start3A_401] : memref<80x128xi32, #tpu.memory_space<vmem>> -> memref<1x128xi32, #tpu.memory_space<vmem>>
          %dma_start3A_403 = tpu.memref_squeeze %dma_start3A_402 : memref<1x128xi32, #tpu.memory_space<vmem>> -> memref<128xi32, #tpu.memory_space<vmem>>
          %dma_start3A_404 = arith.constant 0 : i32
          %dma_start3A_405 = arith.constant 0 : i32
          %dma_start3A_406 = tpu.memref_slice %arg9[%dma_start3A_404, %dma_start3A_405] : memref<256x128xf32, #tpu.memory_space<vmem_shared>> -> memref<256x128xf32, #tpu.memory_space<vmem_shared>>
          tpu.enqueue_indirect_dma source(%dma_start3A_400 : memref<128x128xf32, #tpu.memory_space<vmem>>) target(%dma_start3A_406 : memref<256x128xf32, #tpu.memory_space<vmem_shared>>) offsets(%dma_start3A_403 : memref<128xi32, #tpu.memory_space<vmem>>) semaphore(%run_scoped3A_396 : memref<!tpu.dma_semaphore, #tpu.memory_space<semaphore_mem>>) {add = true}
          %dma_wait3A_407 = arith.constant 128 : i32
          %dma_wait3A_408 = arith.constant 0 : i32
          %dma_wait3A_409 = tpu.memref_slice %arg5[%run_scoped3A_395, %dma_wait3A_407, %dma_wait3A_408] : memref<3x256x128xf32, #tpu.memory_space<vmem>> -> memref<1x128x128xf32, #tpu.memory_space<vmem>>
          %dma_wait3A_410 = tpu.memref_squeeze %dma_wait3A_409 : memref<1x128x128xf32, #tpu.memory_space<vmem>> -> memref<128x128xf32, #tpu.memory_space<vmem>>
          %dma_wait3A_411 = arith.constant 0 : i32
          %dma_wait3A_412 = tpu.memref_slice %arg6[%add3A_184, %dma_wait3A_411] : memref<80x128xi32, #tpu.memory_space<vmem>> -> memref<1x128xi32, #tpu.memory_space<vmem>>
          %dma_wait3A_413 = tpu.memref_squeeze %dma_wait3A_412 : memref<1x128xi32, #tpu.memory_space<vmem>> -> memref<128xi32, #tpu.memory_space<vmem>>
          %dma_wait3A_414 = arith.constant 0 : i32
          %dma_wait3A_415 = arith.constant 0 : i32
          %dma_wait3A_416 = tpu.memref_slice %arg9[%dma_wait3A_414, %dma_wait3A_415] : memref<256x128xf32, #tpu.memory_space<vmem_shared>> -> memref<256x128xf32, #tpu.memory_space<vmem_shared>>
          tpu.wait_indirect_dma semaphore(%run_scoped3A_396 : memref<!tpu.dma_semaphore, #tpu.memory_space<semaphore_mem>>) src(%dma_wait3A_410 : memref<128x128xf32, #tpu.memory_space<vmem>>) dst(%dma_wait3A_416 : memref<256x128xf32, #tpu.memory_space<vmem_shared>>)
          tpu.yield
        }) : () -> ()
      } else {
      }
      %add3A_212 = arith.constant 3 : i32
      %add3A_213 = arith.addi %add3A_143, %add3A_212 : i32
      %lt3A_214 = arith.constant 39 : i32
      %lt3A_215 = arith.cmpi slt, %add3A_213, %lt3A_214 : i32
      %convert_element_type3A_216 = arith.extui %lt3A_215 : i1 to i32
      %cond3A_217 = arith.constant 0 : i32
      %cond3A_218 = arith.cmpi ne, %convert_element_type3A_216, %cond3A_217 : i32
      scf.if %cond3A_218 {
        %add3A_395 = arith.constant 3 : i32
        %add3A_396 = arith.addi %add3A_143, %add3A_395 : i32
        %mul3A_397 = arith.constant 256 : i32
        %mul3A_398 = arith.muli %add3A_396, %mul3A_397 : i32
        %add3A_399 = arith.addi %mul3A_2, %mul3A_398 : i32
        %dma_start3A_400 = arith.constant 0 : i32
        %dma_start3A_401 = arith.constant 0 : i32
        %dma_start3A_402 = arith.constant 0 : i32
        %dma_start3A_403 = tpu.memref_slice %arg5[%dma_start3A_400, %dma_start3A_401, %dma_start3A_402] : memref<3x256x128xf32, #tpu.memory_space<vmem>> -> memref<1x256x128xf32, #tpu.memory_space<vmem>>
        %dma_start3A_404 = tpu.memref_squeeze %dma_start3A_403 : memref<1x256x128xf32, #tpu.memory_space<vmem>> -> memref<256x128xf32, #tpu.memory_space<vmem>>
        %dma_start3A_405 = arith.constant 0 : i32
        %dma_start3A_406 = tpu.memref_slice %arg2[%add3A_399, %dma_start3A_405] : memref<320000x128xf32, #tpu.memory_space<hbm>> -> memref<256x128xf32, #tpu.memory_space<hbm>>
        %dma_start3A_407 = arith.constant 0 : i32
        %dma_start3A_408 = arith.constant 0 : i32
        %dma_start3A_409 = tpu.memref_slice %arg5[%dma_start3A_400, %dma_start3A_407, %dma_start3A_408] : memref<3x256x128xf32, #tpu.memory_space<vmem>> -> memref<1x256x128xf32, #tpu.memory_space<vmem>>
        %dma_start3A_410 = tpu.memref_squeeze %dma_start3A_409 : memref<1x256x128xf32, #tpu.memory_space<vmem>> -> memref<256x128xf32, #tpu.memory_space<vmem>>
        %dma_start3A_411 = arith.constant 0 : i32
        %dma_start3A_412 = tpu.memref_slice %arg2[%add3A_399, %dma_start3A_411] : memref<320000x128xf32, #tpu.memory_space<hbm>> -> memref<256x128xf32, #tpu.memory_space<hbm>>
        tpu.enqueue_dma source(%dma_start3A_412 : memref<256x128xf32, #tpu.memory_space<hbm>>) target(%dma_start3A_410 : memref<256x128xf32, #tpu.memory_space<vmem>>) target_semaphore(%arg10 : memref<!tpu.dma_semaphore, #tpu.memory_space<semaphore_mem>>)
      } else {
      }
      %mul3A_219 = arith.constant 3 : i32
      %mul3A_220 = arith.muli %mul3A_219, %scan3A_139 : i32
      %add3A_221 = arith.constant 1 : i32
      %add3A_222 = arith.addi %mul3A_220, %add3A_221 : i32
      %dma_wait3A_223 = arith.constant 1 : i32
      %dma_wait3A_224 = arith.constant 0 : i32
      %dma_wait3A_225 = arith.constant 0 : i32
      %dma_wait3A_226 = tpu.memref_slice %arg5[%dma_wait3A_223, %dma_wait3A_224, %dma_wait3A_225] : memref<3x256x128xf32, #tpu.memory_space<vmem>> -> memref<1x256x128xf32, #tpu.memory_space<vmem>>
      %dma_wait3A_227 = tpu.memref_squeeze %dma_wait3A_226 : memref<1x256x128xf32, #tpu.memory_space<vmem>> -> memref<256x128xf32, #tpu.memory_space<vmem>>
      %dma_wait3A_228 = arith.constant 0 : i32
      %dma_wait3A_229 = arith.constant 0 : i32
      %dma_wait3A_230 = tpu.memref_slice %arg2[%dma_wait3A_228, %dma_wait3A_229] : memref<320000x128xf32, #tpu.memory_space<hbm>> -> memref<256x128xf32, #tpu.memory_space<hbm>>
      %dma_wait3A_231 = arith.constant 0 : i32
      %dma_wait3A_232 = arith.constant 0 : i32
      %dma_wait3A_233 = tpu.memref_slice %arg5[%dma_wait3A_223, %dma_wait3A_231, %dma_wait3A_232] : memref<3x256x128xf32, #tpu.memory_space<vmem>> -> memref<1x256x128xf32, #tpu.memory_space<vmem>>
      %dma_wait3A_234 = tpu.memref_squeeze %dma_wait3A_233 : memref<1x256x128xf32, #tpu.memory_space<vmem>> -> memref<256x128xf32, #tpu.memory_space<vmem>>
      %dma_wait3A_235 = arith.constant 0 : i32
      %dma_wait3A_236 = arith.constant 0 : i32
      %dma_wait3A_237 = tpu.memref_slice %arg2[%dma_wait3A_235, %dma_wait3A_236] : memref<320000x128xf32, #tpu.memory_space<hbm>> -> memref<256x128xf32, #tpu.memory_space<hbm>>
      tpu.wait_dma2 semaphore(%arg11 : memref<!tpu.dma_semaphore, #tpu.memory_space<semaphore_mem>>) src(%dma_wait3A_237 : memref<256x128xf32, #tpu.memory_space<hbm>>) dst(%dma_wait3A_234 : memref<256x128xf32, #tpu.memory_space<vmem>>)
      %mul3A_238 = arith.constant 2 : i32
      %mul3A_239 = arith.muli %mul3A_238, %add3A_222 : i32
      %add3A_240 = arith.constant 0 : i32
      %add3A_241 = arith.addi %mul3A_239, %add3A_240 : i32
      %get3A_242 = arith.index_cast %add3A_241 : i32 to index
      %get3A_243 = arith.constant 0 : index
      %get3A_244 = tpu.vector_load %arg6[%get3A_242, %get3A_243] {strides = array<i32>} : memref<80x128xi32, #tpu.memory_space<vmem>>, vector<1x16xi32>,
      %get3A_245 = vector.shape_cast %get3A_244 : vector<1x16xi32> to vector<16xi32>
      %slice3A_246 = vector.extract_strided_slice %get3A_245 {offsets = [0], sizes = [1], strides = [1]} : vector<16xi32> to vector<1xi32>
      %squeeze3A_247 = vector.extract %slice3A_246[0] : i32 from vector<1xi32>
      %get3A_248 = arith.index_cast %add3A_241 : i32 to index
      %get3A_249 = arith.constant 112 : index
      %get3A_250 = tpu.vector_load %arg6[%get3A_248, %get3A_249] {strides = array<i32>} : memref<80x128xi32, #tpu.memory_space<vmem>>, vector<1x16xi32>,
      %get3A_251 = vector.shape_cast %get3A_250 : vector<1x16xi32> to vector<16xi32>
      %slice3A_252 = vector.extract_strided_slice %get3A_251 {offsets = [15], sizes = [1], strides = [1]} : vector<16xi32> to vector<1xi32>
      %squeeze3A_253 = vector.extract %slice3A_252[0] : i32 from vector<1xi32>
      %sub3A_254 = arith.subi %squeeze3A_247, %squeeze3A : i32
      %eq3A_255 = arith.cmpi eq, %squeeze3A_247, %squeeze3A_253 : i32
      %lt3A_256 = arith.constant 64 : i32
      %lt3A_257 = arith.cmpi slt, %sub3A_254, %lt3A_256 : i32
      %and3A_258 = arith.andi %eq3A_255, %lt3A_257 : i1
      %convert_element_type3A_259 = arith.extui %and3A_258 : i1 to i32
      %cond3A_260 = arith.constant 0 : i32
      %cond3A_261 = arith.cmpi ne, %convert_element_type3A_259, %cond3A_260 : i32
      scf.if %cond3A_261 {
        %broadcast_in_dim3A_395 = arith.constant 0.000000e+00 : f32
        %broadcast_in_dim3A_396 = vector.broadcast %broadcast_in_dim3A_395 : f32 to vector<16xf32>
        %broadcast_in_dim3A_397 = arith.constant 0.000000e+00 : f32
        %broadcast_in_dim3A_398 = vector.broadcast %broadcast_in_dim3A_397 : f32 to vector<16xf32>
        %broadcast_in_dim3A_399 = arith.constant 0.000000e+00 : f32
        %broadcast_in_dim3A_400 = vector.broadcast %broadcast_in_dim3A_399 : f32 to vector<16xf32>
        %broadcast_in_dim3A_401 = arith.constant 0.000000e+00 : f32
        %broadcast_in_dim3A_402 = vector.broadcast %broadcast_in_dim3A_401 : f32 to vector<16xf32>
        %broadcast_in_dim3A_403 = arith.constant 0.000000e+00 : f32
        %broadcast_in_dim3A_404 = vector.broadcast %broadcast_in_dim3A_403 : f32 to vector<16xf32>
        %broadcast_in_dim3A_405 = arith.constant 0.000000e+00 : f32
        %broadcast_in_dim3A_406 = vector.broadcast %broadcast_in_dim3A_405 : f32 to vector<16xf32>
        %broadcast_in_dim3A_407 = arith.constant 0.000000e+00 : f32
        %broadcast_in_dim3A_408 = vector.broadcast %broadcast_in_dim3A_407 : f32 to vector<16xf32>
        %broadcast_in_dim3A_409 = arith.constant 0.000000e+00 : f32
        %broadcast_in_dim3A_410 = vector.broadcast %broadcast_in_dim3A_409 : f32 to vector<16xf32>
        %scan3A_411 = arith.constant 0 : i32
        %scan3A_412 = arith.constant 16 : i32
        %scan3A_413 = arith.addi %scan3A_411, %scan3A_412 : i32
        %scan3A_414 = arith.constant 1 : i32
        %scan3A_415:8 = scf.for %scan3A_497 = %scan3A_411 to %scan3A_413 step %scan3A_414 iter_args(%scan3A_498 = %broadcast_in_dim3A_396, %scan3A_499 = %broadcast_in_dim3A_398, %scan3A_500 = %broadcast_in_dim3A_400, %scan3A_501 = %broadcast_in_dim3A_402, %scan3A_502 = %broadcast_in_dim3A_404, %scan3A_503 = %broadcast_in_dim3A_406, %scan3A_504 = %broadcast_in_dim3A_408, %scan3A_505 = %broadcast_in_dim3A_410) -> (vector<16xf32>, vector<16xf32>, vector<16xf32>, vector<16xf32>, vector<16xf32>, vector<16xf32>, vector<16xf32>, vector<16xf32>)  : i32 {
          %mul3A_506 = arith.constant 8 : i32
          %mul3A_507 = arith.muli %scan3A_497, %mul3A_506 : i32
          %add3A_508 = arith.constant 0 : i32
          %add3A_509 = arith.addi %add3A_508, %mul3A_507 : i32
          %add3A_510 = arith.constant 0 : i32
          %add3A_511 = arith.addi %add3A_509, %add3A_510 : i32
          %get3A_512 = arith.constant 1 : i32
          %get3A_513 = arith.index_cast %get3A_512 : i32 to index
          %get3A_514 = arith.index_cast %add3A_511 : i32 to index
          %get3A_515 = arith.constant 0 : index
          %get3A_516 = tpu.vector_load %arg5[%get3A_513, %get3A_514, %get3A_515] {strides = array<i32>} : memref<3x256x128xf32, #tpu.memory_space<vmem>>, vector<1x1x16xf32>,
          %get3A_517 = vector.shape_cast %get3A_516 : vector<1x1x16xf32> to vector<16xf32>
          %add3A_518 = arith.addf %scan3A_498, %get3A_517 : vector<16xf32>
          %get3A_519 = arith.constant 1 : i32
          %get3A_520 = arith.index_cast %get3A_519 : i32 to index
          %get3A_521 = arith.index_cast %add3A_511 : i32 to index
          %get3A_522 = arith.constant 16 : index
          %get3A_523 = tpu.vector_load %arg5[%get3A_520, %get3A_521, %get3A_522] {strides = array<i32>} : memref<3x256x128xf32, #tpu.memory_space<vmem>>, vector<1x1x16xf32>,
          %get3A_524 = vector.shape_cast %get3A_523 : vector<1x1x16xf32> to vector<16xf32>
          %add3A_525 = arith.addf %scan3A_499, %get3A_524 : vector<16xf32>
          %get3A_526 = arith.constant 1 : i32
          %get3A_527 = arith.index_cast %get3A_526 : i32 to index
          %get3A_528 = arith.index_cast %add3A_511 : i32 to index
          %get3A_529 = arith.constant 32 : index
          %get3A_530 = tpu.vector_load %arg5[%get3A_527, %get3A_528, %get3A_529] {strides = array<i32>} : memref<3x256x128xf32, #tpu.memory_space<vmem>>, vector<1x1x16xf32>,
          %get3A_531 = vector.shape_cast %get3A_530 : vector<1x1x16xf32> to vector<16xf32>
          %add3A_532 = arith.addf %scan3A_500, %get3A_531 : vector<16xf32>
          %get3A_533 = arith.constant 1 : i32
          %get3A_534 = arith.index_cast %get3A_533 : i32 to index
          %get3A_535 = arith.index_cast %add3A_511 : i32 to index
          %get3A_536 = arith.constant 48 : index
          %get3A_537 = tpu.vector_load %arg5[%get3A_534, %get3A_535, %get3A_536] {strides = array<i32>} : memref<3x256x128xf32, #tpu.memory_space<vmem>>, vector<1x1x16xf32>,
          %get3A_538 = vector.shape_cast %get3A_537 : vector<1x1x16xf32> to vector<16xf32>
          %add3A_539 = arith.addf %scan3A_501, %get3A_538 : vector<16xf32>
          %get3A_540 = arith.constant 1 : i32
          %get3A_541 = arith.index_cast %get3A_540 : i32 to index
          %get3A_542 = arith.index_cast %add3A_511 : i32 to index
          %get3A_543 = arith.constant 64 : index
          %get3A_544 = tpu.vector_load %arg5[%get3A_541, %get3A_542, %get3A_543] {strides = array<i32>} : memref<3x256x128xf32, #tpu.memory_space<vmem>>, vector<1x1x16xf32>,
          %get3A_545 = vector.shape_cast %get3A_544 : vector<1x1x16xf32> to vector<16xf32>
          %add3A_546 = arith.addf %scan3A_502, %get3A_545 : vector<16xf32>
          %get3A_547 = arith.constant 1 : i32
          %get3A_548 = arith.index_cast %get3A_547 : i32 to index
          %get3A_549 = arith.index_cast %add3A_511 : i32 to index
          %get3A_550 = arith.constant 80 : index
          %get3A_551 = tpu.vector_load %arg5[%get3A_548, %get3A_549, %get3A_550] {strides = array<i32>} : memref<3x256x128xf32, #tpu.memory_space<vmem>>, vector<1x1x16xf32>,
          %get3A_552 = vector.shape_cast %get3A_551 : vector<1x1x16xf32> to vector<16xf32>
          %add3A_553 = arith.addf %scan3A_503, %get3A_552 : vector<16xf32>
          %get3A_554 = arith.constant 1 : i32
          %get3A_555 = arith.index_cast %get3A_554 : i32 to index
          %get3A_556 = arith.index_cast %add3A_511 : i32 to index
          %get3A_557 = arith.constant 96 : index
          %get3A_558 = tpu.vector_load %arg5[%get3A_555, %get3A_556, %get3A_557] {strides = array<i32>} : memref<3x256x128xf32, #tpu.memory_space<vmem>>, vector<1x1x16xf32>,
          %get3A_559 = vector.shape_cast %get3A_558 : vector<1x1x16xf32> to vector<16xf32>
          %add3A_560 = arith.addf %scan3A_504, %get3A_559 : vector<16xf32>
          %get3A_561 = arith.constant 1 : i32
          %get3A_562 = arith.index_cast %get3A_561 : i32 to index
          %get3A_563 = arith.index_cast %add3A_511 : i32 to index
          %get3A_564 = arith.constant 112 : index
          %get3A_565 = tpu.vector_load %arg5[%get3A_562, %get3A_563, %get3A_564] {strides = array<i32>} : memref<3x256x128xf32, #tpu.memory_space<vmem>>, vector<1x1x16xf32>,
          %get3A_566 = vector.shape_cast %get3A_565 : vector<1x1x16xf32> to vector<16xf32>
          %add3A_567 = arith.addf %scan3A_505, %get3A_566 : vector<16xf32>
          %mul3A_568 = arith.constant 8 : i32
          %mul3A_569 = arith.muli %scan3A_497, %mul3A_568 : i32
          %add3A_570 = arith.constant 0 : i32
          %add3A_571 = arith.addi %add3A_570, %mul3A_569 : i32
          %add3A_572 = arith.constant 1 : i32
          %add3A_573 = arith.addi %add3A_571, %add3A_572 : i32
          %get3A_574 = arith.constant 1 : i32
          %get3A_575 = arith.index_cast %get3A_574 : i32 to index
          %get3A_576 = arith.index_cast %add3A_573 : i32 to index
          %get3A_577 = arith.constant 0 : index
          %get3A_578 = tpu.vector_load %arg5[%get3A_575, %get3A_576, %get3A_577] {strides = array<i32>} : memref<3x256x128xf32, #tpu.memory_space<vmem>>, vector<1x1x16xf32>,
          %get3A_579 = vector.shape_cast %get3A_578 : vector<1x1x16xf32> to vector<16xf32>
          %add3A_580 = arith.addf %add3A_518, %get3A_579 : vector<16xf32>
          %get3A_581 = arith.constant 1 : i32
          %get3A_582 = arith.index_cast %get3A_581 : i32 to index
          %get3A_583 = arith.index_cast %add3A_573 : i32 to index
          %get3A_584 = arith.constant 16 : index
          %get3A_585 = tpu.vector_load %arg5[%get3A_582, %get3A_583, %get3A_584] {strides = array<i32>} : memref<3x256x128xf32, #tpu.memory_space<vmem>>, vector<1x1x16xf32>,
          %get3A_586 = vector.shape_cast %get3A_585 : vector<1x1x16xf32> to vector<16xf32>
          %add3A_587 = arith.addf %add3A_525, %get3A_586 : vector<16xf32>
          %get3A_588 = arith.constant 1 : i32
          %get3A_589 = arith.index_cast %get3A_588 : i32 to index
          %get3A_590 = arith.index_cast %add3A_573 : i32 to index
          %get3A_591 = arith.constant 32 : index
          %get3A_592 = tpu.vector_load %arg5[%get3A_589, %get3A_590, %get3A_591] {strides = array<i32>} : memref<3x256x128xf32, #tpu.memory_space<vmem>>, vector<1x1x16xf32>,
          %get3A_593 = vector.shape_cast %get3A_592 : vector<1x1x16xf32> to vector<16xf32>
          %add3A_594 = arith.addf %add3A_532, %get3A_593 : vector<16xf32>
          %get3A_595 = arith.constant 1 : i32
          %get3A_596 = arith.index_cast %get3A_595 : i32 to index
          %get3A_597 = arith.index_cast %add3A_573 : i32 to index
          %get3A_598 = arith.constant 48 : index
          %get3A_599 = tpu.vector_load %arg5[%get3A_596, %get3A_597, %get3A_598] {strides = array<i32>} : memref<3x256x128xf32, #tpu.memory_space<vmem>>, vector<1x1x16xf32>,
          %get3A_600 = vector.shape_cast %get3A_599 : vector<1x1x16xf32> to vector<16xf32>
          %add3A_601 = arith.addf %add3A_539, %get3A_600 : vector<16xf32>
          %get3A_602 = arith.constant 1 : i32
          %get3A_603 = arith.index_cast %get3A_602 : i32 to index
          %get3A_604 = arith.index_cast %add3A_573 : i32 to index
          %get3A_605 = arith.constant 64 : index
          %get3A_606 = tpu.vector_load %arg5[%get3A_603, %get3A_604, %get3A_605] {strides = array<i32>} : memref<3x256x128xf32, #tpu.memory_space<vmem>>, vector<1x1x16xf32>,
          %get3A_607 = vector.shape_cast %get3A_606 : vector<1x1x16xf32> to vector<16xf32>
          %add3A_608 = arith.addf %add3A_546, %get3A_607 : vector<16xf32>
          %get3A_609 = arith.constant 1 : i32
          %get3A_610 = arith.index_cast %get3A_609 : i32 to index
          %get3A_611 = arith.index_cast %add3A_573 : i32 to index
          %get3A_612 = arith.constant 80 : index
          %get3A_613 = tpu.vector_load %arg5[%get3A_610, %get3A_611, %get3A_612] {strides = array<i32>} : memref<3x256x128xf32, #tpu.memory_space<vmem>>, vector<1x1x16xf32>,
          %get3A_614 = vector.shape_cast %get3A_613 : vector<1x1x16xf32> to vector<16xf32>
          %add3A_615 = arith.addf %add3A_553, %get3A_614 : vector<16xf32>
          %get3A_616 = arith.constant 1 : i32
          %get3A_617 = arith.index_cast %get3A_616 : i32 to index
          %get3A_618 = arith.index_cast %add3A_573 : i32 to index
          %get3A_619 = arith.constant 96 : index
          %get3A_620 = tpu.vector_load %arg5[%get3A_617, %get3A_618, %get3A_619] {strides = array<i32>} : memref<3x256x128xf32, #tpu.memory_space<vmem>>, vector<1x1x16xf32>,
          %get3A_621 = vector.shape_cast %get3A_620 : vector<1x1x16xf32> to vector<16xf32>
          %add3A_622 = arith.addf %add3A_560, %get3A_621 : vector<16xf32>
          %get3A_623 = arith.constant 1 : i32
          %get3A_624 = arith.index_cast %get3A_623 : i32 to index
          %get3A_625 = arith.index_cast %add3A_573 : i32 to index
          %get3A_626 = arith.constant 112 : index
          %get3A_627 = tpu.vector_load %arg5[%get3A_624, %get3A_625, %get3A_626] {strides = array<i32>} : memref<3x256x128xf32, #tpu.memory_space<vmem>>, vector<1x1x16xf32>,
          %get3A_628 = vector.shape_cast %get3A_627 : vector<1x1x16xf32> to vector<16xf32>
          %add3A_629 = arith.addf %add3A_567, %get3A_628 : vector<16xf32>
          %mul3A_630 = arith.constant 8 : i32
          %mul3A_631 = arith.muli %scan3A_497, %mul3A_630 : i32
          %add3A_632 = arith.constant 0 : i32
          %add3A_633 = arith.addi %add3A_632, %mul3A_631 : i32
          %add3A_634 = arith.constant 2 : i32
          %add3A_635 = arith.addi %add3A_633, %add3A_634 : i32
          %get3A_636 = arith.constant 1 : i32
          %get3A_637 = arith.index_cast %get3A_636 : i32 to index
          %get3A_638 = arith.index_cast %add3A_635 : i32 to index
          %get3A_639 = arith.constant 0 : index
          %get3A_640 = tpu.vector_load %arg5[%get3A_637, %get3A_638, %get3A_639] {strides = array<i32>} : memref<3x256x128xf32, #tpu.memory_space<vmem>>, vector<1x1x16xf32>,
          %get3A_641 = vector.shape_cast %get3A_640 : vector<1x1x16xf32> to vector<16xf32>
          %add3A_642 = arith.addf %add3A_580, %get3A_641 : vector<16xf32>
          %get3A_643 = arith.constant 1 : i32
          %get3A_644 = arith.index_cast %get3A_643 : i32 to index
          %get3A_645 = arith.index_cast %add3A_635 : i32 to index
          %get3A_646 = arith.constant 16 : index
          %get3A_647 = tpu.vector_load %arg5[%get3A_644, %get3A_645, %get3A_646] {strides = array<i32>} : memref<3x256x128xf32, #tpu.memory_space<vmem>>, vector<1x1x16xf32>,
          %get3A_648 = vector.shape_cast %get3A_647 : vector<1x1x16xf32> to vector<16xf32>
          %add3A_649 = arith.addf %add3A_587, %get3A_648 : vector<16xf32>
          %get3A_650 = arith.constant 1 : i32
          %get3A_651 = arith.index_cast %get3A_650 : i32 to index
          %get3A_652 = arith.index_cast %add3A_635 : i32 to index
          %get3A_653 = arith.constant 32 : index
          %get3A_654 = tpu.vector_load %arg5[%get3A_651, %get3A_652, %get3A_653] {strides = array<i32>} : memref<3x256x128xf32, #tpu.memory_space<vmem>>, vector<1x1x16xf32>,
          %get3A_655 = vector.shape_cast %get3A_654 : vector<1x1x16xf32> to vector<16xf32>
          %add3A_656 = arith.addf %add3A_594, %get3A_655 : vector<16xf32>
          %get3A_657 = arith.constant 1 : i32
          %get3A_658 = arith.index_cast %get3A_657 : i32 to index
          %get3A_659 = arith.index_cast %add3A_635 : i32 to index
          %get3A_660 = arith.constant 48 : index
          %get3A_661 = tpu.vector_load %arg5[%get3A_658, %get3A_659, %get3A_660] {strides = array<i32>} : memref<3x256x128xf32, #tpu.memory_space<vmem>>, vector<1x1x16xf32>,
          %get3A_662 = vector.shape_cast %get3A_661 : vector<1x1x16xf32> to vector<16xf32>
          %add3A_663 = arith.addf %add3A_601, %get3A_662 : vector<16xf32>
          %get3A_664 = arith.constant 1 : i32
          %get3A_665 = arith.index_cast %get3A_664 : i32 to index
          %get3A_666 = arith.index_cast %add3A_635 : i32 to index
          %get3A_667 = arith.constant 64 : index
          %get3A_668 = tpu.vector_load %arg5[%get3A_665, %get3A_666, %get3A_667] {strides = array<i32>} : memref<3x256x128xf32, #tpu.memory_space<vmem>>, vector<1x1x16xf32>,
          %get3A_669 = vector.shape_cast %get3A_668 : vector<1x1x16xf32> to vector<16xf32>
          %add3A_670 = arith.addf %add3A_608, %get3A_669 : vector<16xf32>
          %get3A_671 = arith.constant 1 : i32
          %get3A_672 = arith.index_cast %get3A_671 : i32 to index
          %get3A_673 = arith.index_cast %add3A_635 : i32 to index
          %get3A_674 = arith.constant 80 : index
          %get3A_675 = tpu.vector_load %arg5[%get3A_672, %get3A_673, %get3A_674] {strides = array<i32>} : memref<3x256x128xf32, #tpu.memory_space<vmem>>, vector<1x1x16xf32>,
          %get3A_676 = vector.shape_cast %get3A_675 : vector<1x1x16xf32> to vector<16xf32>
          %add3A_677 = arith.addf %add3A_615, %get3A_676 : vector<16xf32>
          %get3A_678 = arith.constant 1 : i32
          %get3A_679 = arith.index_cast %get3A_678 : i32 to index
          %get3A_680 = arith.index_cast %add3A_635 : i32 to index
          %get3A_681 = arith.constant 96 : index
          %get3A_682 = tpu.vector_load %arg5[%get3A_679, %get3A_680, %get3A_681] {strides = array<i32>} : memref<3x256x128xf32, #tpu.memory_space<vmem>>, vector<1x1x16xf32>,
          %get3A_683 = vector.shape_cast %get3A_682 : vector<1x1x16xf32> to vector<16xf32>
          %add3A_684 = arith.addf %add3A_622, %get3A_683 : vector<16xf32>
          %get3A_685 = arith.constant 1 : i32
          %get3A_686 = arith.index_cast %get3A_685 : i32 to index
          %get3A_687 = arith.index_cast %add3A_635 : i32 to index
          %get3A_688 = arith.constant 112 : index
          %get3A_689 = tpu.vector_load %arg5[%get3A_686, %get3A_687, %get3A_688] {strides = array<i32>} : memref<3x256x128xf32, #tpu.memory_space<vmem>>, vector<1x1x16xf32>,
          %get3A_690 = vector.shape_cast %get3A_689 : vector<1x1x16xf32> to vector<16xf32>
          %add3A_691 = arith.addf %add3A_629, %get3A_690 : vector<16xf32>
          %mul3A_692 = arith.constant 8 : i32
          %mul3A_693 = arith.muli %scan3A_497, %mul3A_692 : i32
          %add3A_694 = arith.constant 0 : i32
          %add3A_695 = arith.addi %add3A_694, %mul3A_693 : i32
          %add3A_696 = arith.constant 3 : i32
          %add3A_697 = arith.addi %add3A_695, %add3A_696 : i32
          %get3A_698 = arith.constant 1 : i32
          %get3A_699 = arith.index_cast %get3A_698 : i32 to index
          %get3A_700 = arith.index_cast %add3A_697 : i32 to index
          %get3A_701 = arith.constant 0 : index
          %get3A_702 = tpu.vector_load %arg5[%get3A_699, %get3A_700, %get3A_701] {strides = array<i32>} : memref<3x256x128xf32, #tpu.memory_space<vmem>>, vector<1x1x16xf32>,
          %get3A_703 = vector.shape_cast %get3A_702 : vector<1x1x16xf32> to vector<16xf32>
          %add3A_704 = arith.addf %add3A_642, %get3A_703 : vector<16xf32>
          %get3A_705 = arith.constant 1 : i32
          %get3A_706 = arith.index_cast %get3A_705 : i32 to index
          %get3A_707 = arith.index_cast %add3A_697 : i32 to index
          %get3A_708 = arith.constant 16 : index
          %get3A_709 = tpu.vector_load %arg5[%get3A_706, %get3A_707, %get3A_708] {strides = array<i32>} : memref<3x256x128xf32, #tpu.memory_space<vmem>>, vector<1x1x16xf32>,
          %get3A_710 = vector.shape_cast %get3A_709 : vector<1x1x16xf32> to vector<16xf32>
          %add3A_711 = arith.addf %add3A_649, %get3A_710 : vector<16xf32>
          %get3A_712 = arith.constant 1 : i32
          %get3A_713 = arith.index_cast %get3A_712 : i32 to index
          %get3A_714 = arith.index_cast %add3A_697 : i32 to index
          %get3A_715 = arith.constant 32 : index
          %get3A_716 = tpu.vector_load %arg5[%get3A_713, %get3A_714, %get3A_715] {strides = array<i32>} : memref<3x256x128xf32, #tpu.memory_space<vmem>>, vector<1x1x16xf32>,
          %get3A_717 = vector.shape_cast %get3A_716 : vector<1x1x16xf32> to vector<16xf32>
          %add3A_718 = arith.addf %add3A_656, %get3A_717 : vector<16xf32>
          %get3A_719 = arith.constant 1 : i32
          %get3A_720 = arith.index_cast %get3A_719 : i32 to index
          %get3A_721 = arith.index_cast %add3A_697 : i32 to index
          %get3A_722 = arith.constant 48 : index
          %get3A_723 = tpu.vector_load %arg5[%get3A_720, %get3A_721, %get3A_722] {strides = array<i32>} : memref<3x256x128xf32, #tpu.memory_space<vmem>>, vector<1x1x16xf32>,
          %get3A_724 = vector.shape_cast %get3A_723 : vector<1x1x16xf32> to vector<16xf32>
          %add3A_725 = arith.addf %add3A_663, %get3A_724 : vector<16xf32>
          %get3A_726 = arith.constant 1 : i32
          %get3A_727 = arith.index_cast %get3A_726 : i32 to index
          %get3A_728 = arith.index_cast %add3A_697 : i32 to index
          %get3A_729 = arith.constant 64 : index
          %get3A_730 = tpu.vector_load %arg5[%get3A_727, %get3A_728, %get3A_729] {strides = array<i32>} : memref<3x256x128xf32, #tpu.memory_space<vmem>>, vector<1x1x16xf32>,
          %get3A_731 = vector.shape_cast %get3A_730 : vector<1x1x16xf32> to vector<16xf32>
          %add3A_732 = arith.addf %add3A_670, %get3A_731 : vector<16xf32>
          %get3A_733 = arith.constant 1 : i32
          %get3A_734 = arith.index_cast %get3A_733 : i32 to index
          %get3A_735 = arith.index_cast %add3A_697 : i32 to index
          %get3A_736 = arith.constant 80 : index
          %get3A_737 = tpu.vector_load %arg5[%get3A_734, %get3A_735, %get3A_736] {strides = array<i32>} : memref<3x256x128xf32, #tpu.memory_space<vmem>>, vector<1x1x16xf32>,
          %get3A_738 = vector.shape_cast %get3A_737 : vector<1x1x16xf32> to vector<16xf32>
          %add3A_739 = arith.addf %add3A_677, %get3A_738 : vector<16xf32>
          %get3A_740 = arith.constant 1 : i32
          %get3A_741 = arith.index_cast %get3A_740 : i32 to index
          %get3A_742 = arith.index_cast %add3A_697 : i32 to index
          %get3A_743 = arith.constant 96 : index
          %get3A_744 = tpu.vector_load %arg5[%get3A_741, %get3A_742, %get3A_743] {strides = array<i32>} : memref<3x256x128xf32, #tpu.memory_space<vmem>>, vector<1x1x16xf32>,
          %get3A_745 = vector.shape_cast %get3A_744 : vector<1x1x16xf32> to vector<16xf32>
          %add3A_746 = arith.addf %add3A_684, %get3A_745 : vector<16xf32>
          %get3A_747 = arith.constant 1 : i32
          %get3A_748 = arith.index_cast %get3A_747 : i32 to index
          %get3A_749 = arith.index_cast %add3A_697 : i32 to index
          %get3A_750 = arith.constant 112 : index
          %get3A_751 = tpu.vector_load %arg5[%get3A_748, %get3A_749, %get3A_750] {strides = array<i32>} : memref<3x256x128xf32, #tpu.memory_space<vmem>>, vector<1x1x16xf32>,
          %get3A_752 = vector.shape_cast %get3A_751 : vector<1x1x16xf32> to vector<16xf32>
          %add3A_753 = arith.addf %add3A_691, %get3A_752 : vector<16xf32>
          %mul3A_754 = arith.constant 8 : i32
          %mul3A_755 = arith.muli %scan3A_497, %mul3A_754 : i32
          %add3A_756 = arith.constant 0 : i32
          %add3A_757 = arith.addi %add3A_756, %mul3A_755 : i32
          %add3A_758 = arith.constant 4 : i32
          %add3A_759 = arith.addi %add3A_757, %add3A_758 : i32
          %get3A_760 = arith.constant 1 : i32
          %get3A_761 = arith.index_cast %get3A_760 : i32 to index
          %get3A_762 = arith.index_cast %add3A_759 : i32 to index
          %get3A_763 = arith.constant 0 : index
          %get3A_764 = tpu.vector_load %arg5[%get3A_761, %get3A_762, %get3A_763] {strides = array<i32>} : memref<3x256x128xf32, #tpu.memory_space<vmem>>, vector<1x1x16xf32>,
          %get3A_765 = vector.shape_cast %get3A_764 : vector<1x1x16xf32> to vector<16xf32>
          %add3A_766 = arith.addf %add3A_704, %get3A_765 : vector<16xf32>
          %get3A_767 = arith.constant 1 : i32
          %get3A_768 = arith.index_cast %get3A_767 : i32 to index
          %get3A_769 = arith.index_cast %add3A_759 : i32 to index
          %get3A_770 = arith.constant 16 : index
          %get3A_771 = tpu.vector_load %arg5[%get3A_768, %get3A_769, %get3A_770] {strides = array<i32>} : memref<3x256x128xf32, #tpu.memory_space<vmem>>, vector<1x1x16xf32>,
          %get3A_772 = vector.shape_cast %get3A_771 : vector<1x1x16xf32> to vector<16xf32>
          %add3A_773 = arith.addf %add3A_711, %get3A_772 : vector<16xf32>
          %get3A_774 = arith.constant 1 : i32
          %get3A_775 = arith.index_cast %get3A_774 : i32 to index
          %get3A_776 = arith.index_cast %add3A_759 : i32 to index
          %get3A_777 = arith.constant 32 : index
          %get3A_778 = tpu.vector_load %arg5[%get3A_775, %get3A_776, %get3A_777] {strides = array<i32>} : memref<3x256x128xf32, #tpu.memory_space<vmem>>, vector<1x1x16xf32>,
          %get3A_779 = vector.shape_cast %get3A_778 : vector<1x1x16xf32> to vector<16xf32>
          %add3A_780 = arith.addf %add3A_718, %get3A_779 : vector<16xf32>
          %get3A_781 = arith.constant 1 : i32
          %get3A_782 = arith.index_cast %get3A_781 : i32 to index
          %get3A_783 = arith.index_cast %add3A_759 : i32 to index
          %get3A_784 = arith.constant 48 : index
          %get3A_785 = tpu.vector_load %arg5[%get3A_782, %get3A_783, %get3A_784] {strides = array<i32>} : memref<3x256x128xf32, #tpu.memory_space<vmem>>, vector<1x1x16xf32>,
          %get3A_786 = vector.shape_cast %get3A_785 : vector<1x1x16xf32> to vector<16xf32>
          %add3A_787 = arith.addf %add3A_725, %get3A_786 : vector<16xf32>
          %get3A_788 = arith.constant 1 : i32
          %get3A_789 = arith.index_cast %get3A_788 : i32 to index
          %get3A_790 = arith.index_cast %add3A_759 : i32 to index
          %get3A_791 = arith.constant 64 : index
          %get3A_792 = tpu.vector_load %arg5[%get3A_789, %get3A_790, %get3A_791] {strides = array<i32>} : memref<3x256x128xf32, #tpu.memory_space<vmem>>, vector<1x1x16xf32>,
          %get3A_793 = vector.shape_cast %get3A_792 : vector<1x1x16xf32> to vector<16xf32>
          %add3A_794 = arith.addf %add3A_732, %get3A_793 : vector<16xf32>
          %get3A_795 = arith.constant 1 : i32
          %get3A_796 = arith.index_cast %get3A_795 : i32 to index
          %get3A_797 = arith.index_cast %add3A_759 : i32 to index
          %get3A_798 = arith.constant 80 : index
          %get3A_799 = tpu.vector_load %arg5[%get3A_796, %get3A_797, %get3A_798] {strides = array<i32>} : memref<3x256x128xf32, #tpu.memory_space<vmem>>, vector<1x1x16xf32>,
          %get3A_800 = vector.shape_cast %get3A_799 : vector<1x1x16xf32> to vector<16xf32>
          %add3A_801 = arith.addf %add3A_739, %get3A_800 : vector<16xf32>
          %get3A_802 = arith.constant 1 : i32
          %get3A_803 = arith.index_cast %get3A_802 : i32 to index
          %get3A_804 = arith.index_cast %add3A_759 : i32 to index
          %get3A_805 = arith.constant 96 : index
          %get3A_806 = tpu.vector_load %arg5[%get3A_803, %get3A_804, %get3A_805] {strides = array<i32>} : memref<3x256x128xf32, #tpu.memory_space<vmem>>, vector<1x1x16xf32>,
          %get3A_807 = vector.shape_cast %get3A_806 : vector<1x1x16xf32> to vector<16xf32>
          %add3A_808 = arith.addf %add3A_746, %get3A_807 : vector<16xf32>
          %get3A_809 = arith.constant 1 : i32
          %get3A_810 = arith.index_cast %get3A_809 : i32 to index
          %get3A_811 = arith.index_cast %add3A_759 : i32 to index
          %get3A_812 = arith.constant 112 : index
          %get3A_813 = tpu.vector_load %arg5[%get3A_810, %get3A_811, %get3A_812] {strides = array<i32>} : memref<3x256x128xf32, #tpu.memory_space<vmem>>, vector<1x1x16xf32>,
          %get3A_814 = vector.shape_cast %get3A_813 : vector<1x1x16xf32> to vector<16xf32>
          %add3A_815 = arith.addf %add3A_753, %get3A_814 : vector<16xf32>
          %mul3A_816 = arith.constant 8 : i32
          %mul3A_817 = arith.muli %scan3A_497, %mul3A_816 : i32
          %add3A_818 = arith.constant 0 : i32
          %add3A_819 = arith.addi %add3A_818, %mul3A_817 : i32
          %add3A_820 = arith.constant 5 : i32
          %add3A_821 = arith.addi %add3A_819, %add3A_820 : i32
          %get3A_822 = arith.constant 1 : i32
          %get3A_823 = arith.index_cast %get3A_822 : i32 to index
          %get3A_824 = arith.index_cast %add3A_821 : i32 to index
          %get3A_825 = arith.constant 0 : index
          %get3A_826 = tpu.vector_load %arg5[%get3A_823, %get3A_824, %get3A_825] {strides = array<i32>} : memref<3x256x128xf32, #tpu.memory_space<vmem>>, vector<1x1x16xf32>,
          %get3A_827 = vector.shape_cast %get3A_826 : vector<1x1x16xf32> to vector<16xf32>
          %add3A_828 = arith.addf %add3A_766, %get3A_827 : vector<16xf32>
          %get3A_829 = arith.constant 1 : i32
          %get3A_830 = arith.index_cast %get3A_829 : i32 to index
          %get3A_831 = arith.index_cast %add3A_821 : i32 to index
          %get3A_832 = arith.constant 16 : index
          %get3A_833 = tpu.vector_load %arg5[%get3A_830, %get3A_831, %get3A_832] {strides = array<i32>} : memref<3x256x128xf32, #tpu.memory_space<vmem>>, vector<1x1x16xf32>,
          %get3A_834 = vector.shape_cast %get3A_833 : vector<1x1x16xf32> to vector<16xf32>
          %add3A_835 = arith.addf %add3A_773, %get3A_834 : vector<16xf32>
          %get3A_836 = arith.constant 1 : i32
          %get3A_837 = arith.index_cast %get3A_836 : i32 to index
          %get3A_838 = arith.index_cast %add3A_821 : i32 to index
          %get3A_839 = arith.constant 32 : index
          %get3A_840 = tpu.vector_load %arg5[%get3A_837, %get3A_838, %get3A_839] {strides = array<i32>} : memref<3x256x128xf32, #tpu.memory_space<vmem>>, vector<1x1x16xf32>,
          %get3A_841 = vector.shape_cast %get3A_840 : vector<1x1x16xf32> to vector<16xf32>
          %add3A_842 = arith.addf %add3A_780, %get3A_841 : vector<16xf32>
          %get3A_843 = arith.constant 1 : i32
          %get3A_844 = arith.index_cast %get3A_843 : i32 to index
          %get3A_845 = arith.index_cast %add3A_821 : i32 to index
          %get3A_846 = arith.constant 48 : index
          %get3A_847 = tpu.vector_load %arg5[%get3A_844, %get3A_845, %get3A_846] {strides = array<i32>} : memref<3x256x128xf32, #tpu.memory_space<vmem>>, vector<1x1x16xf32>,
          %get3A_848 = vector.shape_cast %get3A_847 : vector<1x1x16xf32> to vector<16xf32>
          %add3A_849 = arith.addf %add3A_787, %get3A_848 : vector<16xf32>
          %get3A_850 = arith.constant 1 : i32
          %get3A_851 = arith.index_cast %get3A_850 : i32 to index
          %get3A_852 = arith.index_cast %add3A_821 : i32 to index
          %get3A_853 = arith.constant 64 : index
          %get3A_854 = tpu.vector_load %arg5[%get3A_851, %get3A_852, %get3A_853] {strides = array<i32>} : memref<3x256x128xf32, #tpu.memory_space<vmem>>, vector<1x1x16xf32>,
          %get3A_855 = vector.shape_cast %get3A_854 : vector<1x1x16xf32> to vector<16xf32>
          %add3A_856 = arith.addf %add3A_794, %get3A_855 : vector<16xf32>
          %get3A_857 = arith.constant 1 : i32
          %get3A_858 = arith.index_cast %get3A_857 : i32 to index
          %get3A_859 = arith.index_cast %add3A_821 : i32 to index
          %get3A_860 = arith.constant 80 : index
          %get3A_861 = tpu.vector_load %arg5[%get3A_858, %get3A_859, %get3A_860] {strides = array<i32>} : memref<3x256x128xf32, #tpu.memory_space<vmem>>, vector<1x1x16xf32>,
          %get3A_862 = vector.shape_cast %get3A_861 : vector<1x1x16xf32> to vector<16xf32>
          %add3A_863 = arith.addf %add3A_801, %get3A_862 : vector<16xf32>
          %get3A_864 = arith.constant 1 : i32
          %get3A_865 = arith.index_cast %get3A_864 : i32 to index
          %get3A_866 = arith.index_cast %add3A_821 : i32 to index
          %get3A_867 = arith.constant 96 : index
          %get3A_868 = tpu.vector_load %arg5[%get3A_865, %get3A_866, %get3A_867] {strides = array<i32>} : memref<3x256x128xf32, #tpu.memory_space<vmem>>, vector<1x1x16xf32>,
          %get3A_869 = vector.shape_cast %get3A_868 : vector<1x1x16xf32> to vector<16xf32>
          %add3A_870 = arith.addf %add3A_808, %get3A_869 : vector<16xf32>
          %get3A_871 = arith.constant 1 : i32
          %get3A_872 = arith.index_cast %get3A_871 : i32 to index
          %get3A_873 = arith.index_cast %add3A_821 : i32 to index
          %get3A_874 = arith.constant 112 : index
          %get3A_875 = tpu.vector_load %arg5[%get3A_872, %get3A_873, %get3A_874] {strides = array<i32>} : memref<3x256x128xf32, #tpu.memory_space<vmem>>, vector<1x1x16xf32>,
          %get3A_876 = vector.shape_cast %get3A_875 : vector<1x1x16xf32> to vector<16xf32>
          %add3A_877 = arith.addf %add3A_815, %get3A_876 : vector<16xf32>
          %mul3A_878 = arith.constant 8 : i32
          %mul3A_879 = arith.muli %scan3A_497, %mul3A_878 : i32
          %add3A_880 = arith.constant 0 : i32
          %add3A_881 = arith.addi %add3A_880, %mul3A_879 : i32
          %add3A_882 = arith.constant 6 : i32
          %add3A_883 = arith.addi %add3A_881, %add3A_882 : i32
          %get3A_884 = arith.constant 1 : i32
          %get3A_885 = arith.index_cast %get3A_884 : i32 to index
          %get3A_886 = arith.index_cast %add3A_883 : i32 to index
          %get3A_887 = arith.constant 0 : index
          %get3A_888 = tpu.vector_load %arg5[%get3A_885, %get3A_886, %get3A_887] {strides = array<i32>} : memref<3x256x128xf32, #tpu.memory_space<vmem>>, vector<1x1x16xf32>,
          %get3A_889 = vector.shape_cast %get3A_888 : vector<1x1x16xf32> to vector<16xf32>
          %add3A_890 = arith.addf %add3A_828, %get3A_889 : vector<16xf32>
          %get3A_891 = arith.constant 1 : i32
          %get3A_892 = arith.index_cast %get3A_891 : i32 to index
          %get3A_893 = arith.index_cast %add3A_883 : i32 to index
          %get3A_894 = arith.constant 16 : index
          %get3A_895 = tpu.vector_load %arg5[%get3A_892, %get3A_893, %get3A_894] {strides = array<i32>} : memref<3x256x128xf32, #tpu.memory_space<vmem>>, vector<1x1x16xf32>,
          %get3A_896 = vector.shape_cast %get3A_895 : vector<1x1x16xf32> to vector<16xf32>
          %add3A_897 = arith.addf %add3A_835, %get3A_896 : vector<16xf32>
          %get3A_898 = arith.constant 1 : i32
          %get3A_899 = arith.index_cast %get3A_898 : i32 to index
          %get3A_900 = arith.index_cast %add3A_883 : i32 to index
          %get3A_901 = arith.constant 32 : index
          %get3A_902 = tpu.vector_load %arg5[%get3A_899, %get3A_900, %get3A_901] {strides = array<i32>} : memref<3x256x128xf32, #tpu.memory_space<vmem>>, vector<1x1x16xf32>,
          %get3A_903 = vector.shape_cast %get3A_902 : vector<1x1x16xf32> to vector<16xf32>
          %add3A_904 = arith.addf %add3A_842, %get3A_903 : vector<16xf32>
          %get3A_905 = arith.constant 1 : i32
          %get3A_906 = arith.index_cast %get3A_905 : i32 to index
          %get3A_907 = arith.index_cast %add3A_883 : i32 to index
          %get3A_908 = arith.constant 48 : index
          %get3A_909 = tpu.vector_load %arg5[%get3A_906, %get3A_907, %get3A_908] {strides = array<i32>} : memref<3x256x128xf32, #tpu.memory_space<vmem>>, vector<1x1x16xf32>,
          %get3A_910 = vector.shape_cast %get3A_909 : vector<1x1x16xf32> to vector<16xf32>
          %add3A_911 = arith.addf %add3A_849, %get3A_910 : vector<16xf32>
          %get3A_912 = arith.constant 1 : i32
          %get3A_913 = arith.index_cast %get3A_912 : i32 to index
          %get3A_914 = arith.index_cast %add3A_883 : i32 to index
          %get3A_915 = arith.constant 64 : index
          %get3A_916 = tpu.vector_load %arg5[%get3A_913, %get3A_914, %get3A_915] {strides = array<i32>} : memref<3x256x128xf32, #tpu.memory_space<vmem>>, vector<1x1x16xf32>,
          %get3A_917 = vector.shape_cast %get3A_916 : vector<1x1x16xf32> to vector<16xf32>
          %add3A_918 = arith.addf %add3A_856, %get3A_917 : vector<16xf32>
          %get3A_919 = arith.constant 1 : i32
          %get3A_920 = arith.index_cast %get3A_919 : i32 to index
          %get3A_921 = arith.index_cast %add3A_883 : i32 to index
          %get3A_922 = arith.constant 80 : index
          %get3A_923 = tpu.vector_load %arg5[%get3A_920, %get3A_921, %get3A_922] {strides = array<i32>} : memref<3x256x128xf32, #tpu.memory_space<vmem>>, vector<1x1x16xf32>,
          %get3A_924 = vector.shape_cast %get3A_923 : vector<1x1x16xf32> to vector<16xf32>
          %add3A_925 = arith.addf %add3A_863, %get3A_924 : vector<16xf32>
          %get3A_926 = arith.constant 1 : i32
          %get3A_927 = arith.index_cast %get3A_926 : i32 to index
          %get3A_928 = arith.index_cast %add3A_883 : i32 to index
          %get3A_929 = arith.constant 96 : index
          %get3A_930 = tpu.vector_load %arg5[%get3A_927, %get3A_928, %get3A_929] {strides = array<i32>} : memref<3x256x128xf32, #tpu.memory_space<vmem>>, vector<1x1x16xf32>,
          %get3A_931 = vector.shape_cast %get3A_930 : vector<1x1x16xf32> to vector<16xf32>
          %add3A_932 = arith.addf %add3A_870, %get3A_931 : vector<16xf32>
          %get3A_933 = arith.constant 1 : i32
          %get3A_934 = arith.index_cast %get3A_933 : i32 to index
          %get3A_935 = arith.index_cast %add3A_883 : i32 to index
          %get3A_936 = arith.constant 112 : index
          %get3A_937 = tpu.vector_load %arg5[%get3A_934, %get3A_935, %get3A_936] {strides = array<i32>} : memref<3x256x128xf32, #tpu.memory_space<vmem>>, vector<1x1x16xf32>,
          %get3A_938 = vector.shape_cast %get3A_937 : vector<1x1x16xf32> to vector<16xf32>
          %add3A_939 = arith.addf %add3A_877, %get3A_938 : vector<16xf32>
          %mul3A_940 = arith.constant 8 : i32
          %mul3A_941 = arith.muli %scan3A_497, %mul3A_940 : i32
          %add3A_942 = arith.constant 0 : i32
          %add3A_943 = arith.addi %add3A_942, %mul3A_941 : i32
          %add3A_944 = arith.constant 7 : i32
          %add3A_945 = arith.addi %add3A_943, %add3A_944 : i32
          %get3A_946 = arith.constant 1 : i32
          %get3A_947 = arith.index_cast %get3A_946 : i32 to index
          %get3A_948 = arith.index_cast %add3A_945 : i32 to index
          %get3A_949 = arith.constant 0 : index
          %get3A_950 = tpu.vector_load %arg5[%get3A_947, %get3A_948, %get3A_949] {strides = array<i32>} : memref<3x256x128xf32, #tpu.memory_space<vmem>>, vector<1x1x16xf32>,
          %get3A_951 = vector.shape_cast %get3A_950 : vector<1x1x16xf32> to vector<16xf32>
          %add3A_952 = arith.addf %add3A_890, %get3A_951 : vector<16xf32>
          %get3A_953 = arith.constant 1 : i32
          %get3A_954 = arith.index_cast %get3A_953 : i32 to index
          %get3A_955 = arith.index_cast %add3A_945 : i32 to index
          %get3A_956 = arith.constant 16 : index
          %get3A_957 = tpu.vector_load %arg5[%get3A_954, %get3A_955, %get3A_956] {strides = array<i32>} : memref<3x256x128xf32, #tpu.memory_space<vmem>>, vector<1x1x16xf32>,
          %get3A_958 = vector.shape_cast %get3A_957 : vector<1x1x16xf32> to vector<16xf32>
          %add3A_959 = arith.addf %add3A_897, %get3A_958 : vector<16xf32>
          %get3A_960 = arith.constant 1 : i32
          %get3A_961 = arith.index_cast %get3A_960 : i32 to index
          %get3A_962 = arith.index_cast %add3A_945 : i32 to index
          %get3A_963 = arith.constant 32 : index
          %get3A_964 = tpu.vector_load %arg5[%get3A_961, %get3A_962, %get3A_963] {strides = array<i32>} : memref<3x256x128xf32, #tpu.memory_space<vmem>>, vector<1x1x16xf32>,
          %get3A_965 = vector.shape_cast %get3A_964 : vector<1x1x16xf32> to vector<16xf32>
          %add3A_966 = arith.addf %add3A_904, %get3A_965 : vector<16xf32>
          %get3A_967 = arith.constant 1 : i32
          %get3A_968 = arith.index_cast %get3A_967 : i32 to index
          %get3A_969 = arith.index_cast %add3A_945 : i32 to index
          %get3A_970 = arith.constant 48 : index
          %get3A_971 = tpu.vector_load %arg5[%get3A_968, %get3A_969, %get3A_970] {strides = array<i32>} : memref<3x256x128xf32, #tpu.memory_space<vmem>>, vector<1x1x16xf32>,
          %get3A_972 = vector.shape_cast %get3A_971 : vector<1x1x16xf32> to vector<16xf32>
          %add3A_973 = arith.addf %add3A_911, %get3A_972 : vector<16xf32>
          %get3A_974 = arith.constant 1 : i32
          %get3A_975 = arith.index_cast %get3A_974 : i32 to index
          %get3A_976 = arith.index_cast %add3A_945 : i32 to index
          %get3A_977 = arith.constant 64 : index
          %get3A_978 = tpu.vector_load %arg5[%get3A_975, %get3A_976, %get3A_977] {strides = array<i32>} : memref<3x256x128xf32, #tpu.memory_space<vmem>>, vector<1x1x16xf32>,
          %get3A_979 = vector.shape_cast %get3A_978 : vector<1x1x16xf32> to vector<16xf32>
          %add3A_980 = arith.addf %add3A_918, %get3A_979 : vector<16xf32>
          %get3A_981 = arith.constant 1 : i32
          %get3A_982 = arith.index_cast %get3A_981 : i32 to index
          %get3A_983 = arith.index_cast %add3A_945 : i32 to index
          %get3A_984 = arith.constant 80 : index
          %get3A_985 = tpu.vector_load %arg5[%get3A_982, %get3A_983, %get3A_984] {strides = array<i32>} : memref<3x256x128xf32, #tpu.memory_space<vmem>>, vector<1x1x16xf32>,
          %get3A_986 = vector.shape_cast %get3A_985 : vector<1x1x16xf32> to vector<16xf32>
          %add3A_987 = arith.addf %add3A_925, %get3A_986 : vector<16xf32>
          %get3A_988 = arith.constant 1 : i32
          %get3A_989 = arith.index_cast %get3A_988 : i32 to index
          %get3A_990 = arith.index_cast %add3A_945 : i32 to index
          %get3A_991 = arith.constant 96 : index
          %get3A_992 = tpu.vector_load %arg5[%get3A_989, %get3A_990, %get3A_991] {strides = array<i32>} : memref<3x256x128xf32, #tpu.memory_space<vmem>>, vector<1x1x16xf32>,
          %get3A_993 = vector.shape_cast %get3A_992 : vector<1x1x16xf32> to vector<16xf32>
          %add3A_994 = arith.addf %add3A_932, %get3A_993 : vector<16xf32>
          %get3A_995 = arith.constant 1 : i32
          %get3A_996 = arith.index_cast %get3A_995 : i32 to index
          %get3A_997 = arith.index_cast %add3A_945 : i32 to index
          %get3A_998 = arith.constant 112 : index
          %get3A_999 = tpu.vector_load %arg5[%get3A_996, %get3A_997, %get3A_998] {strides = array<i32>} : memref<3x256x128xf32, #tpu.memory_space<vmem>>, vector<1x1x16xf32>,
          %get3A_1000 = vector.shape_cast %get3A_999 : vector<1x1x16xf32> to vector<16xf32>
          %add3A_1001 = arith.addf %add3A_939, %get3A_1000 : vector<16xf32>
          scf.yield %add3A_952, %add3A_959, %add3A_966, %add3A_973, %add3A_980, %add3A_987, %add3A_994, %add3A_1001 : vector<16xf32>, vector<16xf32>, vector<16xf32>, vector<16xf32>, vector<16xf32>, vector<16xf32>, vector<16xf32>, vector<16xf32>
        }
        %scan3A_416 = arith.constant 16 : i32
        %get3A_417 = arith.index_cast %sub3A_254 : i32 to index
        %get3A_418 = arith.constant 0 : index
        %get3A_419 = tpu.vector_load %arg8[%get3A_417, %get3A_418] {strides = array<i32>} : memref<64x128xf32, #tpu.memory_space<vmem>>, vector<1x16xf32>,
        %get3A_420 = vector.shape_cast %get3A_419 : vector<1x16xf32> to vector<16xf32>
        %add3A_421 = arith.addf %get3A_420, %scan3A_415#0 : vector<16xf32>
        %swap3A_422 = arith.index_cast %sub3A_254 : i32 to index
        %swap3A_423 = arith.constant 0 : index
        %swap3A_424 = tpu.vector_load %arg8[%swap3A_422, %swap3A_423] {strides = array<i32>} : memref<64x128xf32, #tpu.memory_space<vmem>>, vector<1x16xf32>,
        %swap3A_425 = vector.shape_cast %swap3A_424 : vector<1x16xf32> to vector<16xf32>
        %swap3A_426 = vector.shape_cast %add3A_421 : vector<16xf32> to vector<1x16xf32>
        tpu.vector_store %arg8[%swap3A_422, %swap3A_423], %swap3A_426 {strides = array<i32>} : memref<64x128xf32, #tpu.memory_space<vmem>>, vector<1x16xf32>,
        %get3A_427 = arith.index_cast %sub3A_254 : i32 to index
        %get3A_428 = arith.constant 16 : index
        %get3A_429 = tpu.vector_load %arg8[%get3A_427, %get3A_428] {strides = array<i32>} : memref<64x128xf32, #tpu.memory_space<vmem>>, vector<1x16xf32>,
        %get3A_430 = vector.shape_cast %get3A_429 : vector<1x16xf32> to vector<16xf32>
        %add3A_431 = arith.addf %get3A_430, %scan3A_415#1 : vector<16xf32>
        %swap3A_432 = arith.index_cast %sub3A_254 : i32 to index
        %swap3A_433 = arith.constant 16 : index
        %swap3A_434 = tpu.vector_load %arg8[%swap3A_432, %swap3A_433] {strides = array<i32>} : memref<64x128xf32, #tpu.memory_space<vmem>>, vector<1x16xf32>,
        %swap3A_435 = vector.shape_cast %swap3A_434 : vector<1x16xf32> to vector<16xf32>
        %swap3A_436 = vector.shape_cast %add3A_431 : vector<16xf32> to vector<1x16xf32>
        tpu.vector_store %arg8[%swap3A_432, %swap3A_433], %swap3A_436 {strides = array<i32>} : memref<64x128xf32, #tpu.memory_space<vmem>>, vector<1x16xf32>,
        %get3A_437 = arith.index_cast %sub3A_254 : i32 to index
        %get3A_438 = arith.constant 32 : index
        %get3A_439 = tpu.vector_load %arg8[%get3A_437, %get3A_438] {strides = array<i32>} : memref<64x128xf32, #tpu.memory_space<vmem>>, vector<1x16xf32>,
        %get3A_440 = vector.shape_cast %get3A_439 : vector<1x16xf32> to vector<16xf32>
        %add3A_441 = arith.addf %get3A_440, %scan3A_415#2 : vector<16xf32>
        %swap3A_442 = arith.index_cast %sub3A_254 : i32 to index
        %swap3A_443 = arith.constant 32 : index
        %swap3A_444 = tpu.vector_load %arg8[%swap3A_442, %swap3A_443] {strides = array<i32>} : memref<64x128xf32, #tpu.memory_space<vmem>>, vector<1x16xf32>,
        %swap3A_445 = vector.shape_cast %swap3A_444 : vector<1x16xf32> to vector<16xf32>
        %swap3A_446 = vector.shape_cast %add3A_441 : vector<16xf32> to vector<1x16xf32>
        tpu.vector_store %arg8[%swap3A_442, %swap3A_443], %swap3A_446 {strides = array<i32>} : memref<64x128xf32, #tpu.memory_space<vmem>>, vector<1x16xf32>,
        %get3A_447 = arith.index_cast %sub3A_254 : i32 to index
        %get3A_448 = arith.constant 48 : index
        %get3A_449 = tpu.vector_load %arg8[%get3A_447, %get3A_448] {strides = array<i32>} : memref<64x128xf32, #tpu.memory_space<vmem>>, vector<1x16xf32>,
        %get3A_450 = vector.shape_cast %get3A_449 : vector<1x16xf32> to vector<16xf32>
        %add3A_451 = arith.addf %get3A_450, %scan3A_415#3 : vector<16xf32>
        %swap3A_452 = arith.index_cast %sub3A_254 : i32 to index
        %swap3A_453 = arith.constant 48 : index
        %swap3A_454 = tpu.vector_load %arg8[%swap3A_452, %swap3A_453] {strides = array<i32>} : memref<64x128xf32, #tpu.memory_space<vmem>>, vector<1x16xf32>,
        %swap3A_455 = vector.shape_cast %swap3A_454 : vector<1x16xf32> to vector<16xf32>
        %swap3A_456 = vector.shape_cast %add3A_451 : vector<16xf32> to vector<1x16xf32>
        tpu.vector_store %arg8[%swap3A_452, %swap3A_453], %swap3A_456 {strides = array<i32>} : memref<64x128xf32, #tpu.memory_space<vmem>>, vector<1x16xf32>,
        %get3A_457 = arith.index_cast %sub3A_254 : i32 to index
        %get3A_458 = arith.constant 64 : index
        %get3A_459 = tpu.vector_load %arg8[%get3A_457, %get3A_458] {strides = array<i32>} : memref<64x128xf32, #tpu.memory_space<vmem>>, vector<1x16xf32>,
        %get3A_460 = vector.shape_cast %get3A_459 : vector<1x16xf32> to vector<16xf32>
        %add3A_461 = arith.addf %get3A_460, %scan3A_415#4 : vector<16xf32>
        %swap3A_462 = arith.index_cast %sub3A_254 : i32 to index
        %swap3A_463 = arith.constant 64 : index
        %swap3A_464 = tpu.vector_load %arg8[%swap3A_462, %swap3A_463] {strides = array<i32>} : memref<64x128xf32, #tpu.memory_space<vmem>>, vector<1x16xf32>,
        %swap3A_465 = vector.shape_cast %swap3A_464 : vector<1x16xf32> to vector<16xf32>
        %swap3A_466 = vector.shape_cast %add3A_461 : vector<16xf32> to vector<1x16xf32>
        tpu.vector_store %arg8[%swap3A_462, %swap3A_463], %swap3A_466 {strides = array<i32>} : memref<64x128xf32, #tpu.memory_space<vmem>>, vector<1x16xf32>,
        %get3A_467 = arith.index_cast %sub3A_254 : i32 to index
        %get3A_468 = arith.constant 80 : index
        %get3A_469 = tpu.vector_load %arg8[%get3A_467, %get3A_468] {strides = array<i32>} : memref<64x128xf32, #tpu.memory_space<vmem>>, vector<1x16xf32>,
        %get3A_470 = vector.shape_cast %get3A_469 : vector<1x16xf32> to vector<16xf32>
        %add3A_471 = arith.addf %get3A_470, %scan3A_415#5 : vector<16xf32>
        %swap3A_472 = arith.index_cast %sub3A_254 : i32 to index
        %swap3A_473 = arith.constant 80 : index
        %swap3A_474 = tpu.vector_load %arg8[%swap3A_472, %swap3A_473] {strides = array<i32>} : memref<64x128xf32, #tpu.memory_space<vmem>>, vector<1x16xf32>,
        %swap3A_475 = vector.shape_cast %swap3A_474 : vector<1x16xf32> to vector<16xf32>
        %swap3A_476 = vector.shape_cast %add3A_471 : vector<16xf32> to vector<1x16xf32>
        tpu.vector_store %arg8[%swap3A_472, %swap3A_473], %swap3A_476 {strides = array<i32>} : memref<64x128xf32, #tpu.memory_space<vmem>>, vector<1x16xf32>,
        %get3A_477 = arith.index_cast %sub3A_254 : i32 to index
        %get3A_478 = arith.constant 96 : index
        %get3A_479 = tpu.vector_load %arg8[%get3A_477, %get3A_478] {strides = array<i32>} : memref<64x128xf32, #tpu.memory_space<vmem>>, vector<1x16xf32>,
        %get3A_480 = vector.shape_cast %get3A_479 : vector<1x16xf32> to vector<16xf32>
        %add3A_481 = arith.addf %get3A_480, %scan3A_415#6 : vector<16xf32>
        %swap3A_482 = arith.index_cast %sub3A_254 : i32 to index
        %swap3A_483 = arith.constant 96 : index
        %swap3A_484 = tpu.vector_load %arg8[%swap3A_482, %swap3A_483] {strides = array<i32>} : memref<64x128xf32, #tpu.memory_space<vmem>>, vector<1x16xf32>,
        %swap3A_485 = vector.shape_cast %swap3A_484 : vector<1x16xf32> to vector<16xf32>
        %swap3A_486 = vector.shape_cast %add3A_481 : vector<16xf32> to vector<1x16xf32>
        tpu.vector_store %arg8[%swap3A_482, %swap3A_483], %swap3A_486 {strides = array<i32>} : memref<64x128xf32, #tpu.memory_space<vmem>>, vector<1x16xf32>,
        %get3A_487 = arith.index_cast %sub3A_254 : i32 to index
        %get3A_488 = arith.constant 112 : index
        %get3A_489 = tpu.vector_load %arg8[%get3A_487, %get3A_488] {strides = array<i32>} : memref<64x128xf32, #tpu.memory_space<vmem>>, vector<1x16xf32>,
        %get3A_490 = vector.shape_cast %get3A_489 : vector<1x16xf32> to vector<16xf32>
        %add3A_491 = arith.addf %get3A_490, %scan3A_415#7 : vector<16xf32>
        %swap3A_492 = arith.index_cast %sub3A_254 : i32 to index
        %swap3A_493 = arith.constant 112 : index
        %swap3A_494 = tpu.vector_load %arg8[%swap3A_492, %swap3A_493] {strides = array<i32>} : memref<64x128xf32, #tpu.memory_space<vmem>>, vector<1x16xf32>,
        %swap3A_495 = vector.shape_cast %swap3A_494 : vector<1x16xf32> to vector<16xf32>
        %swap3A_496 = vector.shape_cast %add3A_491 : vector<16xf32> to vector<1x16xf32>
        tpu.vector_store %arg8[%swap3A_492, %swap3A_493], %swap3A_496 {strides = array<i32>} : memref<64x128xf32, #tpu.memory_space<vmem>>, vector<1x16xf32>,
      } else {
      }
      %ne3A_262 = arith.cmpi ne, %squeeze3A_247, %squeeze3A_253 : i32
      %ge3A_263 = arith.constant 64 : i32
      %ge3A_264 = arith.cmpi sge, %sub3A_254, %ge3A_263 : i32
      %or3A_265 = arith.ori %ne3A_262, %ge3A_264 : i1
      %convert_element_type3A_266 = arith.extui %or3A_265 : i1 to i32
      %cond3A_267 = arith.constant 0 : i32
      %cond3A_268 = arith.cmpi ne, %convert_element_type3A_266, %cond3A_267 : i32
      scf.if %cond3A_268 {
        %run_scoped3A_395 = arith.constant 1 : i32
        "tpu.region"() ({
          %run_scoped3A_396 = tpu.sem_alloc : memref<!tpu.dma_semaphore, #tpu.memory_space<semaphore_mem>>
          %dma_start3A_397 = arith.constant 0 : i32
          %dma_start3A_398 = arith.constant 0 : i32
          %dma_start3A_399 = tpu.memref_slice %arg5[%run_scoped3A_395, %dma_start3A_397, %dma_start3A_398] : memref<3x256x128xf32, #tpu.memory_space<vmem>> -> memref<1x128x128xf32, #tpu.memory_space<vmem>>
          %dma_start3A_400 = tpu.memref_squeeze %dma_start3A_399 : memref<1x128x128xf32, #tpu.memory_space<vmem>> -> memref<128x128xf32, #tpu.memory_space<vmem>>
          %dma_start3A_401 = arith.constant 0 : i32
          %dma_start3A_402 = tpu.memref_slice %arg6[%add3A_241, %dma_start3A_401] : memref<80x128xi32, #tpu.memory_space<vmem>> -> memref<1x128xi32, #tpu.memory_space<vmem>>
          %dma_start3A_403 = tpu.memref_squeeze %dma_start3A_402 : memref<1x128xi32, #tpu.memory_space<vmem>> -> memref<128xi32, #tpu.memory_space<vmem>>
          %dma_start3A_404 = arith.constant 0 : i32
          %dma_start3A_405 = arith.constant 0 : i32
          %dma_start3A_406 = tpu.memref_slice %arg9[%dma_start3A_404, %dma_start3A_405] : memref<256x128xf32, #tpu.memory_space<vmem_shared>> -> memref<256x128xf32, #tpu.memory_space<vmem_shared>>
          tpu.enqueue_indirect_dma source(%dma_start3A_400 : memref<128x128xf32, #tpu.memory_space<vmem>>) target(%dma_start3A_406 : memref<256x128xf32, #tpu.memory_space<vmem_shared>>) offsets(%dma_start3A_403 : memref<128xi32, #tpu.memory_space<vmem>>) semaphore(%run_scoped3A_396 : memref<!tpu.dma_semaphore, #tpu.memory_space<semaphore_mem>>) {add = true}
          %dma_wait3A_407 = arith.constant 0 : i32
          %dma_wait3A_408 = arith.constant 0 : i32
          %dma_wait3A_409 = tpu.memref_slice %arg5[%run_scoped3A_395, %dma_wait3A_407, %dma_wait3A_408] : memref<3x256x128xf32, #tpu.memory_space<vmem>> -> memref<1x128x128xf32, #tpu.memory_space<vmem>>
          %dma_wait3A_410 = tpu.memref_squeeze %dma_wait3A_409 : memref<1x128x128xf32, #tpu.memory_space<vmem>> -> memref<128x128xf32, #tpu.memory_space<vmem>>
          %dma_wait3A_411 = arith.constant 0 : i32
          %dma_wait3A_412 = tpu.memref_slice %arg6[%add3A_241, %dma_wait3A_411] : memref<80x128xi32, #tpu.memory_space<vmem>> -> memref<1x128xi32, #tpu.memory_space<vmem>>
          %dma_wait3A_413 = tpu.memref_squeeze %dma_wait3A_412 : memref<1x128xi32, #tpu.memory_space<vmem>> -> memref<128xi32, #tpu.memory_space<vmem>>
          %dma_wait3A_414 = arith.constant 0 : i32
          %dma_wait3A_415 = arith.constant 0 : i32
          %dma_wait3A_416 = tpu.memref_slice %arg9[%dma_wait3A_414, %dma_wait3A_415] : memref<256x128xf32, #tpu.memory_space<vmem_shared>> -> memref<256x128xf32, #tpu.memory_space<vmem_shared>>
          tpu.wait_indirect_dma semaphore(%run_scoped3A_396 : memref<!tpu.dma_semaphore, #tpu.memory_space<semaphore_mem>>) src(%dma_wait3A_410 : memref<128x128xf32, #tpu.memory_space<vmem>>) dst(%dma_wait3A_416 : memref<256x128xf32, #tpu.memory_space<vmem_shared>>)
          tpu.yield
        }) : () -> ()
      } else {
      }
      %mul3A_269 = arith.constant 2 : i32
      %mul3A_270 = arith.muli %mul3A_269, %add3A_222 : i32
      %add3A_271 = arith.constant 1 : i32
      %add3A_272 = arith.addi %mul3A_270, %add3A_271 : i32
      %get3A_273 = arith.index_cast %add3A_272 : i32 to index
      %get3A_274 = arith.constant 0 : index
      %get3A_275 = tpu.vector_load %arg6[%get3A_273, %get3A_274] {strides = array<i32>} : memref<80x128xi32, #tpu.memory_space<vmem>>, vector<1x16xi32>,
      %get3A_276 = vector.shape_cast %get3A_275 : vector<1x16xi32> to vector<16xi32>
      %slice3A_277 = vector.extract_strided_slice %get3A_276 {offsets = [0], sizes = [1], strides = [1]} : vector<16xi32> to vector<1xi32>
      %squeeze3A_278 = vector.extract %slice3A_277[0] : i32 from vector<1xi32>
      %get3A_279 = arith.index_cast %add3A_272 : i32 to index
      %get3A_280 = arith.constant 112 : index
      %get3A_281 = tpu.vector_load %arg6[%get3A_279, %get3A_280] {strides = array<i32>} : memref<80x128xi32, #tpu.memory_space<vmem>>, vector<1x16xi32>,
      %get3A_282 = vector.shape_cast %get3A_281 : vector<1x16xi32> to vector<16xi32>
      %slice3A_283 = vector.extract_strided_slice %get3A_282 {offsets = [15], sizes = [1], strides = [1]} : vector<16xi32> to vector<1xi32>
      %squeeze3A_284 = vector.extract %slice3A_283[0] : i32 from vector<1xi32>
      %sub3A_285 = arith.subi %squeeze3A_278, %squeeze3A : i32
      %eq3A_286 = arith.cmpi eq, %squeeze3A_278, %squeeze3A_284 : i32
      %lt3A_287 = arith.constant 64 : i32
      %lt3A_288 = arith.cmpi slt, %sub3A_285, %lt3A_287 : i32
      %and3A_289 = arith.andi %eq3A_286, %lt3A_288 : i1
      %convert_element_type3A_290 = arith.extui %and3A_289 : i1 to i32
      %cond3A_291 = arith.constant 0 : i32
      %cond3A_292 = arith.cmpi ne, %convert_element_type3A_290, %cond3A_291 : i32
      scf.if %cond3A_292 {
        %broadcast_in_dim3A_395 = arith.constant 0.000000e+00 : f32
        %broadcast_in_dim3A_396 = vector.broadcast %broadcast_in_dim3A_395 : f32 to vector<16xf32>
        %broadcast_in_dim3A_397 = arith.constant 0.000000e+00 : f32
        %broadcast_in_dim3A_398 = vector.broadcast %broadcast_in_dim3A_397 : f32 to vector<16xf32>
        %broadcast_in_dim3A_399 = arith.constant 0.000000e+00 : f32
        %broadcast_in_dim3A_400 = vector.broadcast %broadcast_in_dim3A_399 : f32 to vector<16xf32>
        %broadcast_in_dim3A_401 = arith.constant 0.000000e+00 : f32
        %broadcast_in_dim3A_402 = vector.broadcast %broadcast_in_dim3A_401 : f32 to vector<16xf32>
        %broadcast_in_dim3A_403 = arith.constant 0.000000e+00 : f32
        %broadcast_in_dim3A_404 = vector.broadcast %broadcast_in_dim3A_403 : f32 to vector<16xf32>
        %broadcast_in_dim3A_405 = arith.constant 0.000000e+00 : f32
        %broadcast_in_dim3A_406 = vector.broadcast %broadcast_in_dim3A_405 : f32 to vector<16xf32>
        %broadcast_in_dim3A_407 = arith.constant 0.000000e+00 : f32
        %broadcast_in_dim3A_408 = vector.broadcast %broadcast_in_dim3A_407 : f32 to vector<16xf32>
        %broadcast_in_dim3A_409 = arith.constant 0.000000e+00 : f32
        %broadcast_in_dim3A_410 = vector.broadcast %broadcast_in_dim3A_409 : f32 to vector<16xf32>
        %scan3A_411 = arith.constant 0 : i32
        %scan3A_412 = arith.constant 16 : i32
        %scan3A_413 = arith.addi %scan3A_411, %scan3A_412 : i32
        %scan3A_414 = arith.constant 1 : i32
        %scan3A_415:8 = scf.for %scan3A_497 = %scan3A_411 to %scan3A_413 step %scan3A_414 iter_args(%scan3A_498 = %broadcast_in_dim3A_396, %scan3A_499 = %broadcast_in_dim3A_398, %scan3A_500 = %broadcast_in_dim3A_400, %scan3A_501 = %broadcast_in_dim3A_402, %scan3A_502 = %broadcast_in_dim3A_404, %scan3A_503 = %broadcast_in_dim3A_406, %scan3A_504 = %broadcast_in_dim3A_408, %scan3A_505 = %broadcast_in_dim3A_410) -> (vector<16xf32>, vector<16xf32>, vector<16xf32>, vector<16xf32>, vector<16xf32>, vector<16xf32>, vector<16xf32>, vector<16xf32>)  : i32 {
          %mul3A_506 = arith.constant 8 : i32
          %mul3A_507 = arith.muli %scan3A_497, %mul3A_506 : i32
          %add3A_508 = arith.constant 128 : i32
          %add3A_509 = arith.addi %add3A_508, %mul3A_507 : i32
          %add3A_510 = arith.constant 0 : i32
          %add3A_511 = arith.addi %add3A_509, %add3A_510 : i32
          %get3A_512 = arith.constant 1 : i32
          %get3A_513 = arith.index_cast %get3A_512 : i32 to index
          %get3A_514 = arith.index_cast %add3A_511 : i32 to index
          %get3A_515 = arith.constant 0 : index
          %get3A_516 = tpu.vector_load %arg5[%get3A_513, %get3A_514, %get3A_515] {strides = array<i32>} : memref<3x256x128xf32, #tpu.memory_space<vmem>>, vector<1x1x16xf32>,
          %get3A_517 = vector.shape_cast %get3A_516 : vector<1x1x16xf32> to vector<16xf32>
          %add3A_518 = arith.addf %scan3A_498, %get3A_517 : vector<16xf32>
          %get3A_519 = arith.constant 1 : i32
          %get3A_520 = arith.index_cast %get3A_519 : i32 to index
          %get3A_521 = arith.index_cast %add3A_511 : i32 to index
          %get3A_522 = arith.constant 16 : index
          %get3A_523 = tpu.vector_load %arg5[%get3A_520, %get3A_521, %get3A_522] {strides = array<i32>} : memref<3x256x128xf32, #tpu.memory_space<vmem>>, vector<1x1x16xf32>,
          %get3A_524 = vector.shape_cast %get3A_523 : vector<1x1x16xf32> to vector<16xf32>
          %add3A_525 = arith.addf %scan3A_499, %get3A_524 : vector<16xf32>
          %get3A_526 = arith.constant 1 : i32
          %get3A_527 = arith.index_cast %get3A_526 : i32 to index
          %get3A_528 = arith.index_cast %add3A_511 : i32 to index
          %get3A_529 = arith.constant 32 : index
          %get3A_530 = tpu.vector_load %arg5[%get3A_527, %get3A_528, %get3A_529] {strides = array<i32>} : memref<3x256x128xf32, #tpu.memory_space<vmem>>, vector<1x1x16xf32>,
          %get3A_531 = vector.shape_cast %get3A_530 : vector<1x1x16xf32> to vector<16xf32>
          %add3A_532 = arith.addf %scan3A_500, %get3A_531 : vector<16xf32>
          %get3A_533 = arith.constant 1 : i32
          %get3A_534 = arith.index_cast %get3A_533 : i32 to index
          %get3A_535 = arith.index_cast %add3A_511 : i32 to index
          %get3A_536 = arith.constant 48 : index
          %get3A_537 = tpu.vector_load %arg5[%get3A_534, %get3A_535, %get3A_536] {strides = array<i32>} : memref<3x256x128xf32, #tpu.memory_space<vmem>>, vector<1x1x16xf32>,
          %get3A_538 = vector.shape_cast %get3A_537 : vector<1x1x16xf32> to vector<16xf32>
          %add3A_539 = arith.addf %scan3A_501, %get3A_538 : vector<16xf32>
          %get3A_540 = arith.constant 1 : i32
          %get3A_541 = arith.index_cast %get3A_540 : i32 to index
          %get3A_542 = arith.index_cast %add3A_511 : i32 to index
          %get3A_543 = arith.constant 64 : index
          %get3A_544 = tpu.vector_load %arg5[%get3A_541, %get3A_542, %get3A_543] {strides = array<i32>} : memref<3x256x128xf32, #tpu.memory_space<vmem>>, vector<1x1x16xf32>,
          %get3A_545 = vector.shape_cast %get3A_544 : vector<1x1x16xf32> to vector<16xf32>
          %add3A_546 = arith.addf %scan3A_502, %get3A_545 : vector<16xf32>
          %get3A_547 = arith.constant 1 : i32
          %get3A_548 = arith.index_cast %get3A_547 : i32 to index
          %get3A_549 = arith.index_cast %add3A_511 : i32 to index
          %get3A_550 = arith.constant 80 : index
          %get3A_551 = tpu.vector_load %arg5[%get3A_548, %get3A_549, %get3A_550] {strides = array<i32>} : memref<3x256x128xf32, #tpu.memory_space<vmem>>, vector<1x1x16xf32>,
          %get3A_552 = vector.shape_cast %get3A_551 : vector<1x1x16xf32> to vector<16xf32>
          %add3A_553 = arith.addf %scan3A_503, %get3A_552 : vector<16xf32>
          %get3A_554 = arith.constant 1 : i32
          %get3A_555 = arith.index_cast %get3A_554 : i32 to index
          %get3A_556 = arith.index_cast %add3A_511 : i32 to index
          %get3A_557 = arith.constant 96 : index
          %get3A_558 = tpu.vector_load %arg5[%get3A_555, %get3A_556, %get3A_557] {strides = array<i32>} : memref<3x256x128xf32, #tpu.memory_space<vmem>>, vector<1x1x16xf32>,
          %get3A_559 = vector.shape_cast %get3A_558 : vector<1x1x16xf32> to vector<16xf32>
          %add3A_560 = arith.addf %scan3A_504, %get3A_559 : vector<16xf32>
          %get3A_561 = arith.constant 1 : i32
          %get3A_562 = arith.index_cast %get3A_561 : i32 to index
          %get3A_563 = arith.index_cast %add3A_511 : i32 to index
          %get3A_564 = arith.constant 112 : index
          %get3A_565 = tpu.vector_load %arg5[%get3A_562, %get3A_563, %get3A_564] {strides = array<i32>} : memref<3x256x128xf32, #tpu.memory_space<vmem>>, vector<1x1x16xf32>,
          %get3A_566 = vector.shape_cast %get3A_565 : vector<1x1x16xf32> to vector<16xf32>
          %add3A_567 = arith.addf %scan3A_505, %get3A_566 : vector<16xf32>
          %mul3A_568 = arith.constant 8 : i32
          %mul3A_569 = arith.muli %scan3A_497, %mul3A_568 : i32
          %add3A_570 = arith.constant 128 : i32
          %add3A_571 = arith.addi %add3A_570, %mul3A_569 : i32
          %add3A_572 = arith.constant 1 : i32
          %add3A_573 = arith.addi %add3A_571, %add3A_572 : i32
          %get3A_574 = arith.constant 1 : i32
          %get3A_575 = arith.index_cast %get3A_574 : i32 to index
          %get3A_576 = arith.index_cast %add3A_573 : i32 to index
          %get3A_577 = arith.constant 0 : index
          %get3A_578 = tpu.vector_load %arg5[%get3A_575, %get3A_576, %get3A_577] {strides = array<i32>} : memref<3x256x128xf32, #tpu.memory_space<vmem>>, vector<1x1x16xf32>,
          %get3A_579 = vector.shape_cast %get3A_578 : vector<1x1x16xf32> to vector<16xf32>
          %add3A_580 = arith.addf %add3A_518, %get3A_579 : vector<16xf32>
          %get3A_581 = arith.constant 1 : i32
          %get3A_582 = arith.index_cast %get3A_581 : i32 to index
          %get3A_583 = arith.index_cast %add3A_573 : i32 to index
          %get3A_584 = arith.constant 16 : index
          %get3A_585 = tpu.vector_load %arg5[%get3A_582, %get3A_583, %get3A_584] {strides = array<i32>} : memref<3x256x128xf32, #tpu.memory_space<vmem>>, vector<1x1x16xf32>,
          %get3A_586 = vector.shape_cast %get3A_585 : vector<1x1x16xf32> to vector<16xf32>
          %add3A_587 = arith.addf %add3A_525, %get3A_586 : vector<16xf32>
          %get3A_588 = arith.constant 1 : i32
          %get3A_589 = arith.index_cast %get3A_588 : i32 to index
          %get3A_590 = arith.index_cast %add3A_573 : i32 to index
          %get3A_591 = arith.constant 32 : index
          %get3A_592 = tpu.vector_load %arg5[%get3A_589, %get3A_590, %get3A_591] {strides = array<i32>} : memref<3x256x128xf32, #tpu.memory_space<vmem>>, vector<1x1x16xf32>,
          %get3A_593 = vector.shape_cast %get3A_592 : vector<1x1x16xf32> to vector<16xf32>
          %add3A_594 = arith.addf %add3A_532, %get3A_593 : vector<16xf32>
          %get3A_595 = arith.constant 1 : i32
          %get3A_596 = arith.index_cast %get3A_595 : i32 to index
          %get3A_597 = arith.index_cast %add3A_573 : i32 to index
          %get3A_598 = arith.constant 48 : index
          %get3A_599 = tpu.vector_load %arg5[%get3A_596, %get3A_597, %get3A_598] {strides = array<i32>} : memref<3x256x128xf32, #tpu.memory_space<vmem>>, vector<1x1x16xf32>,
          %get3A_600 = vector.shape_cast %get3A_599 : vector<1x1x16xf32> to vector<16xf32>
          %add3A_601 = arith.addf %add3A_539, %get3A_600 : vector<16xf32>
          %get3A_602 = arith.constant 1 : i32
          %get3A_603 = arith.index_cast %get3A_602 : i32 to index
          %get3A_604 = arith.index_cast %add3A_573 : i32 to index
          %get3A_605 = arith.constant 64 : index
          %get3A_606 = tpu.vector_load %arg5[%get3A_603, %get3A_604, %get3A_605] {strides = array<i32>} : memref<3x256x128xf32, #tpu.memory_space<vmem>>, vector<1x1x16xf32>,
          %get3A_607 = vector.shape_cast %get3A_606 : vector<1x1x16xf32> to vector<16xf32>
          %add3A_608 = arith.addf %add3A_546, %get3A_607 : vector<16xf32>
          %get3A_609 = arith.constant 1 : i32
          %get3A_610 = arith.index_cast %get3A_609 : i32 to index
          %get3A_611 = arith.index_cast %add3A_573 : i32 to index
          %get3A_612 = arith.constant 80 : index
          %get3A_613 = tpu.vector_load %arg5[%get3A_610, %get3A_611, %get3A_612] {strides = array<i32>} : memref<3x256x128xf32, #tpu.memory_space<vmem>>, vector<1x1x16xf32>,
          %get3A_614 = vector.shape_cast %get3A_613 : vector<1x1x16xf32> to vector<16xf32>
          %add3A_615 = arith.addf %add3A_553, %get3A_614 : vector<16xf32>
          %get3A_616 = arith.constant 1 : i32
          %get3A_617 = arith.index_cast %get3A_616 : i32 to index
          %get3A_618 = arith.index_cast %add3A_573 : i32 to index
          %get3A_619 = arith.constant 96 : index
          %get3A_620 = tpu.vector_load %arg5[%get3A_617, %get3A_618, %get3A_619] {strides = array<i32>} : memref<3x256x128xf32, #tpu.memory_space<vmem>>, vector<1x1x16xf32>,
          %get3A_621 = vector.shape_cast %get3A_620 : vector<1x1x16xf32> to vector<16xf32>
          %add3A_622 = arith.addf %add3A_560, %get3A_621 : vector<16xf32>
          %get3A_623 = arith.constant 1 : i32
          %get3A_624 = arith.index_cast %get3A_623 : i32 to index
          %get3A_625 = arith.index_cast %add3A_573 : i32 to index
          %get3A_626 = arith.constant 112 : index
          %get3A_627 = tpu.vector_load %arg5[%get3A_624, %get3A_625, %get3A_626] {strides = array<i32>} : memref<3x256x128xf32, #tpu.memory_space<vmem>>, vector<1x1x16xf32>,
          %get3A_628 = vector.shape_cast %get3A_627 : vector<1x1x16xf32> to vector<16xf32>
          %add3A_629 = arith.addf %add3A_567, %get3A_628 : vector<16xf32>
          %mul3A_630 = arith.constant 8 : i32
          %mul3A_631 = arith.muli %scan3A_497, %mul3A_630 : i32
          %add3A_632 = arith.constant 128 : i32
          %add3A_633 = arith.addi %add3A_632, %mul3A_631 : i32
          %add3A_634 = arith.constant 2 : i32
          %add3A_635 = arith.addi %add3A_633, %add3A_634 : i32
          %get3A_636 = arith.constant 1 : i32
          %get3A_637 = arith.index_cast %get3A_636 : i32 to index
          %get3A_638 = arith.index_cast %add3A_635 : i32 to index
          %get3A_639 = arith.constant 0 : index
          %get3A_640 = tpu.vector_load %arg5[%get3A_637, %get3A_638, %get3A_639] {strides = array<i32>} : memref<3x256x128xf32, #tpu.memory_space<vmem>>, vector<1x1x16xf32>,
          %get3A_641 = vector.shape_cast %get3A_640 : vector<1x1x16xf32> to vector<16xf32>
          %add3A_642 = arith.addf %add3A_580, %get3A_641 : vector<16xf32>
          %get3A_643 = arith.constant 1 : i32
          %get3A_644 = arith.index_cast %get3A_643 : i32 to index
          %get3A_645 = arith.index_cast %add3A_635 : i32 to index
          %get3A_646 = arith.constant 16 : index
          %get3A_647 = tpu.vector_load %arg5[%get3A_644, %get3A_645, %get3A_646] {strides = array<i32>} : memref<3x256x128xf32, #tpu.memory_space<vmem>>, vector<1x1x16xf32>,
          %get3A_648 = vector.shape_cast %get3A_647 : vector<1x1x16xf32> to vector<16xf32>
          %add3A_649 = arith.addf %add3A_587, %get3A_648 : vector<16xf32>
          %get3A_650 = arith.constant 1 : i32
          %get3A_651 = arith.index_cast %get3A_650 : i32 to index
          %get3A_652 = arith.index_cast %add3A_635 : i32 to index
          %get3A_653 = arith.constant 32 : index
          %get3A_654 = tpu.vector_load %arg5[%get3A_651, %get3A_652, %get3A_653] {strides = array<i32>} : memref<3x256x128xf32, #tpu.memory_space<vmem>>, vector<1x1x16xf32>,
          %get3A_655 = vector.shape_cast %get3A_654 : vector<1x1x16xf32> to vector<16xf32>
          %add3A_656 = arith.addf %add3A_594, %get3A_655 : vector<16xf32>
          %get3A_657 = arith.constant 1 : i32
          %get3A_658 = arith.index_cast %get3A_657 : i32 to index
          %get3A_659 = arith.index_cast %add3A_635 : i32 to index
          %get3A_660 = arith.constant 48 : index
          %get3A_661 = tpu.vector_load %arg5[%get3A_658, %get3A_659, %get3A_660] {strides = array<i32>} : memref<3x256x128xf32, #tpu.memory_space<vmem>>, vector<1x1x16xf32>,
          %get3A_662 = vector.shape_cast %get3A_661 : vector<1x1x16xf32> to vector<16xf32>
          %add3A_663 = arith.addf %add3A_601, %get3A_662 : vector<16xf32>
          %get3A_664 = arith.constant 1 : i32
          %get3A_665 = arith.index_cast %get3A_664 : i32 to index
          %get3A_666 = arith.index_cast %add3A_635 : i32 to index
          %get3A_667 = arith.constant 64 : index
          %get3A_668 = tpu.vector_load %arg5[%get3A_665, %get3A_666, %get3A_667] {strides = array<i32>} : memref<3x256x128xf32, #tpu.memory_space<vmem>>, vector<1x1x16xf32>,
          %get3A_669 = vector.shape_cast %get3A_668 : vector<1x1x16xf32> to vector<16xf32>
          %add3A_670 = arith.addf %add3A_608, %get3A_669 : vector<16xf32>
          %get3A_671 = arith.constant 1 : i32
          %get3A_672 = arith.index_cast %get3A_671 : i32 to index
          %get3A_673 = arith.index_cast %add3A_635 : i32 to index
          %get3A_674 = arith.constant 80 : index
          %get3A_675 = tpu.vector_load %arg5[%get3A_672, %get3A_673, %get3A_674] {strides = array<i32>} : memref<3x256x128xf32, #tpu.memory_space<vmem>>, vector<1x1x16xf32>,
          %get3A_676 = vector.shape_cast %get3A_675 : vector<1x1x16xf32> to vector<16xf32>
          %add3A_677 = arith.addf %add3A_615, %get3A_676 : vector<16xf32>
          %get3A_678 = arith.constant 1 : i32
          %get3A_679 = arith.index_cast %get3A_678 : i32 to index
          %get3A_680 = arith.index_cast %add3A_635 : i32 to index
          %get3A_681 = arith.constant 96 : index
          %get3A_682 = tpu.vector_load %arg5[%get3A_679, %get3A_680, %get3A_681] {strides = array<i32>} : memref<3x256x128xf32, #tpu.memory_space<vmem>>, vector<1x1x16xf32>,
          %get3A_683 = vector.shape_cast %get3A_682 : vector<1x1x16xf32> to vector<16xf32>
          %add3A_684 = arith.addf %add3A_622, %get3A_683 : vector<16xf32>
          %get3A_685 = arith.constant 1 : i32
          %get3A_686 = arith.index_cast %get3A_685 : i32 to index
          %get3A_687 = arith.index_cast %add3A_635 : i32 to index
          %get3A_688 = arith.constant 112 : index
          %get3A_689 = tpu.vector_load %arg5[%get3A_686, %get3A_687, %get3A_688] {strides = array<i32>} : memref<3x256x128xf32, #tpu.memory_space<vmem>>, vector<1x1x16xf32>,
          %get3A_690 = vector.shape_cast %get3A_689 : vector<1x1x16xf32> to vector<16xf32>
          %add3A_691 = arith.addf %add3A_629, %get3A_690 : vector<16xf32>
          %mul3A_692 = arith.constant 8 : i32
          %mul3A_693 = arith.muli %scan3A_497, %mul3A_692 : i32
          %add3A_694 = arith.constant 128 : i32
          %add3A_695 = arith.addi %add3A_694, %mul3A_693 : i32
          %add3A_696 = arith.constant 3 : i32
          %add3A_697 = arith.addi %add3A_695, %add3A_696 : i32
          %get3A_698 = arith.constant 1 : i32
          %get3A_699 = arith.index_cast %get3A_698 : i32 to index
          %get3A_700 = arith.index_cast %add3A_697 : i32 to index
          %get3A_701 = arith.constant 0 : index
          %get3A_702 = tpu.vector_load %arg5[%get3A_699, %get3A_700, %get3A_701] {strides = array<i32>} : memref<3x256x128xf32, #tpu.memory_space<vmem>>, vector<1x1x16xf32>,
          %get3A_703 = vector.shape_cast %get3A_702 : vector<1x1x16xf32> to vector<16xf32>
          %add3A_704 = arith.addf %add3A_642, %get3A_703 : vector<16xf32>
          %get3A_705 = arith.constant 1 : i32
          %get3A_706 = arith.index_cast %get3A_705 : i32 to index
          %get3A_707 = arith.index_cast %add3A_697 : i32 to index
          %get3A_708 = arith.constant 16 : index
          %get3A_709 = tpu.vector_load %arg5[%get3A_706, %get3A_707, %get3A_708] {strides = array<i32>} : memref<3x256x128xf32, #tpu.memory_space<vmem>>, vector<1x1x16xf32>,
          %get3A_710 = vector.shape_cast %get3A_709 : vector<1x1x16xf32> to vector<16xf32>
          %add3A_711 = arith.addf %add3A_649, %get3A_710 : vector<16xf32>
          %get3A_712 = arith.constant 1 : i32
          %get3A_713 = arith.index_cast %get3A_712 : i32 to index
          %get3A_714 = arith.index_cast %add3A_697 : i32 to index
          %get3A_715 = arith.constant 32 : index
          %get3A_716 = tpu.vector_load %arg5[%get3A_713, %get3A_714, %get3A_715] {strides = array<i32>} : memref<3x256x128xf32, #tpu.memory_space<vmem>>, vector<1x1x16xf32>,
          %get3A_717 = vector.shape_cast %get3A_716 : vector<1x1x16xf32> to vector<16xf32>
          %add3A_718 = arith.addf %add3A_656, %get3A_717 : vector<16xf32>
          %get3A_719 = arith.constant 1 : i32
          %get3A_720 = arith.index_cast %get3A_719 : i32 to index
          %get3A_721 = arith.index_cast %add3A_697 : i32 to index
          %get3A_722 = arith.constant 48 : index
          %get3A_723 = tpu.vector_load %arg5[%get3A_720, %get3A_721, %get3A_722] {strides = array<i32>} : memref<3x256x128xf32, #tpu.memory_space<vmem>>, vector<1x1x16xf32>,
          %get3A_724 = vector.shape_cast %get3A_723 : vector<1x1x16xf32> to vector<16xf32>
          %add3A_725 = arith.addf %add3A_663, %get3A_724 : vector<16xf32>
          %get3A_726 = arith.constant 1 : i32
          %get3A_727 = arith.index_cast %get3A_726 : i32 to index
          %get3A_728 = arith.index_cast %add3A_697 : i32 to index
          %get3A_729 = arith.constant 64 : index
          %get3A_730 = tpu.vector_load %arg5[%get3A_727, %get3A_728, %get3A_729] {strides = array<i32>} : memref<3x256x128xf32, #tpu.memory_space<vmem>>, vector<1x1x16xf32>,
          %get3A_731 = vector.shape_cast %get3A_730 : vector<1x1x16xf32> to vector<16xf32>
          %add3A_732 = arith.addf %add3A_670, %get3A_731 : vector<16xf32>
          %get3A_733 = arith.constant 1 : i32
          %get3A_734 = arith.index_cast %get3A_733 : i32 to index
          %get3A_735 = arith.index_cast %add3A_697 : i32 to index
          %get3A_736 = arith.constant 80 : index
          %get3A_737 = tpu.vector_load %arg5[%get3A_734, %get3A_735, %get3A_736] {strides = array<i32>} : memref<3x256x128xf32, #tpu.memory_space<vmem>>, vector<1x1x16xf32>,
          %get3A_738 = vector.shape_cast %get3A_737 : vector<1x1x16xf32> to vector<16xf32>
          %add3A_739 = arith.addf %add3A_677, %get3A_738 : vector<16xf32>
          %get3A_740 = arith.constant 1 : i32
          %get3A_741 = arith.index_cast %get3A_740 : i32 to index
          %get3A_742 = arith.index_cast %add3A_697 : i32 to index
          %get3A_743 = arith.constant 96 : index
          %get3A_744 = tpu.vector_load %arg5[%get3A_741, %get3A_742, %get3A_743] {strides = array<i32>} : memref<3x256x128xf32, #tpu.memory_space<vmem>>, vector<1x1x16xf32>,
          %get3A_745 = vector.shape_cast %get3A_744 : vector<1x1x16xf32> to vector<16xf32>
          %add3A_746 = arith.addf %add3A_684, %get3A_745 : vector<16xf32>
          %get3A_747 = arith.constant 1 : i32
          %get3A_748 = arith.index_cast %get3A_747 : i32 to index
          %get3A_749 = arith.index_cast %add3A_697 : i32 to index
          %get3A_750 = arith.constant 112 : index
          %get3A_751 = tpu.vector_load %arg5[%get3A_748, %get3A_749, %get3A_750] {strides = array<i32>} : memref<3x256x128xf32, #tpu.memory_space<vmem>>, vector<1x1x16xf32>,
          %get3A_752 = vector.shape_cast %get3A_751 : vector<1x1x16xf32> to vector<16xf32>
          %add3A_753 = arith.addf %add3A_691, %get3A_752 : vector<16xf32>
          %mul3A_754 = arith.constant 8 : i32
          %mul3A_755 = arith.muli %scan3A_497, %mul3A_754 : i32
          %add3A_756 = arith.constant 128 : i32
          %add3A_757 = arith.addi %add3A_756, %mul3A_755 : i32
          %add3A_758 = arith.constant 4 : i32
          %add3A_759 = arith.addi %add3A_757, %add3A_758 : i32
          %get3A_760 = arith.constant 1 : i32
          %get3A_761 = arith.index_cast %get3A_760 : i32 to index
          %get3A_762 = arith.index_cast %add3A_759 : i32 to index
          %get3A_763 = arith.constant 0 : index
          %get3A_764 = tpu.vector_load %arg5[%get3A_761, %get3A_762, %get3A_763] {strides = array<i32>} : memref<3x256x128xf32, #tpu.memory_space<vmem>>, vector<1x1x16xf32>,
          %get3A_765 = vector.shape_cast %get3A_764 : vector<1x1x16xf32> to vector<16xf32>
          %add3A_766 = arith.addf %add3A_704, %get3A_765 : vector<16xf32>
          %get3A_767 = arith.constant 1 : i32
          %get3A_768 = arith.index_cast %get3A_767 : i32 to index
          %get3A_769 = arith.index_cast %add3A_759 : i32 to index
          %get3A_770 = arith.constant 16 : index
          %get3A_771 = tpu.vector_load %arg5[%get3A_768, %get3A_769, %get3A_770] {strides = array<i32>} : memref<3x256x128xf32, #tpu.memory_space<vmem>>, vector<1x1x16xf32>,
          %get3A_772 = vector.shape_cast %get3A_771 : vector<1x1x16xf32> to vector<16xf32>
          %add3A_773 = arith.addf %add3A_711, %get3A_772 : vector<16xf32>
          %get3A_774 = arith.constant 1 : i32
          %get3A_775 = arith.index_cast %get3A_774 : i32 to index
          %get3A_776 = arith.index_cast %add3A_759 : i32 to index
          %get3A_777 = arith.constant 32 : index
          %get3A_778 = tpu.vector_load %arg5[%get3A_775, %get3A_776, %get3A_777] {strides = array<i32>} : memref<3x256x128xf32, #tpu.memory_space<vmem>>, vector<1x1x16xf32>,
          %get3A_779 = vector.shape_cast %get3A_778 : vector<1x1x16xf32> to vector<16xf32>
          %add3A_780 = arith.addf %add3A_718, %get3A_779 : vector<16xf32>
          %get3A_781 = arith.constant 1 : i32
          %get3A_782 = arith.index_cast %get3A_781 : i32 to index
          %get3A_783 = arith.index_cast %add3A_759 : i32 to index
          %get3A_784 = arith.constant 48 : index
          %get3A_785 = tpu.vector_load %arg5[%get3A_782, %get3A_783, %get3A_784] {strides = array<i32>} : memref<3x256x128xf32, #tpu.memory_space<vmem>>, vector<1x1x16xf32>,
          %get3A_786 = vector.shape_cast %get3A_785 : vector<1x1x16xf32> to vector<16xf32>
          %add3A_787 = arith.addf %add3A_725, %get3A_786 : vector<16xf32>
          %get3A_788 = arith.constant 1 : i32
          %get3A_789 = arith.index_cast %get3A_788 : i32 to index
          %get3A_790 = arith.index_cast %add3A_759 : i32 to index
          %get3A_791 = arith.constant 64 : index
          %get3A_792 = tpu.vector_load %arg5[%get3A_789, %get3A_790, %get3A_791] {strides = array<i32>} : memref<3x256x128xf32, #tpu.memory_space<vmem>>, vector<1x1x16xf32>,
          %get3A_793 = vector.shape_cast %get3A_792 : vector<1x1x16xf32> to vector<16xf32>
          %add3A_794 = arith.addf %add3A_732, %get3A_793 : vector<16xf32>
          %get3A_795 = arith.constant 1 : i32
          %get3A_796 = arith.index_cast %get3A_795 : i32 to index
          %get3A_797 = arith.index_cast %add3A_759 : i32 to index
          %get3A_798 = arith.constant 80 : index
          %get3A_799 = tpu.vector_load %arg5[%get3A_796, %get3A_797, %get3A_798] {strides = array<i32>} : memref<3x256x128xf32, #tpu.memory_space<vmem>>, vector<1x1x16xf32>,
          %get3A_800 = vector.shape_cast %get3A_799 : vector<1x1x16xf32> to vector<16xf32>
          %add3A_801 = arith.addf %add3A_739, %get3A_800 : vector<16xf32>
          %get3A_802 = arith.constant 1 : i32
          %get3A_803 = arith.index_cast %get3A_802 : i32 to index
          %get3A_804 = arith.index_cast %add3A_759 : i32 to index
          %get3A_805 = arith.constant 96 : index
          %get3A_806 = tpu.vector_load %arg5[%get3A_803, %get3A_804, %get3A_805] {strides = array<i32>} : memref<3x256x128xf32, #tpu.memory_space<vmem>>, vector<1x1x16xf32>,
          %get3A_807 = vector.shape_cast %get3A_806 : vector<1x1x16xf32> to vector<16xf32>
          %add3A_808 = arith.addf %add3A_746, %get3A_807 : vector<16xf32>
          %get3A_809 = arith.constant 1 : i32
          %get3A_810 = arith.index_cast %get3A_809 : i32 to index
          %get3A_811 = arith.index_cast %add3A_759 : i32 to index
          %get3A_812 = arith.constant 112 : index
          %get3A_813 = tpu.vector_load %arg5[%get3A_810, %get3A_811, %get3A_812] {strides = array<i32>} : memref<3x256x128xf32, #tpu.memory_space<vmem>>, vector<1x1x16xf32>,
          %get3A_814 = vector.shape_cast %get3A_813 : vector<1x1x16xf32> to vector<16xf32>
          %add3A_815 = arith.addf %add3A_753, %get3A_814 : vector<16xf32>
          %mul3A_816 = arith.constant 8 : i32
          %mul3A_817 = arith.muli %scan3A_497, %mul3A_816 : i32
          %add3A_818 = arith.constant 128 : i32
          %add3A_819 = arith.addi %add3A_818, %mul3A_817 : i32
          %add3A_820 = arith.constant 5 : i32
          %add3A_821 = arith.addi %add3A_819, %add3A_820 : i32
          %get3A_822 = arith.constant 1 : i32
          %get3A_823 = arith.index_cast %get3A_822 : i32 to index
          %get3A_824 = arith.index_cast %add3A_821 : i32 to index
          %get3A_825 = arith.constant 0 : index
          %get3A_826 = tpu.vector_load %arg5[%get3A_823, %get3A_824, %get3A_825] {strides = array<i32>} : memref<3x256x128xf32, #tpu.memory_space<vmem>>, vector<1x1x16xf32>,
          %get3A_827 = vector.shape_cast %get3A_826 : vector<1x1x16xf32> to vector<16xf32>
          %add3A_828 = arith.addf %add3A_766, %get3A_827 : vector<16xf32>
          %get3A_829 = arith.constant 1 : i32
          %get3A_830 = arith.index_cast %get3A_829 : i32 to index
          %get3A_831 = arith.index_cast %add3A_821 : i32 to index
          %get3A_832 = arith.constant 16 : index
          %get3A_833 = tpu.vector_load %arg5[%get3A_830, %get3A_831, %get3A_832] {strides = array<i32>} : memref<3x256x128xf32, #tpu.memory_space<vmem>>, vector<1x1x16xf32>,
          %get3A_834 = vector.shape_cast %get3A_833 : vector<1x1x16xf32> to vector<16xf32>
          %add3A_835 = arith.addf %add3A_773, %get3A_834 : vector<16xf32>
          %get3A_836 = arith.constant 1 : i32
          %get3A_837 = arith.index_cast %get3A_836 : i32 to index
          %get3A_838 = arith.index_cast %add3A_821 : i32 to index
          %get3A_839 = arith.constant 32 : index
          %get3A_840 = tpu.vector_load %arg5[%get3A_837, %get3A_838, %get3A_839] {strides = array<i32>} : memref<3x256x128xf32, #tpu.memory_space<vmem>>, vector<1x1x16xf32>,
          %get3A_841 = vector.shape_cast %get3A_840 : vector<1x1x16xf32> to vector<16xf32>
          %add3A_842 = arith.addf %add3A_780, %get3A_841 : vector<16xf32>
          %get3A_843 = arith.constant 1 : i32
          %get3A_844 = arith.index_cast %get3A_843 : i32 to index
          %get3A_845 = arith.index_cast %add3A_821 : i32 to index
          %get3A_846 = arith.constant 48 : index
          %get3A_847 = tpu.vector_load %arg5[%get3A_844, %get3A_845, %get3A_846] {strides = array<i32>} : memref<3x256x128xf32, #tpu.memory_space<vmem>>, vector<1x1x16xf32>,
          %get3A_848 = vector.shape_cast %get3A_847 : vector<1x1x16xf32> to vector<16xf32>
          %add3A_849 = arith.addf %add3A_787, %get3A_848 : vector<16xf32>
          %get3A_850 = arith.constant 1 : i32
          %get3A_851 = arith.index_cast %get3A_850 : i32 to index
          %get3A_852 = arith.index_cast %add3A_821 : i32 to index
          %get3A_853 = arith.constant 64 : index
          %get3A_854 = tpu.vector_load %arg5[%get3A_851, %get3A_852, %get3A_853] {strides = array<i32>} : memref<3x256x128xf32, #tpu.memory_space<vmem>>, vector<1x1x16xf32>,
          %get3A_855 = vector.shape_cast %get3A_854 : vector<1x1x16xf32> to vector<16xf32>
          %add3A_856 = arith.addf %add3A_794, %get3A_855 : vector<16xf32>
          %get3A_857 = arith.constant 1 : i32
          %get3A_858 = arith.index_cast %get3A_857 : i32 to index
          %get3A_859 = arith.index_cast %add3A_821 : i32 to index
          %get3A_860 = arith.constant 80 : index
          %get3A_861 = tpu.vector_load %arg5[%get3A_858, %get3A_859, %get3A_860] {strides = array<i32>} : memref<3x256x128xf32, #tpu.memory_space<vmem>>, vector<1x1x16xf32>,
          %get3A_862 = vector.shape_cast %get3A_861 : vector<1x1x16xf32> to vector<16xf32>
          %add3A_863 = arith.addf %add3A_801, %get3A_862 : vector<16xf32>
          %get3A_864 = arith.constant 1 : i32
          %get3A_865 = arith.index_cast %get3A_864 : i32 to index
          %get3A_866 = arith.index_cast %add3A_821 : i32 to index
          %get3A_867 = arith.constant 96 : index
          %get3A_868 = tpu.vector_load %arg5[%get3A_865, %get3A_866, %get3A_867] {strides = array<i32>} : memref<3x256x128xf32, #tpu.memory_space<vmem>>, vector<1x1x16xf32>,
          %get3A_869 = vector.shape_cast %get3A_868 : vector<1x1x16xf32> to vector<16xf32>
          %add3A_870 = arith.addf %add3A_808, %get3A_869 : vector<16xf32>
          %get3A_871 = arith.constant 1 : i32
          %get3A_872 = arith.index_cast %get3A_871 : i32 to index
          %get3A_873 = arith.index_cast %add3A_821 : i32 to index
          %get3A_874 = arith.constant 112 : index
          %get3A_875 = tpu.vector_load %arg5[%get3A_872, %get3A_873, %get3A_874] {strides = array<i32>} : memref<3x256x128xf32, #tpu.memory_space<vmem>>, vector<1x1x16xf32>,
          %get3A_876 = vector.shape_cast %get3A_875 : vector<1x1x16xf32> to vector<16xf32>
          %add3A_877 = arith.addf %add3A_815, %get3A_876 : vector<16xf32>
          %mul3A_878 = arith.constant 8 : i32
          %mul3A_879 = arith.muli %scan3A_497, %mul3A_878 : i32
          %add3A_880 = arith.constant 128 : i32
          %add3A_881 = arith.addi %add3A_880, %mul3A_879 : i32
          %add3A_882 = arith.constant 6 : i32
          %add3A_883 = arith.addi %add3A_881, %add3A_882 : i32
          %get3A_884 = arith.constant 1 : i32
          %get3A_885 = arith.index_cast %get3A_884 : i32 to index
          %get3A_886 = arith.index_cast %add3A_883 : i32 to index
          %get3A_887 = arith.constant 0 : index
          %get3A_888 = tpu.vector_load %arg5[%get3A_885, %get3A_886, %get3A_887] {strides = array<i32>} : memref<3x256x128xf32, #tpu.memory_space<vmem>>, vector<1x1x16xf32>,
          %get3A_889 = vector.shape_cast %get3A_888 : vector<1x1x16xf32> to vector<16xf32>
          %add3A_890 = arith.addf %add3A_828, %get3A_889 : vector<16xf32>
          %get3A_891 = arith.constant 1 : i32
          %get3A_892 = arith.index_cast %get3A_891 : i32 to index
          %get3A_893 = arith.index_cast %add3A_883 : i32 to index
          %get3A_894 = arith.constant 16 : index
          %get3A_895 = tpu.vector_load %arg5[%get3A_892, %get3A_893, %get3A_894] {strides = array<i32>} : memref<3x256x128xf32, #tpu.memory_space<vmem>>, vector<1x1x16xf32>,
          %get3A_896 = vector.shape_cast %get3A_895 : vector<1x1x16xf32> to vector<16xf32>
          %add3A_897 = arith.addf %add3A_835, %get3A_896 : vector<16xf32>
          %get3A_898 = arith.constant 1 : i32
          %get3A_899 = arith.index_cast %get3A_898 : i32 to index
          %get3A_900 = arith.index_cast %add3A_883 : i32 to index
          %get3A_901 = arith.constant 32 : index
          %get3A_902 = tpu.vector_load %arg5[%get3A_899, %get3A_900, %get3A_901] {strides = array<i32>} : memref<3x256x128xf32, #tpu.memory_space<vmem>>, vector<1x1x16xf32>,
          %get3A_903 = vector.shape_cast %get3A_902 : vector<1x1x16xf32> to vector<16xf32>
          %add3A_904 = arith.addf %add3A_842, %get3A_903 : vector<16xf32>
          %get3A_905 = arith.constant 1 : i32
          %get3A_906 = arith.index_cast %get3A_905 : i32 to index
          %get3A_907 = arith.index_cast %add3A_883 : i32 to index
          %get3A_908 = arith.constant 48 : index
          %get3A_909 = tpu.vector_load %arg5[%get3A_906, %get3A_907, %get3A_908] {strides = array<i32>} : memref<3x256x128xf32, #tpu.memory_space<vmem>>, vector<1x1x16xf32>,
          %get3A_910 = vector.shape_cast %get3A_909 : vector<1x1x16xf32> to vector<16xf32>
          %add3A_911 = arith.addf %add3A_849, %get3A_910 : vector<16xf32>
          %get3A_912 = arith.constant 1 : i32
          %get3A_913 = arith.index_cast %get3A_912 : i32 to index
          %get3A_914 = arith.index_cast %add3A_883 : i32 to index
          %get3A_915 = arith.constant 64 : index
          %get3A_916 = tpu.vector_load %arg5[%get3A_913, %get3A_914, %get3A_915] {strides = array<i32>} : memref<3x256x128xf32, #tpu.memory_space<vmem>>, vector<1x1x16xf32>,
          %get3A_917 = vector.shape_cast %get3A_916 : vector<1x1x16xf32> to vector<16xf32>
          %add3A_918 = arith.addf %add3A_856, %get3A_917 : vector<16xf32>
          %get3A_919 = arith.constant 1 : i32
          %get3A_920 = arith.index_cast %get3A_919 : i32 to index
          %get3A_921 = arith.index_cast %add3A_883 : i32 to index
          %get3A_922 = arith.constant 80 : index
          %get3A_923 = tpu.vector_load %arg5[%get3A_920, %get3A_921, %get3A_922] {strides = array<i32>} : memref<3x256x128xf32, #tpu.memory_space<vmem>>, vector<1x1x16xf32>,
          %get3A_924 = vector.shape_cast %get3A_923 : vector<1x1x16xf32> to vector<16xf32>
          %add3A_925 = arith.addf %add3A_863, %get3A_924 : vector<16xf32>
          %get3A_926 = arith.constant 1 : i32
          %get3A_927 = arith.index_cast %get3A_926 : i32 to index
          %get3A_928 = arith.index_cast %add3A_883 : i32 to index
          %get3A_929 = arith.constant 96 : index
          %get3A_930 = tpu.vector_load %arg5[%get3A_927, %get3A_928, %get3A_929] {strides = array<i32>} : memref<3x256x128xf32, #tpu.memory_space<vmem>>, vector<1x1x16xf32>,
          %get3A_931 = vector.shape_cast %get3A_930 : vector<1x1x16xf32> to vector<16xf32>
          %add3A_932 = arith.addf %add3A_870, %get3A_931 : vector<16xf32>
          %get3A_933 = arith.constant 1 : i32
          %get3A_934 = arith.index_cast %get3A_933 : i32 to index
          %get3A_935 = arith.index_cast %add3A_883 : i32 to index
          %get3A_936 = arith.constant 112 : index
          %get3A_937 = tpu.vector_load %arg5[%get3A_934, %get3A_935, %get3A_936] {strides = array<i32>} : memref<3x256x128xf32, #tpu.memory_space<vmem>>, vector<1x1x16xf32>,
          %get3A_938 = vector.shape_cast %get3A_937 : vector<1x1x16xf32> to vector<16xf32>
          %add3A_939 = arith.addf %add3A_877, %get3A_938 : vector<16xf32>
          %mul3A_940 = arith.constant 8 : i32
          %mul3A_941 = arith.muli %scan3A_497, %mul3A_940 : i32
          %add3A_942 = arith.constant 128 : i32
          %add3A_943 = arith.addi %add3A_942, %mul3A_941 : i32
          %add3A_944 = arith.constant 7 : i32
          %add3A_945 = arith.addi %add3A_943, %add3A_944 : i32
          %get3A_946 = arith.constant 1 : i32
          %get3A_947 = arith.index_cast %get3A_946 : i32 to index
          %get3A_948 = arith.index_cast %add3A_945 : i32 to index
          %get3A_949 = arith.constant 0 : index
          %get3A_950 = tpu.vector_load %arg5[%get3A_947, %get3A_948, %get3A_949] {strides = array<i32>} : memref<3x256x128xf32, #tpu.memory_space<vmem>>, vector<1x1x16xf32>,
          %get3A_951 = vector.shape_cast %get3A_950 : vector<1x1x16xf32> to vector<16xf32>
          %add3A_952 = arith.addf %add3A_890, %get3A_951 : vector<16xf32>
          %get3A_953 = arith.constant 1 : i32
          %get3A_954 = arith.index_cast %get3A_953 : i32 to index
          %get3A_955 = arith.index_cast %add3A_945 : i32 to index
          %get3A_956 = arith.constant 16 : index
          %get3A_957 = tpu.vector_load %arg5[%get3A_954, %get3A_955, %get3A_956] {strides = array<i32>} : memref<3x256x128xf32, #tpu.memory_space<vmem>>, vector<1x1x16xf32>,
          %get3A_958 = vector.shape_cast %get3A_957 : vector<1x1x16xf32> to vector<16xf32>
          %add3A_959 = arith.addf %add3A_897, %get3A_958 : vector<16xf32>
          %get3A_960 = arith.constant 1 : i32
          %get3A_961 = arith.index_cast %get3A_960 : i32 to index
          %get3A_962 = arith.index_cast %add3A_945 : i32 to index
          %get3A_963 = arith.constant 32 : index
          %get3A_964 = tpu.vector_load %arg5[%get3A_961, %get3A_962, %get3A_963] {strides = array<i32>} : memref<3x256x128xf32, #tpu.memory_space<vmem>>, vector<1x1x16xf32>,
          %get3A_965 = vector.shape_cast %get3A_964 : vector<1x1x16xf32> to vector<16xf32>
          %add3A_966 = arith.addf %add3A_904, %get3A_965 : vector<16xf32>
          %get3A_967 = arith.constant 1 : i32
          %get3A_968 = arith.index_cast %get3A_967 : i32 to index
          %get3A_969 = arith.index_cast %add3A_945 : i32 to index
          %get3A_970 = arith.constant 48 : index
          %get3A_971 = tpu.vector_load %arg5[%get3A_968, %get3A_969, %get3A_970] {strides = array<i32>} : memref<3x256x128xf32, #tpu.memory_space<vmem>>, vector<1x1x16xf32>,
          %get3A_972 = vector.shape_cast %get3A_971 : vector<1x1x16xf32> to vector<16xf32>
          %add3A_973 = arith.addf %add3A_911, %get3A_972 : vector<16xf32>
          %get3A_974 = arith.constant 1 : i32
          %get3A_975 = arith.index_cast %get3A_974 : i32 to index
          %get3A_976 = arith.index_cast %add3A_945 : i32 to index
          %get3A_977 = arith.constant 64 : index
          %get3A_978 = tpu.vector_load %arg5[%get3A_975, %get3A_976, %get3A_977] {strides = array<i32>} : memref<3x256x128xf32, #tpu.memory_space<vmem>>, vector<1x1x16xf32>,
          %get3A_979 = vector.shape_cast %get3A_978 : vector<1x1x16xf32> to vector<16xf32>
          %add3A_980 = arith.addf %add3A_918, %get3A_979 : vector<16xf32>
          %get3A_981 = arith.constant 1 : i32
          %get3A_982 = arith.index_cast %get3A_981 : i32 to index
          %get3A_983 = arith.index_cast %add3A_945 : i32 to index
          %get3A_984 = arith.constant 80 : index
          %get3A_985 = tpu.vector_load %arg5[%get3A_982, %get3A_983, %get3A_984] {strides = array<i32>} : memref<3x256x128xf32, #tpu.memory_space<vmem>>, vector<1x1x16xf32>,
          %get3A_986 = vector.shape_cast %get3A_985 : vector<1x1x16xf32> to vector<16xf32>
          %add3A_987 = arith.addf %add3A_925, %get3A_986 : vector<16xf32>
          %get3A_988 = arith.constant 1 : i32
          %get3A_989 = arith.index_cast %get3A_988 : i32 to index
          %get3A_990 = arith.index_cast %add3A_945 : i32 to index
          %get3A_991 = arith.constant 96 : index
          %get3A_992 = tpu.vector_load %arg5[%get3A_989, %get3A_990, %get3A_991] {strides = array<i32>} : memref<3x256x128xf32, #tpu.memory_space<vmem>>, vector<1x1x16xf32>,
          %get3A_993 = vector.shape_cast %get3A_992 : vector<1x1x16xf32> to vector<16xf32>
          %add3A_994 = arith.addf %add3A_932, %get3A_993 : vector<16xf32>
          %get3A_995 = arith.constant 1 : i32
          %get3A_996 = arith.index_cast %get3A_995 : i32 to index
          %get3A_997 = arith.index_cast %add3A_945 : i32 to index
          %get3A_998 = arith.constant 112 : index
          %get3A_999 = tpu.vector_load %arg5[%get3A_996, %get3A_997, %get3A_998] {strides = array<i32>} : memref<3x256x128xf32, #tpu.memory_space<vmem>>, vector<1x1x16xf32>,
          %get3A_1000 = vector.shape_cast %get3A_999 : vector<1x1x16xf32> to vector<16xf32>
          %add3A_1001 = arith.addf %add3A_939, %get3A_1000 : vector<16xf32>
          scf.yield %add3A_952, %add3A_959, %add3A_966, %add3A_973, %add3A_980, %add3A_987, %add3A_994, %add3A_1001 : vector<16xf32>, vector<16xf32>, vector<16xf32>, vector<16xf32>, vector<16xf32>, vector<16xf32>, vector<16xf32>, vector<16xf32>
        }
        %scan3A_416 = arith.constant 16 : i32
        %get3A_417 = arith.index_cast %sub3A_285 : i32 to index
        %get3A_418 = arith.constant 0 : index
        %get3A_419 = tpu.vector_load %arg8[%get3A_417, %get3A_418] {strides = array<i32>} : memref<64x128xf32, #tpu.memory_space<vmem>>, vector<1x16xf32>,
        %get3A_420 = vector.shape_cast %get3A_419 : vector<1x16xf32> to vector<16xf32>
        %add3A_421 = arith.addf %get3A_420, %scan3A_415#0 : vector<16xf32>
        %swap3A_422 = arith.index_cast %sub3A_285 : i32 to index
        %swap3A_423 = arith.constant 0 : index
        %swap3A_424 = tpu.vector_load %arg8[%swap3A_422, %swap3A_423] {strides = array<i32>} : memref<64x128xf32, #tpu.memory_space<vmem>>, vector<1x16xf32>,
        %swap3A_425 = vector.shape_cast %swap3A_424 : vector<1x16xf32> to vector<16xf32>
        %swap3A_426 = vector.shape_cast %add3A_421 : vector<16xf32> to vector<1x16xf32>
        tpu.vector_store %arg8[%swap3A_422, %swap3A_423], %swap3A_426 {strides = array<i32>} : memref<64x128xf32, #tpu.memory_space<vmem>>, vector<1x16xf32>,
        %get3A_427 = arith.index_cast %sub3A_285 : i32 to index
        %get3A_428 = arith.constant 16 : index
        %get3A_429 = tpu.vector_load %arg8[%get3A_427, %get3A_428] {strides = array<i32>} : memref<64x128xf32, #tpu.memory_space<vmem>>, vector<1x16xf32>,
        %get3A_430 = vector.shape_cast %get3A_429 : vector<1x16xf32> to vector<16xf32>
        %add3A_431 = arith.addf %get3A_430, %scan3A_415#1 : vector<16xf32>
        %swap3A_432 = arith.index_cast %sub3A_285 : i32 to index
        %swap3A_433 = arith.constant 16 : index
        %swap3A_434 = tpu.vector_load %arg8[%swap3A_432, %swap3A_433] {strides = array<i32>} : memref<64x128xf32, #tpu.memory_space<vmem>>, vector<1x16xf32>,
        %swap3A_435 = vector.shape_cast %swap3A_434 : vector<1x16xf32> to vector<16xf32>
        %swap3A_436 = vector.shape_cast %add3A_431 : vector<16xf32> to vector<1x16xf32>
        tpu.vector_store %arg8[%swap3A_432, %swap3A_433], %swap3A_436 {strides = array<i32>} : memref<64x128xf32, #tpu.memory_space<vmem>>, vector<1x16xf32>,
        %get3A_437 = arith.index_cast %sub3A_285 : i32 to index
        %get3A_438 = arith.constant 32 : index
        %get3A_439 = tpu.vector_load %arg8[%get3A_437, %get3A_438] {strides = array<i32>} : memref<64x128xf32, #tpu.memory_space<vmem>>, vector<1x16xf32>,
        %get3A_440 = vector.shape_cast %get3A_439 : vector<1x16xf32> to vector<16xf32>
        %add3A_441 = arith.addf %get3A_440, %scan3A_415#2 : vector<16xf32>
        %swap3A_442 = arith.index_cast %sub3A_285 : i32 to index
        %swap3A_443 = arith.constant 32 : index
        %swap3A_444 = tpu.vector_load %arg8[%swap3A_442, %swap3A_443] {strides = array<i32>} : memref<64x128xf32, #tpu.memory_space<vmem>>, vector<1x16xf32>,
        %swap3A_445 = vector.shape_cast %swap3A_444 : vector<1x16xf32> to vector<16xf32>
        %swap3A_446 = vector.shape_cast %add3A_441 : vector<16xf32> to vector<1x16xf32>
        tpu.vector_store %arg8[%swap3A_442, %swap3A_443], %swap3A_446 {strides = array<i32>} : memref<64x128xf32, #tpu.memory_space<vmem>>, vector<1x16xf32>,
        %get3A_447 = arith.index_cast %sub3A_285 : i32 to index
        %get3A_448 = arith.constant 48 : index
        %get3A_449 = tpu.vector_load %arg8[%get3A_447, %get3A_448] {strides = array<i32>} : memref<64x128xf32, #tpu.memory_space<vmem>>, vector<1x16xf32>,
        %get3A_450 = vector.shape_cast %get3A_449 : vector<1x16xf32> to vector<16xf32>
        %add3A_451 = arith.addf %get3A_450, %scan3A_415#3 : vector<16xf32>
        %swap3A_452 = arith.index_cast %sub3A_285 : i32 to index
        %swap3A_453 = arith.constant 48 : index
        %swap3A_454 = tpu.vector_load %arg8[%swap3A_452, %swap3A_453] {strides = array<i32>} : memref<64x128xf32, #tpu.memory_space<vmem>>, vector<1x16xf32>,
        %swap3A_455 = vector.shape_cast %swap3A_454 : vector<1x16xf32> to vector<16xf32>
        %swap3A_456 = vector.shape_cast %add3A_451 : vector<16xf32> to vector<1x16xf32>
        tpu.vector_store %arg8[%swap3A_452, %swap3A_453], %swap3A_456 {strides = array<i32>} : memref<64x128xf32, #tpu.memory_space<vmem>>, vector<1x16xf32>,
        %get3A_457 = arith.index_cast %sub3A_285 : i32 to index
        %get3A_458 = arith.constant 64 : index
        %get3A_459 = tpu.vector_load %arg8[%get3A_457, %get3A_458] {strides = array<i32>} : memref<64x128xf32, #tpu.memory_space<vmem>>, vector<1x16xf32>,
        %get3A_460 = vector.shape_cast %get3A_459 : vector<1x16xf32> to vector<16xf32>
        %add3A_461 = arith.addf %get3A_460, %scan3A_415#4 : vector<16xf32>
        %swap3A_462 = arith.index_cast %sub3A_285 : i32 to index
        %swap3A_463 = arith.constant 64 : index
        %swap3A_464 = tpu.vector_load %arg8[%swap3A_462, %swap3A_463] {strides = array<i32>} : memref<64x128xf32, #tpu.memory_space<vmem>>, vector<1x16xf32>,
        %swap3A_465 = vector.shape_cast %swap3A_464 : vector<1x16xf32> to vector<16xf32>
        %swap3A_466 = vector.shape_cast %add3A_461 : vector<16xf32> to vector<1x16xf32>
        tpu.vector_store %arg8[%swap3A_462, %swap3A_463], %swap3A_466 {strides = array<i32>} : memref<64x128xf32, #tpu.memory_space<vmem>>, vector<1x16xf32>,
        %get3A_467 = arith.index_cast %sub3A_285 : i32 to index
        %get3A_468 = arith.constant 80 : index
        %get3A_469 = tpu.vector_load %arg8[%get3A_467, %get3A_468] {strides = array<i32>} : memref<64x128xf32, #tpu.memory_space<vmem>>, vector<1x16xf32>,
        %get3A_470 = vector.shape_cast %get3A_469 : vector<1x16xf32> to vector<16xf32>
        %add3A_471 = arith.addf %get3A_470, %scan3A_415#5 : vector<16xf32>
        %swap3A_472 = arith.index_cast %sub3A_285 : i32 to index
        %swap3A_473 = arith.constant 80 : index
        %swap3A_474 = tpu.vector_load %arg8[%swap3A_472, %swap3A_473] {strides = array<i32>} : memref<64x128xf32, #tpu.memory_space<vmem>>, vector<1x16xf32>,
        %swap3A_475 = vector.shape_cast %swap3A_474 : vector<1x16xf32> to vector<16xf32>
        %swap3A_476 = vector.shape_cast %add3A_471 : vector<16xf32> to vector<1x16xf32>
        tpu.vector_store %arg8[%swap3A_472, %swap3A_473], %swap3A_476 {strides = array<i32>} : memref<64x128xf32, #tpu.memory_space<vmem>>, vector<1x16xf32>,
        %get3A_477 = arith.index_cast %sub3A_285 : i32 to index
        %get3A_478 = arith.constant 96 : index
        %get3A_479 = tpu.vector_load %arg8[%get3A_477, %get3A_478] {strides = array<i32>} : memref<64x128xf32, #tpu.memory_space<vmem>>, vector<1x16xf32>,
        %get3A_480 = vector.shape_cast %get3A_479 : vector<1x16xf32> to vector<16xf32>
        %add3A_481 = arith.addf %get3A_480, %scan3A_415#6 : vector<16xf32>
        %swap3A_482 = arith.index_cast %sub3A_285 : i32 to index
        %swap3A_483 = arith.constant 96 : index
        %swap3A_484 = tpu.vector_load %arg8[%swap3A_482, %swap3A_483] {strides = array<i32>} : memref<64x128xf32, #tpu.memory_space<vmem>>, vector<1x16xf32>,
        %swap3A_485 = vector.shape_cast %swap3A_484 : vector<1x16xf32> to vector<16xf32>
        %swap3A_486 = vector.shape_cast %add3A_481 : vector<16xf32> to vector<1x16xf32>
        tpu.vector_store %arg8[%swap3A_482, %swap3A_483], %swap3A_486 {strides = array<i32>} : memref<64x128xf32, #tpu.memory_space<vmem>>, vector<1x16xf32>,
        %get3A_487 = arith.index_cast %sub3A_285 : i32 to index
        %get3A_488 = arith.constant 112 : index
        %get3A_489 = tpu.vector_load %arg8[%get3A_487, %get3A_488] {strides = array<i32>} : memref<64x128xf32, #tpu.memory_space<vmem>>, vector<1x16xf32>,
        %get3A_490 = vector.shape_cast %get3A_489 : vector<1x16xf32> to vector<16xf32>
        %add3A_491 = arith.addf %get3A_490, %scan3A_415#7 : vector<16xf32>
        %swap3A_492 = arith.index_cast %sub3A_285 : i32 to index
        %swap3A_493 = arith.constant 112 : index
        %swap3A_494 = tpu.vector_load %arg8[%swap3A_492, %swap3A_493] {strides = array<i32>} : memref<64x128xf32, #tpu.memory_space<vmem>>, vector<1x16xf32>,
        %swap3A_495 = vector.shape_cast %swap3A_494 : vector<1x16xf32> to vector<16xf32>
        %swap3A_496 = vector.shape_cast %add3A_491 : vector<16xf32> to vector<1x16xf32>
        tpu.vector_store %arg8[%swap3A_492, %swap3A_493], %swap3A_496 {strides = array<i32>} : memref<64x128xf32, #tpu.memory_space<vmem>>, vector<1x16xf32>,
      } else {
      }
      %ne3A_293 = arith.cmpi ne, %squeeze3A_278, %squeeze3A_284 : i32
      %ge3A_294 = arith.constant 64 : i32
      %ge3A_295 = arith.cmpi sge, %sub3A_285, %ge3A_294 : i32
      %or3A_296 = arith.ori %ne3A_293, %ge3A_295 : i1
      %convert_element_type3A_297 = arith.extui %or3A_296 : i1 to i32
      %cond3A_298 = arith.constant 0 : i32
      %cond3A_299 = arith.cmpi ne, %convert_element_type3A_297, %cond3A_298 : i32
      scf.if %cond3A_299 {
        %run_scoped3A_395 = arith.constant 1 : i32
        "tpu.region"() ({
          %run_scoped3A_396 = tpu.sem_alloc : memref<!tpu.dma_semaphore, #tpu.memory_space<semaphore_mem>>
          %dma_start3A_397 = arith.constant 128 : i32
          %dma_start3A_398 = arith.constant 0 : i32
          %dma_start3A_399 = tpu.memref_slice %arg5[%run_scoped3A_395, %dma_start3A_397, %dma_start3A_398] : memref<3x256x128xf32, #tpu.memory_space<vmem>> -> memref<1x128x128xf32, #tpu.memory_space<vmem>>
          %dma_start3A_400 = tpu.memref_squeeze %dma_start3A_399 : memref<1x128x128xf32, #tpu.memory_space<vmem>> -> memref<128x128xf32, #tpu.memory_space<vmem>>
          %dma_start3A_401 = arith.constant 0 : i32
          %dma_start3A_402 = tpu.memref_slice %arg6[%add3A_272, %dma_start3A_401] : memref<80x128xi32, #tpu.memory_space<vmem>> -> memref<1x128xi32, #tpu.memory_space<vmem>>
          %dma_start3A_403 = tpu.memref_squeeze %dma_start3A_402 : memref<1x128xi32, #tpu.memory_space<vmem>> -> memref<128xi32, #tpu.memory_space<vmem>>
          %dma_start3A_404 = arith.constant 0 : i32
          %dma_start3A_405 = arith.constant 0 : i32
          %dma_start3A_406 = tpu.memref_slice %arg9[%dma_start3A_404, %dma_start3A_405] : memref<256x128xf32, #tpu.memory_space<vmem_shared>> -> memref<256x128xf32, #tpu.memory_space<vmem_shared>>
          tpu.enqueue_indirect_dma source(%dma_start3A_400 : memref<128x128xf32, #tpu.memory_space<vmem>>) target(%dma_start3A_406 : memref<256x128xf32, #tpu.memory_space<vmem_shared>>) offsets(%dma_start3A_403 : memref<128xi32, #tpu.memory_space<vmem>>) semaphore(%run_scoped3A_396 : memref<!tpu.dma_semaphore, #tpu.memory_space<semaphore_mem>>) {add = true}
          %dma_wait3A_407 = arith.constant 128 : i32
          %dma_wait3A_408 = arith.constant 0 : i32
          %dma_wait3A_409 = tpu.memref_slice %arg5[%run_scoped3A_395, %dma_wait3A_407, %dma_wait3A_408] : memref<3x256x128xf32, #tpu.memory_space<vmem>> -> memref<1x128x128xf32, #tpu.memory_space<vmem>>
          %dma_wait3A_410 = tpu.memref_squeeze %dma_wait3A_409 : memref<1x128x128xf32, #tpu.memory_space<vmem>> -> memref<128x128xf32, #tpu.memory_space<vmem>>
          %dma_wait3A_411 = arith.constant 0 : i32
          %dma_wait3A_412 = tpu.memref_slice %arg6[%add3A_272, %dma_wait3A_411] : memref<80x128xi32, #tpu.memory_space<vmem>> -> memref<1x128xi32, #tpu.memory_space<vmem>>
          %dma_wait3A_413 = tpu.memref_squeeze %dma_wait3A_412 : memref<1x128xi32, #tpu.memory_space<vmem>> -> memref<128xi32, #tpu.memory_space<vmem>>
          %dma_wait3A_414 = arith.constant 0 : i32
          %dma_wait3A_415 = arith.constant 0 : i32
          %dma_wait3A_416 = tpu.memref_slice %arg9[%dma_wait3A_414, %dma_wait3A_415] : memref<256x128xf32, #tpu.memory_space<vmem_shared>> -> memref<256x128xf32, #tpu.memory_space<vmem_shared>>
          tpu.wait_indirect_dma semaphore(%run_scoped3A_396 : memref<!tpu.dma_semaphore, #tpu.memory_space<semaphore_mem>>) src(%dma_wait3A_410 : memref<128x128xf32, #tpu.memory_space<vmem>>) dst(%dma_wait3A_416 : memref<256x128xf32, #tpu.memory_space<vmem_shared>>)
          tpu.yield
        }) : () -> ()
      } else {
      }
      %add3A_300 = arith.constant 3 : i32
      %add3A_301 = arith.addi %add3A_222, %add3A_300 : i32
      %lt3A_302 = arith.constant 39 : i32
      %lt3A_303 = arith.cmpi slt, %add3A_301, %lt3A_302 : i32
      %convert_element_type3A_304 = arith.extui %lt3A_303 : i1 to i32
      %cond3A_305 = arith.constant 0 : i32
      %cond3A_306 = arith.cmpi ne, %convert_element_type3A_304, %cond3A_305 : i32
      scf.if %cond3A_306 {
        %add3A_395 = arith.constant 3 : i32
        %add3A_396 = arith.addi %add3A_222, %add3A_395 : i32
        %mul3A_397 = arith.constant 256 : i32
        %mul3A_398 = arith.muli %add3A_396, %mul3A_397 : i32
        %add3A_399 = arith.addi %mul3A_2, %mul3A_398 : i32
        %dma_start3A_400 = arith.constant 1 : i32
        %dma_start3A_401 = arith.constant 0 : i32
        %dma_start3A_402 = arith.constant 0 : i32
        %dma_start3A_403 = tpu.memref_slice %arg5[%dma_start3A_400, %dma_start3A_401, %dma_start3A_402] : memref<3x256x128xf32, #tpu.memory_space<vmem>> -> memref<1x256x128xf32, #tpu.memory_space<vmem>>
        %dma_start3A_404 = tpu.memref_squeeze %dma_start3A_403 : memref<1x256x128xf32, #tpu.memory_space<vmem>> -> memref<256x128xf32, #tpu.memory_space<vmem>>
        %dma_start3A_405 = arith.constant 0 : i32
        %dma_start3A_406 = tpu.memref_slice %arg2[%add3A_399, %dma_start3A_405] : memref<320000x128xf32, #tpu.memory_space<hbm>> -> memref<256x128xf32, #tpu.memory_space<hbm>>
        %dma_start3A_407 = arith.constant 0 : i32
        %dma_start3A_408 = arith.constant 0 : i32
        %dma_start3A_409 = tpu.memref_slice %arg5[%dma_start3A_400, %dma_start3A_407, %dma_start3A_408] : memref<3x256x128xf32, #tpu.memory_space<vmem>> -> memref<1x256x128xf32, #tpu.memory_space<vmem>>
        %dma_start3A_410 = tpu.memref_squeeze %dma_start3A_409 : memref<1x256x128xf32, #tpu.memory_space<vmem>> -> memref<256x128xf32, #tpu.memory_space<vmem>>
        %dma_start3A_411 = arith.constant 0 : i32
        %dma_start3A_412 = tpu.memref_slice %arg2[%add3A_399, %dma_start3A_411] : memref<320000x128xf32, #tpu.memory_space<hbm>> -> memref<256x128xf32, #tpu.memory_space<hbm>>
        tpu.enqueue_dma source(%dma_start3A_412 : memref<256x128xf32, #tpu.memory_space<hbm>>) target(%dma_start3A_410 : memref<256x128xf32, #tpu.memory_space<vmem>>) target_semaphore(%arg11 : memref<!tpu.dma_semaphore, #tpu.memory_space<semaphore_mem>>)
      } else {
      }
      %mul3A_307 = arith.constant 3 : i32
      %mul3A_308 = arith.muli %mul3A_307, %scan3A_139 : i32
      %add3A_309 = arith.constant 2 : i32
      %add3A_310 = arith.addi %mul3A_308, %add3A_309 : i32
      %dma_wait3A_311 = arith.constant 2 : i32
      %dma_wait3A_312 = arith.constant 0 : i32
      %dma_wait3A_313 = arith.constant 0 : i32
      %dma_wait3A_314 = tpu.memref_slice %arg5[%dma_wait3A_311, %dma_wait3A_312, %dma_wait3A_313] : memref<3x256x128xf32, #tpu.memory_space<vmem>> -> memref<1x256x128xf32, #tpu.memory_space<vmem>>
      %dma_wait3A_315 = tpu.memref_squeeze %dma_wait3A_314 : memref<1x256x128xf32, #tpu.memory_space<vmem>> -> memref<256x128xf32, #tpu.memory_space<vmem>>
      %dma_wait3A_316 = arith.constant 0 : i32
      %dma_wait3A_317 = arith.constant 0 : i32
      %dma_wait3A_318 = tpu.memref_slice %arg2[%dma_wait3A_316, %dma_wait3A_317] : memref<320000x128xf32, #tpu.memory_space<hbm>> -> memref<256x128xf32, #tpu.memory_space<hbm>>
      %dma_wait3A_319 = arith.constant 0 : i32
      %dma_wait3A_320 = arith.constant 0 : i32
      %dma_wait3A_321 = tpu.memref_slice %arg5[%dma_wait3A_311, %dma_wait3A_319, %dma_wait3A_320] : memref<3x256x128xf32, #tpu.memory_space<vmem>> -> memref<1x256x128xf32, #tpu.memory_space<vmem>>
      %dma_wait3A_322 = tpu.memref_squeeze %dma_wait3A_321 : memref<1x256x128xf32, #tpu.memory_space<vmem>> -> memref<256x128xf32, #tpu.memory_space<vmem>>
      %dma_wait3A_323 = arith.constant 0 : i32
      %dma_wait3A_324 = arith.constant 0 : i32
      %dma_wait3A_325 = tpu.memref_slice %arg2[%dma_wait3A_323, %dma_wait3A_324] : memref<320000x128xf32, #tpu.memory_space<hbm>> -> memref<256x128xf32, #tpu.memory_space<hbm>>
      tpu.wait_dma2 semaphore(%arg12 : memref<!tpu.dma_semaphore, #tpu.memory_space<semaphore_mem>>) src(%dma_wait3A_325 : memref<256x128xf32, #tpu.memory_space<hbm>>) dst(%dma_wait3A_322 : memref<256x128xf32, #tpu.memory_space<vmem>>)
      %mul3A_326 = arith.constant 2 : i32
      %mul3A_327 = arith.muli %mul3A_326, %add3A_310 : i32
      %add3A_328 = arith.constant 0 : i32
      %add3A_329 = arith.addi %mul3A_327, %add3A_328 : i32
      %get3A_330 = arith.index_cast %add3A_329 : i32 to index
      %get3A_331 = arith.constant 0 : index
      %get3A_332 = tpu.vector_load %arg6[%get3A_330, %get3A_331] {strides = array<i32>} : memref<80x128xi32, #tpu.memory_space<vmem>>, vector<1x16xi32>,
      %get3A_333 = vector.shape_cast %get3A_332 : vector<1x16xi32> to vector<16xi32>
      %slice3A_334 = vector.extract_strided_slice %get3A_333 {offsets = [0], sizes = [1], strides = [1]} : vector<16xi32> to vector<1xi32>
      %squeeze3A_335 = vector.extract %slice3A_334[0] : i32 from vector<1xi32>
      %get3A_336 = arith.index_cast %add3A_329 : i32 to index
      %get3A_337 = arith.constant 112 : index
      %get3A_338 = tpu.vector_load %arg6[%get3A_336, %get3A_337] {strides = array<i32>} : memref<80x128xi32, #tpu.memory_space<vmem>>, vector<1x16xi32>,
      %get3A_339 = vector.shape_cast %get3A_338 : vector<1x16xi32> to vector<16xi32>
      %slice3A_340 = vector.extract_strided_slice %get3A_339 {offsets = [15], sizes = [1], strides = [1]} : vector<16xi32> to vector<1xi32>
      %squeeze3A_341 = vector.extract %slice3A_340[0] : i32 from vector<1xi32>
      %sub3A_342 = arith.subi %squeeze3A_335, %squeeze3A : i32
      %eq3A_343 = arith.cmpi eq, %squeeze3A_335, %squeeze3A_341 : i32
      %lt3A_344 = arith.constant 64 : i32
      %lt3A_345 = arith.cmpi slt, %sub3A_342, %lt3A_344 : i32
      %and3A_346 = arith.andi %eq3A_343, %lt3A_345 : i1
      %convert_element_type3A_347 = arith.extui %and3A_346 : i1 to i32
      %cond3A_348 = arith.constant 0 : i32
      %cond3A_349 = arith.cmpi ne, %convert_element_type3A_347, %cond3A_348 : i32
      scf.if %cond3A_349 {
        %broadcast_in_dim3A_395 = arith.constant 0.000000e+00 : f32
        %broadcast_in_dim3A_396 = vector.broadcast %broadcast_in_dim3A_395 : f32 to vector<16xf32>
        %broadcast_in_dim3A_397 = arith.constant 0.000000e+00 : f32
        %broadcast_in_dim3A_398 = vector.broadcast %broadcast_in_dim3A_397 : f32 to vector<16xf32>
        %broadcast_in_dim3A_399 = arith.constant 0.000000e+00 : f32
        %broadcast_in_dim3A_400 = vector.broadcast %broadcast_in_dim3A_399 : f32 to vector<16xf32>
        %broadcast_in_dim3A_401 = arith.constant 0.000000e+00 : f32
        %broadcast_in_dim3A_402 = vector.broadcast %broadcast_in_dim3A_401 : f32 to vector<16xf32>
        %broadcast_in_dim3A_403 = arith.constant 0.000000e+00 : f32
        %broadcast_in_dim3A_404 = vector.broadcast %broadcast_in_dim3A_403 : f32 to vector<16xf32>
        %broadcast_in_dim3A_405 = arith.constant 0.000000e+00 : f32
        %broadcast_in_dim3A_406 = vector.broadcast %broadcast_in_dim3A_405 : f32 to vector<16xf32>
        %broadcast_in_dim3A_407 = arith.constant 0.000000e+00 : f32
        %broadcast_in_dim3A_408 = vector.broadcast %broadcast_in_dim3A_407 : f32 to vector<16xf32>
        %broadcast_in_dim3A_409 = arith.constant 0.000000e+00 : f32
        %broadcast_in_dim3A_410 = vector.broadcast %broadcast_in_dim3A_409 : f32 to vector<16xf32>
        %scan3A_411 = arith.constant 0 : i32
        %scan3A_412 = arith.constant 16 : i32
        %scan3A_413 = arith.addi %scan3A_411, %scan3A_412 : i32
        %scan3A_414 = arith.constant 1 : i32
        %scan3A_415:8 = scf.for %scan3A_497 = %scan3A_411 to %scan3A_413 step %scan3A_414 iter_args(%scan3A_498 = %broadcast_in_dim3A_396, %scan3A_499 = %broadcast_in_dim3A_398, %scan3A_500 = %broadcast_in_dim3A_400, %scan3A_501 = %broadcast_in_dim3A_402, %scan3A_502 = %broadcast_in_dim3A_404, %scan3A_503 = %broadcast_in_dim3A_406, %scan3A_504 = %broadcast_in_dim3A_408, %scan3A_505 = %broadcast_in_dim3A_410) -> (vector<16xf32>, vector<16xf32>, vector<16xf32>, vector<16xf32>, vector<16xf32>, vector<16xf32>, vector<16xf32>, vector<16xf32>)  : i32 {
          %mul3A_506 = arith.constant 8 : i32
          %mul3A_507 = arith.muli %scan3A_497, %mul3A_506 : i32
          %add3A_508 = arith.constant 0 : i32
          %add3A_509 = arith.addi %add3A_508, %mul3A_507 : i32
          %add3A_510 = arith.constant 0 : i32
          %add3A_511 = arith.addi %add3A_509, %add3A_510 : i32
          %get3A_512 = arith.constant 2 : i32
          %get3A_513 = arith.index_cast %get3A_512 : i32 to index
          %get3A_514 = arith.index_cast %add3A_511 : i32 to index
          %get3A_515 = arith.constant 0 : index
          %get3A_516 = tpu.vector_load %arg5[%get3A_513, %get3A_514, %get3A_515] {strides = array<i32>} : memref<3x256x128xf32, #tpu.memory_space<vmem>>, vector<1x1x16xf32>,
          %get3A_517 = vector.shape_cast %get3A_516 : vector<1x1x16xf32> to vector<16xf32>
          %add3A_518 = arith.addf %scan3A_498, %get3A_517 : vector<16xf32>
          %get3A_519 = arith.constant 2 : i32
          %get3A_520 = arith.index_cast %get3A_519 : i32 to index
          %get3A_521 = arith.index_cast %add3A_511 : i32 to index
          %get3A_522 = arith.constant 16 : index
          %get3A_523 = tpu.vector_load %arg5[%get3A_520, %get3A_521, %get3A_522] {strides = array<i32>} : memref<3x256x128xf32, #tpu.memory_space<vmem>>, vector<1x1x16xf32>,
          %get3A_524 = vector.shape_cast %get3A_523 : vector<1x1x16xf32> to vector<16xf32>
          %add3A_525 = arith.addf %scan3A_499, %get3A_524 : vector<16xf32>
          %get3A_526 = arith.constant 2 : i32
          %get3A_527 = arith.index_cast %get3A_526 : i32 to index
          %get3A_528 = arith.index_cast %add3A_511 : i32 to index
          %get3A_529 = arith.constant 32 : index
          %get3A_530 = tpu.vector_load %arg5[%get3A_527, %get3A_528, %get3A_529] {strides = array<i32>} : memref<3x256x128xf32, #tpu.memory_space<vmem>>, vector<1x1x16xf32>,
          %get3A_531 = vector.shape_cast %get3A_530 : vector<1x1x16xf32> to vector<16xf32>
          %add3A_532 = arith.addf %scan3A_500, %get3A_531 : vector<16xf32>
          %get3A_533 = arith.constant 2 : i32
          %get3A_534 = arith.index_cast %get3A_533 : i32 to index
          %get3A_535 = arith.index_cast %add3A_511 : i32 to index
          %get3A_536 = arith.constant 48 : index
          %get3A_537 = tpu.vector_load %arg5[%get3A_534, %get3A_535, %get3A_536] {strides = array<i32>} : memref<3x256x128xf32, #tpu.memory_space<vmem>>, vector<1x1x16xf32>,
          %get3A_538 = vector.shape_cast %get3A_537 : vector<1x1x16xf32> to vector<16xf32>
          %add3A_539 = arith.addf %scan3A_501, %get3A_538 : vector<16xf32>
          %get3A_540 = arith.constant 2 : i32
          %get3A_541 = arith.index_cast %get3A_540 : i32 to index
          %get3A_542 = arith.index_cast %add3A_511 : i32 to index
          %get3A_543 = arith.constant 64 : index
          %get3A_544 = tpu.vector_load %arg5[%get3A_541, %get3A_542, %get3A_543] {strides = array<i32>} : memref<3x256x128xf32, #tpu.memory_space<vmem>>, vector<1x1x16xf32>,
          %get3A_545 = vector.shape_cast %get3A_544 : vector<1x1x16xf32> to vector<16xf32>
          %add3A_546 = arith.addf %scan3A_502, %get3A_545 : vector<16xf32>
          %get3A_547 = arith.constant 2 : i32
          %get3A_548 = arith.index_cast %get3A_547 : i32 to index
          %get3A_549 = arith.index_cast %add3A_511 : i32 to index
          %get3A_550 = arith.constant 80 : index
          %get3A_551 = tpu.vector_load %arg5[%get3A_548, %get3A_549, %get3A_550] {strides = array<i32>} : memref<3x256x128xf32, #tpu.memory_space<vmem>>, vector<1x1x16xf32>,
          %get3A_552 = vector.shape_cast %get3A_551 : vector<1x1x16xf32> to vector<16xf32>
          %add3A_553 = arith.addf %scan3A_503, %get3A_552 : vector<16xf32>
          %get3A_554 = arith.constant 2 : i32
          %get3A_555 = arith.index_cast %get3A_554 : i32 to index
          %get3A_556 = arith.index_cast %add3A_511 : i32 to index
          %get3A_557 = arith.constant 96 : index
          %get3A_558 = tpu.vector_load %arg5[%get3A_555, %get3A_556, %get3A_557] {strides = array<i32>} : memref<3x256x128xf32, #tpu.memory_space<vmem>>, vector<1x1x16xf32>,
          %get3A_559 = vector.shape_cast %get3A_558 : vector<1x1x16xf32> to vector<16xf32>
          %add3A_560 = arith.addf %scan3A_504, %get3A_559 : vector<16xf32>
          %get3A_561 = arith.constant 2 : i32
          %get3A_562 = arith.index_cast %get3A_561 : i32 to index
          %get3A_563 = arith.index_cast %add3A_511 : i32 to index
          %get3A_564 = arith.constant 112 : index
          %get3A_565 = tpu.vector_load %arg5[%get3A_562, %get3A_563, %get3A_564] {strides = array<i32>} : memref<3x256x128xf32, #tpu.memory_space<vmem>>, vector<1x1x16xf32>,
          %get3A_566 = vector.shape_cast %get3A_565 : vector<1x1x16xf32> to vector<16xf32>
          %add3A_567 = arith.addf %scan3A_505, %get3A_566 : vector<16xf32>
          %mul3A_568 = arith.constant 8 : i32
          %mul3A_569 = arith.muli %scan3A_497, %mul3A_568 : i32
          %add3A_570 = arith.constant 0 : i32
          %add3A_571 = arith.addi %add3A_570, %mul3A_569 : i32
          %add3A_572 = arith.constant 1 : i32
          %add3A_573 = arith.addi %add3A_571, %add3A_572 : i32
          %get3A_574 = arith.constant 2 : i32
          %get3A_575 = arith.index_cast %get3A_574 : i32 to index
          %get3A_576 = arith.index_cast %add3A_573 : i32 to index
          %get3A_577 = arith.constant 0 : index
          %get3A_578 = tpu.vector_load %arg5[%get3A_575, %get3A_576, %get3A_577] {strides = array<i32>} : memref<3x256x128xf32, #tpu.memory_space<vmem>>, vector<1x1x16xf32>,
          %get3A_579 = vector.shape_cast %get3A_578 : vector<1x1x16xf32> to vector<16xf32>
          %add3A_580 = arith.addf %add3A_518, %get3A_579 : vector<16xf32>
          %get3A_581 = arith.constant 2 : i32
          %get3A_582 = arith.index_cast %get3A_581 : i32 to index
          %get3A_583 = arith.index_cast %add3A_573 : i32 to index
          %get3A_584 = arith.constant 16 : index
          %get3A_585 = tpu.vector_load %arg5[%get3A_582, %get3A_583, %get3A_584] {strides = array<i32>} : memref<3x256x128xf32, #tpu.memory_space<vmem>>, vector<1x1x16xf32>,
          %get3A_586 = vector.shape_cast %get3A_585 : vector<1x1x16xf32> to vector<16xf32>
          %add3A_587 = arith.addf %add3A_525, %get3A_586 : vector<16xf32>
          %get3A_588 = arith.constant 2 : i32
          %get3A_589 = arith.index_cast %get3A_588 : i32 to index
          %get3A_590 = arith.index_cast %add3A_573 : i32 to index
          %get3A_591 = arith.constant 32 : index
          %get3A_592 = tpu.vector_load %arg5[%get3A_589, %get3A_590, %get3A_591] {strides = array<i32>} : memref<3x256x128xf32, #tpu.memory_space<vmem>>, vector<1x1x16xf32>,
          %get3A_593 = vector.shape_cast %get3A_592 : vector<1x1x16xf32> to vector<16xf32>
          %add3A_594 = arith.addf %add3A_532, %get3A_593 : vector<16xf32>
          %get3A_595 = arith.constant 2 : i32
          %get3A_596 = arith.index_cast %get3A_595 : i32 to index
          %get3A_597 = arith.index_cast %add3A_573 : i32 to index
          %get3A_598 = arith.constant 48 : index
          %get3A_599 = tpu.vector_load %arg5[%get3A_596, %get3A_597, %get3A_598] {strides = array<i32>} : memref<3x256x128xf32, #tpu.memory_space<vmem>>, vector<1x1x16xf32>,
          %get3A_600 = vector.shape_cast %get3A_599 : vector<1x1x16xf32> to vector<16xf32>
          %add3A_601 = arith.addf %add3A_539, %get3A_600 : vector<16xf32>
          %get3A_602 = arith.constant 2 : i32
          %get3A_603 = arith.index_cast %get3A_602 : i32 to index
          %get3A_604 = arith.index_cast %add3A_573 : i32 to index
          %get3A_605 = arith.constant 64 : index
          %get3A_606 = tpu.vector_load %arg5[%get3A_603, %get3A_604, %get3A_605] {strides = array<i32>} : memref<3x256x128xf32, #tpu.memory_space<vmem>>, vector<1x1x16xf32>,
          %get3A_607 = vector.shape_cast %get3A_606 : vector<1x1x16xf32> to vector<16xf32>
          %add3A_608 = arith.addf %add3A_546, %get3A_607 : vector<16xf32>
          %get3A_609 = arith.constant 2 : i32
          %get3A_610 = arith.index_cast %get3A_609 : i32 to index
          %get3A_611 = arith.index_cast %add3A_573 : i32 to index
          %get3A_612 = arith.constant 80 : index
          %get3A_613 = tpu.vector_load %arg5[%get3A_610, %get3A_611, %get3A_612] {strides = array<i32>} : memref<3x256x128xf32, #tpu.memory_space<vmem>>, vector<1x1x16xf32>,
          %get3A_614 = vector.shape_cast %get3A_613 : vector<1x1x16xf32> to vector<16xf32>
          %add3A_615 = arith.addf %add3A_553, %get3A_614 : vector<16xf32>
          %get3A_616 = arith.constant 2 : i32
          %get3A_617 = arith.index_cast %get3A_616 : i32 to index
          %get3A_618 = arith.index_cast %add3A_573 : i32 to index
          %get3A_619 = arith.constant 96 : index
          %get3A_620 = tpu.vector_load %arg5[%get3A_617, %get3A_618, %get3A_619] {strides = array<i32>} : memref<3x256x128xf32, #tpu.memory_space<vmem>>, vector<1x1x16xf32>,
          %get3A_621 = vector.shape_cast %get3A_620 : vector<1x1x16xf32> to vector<16xf32>
          %add3A_622 = arith.addf %add3A_560, %get3A_621 : vector<16xf32>
          %get3A_623 = arith.constant 2 : i32
          %get3A_624 = arith.index_cast %get3A_623 : i32 to index
          %get3A_625 = arith.index_cast %add3A_573 : i32 to index
          %get3A_626 = arith.constant 112 : index
          %get3A_627 = tpu.vector_load %arg5[%get3A_624, %get3A_625, %get3A_626] {strides = array<i32>} : memref<3x256x128xf32, #tpu.memory_space<vmem>>, vector<1x1x16xf32>,
          %get3A_628 = vector.shape_cast %get3A_627 : vector<1x1x16xf32> to vector<16xf32>
          %add3A_629 = arith.addf %add3A_567, %get3A_628 : vector<16xf32>
          %mul3A_630 = arith.constant 8 : i32
          %mul3A_631 = arith.muli %scan3A_497, %mul3A_630 : i32
          %add3A_632 = arith.constant 0 : i32
          %add3A_633 = arith.addi %add3A_632, %mul3A_631 : i32
          %add3A_634 = arith.constant 2 : i32
          %add3A_635 = arith.addi %add3A_633, %add3A_634 : i32
          %get3A_636 = arith.constant 2 : i32
          %get3A_637 = arith.index_cast %get3A_636 : i32 to index
          %get3A_638 = arith.index_cast %add3A_635 : i32 to index
          %get3A_639 = arith.constant 0 : index
          %get3A_640 = tpu.vector_load %arg5[%get3A_637, %get3A_638, %get3A_639] {strides = array<i32>} : memref<3x256x128xf32, #tpu.memory_space<vmem>>, vector<1x1x16xf32>,
          %get3A_641 = vector.shape_cast %get3A_640 : vector<1x1x16xf32> to vector<16xf32>
          %add3A_642 = arith.addf %add3A_580, %get3A_641 : vector<16xf32>
          %get3A_643 = arith.constant 2 : i32
          %get3A_644 = arith.index_cast %get3A_643 : i32 to index
          %get3A_645 = arith.index_cast %add3A_635 : i32 to index
          %get3A_646 = arith.constant 16 : index
          %get3A_647 = tpu.vector_load %arg5[%get3A_644, %get3A_645, %get3A_646] {strides = array<i32>} : memref<3x256x128xf32, #tpu.memory_space<vmem>>, vector<1x1x16xf32>,
          %get3A_648 = vector.shape_cast %get3A_647 : vector<1x1x16xf32> to vector<16xf32>
          %add3A_649 = arith.addf %add3A_587, %get3A_648 : vector<16xf32>
          %get3A_650 = arith.constant 2 : i32
          %get3A_651 = arith.index_cast %get3A_650 : i32 to index
          %get3A_652 = arith.index_cast %add3A_635 : i32 to index
          %get3A_653 = arith.constant 32 : index
          %get3A_654 = tpu.vector_load %arg5[%get3A_651, %get3A_652, %get3A_653] {strides = array<i32>} : memref<3x256x128xf32, #tpu.memory_space<vmem>>, vector<1x1x16xf32>,
          %get3A_655 = vector.shape_cast %get3A_654 : vector<1x1x16xf32> to vector<16xf32>
          %add3A_656 = arith.addf %add3A_594, %get3A_655 : vector<16xf32>
          %get3A_657 = arith.constant 2 : i32
          %get3A_658 = arith.index_cast %get3A_657 : i32 to index
          %get3A_659 = arith.index_cast %add3A_635 : i32 to index
          %get3A_660 = arith.constant 48 : index
          %get3A_661 = tpu.vector_load %arg5[%get3A_658, %get3A_659, %get3A_660] {strides = array<i32>} : memref<3x256x128xf32, #tpu.memory_space<vmem>>, vector<1x1x16xf32>,
          %get3A_662 = vector.shape_cast %get3A_661 : vector<1x1x16xf32> to vector<16xf32>
          %add3A_663 = arith.addf %add3A_601, %get3A_662 : vector<16xf32>
          %get3A_664 = arith.constant 2 : i32
          %get3A_665 = arith.index_cast %get3A_664 : i32 to index
          %get3A_666 = arith.index_cast %add3A_635 : i32 to index
          %get3A_667 = arith.constant 64 : index
          %get3A_668 = tpu.vector_load %arg5[%get3A_665, %get3A_666, %get3A_667] {strides = array<i32>} : memref<3x256x128xf32, #tpu.memory_space<vmem>>, vector<1x1x16xf32>,
          %get3A_669 = vector.shape_cast %get3A_668 : vector<1x1x16xf32> to vector<16xf32>
          %add3A_670 = arith.addf %add3A_608, %get3A_669 : vector<16xf32>
          %get3A_671 = arith.constant 2 : i32
          %get3A_672 = arith.index_cast %get3A_671 : i32 to index
          %get3A_673 = arith.index_cast %add3A_635 : i32 to index
          %get3A_674 = arith.constant 80 : index
          %get3A_675 = tpu.vector_load %arg5[%get3A_672, %get3A_673, %get3A_674] {strides = array<i32>} : memref<3x256x128xf32, #tpu.memory_space<vmem>>, vector<1x1x16xf32>,
          %get3A_676 = vector.shape_cast %get3A_675 : vector<1x1x16xf32> to vector<16xf32>
          %add3A_677 = arith.addf %add3A_615, %get3A_676 : vector<16xf32>
          %get3A_678 = arith.constant 2 : i32
          %get3A_679 = arith.index_cast %get3A_678 : i32 to index
          %get3A_680 = arith.index_cast %add3A_635 : i32 to index
          %get3A_681 = arith.constant 96 : index
          %get3A_682 = tpu.vector_load %arg5[%get3A_679, %get3A_680, %get3A_681] {strides = array<i32>} : memref<3x256x128xf32, #tpu.memory_space<vmem>>, vector<1x1x16xf32>,
          %get3A_683 = vector.shape_cast %get3A_682 : vector<1x1x16xf32> to vector<16xf32>
          %add3A_684 = arith.addf %add3A_622, %get3A_683 : vector<16xf32>
          %get3A_685 = arith.constant 2 : i32
          %get3A_686 = arith.index_cast %get3A_685 : i32 to index
          %get3A_687 = arith.index_cast %add3A_635 : i32 to index
          %get3A_688 = arith.constant 112 : index
          %get3A_689 = tpu.vector_load %arg5[%get3A_686, %get3A_687, %get3A_688] {strides = array<i32>} : memref<3x256x128xf32, #tpu.memory_space<vmem>>, vector<1x1x16xf32>,
          %get3A_690 = vector.shape_cast %get3A_689 : vector<1x1x16xf32> to vector<16xf32>
          %add3A_691 = arith.addf %add3A_629, %get3A_690 : vector<16xf32>
          %mul3A_692 = arith.constant 8 : i32
          %mul3A_693 = arith.muli %scan3A_497, %mul3A_692 : i32
          %add3A_694 = arith.constant 0 : i32
          %add3A_695 = arith.addi %add3A_694, %mul3A_693 : i32
          %add3A_696 = arith.constant 3 : i32
          %add3A_697 = arith.addi %add3A_695, %add3A_696 : i32
          %get3A_698 = arith.constant 2 : i32
          %get3A_699 = arith.index_cast %get3A_698 : i32 to index
          %get3A_700 = arith.index_cast %add3A_697 : i32 to index
          %get3A_701 = arith.constant 0 : index
          %get3A_702 = tpu.vector_load %arg5[%get3A_699, %get3A_700, %get3A_701] {strides = array<i32>} : memref<3x256x128xf32, #tpu.memory_space<vmem>>, vector<1x1x16xf32>,
          %get3A_703 = vector.shape_cast %get3A_702 : vector<1x1x16xf32> to vector<16xf32>
          %add3A_704 = arith.addf %add3A_642, %get3A_703 : vector<16xf32>
          %get3A_705 = arith.constant 2 : i32
          %get3A_706 = arith.index_cast %get3A_705 : i32 to index
          %get3A_707 = arith.index_cast %add3A_697 : i32 to index
          %get3A_708 = arith.constant 16 : index
          %get3A_709 = tpu.vector_load %arg5[%get3A_706, %get3A_707, %get3A_708] {strides = array<i32>} : memref<3x256x128xf32, #tpu.memory_space<vmem>>, vector<1x1x16xf32>,
          %get3A_710 = vector.shape_cast %get3A_709 : vector<1x1x16xf32> to vector<16xf32>
          %add3A_711 = arith.addf %add3A_649, %get3A_710 : vector<16xf32>
          %get3A_712 = arith.constant 2 : i32
          %get3A_713 = arith.index_cast %get3A_712 : i32 to index
          %get3A_714 = arith.index_cast %add3A_697 : i32 to index
          %get3A_715 = arith.constant 32 : index
          %get3A_716 = tpu.vector_load %arg5[%get3A_713, %get3A_714, %get3A_715] {strides = array<i32>} : memref<3x256x128xf32, #tpu.memory_space<vmem>>, vector<1x1x16xf32>,
          %get3A_717 = vector.shape_cast %get3A_716 : vector<1x1x16xf32> to vector<16xf32>
          %add3A_718 = arith.addf %add3A_656, %get3A_717 : vector<16xf32>
          %get3A_719 = arith.constant 2 : i32
          %get3A_720 = arith.index_cast %get3A_719 : i32 to index
          %get3A_721 = arith.index_cast %add3A_697 : i32 to index
          %get3A_722 = arith.constant 48 : index
          %get3A_723 = tpu.vector_load %arg5[%get3A_720, %get3A_721, %get3A_722] {strides = array<i32>} : memref<3x256x128xf32, #tpu.memory_space<vmem>>, vector<1x1x16xf32>,
          %get3A_724 = vector.shape_cast %get3A_723 : vector<1x1x16xf32> to vector<16xf32>
          %add3A_725 = arith.addf %add3A_663, %get3A_724 : vector<16xf32>
          %get3A_726 = arith.constant 2 : i32
          %get3A_727 = arith.index_cast %get3A_726 : i32 to index
          %get3A_728 = arith.index_cast %add3A_697 : i32 to index
          %get3A_729 = arith.constant 64 : index
          %get3A_730 = tpu.vector_load %arg5[%get3A_727, %get3A_728, %get3A_729] {strides = array<i32>} : memref<3x256x128xf32, #tpu.memory_space<vmem>>, vector<1x1x16xf32>,
          %get3A_731 = vector.shape_cast %get3A_730 : vector<1x1x16xf32> to vector<16xf32>
          %add3A_732 = arith.addf %add3A_670, %get3A_731 : vector<16xf32>
          %get3A_733 = arith.constant 2 : i32
          %get3A_734 = arith.index_cast %get3A_733 : i32 to index
          %get3A_735 = arith.index_cast %add3A_697 : i32 to index
          %get3A_736 = arith.constant 80 : index
          %get3A_737 = tpu.vector_load %arg5[%get3A_734, %get3A_735, %get3A_736] {strides = array<i32>} : memref<3x256x128xf32, #tpu.memory_space<vmem>>, vector<1x1x16xf32>,
          %get3A_738 = vector.shape_cast %get3A_737 : vector<1x1x16xf32> to vector<16xf32>
          %add3A_739 = arith.addf %add3A_677, %get3A_738 : vector<16xf32>
          %get3A_740 = arith.constant 2 : i32
          %get3A_741 = arith.index_cast %get3A_740 : i32 to index
          %get3A_742 = arith.index_cast %add3A_697 : i32 to index
          %get3A_743 = arith.constant 96 : index
          %get3A_744 = tpu.vector_load %arg5[%get3A_741, %get3A_742, %get3A_743] {strides = array<i32>} : memref<3x256x128xf32, #tpu.memory_space<vmem>>, vector<1x1x16xf32>,
          %get3A_745 = vector.shape_cast %get3A_744 : vector<1x1x16xf32> to vector<16xf32>
          %add3A_746 = arith.addf %add3A_684, %get3A_745 : vector<16xf32>
          %get3A_747 = arith.constant 2 : i32
          %get3A_748 = arith.index_cast %get3A_747 : i32 to index
          %get3A_749 = arith.index_cast %add3A_697 : i32 to index
          %get3A_750 = arith.constant 112 : index
          %get3A_751 = tpu.vector_load %arg5[%get3A_748, %get3A_749, %get3A_750] {strides = array<i32>} : memref<3x256x128xf32, #tpu.memory_space<vmem>>, vector<1x1x16xf32>,
          %get3A_752 = vector.shape_cast %get3A_751 : vector<1x1x16xf32> to vector<16xf32>
          %add3A_753 = arith.addf %add3A_691, %get3A_752 : vector<16xf32>
          %mul3A_754 = arith.constant 8 : i32
          %mul3A_755 = arith.muli %scan3A_497, %mul3A_754 : i32
          %add3A_756 = arith.constant 0 : i32
          %add3A_757 = arith.addi %add3A_756, %mul3A_755 : i32
          %add3A_758 = arith.constant 4 : i32
          %add3A_759 = arith.addi %add3A_757, %add3A_758 : i32
          %get3A_760 = arith.constant 2 : i32
          %get3A_761 = arith.index_cast %get3A_760 : i32 to index
          %get3A_762 = arith.index_cast %add3A_759 : i32 to index
          %get3A_763 = arith.constant 0 : index
          %get3A_764 = tpu.vector_load %arg5[%get3A_761, %get3A_762, %get3A_763] {strides = array<i32>} : memref<3x256x128xf32, #tpu.memory_space<vmem>>, vector<1x1x16xf32>,
          %get3A_765 = vector.shape_cast %get3A_764 : vector<1x1x16xf32> to vector<16xf32>
          %add3A_766 = arith.addf %add3A_704, %get3A_765 : vector<16xf32>
          %get3A_767 = arith.constant 2 : i32
          %get3A_768 = arith.index_cast %get3A_767 : i32 to index
          %get3A_769 = arith.index_cast %add3A_759 : i32 to index
          %get3A_770 = arith.constant 16 : index
          %get3A_771 = tpu.vector_load %arg5[%get3A_768, %get3A_769, %get3A_770] {strides = array<i32>} : memref<3x256x128xf32, #tpu.memory_space<vmem>>, vector<1x1x16xf32>,
          %get3A_772 = vector.shape_cast %get3A_771 : vector<1x1x16xf32> to vector<16xf32>
          %add3A_773 = arith.addf %add3A_711, %get3A_772 : vector<16xf32>
          %get3A_774 = arith.constant 2 : i32
          %get3A_775 = arith.index_cast %get3A_774 : i32 to index
          %get3A_776 = arith.index_cast %add3A_759 : i32 to index
          %get3A_777 = arith.constant 32 : index
          %get3A_778 = tpu.vector_load %arg5[%get3A_775, %get3A_776, %get3A_777] {strides = array<i32>} : memref<3x256x128xf32, #tpu.memory_space<vmem>>, vector<1x1x16xf32>,
          %get3A_779 = vector.shape_cast %get3A_778 : vector<1x1x16xf32> to vector<16xf32>
          %add3A_780 = arith.addf %add3A_718, %get3A_779 : vector<16xf32>
          %get3A_781 = arith.constant 2 : i32
          %get3A_782 = arith.index_cast %get3A_781 : i32 to index
          %get3A_783 = arith.index_cast %add3A_759 : i32 to index
          %get3A_784 = arith.constant 48 : index
          %get3A_785 = tpu.vector_load %arg5[%get3A_782, %get3A_783, %get3A_784] {strides = array<i32>} : memref<3x256x128xf32, #tpu.memory_space<vmem>>, vector<1x1x16xf32>,
          %get3A_786 = vector.shape_cast %get3A_785 : vector<1x1x16xf32> to vector<16xf32>
          %add3A_787 = arith.addf %add3A_725, %get3A_786 : vector<16xf32>
          %get3A_788 = arith.constant 2 : i32
          %get3A_789 = arith.index_cast %get3A_788 : i32 to index
          %get3A_790 = arith.index_cast %add3A_759 : i32 to index
          %get3A_791 = arith.constant 64 : index
          %get3A_792 = tpu.vector_load %arg5[%get3A_789, %get3A_790, %get3A_791] {strides = array<i32>} : memref<3x256x128xf32, #tpu.memory_space<vmem>>, vector<1x1x16xf32>,
          %get3A_793 = vector.shape_cast %get3A_792 : vector<1x1x16xf32> to vector<16xf32>
          %add3A_794 = arith.addf %add3A_732, %get3A_793 : vector<16xf32>
          %get3A_795 = arith.constant 2 : i32
          %get3A_796 = arith.index_cast %get3A_795 : i32 to index
          %get3A_797 = arith.index_cast %add3A_759 : i32 to index
          %get3A_798 = arith.constant 80 : index
          %get3A_799 = tpu.vector_load %arg5[%get3A_796, %get3A_797, %get3A_798] {strides = array<i32>} : memref<3x256x128xf32, #tpu.memory_space<vmem>>, vector<1x1x16xf32>,
          %get3A_800 = vector.shape_cast %get3A_799 : vector<1x1x16xf32> to vector<16xf32>
          %add3A_801 = arith.addf %add3A_739, %get3A_800 : vector<16xf32>
          %get3A_802 = arith.constant 2 : i32
          %get3A_803 = arith.index_cast %get3A_802 : i32 to index
          %get3A_804 = arith.index_cast %add3A_759 : i32 to index
          %get3A_805 = arith.constant 96 : index
          %get3A_806 = tpu.vector_load %arg5[%get3A_803, %get3A_804, %get3A_805] {strides = array<i32>} : memref<3x256x128xf32, #tpu.memory_space<vmem>>, vector<1x1x16xf32>,
          %get3A_807 = vector.shape_cast %get3A_806 : vector<1x1x16xf32> to vector<16xf32>
          %add3A_808 = arith.addf %add3A_746, %get3A_807 : vector<16xf32>
          %get3A_809 = arith.constant 2 : i32
          %get3A_810 = arith.index_cast %get3A_809 : i32 to index
          %get3A_811 = arith.index_cast %add3A_759 : i32 to index
          %get3A_812 = arith.constant 112 : index
          %get3A_813 = tpu.vector_load %arg5[%get3A_810, %get3A_811, %get3A_812] {strides = array<i32>} : memref<3x256x128xf32, #tpu.memory_space<vmem>>, vector<1x1x16xf32>,
          %get3A_814 = vector.shape_cast %get3A_813 : vector<1x1x16xf32> to vector<16xf32>
          %add3A_815 = arith.addf %add3A_753, %get3A_814 : vector<16xf32>
          %mul3A_816 = arith.constant 8 : i32
          %mul3A_817 = arith.muli %scan3A_497, %mul3A_816 : i32
          %add3A_818 = arith.constant 0 : i32
          %add3A_819 = arith.addi %add3A_818, %mul3A_817 : i32
          %add3A_820 = arith.constant 5 : i32
          %add3A_821 = arith.addi %add3A_819, %add3A_820 : i32
          %get3A_822 = arith.constant 2 : i32
          %get3A_823 = arith.index_cast %get3A_822 : i32 to index
          %get3A_824 = arith.index_cast %add3A_821 : i32 to index
          %get3A_825 = arith.constant 0 : index
          %get3A_826 = tpu.vector_load %arg5[%get3A_823, %get3A_824, %get3A_825] {strides = array<i32>} : memref<3x256x128xf32, #tpu.memory_space<vmem>>, vector<1x1x16xf32>,
          %get3A_827 = vector.shape_cast %get3A_826 : vector<1x1x16xf32> to vector<16xf32>
          %add3A_828 = arith.addf %add3A_766, %get3A_827 : vector<16xf32>
          %get3A_829 = arith.constant 2 : i32
          %get3A_830 = arith.index_cast %get3A_829 : i32 to index
          %get3A_831 = arith.index_cast %add3A_821 : i32 to index
          %get3A_832 = arith.constant 16 : index
          %get3A_833 = tpu.vector_load %arg5[%get3A_830, %get3A_831, %get3A_832] {strides = array<i32>} : memref<3x256x128xf32, #tpu.memory_space<vmem>>, vector<1x1x16xf32>,
          %get3A_834 = vector.shape_cast %get3A_833 : vector<1x1x16xf32> to vector<16xf32>
          %add3A_835 = arith.addf %add3A_773, %get3A_834 : vector<16xf32>
          %get3A_836 = arith.constant 2 : i32
          %get3A_837 = arith.index_cast %get3A_836 : i32 to index
          %get3A_838 = arith.index_cast %add3A_821 : i32 to index
          %get3A_839 = arith.constant 32 : index
          %get3A_840 = tpu.vector_load %arg5[%get3A_837, %get3A_838, %get3A_839] {strides = array<i32>} : memref<3x256x128xf32, #tpu.memory_space<vmem>>, vector<1x1x16xf32>,
          %get3A_841 = vector.shape_cast %get3A_840 : vector<1x1x16xf32> to vector<16xf32>
          %add3A_842 = arith.addf %add3A_780, %get3A_841 : vector<16xf32>
          %get3A_843 = arith.constant 2 : i32
          %get3A_844 = arith.index_cast %get3A_843 : i32 to index
          %get3A_845 = arith.index_cast %add3A_821 : i32 to index
          %get3A_846 = arith.constant 48 : index
          %get3A_847 = tpu.vector_load %arg5[%get3A_844, %get3A_845, %get3A_846] {strides = array<i32>} : memref<3x256x128xf32, #tpu.memory_space<vmem>>, vector<1x1x16xf32>,
          %get3A_848 = vector.shape_cast %get3A_847 : vector<1x1x16xf32> to vector<16xf32>
          %add3A_849 = arith.addf %add3A_787, %get3A_848 : vector<16xf32>
          %get3A_850 = arith.constant 2 : i32
          %get3A_851 = arith.index_cast %get3A_850 : i32 to index
          %get3A_852 = arith.index_cast %add3A_821 : i32 to index
          %get3A_853 = arith.constant 64 : index
          %get3A_854 = tpu.vector_load %arg5[%get3A_851, %get3A_852, %get3A_853] {strides = array<i32>} : memref<3x256x128xf32, #tpu.memory_space<vmem>>, vector<1x1x16xf32>,
          %get3A_855 = vector.shape_cast %get3A_854 : vector<1x1x16xf32> to vector<16xf32>
          %add3A_856 = arith.addf %add3A_794, %get3A_855 : vector<16xf32>
          %get3A_857 = arith.constant 2 : i32
          %get3A_858 = arith.index_cast %get3A_857 : i32 to index
          %get3A_859 = arith.index_cast %add3A_821 : i32 to index
          %get3A_860 = arith.constant 80 : index
          %get3A_861 = tpu.vector_load %arg5[%get3A_858, %get3A_859, %get3A_860] {strides = array<i32>} : memref<3x256x128xf32, #tpu.memory_space<vmem>>, vector<1x1x16xf32>,
          %get3A_862 = vector.shape_cast %get3A_861 : vector<1x1x16xf32> to vector<16xf32>
          %add3A_863 = arith.addf %add3A_801, %get3A_862 : vector<16xf32>
          %get3A_864 = arith.constant 2 : i32
          %get3A_865 = arith.index_cast %get3A_864 : i32 to index
          %get3A_866 = arith.index_cast %add3A_821 : i32 to index
          %get3A_867 = arith.constant 96 : index
          %get3A_868 = tpu.vector_load %arg5[%get3A_865, %get3A_866, %get3A_867] {strides = array<i32>} : memref<3x256x128xf32, #tpu.memory_space<vmem>>, vector<1x1x16xf32>,
          %get3A_869 = vector.shape_cast %get3A_868 : vector<1x1x16xf32> to vector<16xf32>
          %add3A_870 = arith.addf %add3A_808, %get3A_869 : vector<16xf32>
          %get3A_871 = arith.constant 2 : i32
          %get3A_872 = arith.index_cast %get3A_871 : i32 to index
          %get3A_873 = arith.index_cast %add3A_821 : i32 to index
          %get3A_874 = arith.constant 112 : index
          %get3A_875 = tpu.vector_load %arg5[%get3A_872, %get3A_873, %get3A_874] {strides = array<i32>} : memref<3x256x128xf32, #tpu.memory_space<vmem>>, vector<1x1x16xf32>,
          %get3A_876 = vector.shape_cast %get3A_875 : vector<1x1x16xf32> to vector<16xf32>
          %add3A_877 = arith.addf %add3A_815, %get3A_876 : vector<16xf32>
          %mul3A_878 = arith.constant 8 : i32
          %mul3A_879 = arith.muli %scan3A_497, %mul3A_878 : i32
          %add3A_880 = arith.constant 0 : i32
          %add3A_881 = arith.addi %add3A_880, %mul3A_879 : i32
          %add3A_882 = arith.constant 6 : i32
          %add3A_883 = arith.addi %add3A_881, %add3A_882 : i32
          %get3A_884 = arith.constant 2 : i32
          %get3A_885 = arith.index_cast %get3A_884 : i32 to index
          %get3A_886 = arith.index_cast %add3A_883 : i32 to index
          %get3A_887 = arith.constant 0 : index
          %get3A_888 = tpu.vector_load %arg5[%get3A_885, %get3A_886, %get3A_887] {strides = array<i32>} : memref<3x256x128xf32, #tpu.memory_space<vmem>>, vector<1x1x16xf32>,
          %get3A_889 = vector.shape_cast %get3A_888 : vector<1x1x16xf32> to vector<16xf32>
          %add3A_890 = arith.addf %add3A_828, %get3A_889 : vector<16xf32>
          %get3A_891 = arith.constant 2 : i32
          %get3A_892 = arith.index_cast %get3A_891 : i32 to index
          %get3A_893 = arith.index_cast %add3A_883 : i32 to index
          %get3A_894 = arith.constant 16 : index
          %get3A_895 = tpu.vector_load %arg5[%get3A_892, %get3A_893, %get3A_894] {strides = array<i32>} : memref<3x256x128xf32, #tpu.memory_space<vmem>>, vector<1x1x16xf32>,
          %get3A_896 = vector.shape_cast %get3A_895 : vector<1x1x16xf32> to vector<16xf32>
          %add3A_897 = arith.addf %add3A_835, %get3A_896 : vector<16xf32>
          %get3A_898 = arith.constant 2 : i32
          %get3A_899 = arith.index_cast %get3A_898 : i32 to index
          %get3A_900 = arith.index_cast %add3A_883 : i32 to index
          %get3A_901 = arith.constant 32 : index
          %get3A_902 = tpu.vector_load %arg5[%get3A_899, %get3A_900, %get3A_901] {strides = array<i32>} : memref<3x256x128xf32, #tpu.memory_space<vmem>>, vector<1x1x16xf32>,
          %get3A_903 = vector.shape_cast %get3A_902 : vector<1x1x16xf32> to vector<16xf32>
          %add3A_904 = arith.addf %add3A_842, %get3A_903 : vector<16xf32>
          %get3A_905 = arith.constant 2 : i32
          %get3A_906 = arith.index_cast %get3A_905 : i32 to index
          %get3A_907 = arith.index_cast %add3A_883 : i32 to index
          %get3A_908 = arith.constant 48 : index
          %get3A_909 = tpu.vector_load %arg5[%get3A_906, %get3A_907, %get3A_908] {strides = array<i32>} : memref<3x256x128xf32, #tpu.memory_space<vmem>>, vector<1x1x16xf32>,
          %get3A_910 = vector.shape_cast %get3A_909 : vector<1x1x16xf32> to vector<16xf32>
          %add3A_911 = arith.addf %add3A_849, %get3A_910 : vector<16xf32>
          %get3A_912 = arith.constant 2 : i32
          %get3A_913 = arith.index_cast %get3A_912 : i32 to index
          %get3A_914 = arith.index_cast %add3A_883 : i32 to index
          %get3A_915 = arith.constant 64 : index
          %get3A_916 = tpu.vector_load %arg5[%get3A_913, %get3A_914, %get3A_915] {strides = array<i32>} : memref<3x256x128xf32, #tpu.memory_space<vmem>>, vector<1x1x16xf32>,
          %get3A_917 = vector.shape_cast %get3A_916 : vector<1x1x16xf32> to vector<16xf32>
          %add3A_918 = arith.addf %add3A_856, %get3A_917 : vector<16xf32>
          %get3A_919 = arith.constant 2 : i32
          %get3A_920 = arith.index_cast %get3A_919 : i32 to index
          %get3A_921 = arith.index_cast %add3A_883 : i32 to index
          %get3A_922 = arith.constant 80 : index
          %get3A_923 = tpu.vector_load %arg5[%get3A_920, %get3A_921, %get3A_922] {strides = array<i32>} : memref<3x256x128xf32, #tpu.memory_space<vmem>>, vector<1x1x16xf32>,
          %get3A_924 = vector.shape_cast %get3A_923 : vector<1x1x16xf32> to vector<16xf32>
          %add3A_925 = arith.addf %add3A_863, %get3A_924 : vector<16xf32>
          %get3A_926 = arith.constant 2 : i32
          %get3A_927 = arith.index_cast %get3A_926 : i32 to index
          %get3A_928 = arith.index_cast %add3A_883 : i32 to index
          %get3A_929 = arith.constant 96 : index
          %get3A_930 = tpu.vector_load %arg5[%get3A_927, %get3A_928, %get3A_929] {strides = array<i32>} : memref<3x256x128xf32, #tpu.memory_space<vmem>>, vector<1x1x16xf32>,
          %get3A_931 = vector.shape_cast %get3A_930 : vector<1x1x16xf32> to vector<16xf32>
          %add3A_932 = arith.addf %add3A_870, %get3A_931 : vector<16xf32>
          %get3A_933 = arith.constant 2 : i32
          %get3A_934 = arith.index_cast %get3A_933 : i32 to index
          %get3A_935 = arith.index_cast %add3A_883 : i32 to index
          %get3A_936 = arith.constant 112 : index
          %get3A_937 = tpu.vector_load %arg5[%get3A_934, %get3A_935, %get3A_936] {strides = array<i32>} : memref<3x256x128xf32, #tpu.memory_space<vmem>>, vector<1x1x16xf32>,
          %get3A_938 = vector.shape_cast %get3A_937 : vector<1x1x16xf32> to vector<16xf32>
          %add3A_939 = arith.addf %add3A_877, %get3A_938 : vector<16xf32>
          %mul3A_940 = arith.constant 8 : i32
          %mul3A_941 = arith.muli %scan3A_497, %mul3A_940 : i32
          %add3A_942 = arith.constant 0 : i32
          %add3A_943 = arith.addi %add3A_942, %mul3A_941 : i32
          %add3A_944 = arith.constant 7 : i32
          %add3A_945 = arith.addi %add3A_943, %add3A_944 : i32
          %get3A_946 = arith.constant 2 : i32
          %get3A_947 = arith.index_cast %get3A_946 : i32 to index
          %get3A_948 = arith.index_cast %add3A_945 : i32 to index
          %get3A_949 = arith.constant 0 : index
          %get3A_950 = tpu.vector_load %arg5[%get3A_947, %get3A_948, %get3A_949] {strides = array<i32>} : memref<3x256x128xf32, #tpu.memory_space<vmem>>, vector<1x1x16xf32>,
          %get3A_951 = vector.shape_cast %get3A_950 : vector<1x1x16xf32> to vector<16xf32>
          %add3A_952 = arith.addf %add3A_890, %get3A_951 : vector<16xf32>
          %get3A_953 = arith.constant 2 : i32
          %get3A_954 = arith.index_cast %get3A_953 : i32 to index
          %get3A_955 = arith.index_cast %add3A_945 : i32 to index
          %get3A_956 = arith.constant 16 : index
          %get3A_957 = tpu.vector_load %arg5[%get3A_954, %get3A_955, %get3A_956] {strides = array<i32>} : memref<3x256x128xf32, #tpu.memory_space<vmem>>, vector<1x1x16xf32>,
          %get3A_958 = vector.shape_cast %get3A_957 : vector<1x1x16xf32> to vector<16xf32>
          %add3A_959 = arith.addf %add3A_897, %get3A_958 : vector<16xf32>
          %get3A_960 = arith.constant 2 : i32
          %get3A_961 = arith.index_cast %get3A_960 : i32 to index
          %get3A_962 = arith.index_cast %add3A_945 : i32 to index
          %get3A_963 = arith.constant 32 : index
          %get3A_964 = tpu.vector_load %arg5[%get3A_961, %get3A_962, %get3A_963] {strides = array<i32>} : memref<3x256x128xf32, #tpu.memory_space<vmem>>, vector<1x1x16xf32>,
          %get3A_965 = vector.shape_cast %get3A_964 : vector<1x1x16xf32> to vector<16xf32>
          %add3A_966 = arith.addf %add3A_904, %get3A_965 : vector<16xf32>
          %get3A_967 = arith.constant 2 : i32
          %get3A_968 = arith.index_cast %get3A_967 : i32 to index
          %get3A_969 = arith.index_cast %add3A_945 : i32 to index
          %get3A_970 = arith.constant 48 : index
          %get3A_971 = tpu.vector_load %arg5[%get3A_968, %get3A_969, %get3A_970] {strides = array<i32>} : memref<3x256x128xf32, #tpu.memory_space<vmem>>, vector<1x1x16xf32>,
          %get3A_972 = vector.shape_cast %get3A_971 : vector<1x1x16xf32> to vector<16xf32>
          %add3A_973 = arith.addf %add3A_911, %get3A_972 : vector<16xf32>
          %get3A_974 = arith.constant 2 : i32
          %get3A_975 = arith.index_cast %get3A_974 : i32 to index
          %get3A_976 = arith.index_cast %add3A_945 : i32 to index
          %get3A_977 = arith.constant 64 : index
          %get3A_978 = tpu.vector_load %arg5[%get3A_975, %get3A_976, %get3A_977] {strides = array<i32>} : memref<3x256x128xf32, #tpu.memory_space<vmem>>, vector<1x1x16xf32>,
          %get3A_979 = vector.shape_cast %get3A_978 : vector<1x1x16xf32> to vector<16xf32>
          %add3A_980 = arith.addf %add3A_918, %get3A_979 : vector<16xf32>
          %get3A_981 = arith.constant 2 : i32
          %get3A_982 = arith.index_cast %get3A_981 : i32 to index
          %get3A_983 = arith.index_cast %add3A_945 : i32 to index
          %get3A_984 = arith.constant 80 : index
          %get3A_985 = tpu.vector_load %arg5[%get3A_982, %get3A_983, %get3A_984] {strides = array<i32>} : memref<3x256x128xf32, #tpu.memory_space<vmem>>, vector<1x1x16xf32>,
          %get3A_986 = vector.shape_cast %get3A_985 : vector<1x1x16xf32> to vector<16xf32>
          %add3A_987 = arith.addf %add3A_925, %get3A_986 : vector<16xf32>
          %get3A_988 = arith.constant 2 : i32
          %get3A_989 = arith.index_cast %get3A_988 : i32 to index
          %get3A_990 = arith.index_cast %add3A_945 : i32 to index
          %get3A_991 = arith.constant 96 : index
          %get3A_992 = tpu.vector_load %arg5[%get3A_989, %get3A_990, %get3A_991] {strides = array<i32>} : memref<3x256x128xf32, #tpu.memory_space<vmem>>, vector<1x1x16xf32>,
          %get3A_993 = vector.shape_cast %get3A_992 : vector<1x1x16xf32> to vector<16xf32>
          %add3A_994 = arith.addf %add3A_932, %get3A_993 : vector<16xf32>
          %get3A_995 = arith.constant 2 : i32
          %get3A_996 = arith.index_cast %get3A_995 : i32 to index
          %get3A_997 = arith.index_cast %add3A_945 : i32 to index
          %get3A_998 = arith.constant 112 : index
          %get3A_999 = tpu.vector_load %arg5[%get3A_996, %get3A_997, %get3A_998] {strides = array<i32>} : memref<3x256x128xf32, #tpu.memory_space<vmem>>, vector<1x1x16xf32>,
          %get3A_1000 = vector.shape_cast %get3A_999 : vector<1x1x16xf32> to vector<16xf32>
          %add3A_1001 = arith.addf %add3A_939, %get3A_1000 : vector<16xf32>
          scf.yield %add3A_952, %add3A_959, %add3A_966, %add3A_973, %add3A_980, %add3A_987, %add3A_994, %add3A_1001 : vector<16xf32>, vector<16xf32>, vector<16xf32>, vector<16xf32>, vector<16xf32>, vector<16xf32>, vector<16xf32>, vector<16xf32>
        }
        %scan3A_416 = arith.constant 16 : i32
        %get3A_417 = arith.index_cast %sub3A_342 : i32 to index
        %get3A_418 = arith.constant 0 : index
        %get3A_419 = tpu.vector_load %arg8[%get3A_417, %get3A_418] {strides = array<i32>} : memref<64x128xf32, #tpu.memory_space<vmem>>, vector<1x16xf32>,
        %get3A_420 = vector.shape_cast %get3A_419 : vector<1x16xf32> to vector<16xf32>
        %add3A_421 = arith.addf %get3A_420, %scan3A_415#0 : vector<16xf32>
        %swap3A_422 = arith.index_cast %sub3A_342 : i32 to index
        %swap3A_423 = arith.constant 0 : index
        %swap3A_424 = tpu.vector_load %arg8[%swap3A_422, %swap3A_423] {strides = array<i32>} : memref<64x128xf32, #tpu.memory_space<vmem>>, vector<1x16xf32>,
        %swap3A_425 = vector.shape_cast %swap3A_424 : vector<1x16xf32> to vector<16xf32>
        %swap3A_426 = vector.shape_cast %add3A_421 : vector<16xf32> to vector<1x16xf32>
        tpu.vector_store %arg8[%swap3A_422, %swap3A_423], %swap3A_426 {strides = array<i32>} : memref<64x128xf32, #tpu.memory_space<vmem>>, vector<1x16xf32>,
        %get3A_427 = arith.index_cast %sub3A_342 : i32 to index
        %get3A_428 = arith.constant 16 : index
        %get3A_429 = tpu.vector_load %arg8[%get3A_427, %get3A_428] {strides = array<i32>} : memref<64x128xf32, #tpu.memory_space<vmem>>, vector<1x16xf32>,
        %get3A_430 = vector.shape_cast %get3A_429 : vector<1x16xf32> to vector<16xf32>
        %add3A_431 = arith.addf %get3A_430, %scan3A_415#1 : vector<16xf32>
        %swap3A_432 = arith.index_cast %sub3A_342 : i32 to index
        %swap3A_433 = arith.constant 16 : index
        %swap3A_434 = tpu.vector_load %arg8[%swap3A_432, %swap3A_433] {strides = array<i32>} : memref<64x128xf32, #tpu.memory_space<vmem>>, vector<1x16xf32>,
        %swap3A_435 = vector.shape_cast %swap3A_434 : vector<1x16xf32> to vector<16xf32>
        %swap3A_436 = vector.shape_cast %add3A_431 : vector<16xf32> to vector<1x16xf32>
        tpu.vector_store %arg8[%swap3A_432, %swap3A_433], %swap3A_436 {strides = array<i32>} : memref<64x128xf32, #tpu.memory_space<vmem>>, vector<1x16xf32>,
        %get3A_437 = arith.index_cast %sub3A_342 : i32 to index
        %get3A_438 = arith.constant 32 : index
        %get3A_439 = tpu.vector_load %arg8[%get3A_437, %get3A_438] {strides = array<i32>} : memref<64x128xf32, #tpu.memory_space<vmem>>, vector<1x16xf32>,
        %get3A_440 = vector.shape_cast %get3A_439 : vector<1x16xf32> to vector<16xf32>
        %add3A_441 = arith.addf %get3A_440, %scan3A_415#2 : vector<16xf32>
        %swap3A_442 = arith.index_cast %sub3A_342 : i32 to index
        %swap3A_443 = arith.constant 32 : index
        %swap3A_444 = tpu.vector_load %arg8[%swap3A_442, %swap3A_443] {strides = array<i32>} : memref<64x128xf32, #tpu.memory_space<vmem>>, vector<1x16xf32>,
        %swap3A_445 = vector.shape_cast %swap3A_444 : vector<1x16xf32> to vector<16xf32>
        %swap3A_446 = vector.shape_cast %add3A_441 : vector<16xf32> to vector<1x16xf32>
        tpu.vector_store %arg8[%swap3A_442, %swap3A_443], %swap3A_446 {strides = array<i32>} : memref<64x128xf32, #tpu.memory_space<vmem>>, vector<1x16xf32>,
        %get3A_447 = arith.index_cast %sub3A_342 : i32 to index
        %get3A_448 = arith.constant 48 : index
        %get3A_449 = tpu.vector_load %arg8[%get3A_447, %get3A_448] {strides = array<i32>} : memref<64x128xf32, #tpu.memory_space<vmem>>, vector<1x16xf32>,
        %get3A_450 = vector.shape_cast %get3A_449 : vector<1x16xf32> to vector<16xf32>
        %add3A_451 = arith.addf %get3A_450, %scan3A_415#3 : vector<16xf32>
        %swap3A_452 = arith.index_cast %sub3A_342 : i32 to index
        %swap3A_453 = arith.constant 48 : index
        %swap3A_454 = tpu.vector_load %arg8[%swap3A_452, %swap3A_453] {strides = array<i32>} : memref<64x128xf32, #tpu.memory_space<vmem>>, vector<1x16xf32>,
        %swap3A_455 = vector.shape_cast %swap3A_454 : vector<1x16xf32> to vector<16xf32>
        %swap3A_456 = vector.shape_cast %add3A_451 : vector<16xf32> to vector<1x16xf32>
        tpu.vector_store %arg8[%swap3A_452, %swap3A_453], %swap3A_456 {strides = array<i32>} : memref<64x128xf32, #tpu.memory_space<vmem>>, vector<1x16xf32>,
        %get3A_457 = arith.index_cast %sub3A_342 : i32 to index
        %get3A_458 = arith.constant 64 : index
        %get3A_459 = tpu.vector_load %arg8[%get3A_457, %get3A_458] {strides = array<i32>} : memref<64x128xf32, #tpu.memory_space<vmem>>, vector<1x16xf32>,
        %get3A_460 = vector.shape_cast %get3A_459 : vector<1x16xf32> to vector<16xf32>
        %add3A_461 = arith.addf %get3A_460, %scan3A_415#4 : vector<16xf32>
        %swap3A_462 = arith.index_cast %sub3A_342 : i32 to index
        %swap3A_463 = arith.constant 64 : index
        %swap3A_464 = tpu.vector_load %arg8[%swap3A_462, %swap3A_463] {strides = array<i32>} : memref<64x128xf32, #tpu.memory_space<vmem>>, vector<1x16xf32>,
        %swap3A_465 = vector.shape_cast %swap3A_464 : vector<1x16xf32> to vector<16xf32>
        %swap3A_466 = vector.shape_cast %add3A_461 : vector<16xf32> to vector<1x16xf32>
        tpu.vector_store %arg8[%swap3A_462, %swap3A_463], %swap3A_466 {strides = array<i32>} : memref<64x128xf32, #tpu.memory_space<vmem>>, vector<1x16xf32>,
        %get3A_467 = arith.index_cast %sub3A_342 : i32 to index
        %get3A_468 = arith.constant 80 : index
        %get3A_469 = tpu.vector_load %arg8[%get3A_467, %get3A_468] {strides = array<i32>} : memref<64x128xf32, #tpu.memory_space<vmem>>, vector<1x16xf32>,
        %get3A_470 = vector.shape_cast %get3A_469 : vector<1x16xf32> to vector<16xf32>
        %add3A_471 = arith.addf %get3A_470, %scan3A_415#5 : vector<16xf32>
        %swap3A_472 = arith.index_cast %sub3A_342 : i32 to index
        %swap3A_473 = arith.constant 80 : index
        %swap3A_474 = tpu.vector_load %arg8[%swap3A_472, %swap3A_473] {strides = array<i32>} : memref<64x128xf32, #tpu.memory_space<vmem>>, vector<1x16xf32>,
        %swap3A_475 = vector.shape_cast %swap3A_474 : vector<1x16xf32> to vector<16xf32>
        %swap3A_476 = vector.shape_cast %add3A_471 : vector<16xf32> to vector<1x16xf32>
        tpu.vector_store %arg8[%swap3A_472, %swap3A_473], %swap3A_476 {strides = array<i32>} : memref<64x128xf32, #tpu.memory_space<vmem>>, vector<1x16xf32>,
        %get3A_477 = arith.index_cast %sub3A_342 : i32 to index
        %get3A_478 = arith.constant 96 : index
        %get3A_479 = tpu.vector_load %arg8[%get3A_477, %get3A_478] {strides = array<i32>} : memref<64x128xf32, #tpu.memory_space<vmem>>, vector<1x16xf32>,
        %get3A_480 = vector.shape_cast %get3A_479 : vector<1x16xf32> to vector<16xf32>
        %add3A_481 = arith.addf %get3A_480, %scan3A_415#6 : vector<16xf32>
        %swap3A_482 = arith.index_cast %sub3A_342 : i32 to index
        %swap3A_483 = arith.constant 96 : index
        %swap3A_484 = tpu.vector_load %arg8[%swap3A_482, %swap3A_483] {strides = array<i32>} : memref<64x128xf32, #tpu.memory_space<vmem>>, vector<1x16xf32>,
        %swap3A_485 = vector.shape_cast %swap3A_484 : vector<1x16xf32> to vector<16xf32>
        %swap3A_486 = vector.shape_cast %add3A_481 : vector<16xf32> to vector<1x16xf32>
        tpu.vector_store %arg8[%swap3A_482, %swap3A_483], %swap3A_486 {strides = array<i32>} : memref<64x128xf32, #tpu.memory_space<vmem>>, vector<1x16xf32>,
        %get3A_487 = arith.index_cast %sub3A_342 : i32 to index
        %get3A_488 = arith.constant 112 : index
        %get3A_489 = tpu.vector_load %arg8[%get3A_487, %get3A_488] {strides = array<i32>} : memref<64x128xf32, #tpu.memory_space<vmem>>, vector<1x16xf32>,
        %get3A_490 = vector.shape_cast %get3A_489 : vector<1x16xf32> to vector<16xf32>
        %add3A_491 = arith.addf %get3A_490, %scan3A_415#7 : vector<16xf32>
        %swap3A_492 = arith.index_cast %sub3A_342 : i32 to index
        %swap3A_493 = arith.constant 112 : index
        %swap3A_494 = tpu.vector_load %arg8[%swap3A_492, %swap3A_493] {strides = array<i32>} : memref<64x128xf32, #tpu.memory_space<vmem>>, vector<1x16xf32>,
        %swap3A_495 = vector.shape_cast %swap3A_494 : vector<1x16xf32> to vector<16xf32>
        %swap3A_496 = vector.shape_cast %add3A_491 : vector<16xf32> to vector<1x16xf32>
        tpu.vector_store %arg8[%swap3A_492, %swap3A_493], %swap3A_496 {strides = array<i32>} : memref<64x128xf32, #tpu.memory_space<vmem>>, vector<1x16xf32>,
      } else {
      }
      %ne3A_350 = arith.cmpi ne, %squeeze3A_335, %squeeze3A_341 : i32
      %ge3A_351 = arith.constant 64 : i32
      %ge3A_352 = arith.cmpi sge, %sub3A_342, %ge3A_351 : i32
      %or3A_353 = arith.ori %ne3A_350, %ge3A_352 : i1
      %convert_element_type3A_354 = arith.extui %or3A_353 : i1 to i32
      %cond3A_355 = arith.constant 0 : i32
      %cond3A_356 = arith.cmpi ne, %convert_element_type3A_354, %cond3A_355 : i32
      scf.if %cond3A_356 {
        %run_scoped3A_395 = arith.constant 2 : i32
        "tpu.region"() ({
          %run_scoped3A_396 = tpu.sem_alloc : memref<!tpu.dma_semaphore, #tpu.memory_space<semaphore_mem>>
          %dma_start3A_397 = arith.constant 0 : i32
          %dma_start3A_398 = arith.constant 0 : i32
          %dma_start3A_399 = tpu.memref_slice %arg5[%run_scoped3A_395, %dma_start3A_397, %dma_start3A_398] : memref<3x256x128xf32, #tpu.memory_space<vmem>> -> memref<1x128x128xf32, #tpu.memory_space<vmem>>
          %dma_start3A_400 = tpu.memref_squeeze %dma_start3A_399 : memref<1x128x128xf32, #tpu.memory_space<vmem>> -> memref<128x128xf32, #tpu.memory_space<vmem>>
          %dma_start3A_401 = arith.constant 0 : i32
          %dma_start3A_402 = tpu.memref_slice %arg6[%add3A_329, %dma_start3A_401] : memref<80x128xi32, #tpu.memory_space<vmem>> -> memref<1x128xi32, #tpu.memory_space<vmem>>
          %dma_start3A_403 = tpu.memref_squeeze %dma_start3A_402 : memref<1x128xi32, #tpu.memory_space<vmem>> -> memref<128xi32, #tpu.memory_space<vmem>>
          %dma_start3A_404 = arith.constant 0 : i32
          %dma_start3A_405 = arith.constant 0 : i32
          %dma_start3A_406 = tpu.memref_slice %arg9[%dma_start3A_404, %dma_start3A_405] : memref<256x128xf32, #tpu.memory_space<vmem_shared>> -> memref<256x128xf32, #tpu.memory_space<vmem_shared>>
          tpu.enqueue_indirect_dma source(%dma_start3A_400 : memref<128x128xf32, #tpu.memory_space<vmem>>) target(%dma_start3A_406 : memref<256x128xf32, #tpu.memory_space<vmem_shared>>) offsets(%dma_start3A_403 : memref<128xi32, #tpu.memory_space<vmem>>) semaphore(%run_scoped3A_396 : memref<!tpu.dma_semaphore, #tpu.memory_space<semaphore_mem>>) {add = true}
          %dma_wait3A_407 = arith.constant 0 : i32
          %dma_wait3A_408 = arith.constant 0 : i32
          %dma_wait3A_409 = tpu.memref_slice %arg5[%run_scoped3A_395, %dma_wait3A_407, %dma_wait3A_408] : memref<3x256x128xf32, #tpu.memory_space<vmem>> -> memref<1x128x128xf32, #tpu.memory_space<vmem>>
          %dma_wait3A_410 = tpu.memref_squeeze %dma_wait3A_409 : memref<1x128x128xf32, #tpu.memory_space<vmem>> -> memref<128x128xf32, #tpu.memory_space<vmem>>
          %dma_wait3A_411 = arith.constant 0 : i32
          %dma_wait3A_412 = tpu.memref_slice %arg6[%add3A_329, %dma_wait3A_411] : memref<80x128xi32, #tpu.memory_space<vmem>> -> memref<1x128xi32, #tpu.memory_space<vmem>>
          %dma_wait3A_413 = tpu.memref_squeeze %dma_wait3A_412 : memref<1x128xi32, #tpu.memory_space<vmem>> -> memref<128xi32, #tpu.memory_space<vmem>>
          %dma_wait3A_414 = arith.constant 0 : i32
          %dma_wait3A_415 = arith.constant 0 : i32
          %dma_wait3A_416 = tpu.memref_slice %arg9[%dma_wait3A_414, %dma_wait3A_415] : memref<256x128xf32, #tpu.memory_space<vmem_shared>> -> memref<256x128xf32, #tpu.memory_space<vmem_shared>>
          tpu.wait_indirect_dma semaphore(%run_scoped3A_396 : memref<!tpu.dma_semaphore, #tpu.memory_space<semaphore_mem>>) src(%dma_wait3A_410 : memref<128x128xf32, #tpu.memory_space<vmem>>) dst(%dma_wait3A_416 : memref<256x128xf32, #tpu.memory_space<vmem_shared>>)
          tpu.yield
        }) : () -> ()
      } else {
      }
      %mul3A_357 = arith.constant 2 : i32
      %mul3A_358 = arith.muli %mul3A_357, %add3A_310 : i32
      %add3A_359 = arith.constant 1 : i32
      %add3A_360 = arith.addi %mul3A_358, %add3A_359 : i32
      %get3A_361 = arith.index_cast %add3A_360 : i32 to index
      %get3A_362 = arith.constant 0 : index
      %get3A_363 = tpu.vector_load %arg6[%get3A_361, %get3A_362] {strides = array<i32>} : memref<80x128xi32, #tpu.memory_space<vmem>>, vector<1x16xi32>,
      %get3A_364 = vector.shape_cast %get3A_363 : vector<1x16xi32> to vector<16xi32>
      %slice3A_365 = vector.extract_strided_slice %get3A_364 {offsets = [0], sizes = [1], strides = [1]} : vector<16xi32> to vector<1xi32>
      %squeeze3A_366 = vector.extract %slice3A_365[0] : i32 from vector<1xi32>
      %get3A_367 = arith.index_cast %add3A_360 : i32 to index
      %get3A_368 = arith.constant 112 : index
      %get3A_369 = tpu.vector_load %arg6[%get3A_367, %get3A_368] {strides = array<i32>} : memref<80x128xi32, #tpu.memory_space<vmem>>, vector<1x16xi32>,
      %get3A_370 = vector.shape_cast %get3A_369 : vector<1x16xi32> to vector<16xi32>
      %slice3A_371 = vector.extract_strided_slice %get3A_370 {offsets = [15], sizes = [1], strides = [1]} : vector<16xi32> to vector<1xi32>
      %squeeze3A_372 = vector.extract %slice3A_371[0] : i32 from vector<1xi32>
      %sub3A_373 = arith.subi %squeeze3A_366, %squeeze3A : i32
      %eq3A_374 = arith.cmpi eq, %squeeze3A_366, %squeeze3A_372 : i32
      %lt3A_375 = arith.constant 64 : i32
      %lt3A_376 = arith.cmpi slt, %sub3A_373, %lt3A_375 : i32
      %and3A_377 = arith.andi %eq3A_374, %lt3A_376 : i1
      %convert_element_type3A_378 = arith.extui %and3A_377 : i1 to i32
      %cond3A_379 = arith.constant 0 : i32
      %cond3A_380 = arith.cmpi ne, %convert_element_type3A_378, %cond3A_379 : i32
      scf.if %cond3A_380 {
        %broadcast_in_dim3A_395 = arith.constant 0.000000e+00 : f32
        %broadcast_in_dim3A_396 = vector.broadcast %broadcast_in_dim3A_395 : f32 to vector<16xf32>
        %broadcast_in_dim3A_397 = arith.constant 0.000000e+00 : f32
        %broadcast_in_dim3A_398 = vector.broadcast %broadcast_in_dim3A_397 : f32 to vector<16xf32>
        %broadcast_in_dim3A_399 = arith.constant 0.000000e+00 : f32
        %broadcast_in_dim3A_400 = vector.broadcast %broadcast_in_dim3A_399 : f32 to vector<16xf32>
        %broadcast_in_dim3A_401 = arith.constant 0.000000e+00 : f32
        %broadcast_in_dim3A_402 = vector.broadcast %broadcast_in_dim3A_401 : f32 to vector<16xf32>
        %broadcast_in_dim3A_403 = arith.constant 0.000000e+00 : f32
        %broadcast_in_dim3A_404 = vector.broadcast %broadcast_in_dim3A_403 : f32 to vector<16xf32>
        %broadcast_in_dim3A_405 = arith.constant 0.000000e+00 : f32
        %broadcast_in_dim3A_406 = vector.broadcast %broadcast_in_dim3A_405 : f32 to vector<16xf32>
        %broadcast_in_dim3A_407 = arith.constant 0.000000e+00 : f32
        %broadcast_in_dim3A_408 = vector.broadcast %broadcast_in_dim3A_407 : f32 to vector<16xf32>
        %broadcast_in_dim3A_409 = arith.constant 0.000000e+00 : f32
        %broadcast_in_dim3A_410 = vector.broadcast %broadcast_in_dim3A_409 : f32 to vector<16xf32>
        %scan3A_411 = arith.constant 0 : i32
        %scan3A_412 = arith.constant 16 : i32
        %scan3A_413 = arith.addi %scan3A_411, %scan3A_412 : i32
        %scan3A_414 = arith.constant 1 : i32
        %scan3A_415:8 = scf.for %scan3A_497 = %scan3A_411 to %scan3A_413 step %scan3A_414 iter_args(%scan3A_498 = %broadcast_in_dim3A_396, %scan3A_499 = %broadcast_in_dim3A_398, %scan3A_500 = %broadcast_in_dim3A_400, %scan3A_501 = %broadcast_in_dim3A_402, %scan3A_502 = %broadcast_in_dim3A_404, %scan3A_503 = %broadcast_in_dim3A_406, %scan3A_504 = %broadcast_in_dim3A_408, %scan3A_505 = %broadcast_in_dim3A_410) -> (vector<16xf32>, vector<16xf32>, vector<16xf32>, vector<16xf32>, vector<16xf32>, vector<16xf32>, vector<16xf32>, vector<16xf32>)  : i32 {
          %mul3A_506 = arith.constant 8 : i32
          %mul3A_507 = arith.muli %scan3A_497, %mul3A_506 : i32
          %add3A_508 = arith.constant 128 : i32
          %add3A_509 = arith.addi %add3A_508, %mul3A_507 : i32
          %add3A_510 = arith.constant 0 : i32
          %add3A_511 = arith.addi %add3A_509, %add3A_510 : i32
          %get3A_512 = arith.constant 2 : i32
          %get3A_513 = arith.index_cast %get3A_512 : i32 to index
          %get3A_514 = arith.index_cast %add3A_511 : i32 to index
          %get3A_515 = arith.constant 0 : index
          %get3A_516 = tpu.vector_load %arg5[%get3A_513, %get3A_514, %get3A_515] {strides = array<i32>} : memref<3x256x128xf32, #tpu.memory_space<vmem>>, vector<1x1x16xf32>,
          %get3A_517 = vector.shape_cast %get3A_516 : vector<1x1x16xf32> to vector<16xf32>
          %add3A_518 = arith.addf %scan3A_498, %get3A_517 : vector<16xf32>
          %get3A_519 = arith.constant 2 : i32
          %get3A_520 = arith.index_cast %get3A_519 : i32 to index
          %get3A_521 = arith.index_cast %add3A_511 : i32 to index
          %get3A_522 = arith.constant 16 : index
          %get3A_523 = tpu.vector_load %arg5[%get3A_520, %get3A_521, %get3A_522] {strides = array<i32>} : memref<3x256x128xf32, #tpu.memory_space<vmem>>, vector<1x1x16xf32>,
          %get3A_524 = vector.shape_cast %get3A_523 : vector<1x1x16xf32> to vector<16xf32>
          %add3A_525 = arith.addf %scan3A_499, %get3A_524 : vector<16xf32>
          %get3A_526 = arith.constant 2 : i32
          %get3A_527 = arith.index_cast %get3A_526 : i32 to index
          %get3A_528 = arith.index_cast %add3A_511 : i32 to index
          %get3A_529 = arith.constant 32 : index
          %get3A_530 = tpu.vector_load %arg5[%get3A_527, %get3A_528, %get3A_529] {strides = array<i32>} : memref<3x256x128xf32, #tpu.memory_space<vmem>>, vector<1x1x16xf32>,
          %get3A_531 = vector.shape_cast %get3A_530 : vector<1x1x16xf32> to vector<16xf32>
          %add3A_532 = arith.addf %scan3A_500, %get3A_531 : vector<16xf32>
          %get3A_533 = arith.constant 2 : i32
          %get3A_534 = arith.index_cast %get3A_533 : i32 to index
          %get3A_535 = arith.index_cast %add3A_511 : i32 to index
          %get3A_536 = arith.constant 48 : index
          %get3A_537 = tpu.vector_load %arg5[%get3A_534, %get3A_535, %get3A_536] {strides = array<i32>} : memref<3x256x128xf32, #tpu.memory_space<vmem>>, vector<1x1x16xf32>,
          %get3A_538 = vector.shape_cast %get3A_537 : vector<1x1x16xf32> to vector<16xf32>
          %add3A_539 = arith.addf %scan3A_501, %get3A_538 : vector<16xf32>
          %get3A_540 = arith.constant 2 : i32
          %get3A_541 = arith.index_cast %get3A_540 : i32 to index
          %get3A_542 = arith.index_cast %add3A_511 : i32 to index
          %get3A_543 = arith.constant 64 : index
          %get3A_544 = tpu.vector_load %arg5[%get3A_541, %get3A_542, %get3A_543] {strides = array<i32>} : memref<3x256x128xf32, #tpu.memory_space<vmem>>, vector<1x1x16xf32>,
          %get3A_545 = vector.shape_cast %get3A_544 : vector<1x1x16xf32> to vector<16xf32>
          %add3A_546 = arith.addf %scan3A_502, %get3A_545 : vector<16xf32>
          %get3A_547 = arith.constant 2 : i32
          %get3A_548 = arith.index_cast %get3A_547 : i32 to index
          %get3A_549 = arith.index_cast %add3A_511 : i32 to index
          %get3A_550 = arith.constant 80 : index
          %get3A_551 = tpu.vector_load %arg5[%get3A_548, %get3A_549, %get3A_550] {strides = array<i32>} : memref<3x256x128xf32, #tpu.memory_space<vmem>>, vector<1x1x16xf32>,
          %get3A_552 = vector.shape_cast %get3A_551 : vector<1x1x16xf32> to vector<16xf32>
          %add3A_553 = arith.addf %scan3A_503, %get3A_552 : vector<16xf32>
          %get3A_554 = arith.constant 2 : i32
          %get3A_555 = arith.index_cast %get3A_554 : i32 to index
          %get3A_556 = arith.index_cast %add3A_511 : i32 to index
          %get3A_557 = arith.constant 96 : index
          %get3A_558 = tpu.vector_load %arg5[%get3A_555, %get3A_556, %get3A_557] {strides = array<i32>} : memref<3x256x128xf32, #tpu.memory_space<vmem>>, vector<1x1x16xf32>,
          %get3A_559 = vector.shape_cast %get3A_558 : vector<1x1x16xf32> to vector<16xf32>
          %add3A_560 = arith.addf %scan3A_504, %get3A_559 : vector<16xf32>
          %get3A_561 = arith.constant 2 : i32
          %get3A_562 = arith.index_cast %get3A_561 : i32 to index
          %get3A_563 = arith.index_cast %add3A_511 : i32 to index
          %get3A_564 = arith.constant 112 : index
          %get3A_565 = tpu.vector_load %arg5[%get3A_562, %get3A_563, %get3A_564] {strides = array<i32>} : memref<3x256x128xf32, #tpu.memory_space<vmem>>, vector<1x1x16xf32>,
          %get3A_566 = vector.shape_cast %get3A_565 : vector<1x1x16xf32> to vector<16xf32>
          %add3A_567 = arith.addf %scan3A_505, %get3A_566 : vector<16xf32>
          %mul3A_568 = arith.constant 8 : i32
          %mul3A_569 = arith.muli %scan3A_497, %mul3A_568 : i32
          %add3A_570 = arith.constant 128 : i32
          %add3A_571 = arith.addi %add3A_570, %mul3A_569 : i32
          %add3A_572 = arith.constant 1 : i32
          %add3A_573 = arith.addi %add3A_571, %add3A_572 : i32
          %get3A_574 = arith.constant 2 : i32
          %get3A_575 = arith.index_cast %get3A_574 : i32 to index
          %get3A_576 = arith.index_cast %add3A_573 : i32 to index
          %get3A_577 = arith.constant 0 : index
          %get3A_578 = tpu.vector_load %arg5[%get3A_575, %get3A_576, %get3A_577] {strides = array<i32>} : memref<3x256x128xf32, #tpu.memory_space<vmem>>, vector<1x1x16xf32>,
          %get3A_579 = vector.shape_cast %get3A_578 : vector<1x1x16xf32> to vector<16xf32>
          %add3A_580 = arith.addf %add3A_518, %get3A_579 : vector<16xf32>
          %get3A_581 = arith.constant 2 : i32
          %get3A_582 = arith.index_cast %get3A_581 : i32 to index
          %get3A_583 = arith.index_cast %add3A_573 : i32 to index
          %get3A_584 = arith.constant 16 : index
          %get3A_585 = tpu.vector_load %arg5[%get3A_582, %get3A_583, %get3A_584] {strides = array<i32>} : memref<3x256x128xf32, #tpu.memory_space<vmem>>, vector<1x1x16xf32>,
          %get3A_586 = vector.shape_cast %get3A_585 : vector<1x1x16xf32> to vector<16xf32>
          %add3A_587 = arith.addf %add3A_525, %get3A_586 : vector<16xf32>
          %get3A_588 = arith.constant 2 : i32
          %get3A_589 = arith.index_cast %get3A_588 : i32 to index
          %get3A_590 = arith.index_cast %add3A_573 : i32 to index
          %get3A_591 = arith.constant 32 : index
          %get3A_592 = tpu.vector_load %arg5[%get3A_589, %get3A_590, %get3A_591] {strides = array<i32>} : memref<3x256x128xf32, #tpu.memory_space<vmem>>, vector<1x1x16xf32>,
          %get3A_593 = vector.shape_cast %get3A_592 : vector<1x1x16xf32> to vector<16xf32>
          %add3A_594 = arith.addf %add3A_532, %get3A_593 : vector<16xf32>
          %get3A_595 = arith.constant 2 : i32
          %get3A_596 = arith.index_cast %get3A_595 : i32 to index
          %get3A_597 = arith.index_cast %add3A_573 : i32 to index
          %get3A_598 = arith.constant 48 : index
          %get3A_599 = tpu.vector_load %arg5[%get3A_596, %get3A_597, %get3A_598] {strides = array<i32>} : memref<3x256x128xf32, #tpu.memory_space<vmem>>, vector<1x1x16xf32>,
          %get3A_600 = vector.shape_cast %get3A_599 : vector<1x1x16xf32> to vector<16xf32>
          %add3A_601 = arith.addf %add3A_539, %get3A_600 : vector<16xf32>
          %get3A_602 = arith.constant 2 : i32
          %get3A_603 = arith.index_cast %get3A_602 : i32 to index
          %get3A_604 = arith.index_cast %add3A_573 : i32 to index
          %get3A_605 = arith.constant 64 : index
          %get3A_606 = tpu.vector_load %arg5[%get3A_603, %get3A_604, %get3A_605] {strides = array<i32>} : memref<3x256x128xf32, #tpu.memory_space<vmem>>, vector<1x1x16xf32>,
          %get3A_607 = vector.shape_cast %get3A_606 : vector<1x1x16xf32> to vector<16xf32>
          %add3A_608 = arith.addf %add3A_546, %get3A_607 : vector<16xf32>
          %get3A_609 = arith.constant 2 : i32
          %get3A_610 = arith.index_cast %get3A_609 : i32 to index
          %get3A_611 = arith.index_cast %add3A_573 : i32 to index
          %get3A_612 = arith.constant 80 : index
          %get3A_613 = tpu.vector_load %arg5[%get3A_610, %get3A_611, %get3A_612] {strides = array<i32>} : memref<3x256x128xf32, #tpu.memory_space<vmem>>, vector<1x1x16xf32>,
          %get3A_614 = vector.shape_cast %get3A_613 : vector<1x1x16xf32> to vector<16xf32>
          %add3A_615 = arith.addf %add3A_553, %get3A_614 : vector<16xf32>
          %get3A_616 = arith.constant 2 : i32
          %get3A_617 = arith.index_cast %get3A_616 : i32 to index
          %get3A_618 = arith.index_cast %add3A_573 : i32 to index
          %get3A_619 = arith.constant 96 : index
          %get3A_620 = tpu.vector_load %arg5[%get3A_617, %get3A_618, %get3A_619] {strides = array<i32>} : memref<3x256x128xf32, #tpu.memory_space<vmem>>, vector<1x1x16xf32>,
          %get3A_621 = vector.shape_cast %get3A_620 : vector<1x1x16xf32> to vector<16xf32>
          %add3A_622 = arith.addf %add3A_560, %get3A_621 : vector<16xf32>
          %get3A_623 = arith.constant 2 : i32
          %get3A_624 = arith.index_cast %get3A_623 : i32 to index
          %get3A_625 = arith.index_cast %add3A_573 : i32 to index
          %get3A_626 = arith.constant 112 : index
          %get3A_627 = tpu.vector_load %arg5[%get3A_624, %get3A_625, %get3A_626] {strides = array<i32>} : memref<3x256x128xf32, #tpu.memory_space<vmem>>, vector<1x1x16xf32>,
          %get3A_628 = vector.shape_cast %get3A_627 : vector<1x1x16xf32> to vector<16xf32>
          %add3A_629 = arith.addf %add3A_567, %get3A_628 : vector<16xf32>
          %mul3A_630 = arith.constant 8 : i32
          %mul3A_631 = arith.muli %scan3A_497, %mul3A_630 : i32
          %add3A_632 = arith.constant 128 : i32
          %add3A_633 = arith.addi %add3A_632, %mul3A_631 : i32
          %add3A_634 = arith.constant 2 : i32
          %add3A_635 = arith.addi %add3A_633, %add3A_634 : i32
          %get3A_636 = arith.constant 2 : i32
          %get3A_637 = arith.index_cast %get3A_636 : i32 to index
          %get3A_638 = arith.index_cast %add3A_635 : i32 to index
          %get3A_639 = arith.constant 0 : index
          %get3A_640 = tpu.vector_load %arg5[%get3A_637, %get3A_638, %get3A_639] {strides = array<i32>} : memref<3x256x128xf32, #tpu.memory_space<vmem>>, vector<1x1x16xf32>,
          %get3A_641 = vector.shape_cast %get3A_640 : vector<1x1x16xf32> to vector<16xf32>
          %add3A_642 = arith.addf %add3A_580, %get3A_641 : vector<16xf32>
          %get3A_643 = arith.constant 2 : i32
          %get3A_644 = arith.index_cast %get3A_643 : i32 to index
          %get3A_645 = arith.index_cast %add3A_635 : i32 to index
          %get3A_646 = arith.constant 16 : index
          %get3A_647 = tpu.vector_load %arg5[%get3A_644, %get3A_645, %get3A_646] {strides = array<i32>} : memref<3x256x128xf32, #tpu.memory_space<vmem>>, vector<1x1x16xf32>,
          %get3A_648 = vector.shape_cast %get3A_647 : vector<1x1x16xf32> to vector<16xf32>
          %add3A_649 = arith.addf %add3A_587, %get3A_648 : vector<16xf32>
          %get3A_650 = arith.constant 2 : i32
          %get3A_651 = arith.index_cast %get3A_650 : i32 to index
          %get3A_652 = arith.index_cast %add3A_635 : i32 to index
          %get3A_653 = arith.constant 32 : index
          %get3A_654 = tpu.vector_load %arg5[%get3A_651, %get3A_652, %get3A_653] {strides = array<i32>} : memref<3x256x128xf32, #tpu.memory_space<vmem>>, vector<1x1x16xf32>,
          %get3A_655 = vector.shape_cast %get3A_654 : vector<1x1x16xf32> to vector<16xf32>
          %add3A_656 = arith.addf %add3A_594, %get3A_655 : vector<16xf32>
          %get3A_657 = arith.constant 2 : i32
          %get3A_658 = arith.index_cast %get3A_657 : i32 to index
          %get3A_659 = arith.index_cast %add3A_635 : i32 to index
          %get3A_660 = arith.constant 48 : index
          %get3A_661 = tpu.vector_load %arg5[%get3A_658, %get3A_659, %get3A_660] {strides = array<i32>} : memref<3x256x128xf32, #tpu.memory_space<vmem>>, vector<1x1x16xf32>,
          %get3A_662 = vector.shape_cast %get3A_661 : vector<1x1x16xf32> to vector<16xf32>
          %add3A_663 = arith.addf %add3A_601, %get3A_662 : vector<16xf32>
          %get3A_664 = arith.constant 2 : i32
          %get3A_665 = arith.index_cast %get3A_664 : i32 to index
          %get3A_666 = arith.index_cast %add3A_635 : i32 to index
          %get3A_667 = arith.constant 64 : index
          %get3A_668 = tpu.vector_load %arg5[%get3A_665, %get3A_666, %get3A_667] {strides = array<i32>} : memref<3x256x128xf32, #tpu.memory_space<vmem>>, vector<1x1x16xf32>,
          %get3A_669 = vector.shape_cast %get3A_668 : vector<1x1x16xf32> to vector<16xf32>
          %add3A_670 = arith.addf %add3A_608, %get3A_669 : vector<16xf32>
          %get3A_671 = arith.constant 2 : i32
          %get3A_672 = arith.index_cast %get3A_671 : i32 to index
          %get3A_673 = arith.index_cast %add3A_635 : i32 to index
          %get3A_674 = arith.constant 80 : index
          %get3A_675 = tpu.vector_load %arg5[%get3A_672, %get3A_673, %get3A_674] {strides = array<i32>} : memref<3x256x128xf32, #tpu.memory_space<vmem>>, vector<1x1x16xf32>,
          %get3A_676 = vector.shape_cast %get3A_675 : vector<1x1x16xf32> to vector<16xf32>
          %add3A_677 = arith.addf %add3A_615, %get3A_676 : vector<16xf32>
          %get3A_678 = arith.constant 2 : i32
          %get3A_679 = arith.index_cast %get3A_678 : i32 to index
          %get3A_680 = arith.index_cast %add3A_635 : i32 to index
          %get3A_681 = arith.constant 96 : index
          %get3A_682 = tpu.vector_load %arg5[%get3A_679, %get3A_680, %get3A_681] {strides = array<i32>} : memref<3x256x128xf32, #tpu.memory_space<vmem>>, vector<1x1x16xf32>,
          %get3A_683 = vector.shape_cast %get3A_682 : vector<1x1x16xf32> to vector<16xf32>
          %add3A_684 = arith.addf %add3A_622, %get3A_683 : vector<16xf32>
          %get3A_685 = arith.constant 2 : i32
          %get3A_686 = arith.index_cast %get3A_685 : i32 to index
          %get3A_687 = arith.index_cast %add3A_635 : i32 to index
          %get3A_688 = arith.constant 112 : index
          %get3A_689 = tpu.vector_load %arg5[%get3A_686, %get3A_687, %get3A_688] {strides = array<i32>} : memref<3x256x128xf32, #tpu.memory_space<vmem>>, vector<1x1x16xf32>,
          %get3A_690 = vector.shape_cast %get3A_689 : vector<1x1x16xf32> to vector<16xf32>
          %add3A_691 = arith.addf %add3A_629, %get3A_690 : vector<16xf32>
          %mul3A_692 = arith.constant 8 : i32
          %mul3A_693 = arith.muli %scan3A_497, %mul3A_692 : i32
          %add3A_694 = arith.constant 128 : i32
          %add3A_695 = arith.addi %add3A_694, %mul3A_693 : i32
          %add3A_696 = arith.constant 3 : i32
          %add3A_697 = arith.addi %add3A_695, %add3A_696 : i32
          %get3A_698 = arith.constant 2 : i32
          %get3A_699 = arith.index_cast %get3A_698 : i32 to index
          %get3A_700 = arith.index_cast %add3A_697 : i32 to index
          %get3A_701 = arith.constant 0 : index
          %get3A_702 = tpu.vector_load %arg5[%get3A_699, %get3A_700, %get3A_701] {strides = array<i32>} : memref<3x256x128xf32, #tpu.memory_space<vmem>>, vector<1x1x16xf32>,
          %get3A_703 = vector.shape_cast %get3A_702 : vector<1x1x16xf32> to vector<16xf32>
          %add3A_704 = arith.addf %add3A_642, %get3A_703 : vector<16xf32>
          %get3A_705 = arith.constant 2 : i32
          %get3A_706 = arith.index_cast %get3A_705 : i32 to index
          %get3A_707 = arith.index_cast %add3A_697 : i32 to index
          %get3A_708 = arith.constant 16 : index
          %get3A_709 = tpu.vector_load %arg5[%get3A_706, %get3A_707, %get3A_708] {strides = array<i32>} : memref<3x256x128xf32, #tpu.memory_space<vmem>>, vector<1x1x16xf32>,
          %get3A_710 = vector.shape_cast %get3A_709 : vector<1x1x16xf32> to vector<16xf32>
          %add3A_711 = arith.addf %add3A_649, %get3A_710 : vector<16xf32>
          %get3A_712 = arith.constant 2 : i32
          %get3A_713 = arith.index_cast %get3A_712 : i32 to index
          %get3A_714 = arith.index_cast %add3A_697 : i32 to index
          %get3A_715 = arith.constant 32 : index
          %get3A_716 = tpu.vector_load %arg5[%get3A_713, %get3A_714, %get3A_715] {strides = array<i32>} : memref<3x256x128xf32, #tpu.memory_space<vmem>>, vector<1x1x16xf32>,
          %get3A_717 = vector.shape_cast %get3A_716 : vector<1x1x16xf32> to vector<16xf32>
          %add3A_718 = arith.addf %add3A_656, %get3A_717 : vector<16xf32>
          %get3A_719 = arith.constant 2 : i32
          %get3A_720 = arith.index_cast %get3A_719 : i32 to index
          %get3A_721 = arith.index_cast %add3A_697 : i32 to index
          %get3A_722 = arith.constant 48 : index
          %get3A_723 = tpu.vector_load %arg5[%get3A_720, %get3A_721, %get3A_722] {strides = array<i32>} : memref<3x256x128xf32, #tpu.memory_space<vmem>>, vector<1x1x16xf32>,
          %get3A_724 = vector.shape_cast %get3A_723 : vector<1x1x16xf32> to vector<16xf32>
          %add3A_725 = arith.addf %add3A_663, %get3A_724 : vector<16xf32>
          %get3A_726 = arith.constant 2 : i32
          %get3A_727 = arith.index_cast %get3A_726 : i32 to index
          %get3A_728 = arith.index_cast %add3A_697 : i32 to index
          %get3A_729 = arith.constant 64 : index
          %get3A_730 = tpu.vector_load %arg5[%get3A_727, %get3A_728, %get3A_729] {strides = array<i32>} : memref<3x256x128xf32, #tpu.memory_space<vmem>>, vector<1x1x16xf32>,
          %get3A_731 = vector.shape_cast %get3A_730 : vector<1x1x16xf32> to vector<16xf32>
          %add3A_732 = arith.addf %add3A_670, %get3A_731 : vector<16xf32>
          %get3A_733 = arith.constant 2 : i32
          %get3A_734 = arith.index_cast %get3A_733 : i32 to index
          %get3A_735 = arith.index_cast %add3A_697 : i32 to index
          %get3A_736 = arith.constant 80 : index
          %get3A_737 = tpu.vector_load %arg5[%get3A_734, %get3A_735, %get3A_736] {strides = array<i32>} : memref<3x256x128xf32, #tpu.memory_space<vmem>>, vector<1x1x16xf32>,
          %get3A_738 = vector.shape_cast %get3A_737 : vector<1x1x16xf32> to vector<16xf32>
          %add3A_739 = arith.addf %add3A_677, %get3A_738 : vector<16xf32>
          %get3A_740 = arith.constant 2 : i32
          %get3A_741 = arith.index_cast %get3A_740 : i32 to index
          %get3A_742 = arith.index_cast %add3A_697 : i32 to index
          %get3A_743 = arith.constant 96 : index
          %get3A_744 = tpu.vector_load %arg5[%get3A_741, %get3A_742, %get3A_743] {strides = array<i32>} : memref<3x256x128xf32, #tpu.memory_space<vmem>>, vector<1x1x16xf32>,
          %get3A_745 = vector.shape_cast %get3A_744 : vector<1x1x16xf32> to vector<16xf32>
          %add3A_746 = arith.addf %add3A_684, %get3A_745 : vector<16xf32>
          %get3A_747 = arith.constant 2 : i32
          %get3A_748 = arith.index_cast %get3A_747 : i32 to index
          %get3A_749 = arith.index_cast %add3A_697 : i32 to index
          %get3A_750 = arith.constant 112 : index
          %get3A_751 = tpu.vector_load %arg5[%get3A_748, %get3A_749, %get3A_750] {strides = array<i32>} : memref<3x256x128xf32, #tpu.memory_space<vmem>>, vector<1x1x16xf32>,
          %get3A_752 = vector.shape_cast %get3A_751 : vector<1x1x16xf32> to vector<16xf32>
          %add3A_753 = arith.addf %add3A_691, %get3A_752 : vector<16xf32>
          %mul3A_754 = arith.constant 8 : i32
          %mul3A_755 = arith.muli %scan3A_497, %mul3A_754 : i32
          %add3A_756 = arith.constant 128 : i32
          %add3A_757 = arith.addi %add3A_756, %mul3A_755 : i32
          %add3A_758 = arith.constant 4 : i32
          %add3A_759 = arith.addi %add3A_757, %add3A_758 : i32
          %get3A_760 = arith.constant 2 : i32
          %get3A_761 = arith.index_cast %get3A_760 : i32 to index
          %get3A_762 = arith.index_cast %add3A_759 : i32 to index
          %get3A_763 = arith.constant 0 : index
          %get3A_764 = tpu.vector_load %arg5[%get3A_761, %get3A_762, %get3A_763] {strides = array<i32>} : memref<3x256x128xf32, #tpu.memory_space<vmem>>, vector<1x1x16xf32>,
          %get3A_765 = vector.shape_cast %get3A_764 : vector<1x1x16xf32> to vector<16xf32>
          %add3A_766 = arith.addf %add3A_704, %get3A_765 : vector<16xf32>
          %get3A_767 = arith.constant 2 : i32
          %get3A_768 = arith.index_cast %get3A_767 : i32 to index
          %get3A_769 = arith.index_cast %add3A_759 : i32 to index
          %get3A_770 = arith.constant 16 : index
          %get3A_771 = tpu.vector_load %arg5[%get3A_768, %get3A_769, %get3A_770] {strides = array<i32>} : memref<3x256x128xf32, #tpu.memory_space<vmem>>, vector<1x1x16xf32>,
          %get3A_772 = vector.shape_cast %get3A_771 : vector<1x1x16xf32> to vector<16xf32>
          %add3A_773 = arith.addf %add3A_711, %get3A_772 : vector<16xf32>
          %get3A_774 = arith.constant 2 : i32
          %get3A_775 = arith.index_cast %get3A_774 : i32 to index
          %get3A_776 = arith.index_cast %add3A_759 : i32 to index
          %get3A_777 = arith.constant 32 : index
          %get3A_778 = tpu.vector_load %arg5[%get3A_775, %get3A_776, %get3A_777] {strides = array<i32>} : memref<3x256x128xf32, #tpu.memory_space<vmem>>, vector<1x1x16xf32>,
          %get3A_779 = vector.shape_cast %get3A_778 : vector<1x1x16xf32> to vector<16xf32>
          %add3A_780 = arith.addf %add3A_718, %get3A_779 : vector<16xf32>
          %get3A_781 = arith.constant 2 : i32
          %get3A_782 = arith.index_cast %get3A_781 : i32 to index
          %get3A_783 = arith.index_cast %add3A_759 : i32 to index
          %get3A_784 = arith.constant 48 : index
          %get3A_785 = tpu.vector_load %arg5[%get3A_782, %get3A_783, %get3A_784] {strides = array<i32>} : memref<3x256x128xf32, #tpu.memory_space<vmem>>, vector<1x1x16xf32>,
          %get3A_786 = vector.shape_cast %get3A_785 : vector<1x1x16xf32> to vector<16xf32>
          %add3A_787 = arith.addf %add3A_725, %get3A_786 : vector<16xf32>
          %get3A_788 = arith.constant 2 : i32
          %get3A_789 = arith.index_cast %get3A_788 : i32 to index
          %get3A_790 = arith.index_cast %add3A_759 : i32 to index
          %get3A_791 = arith.constant 64 : index
          %get3A_792 = tpu.vector_load %arg5[%get3A_789, %get3A_790, %get3A_791] {strides = array<i32>} : memref<3x256x128xf32, #tpu.memory_space<vmem>>, vector<1x1x16xf32>,
          %get3A_793 = vector.shape_cast %get3A_792 : vector<1x1x16xf32> to vector<16xf32>
          %add3A_794 = arith.addf %add3A_732, %get3A_793 : vector<16xf32>
          %get3A_795 = arith.constant 2 : i32
          %get3A_796 = arith.index_cast %get3A_795 : i32 to index
          %get3A_797 = arith.index_cast %add3A_759 : i32 to index
          %get3A_798 = arith.constant 80 : index
          %get3A_799 = tpu.vector_load %arg5[%get3A_796, %get3A_797, %get3A_798] {strides = array<i32>} : memref<3x256x128xf32, #tpu.memory_space<vmem>>, vector<1x1x16xf32>,
          %get3A_800 = vector.shape_cast %get3A_799 : vector<1x1x16xf32> to vector<16xf32>
          %add3A_801 = arith.addf %add3A_739, %get3A_800 : vector<16xf32>
          %get3A_802 = arith.constant 2 : i32
          %get3A_803 = arith.index_cast %get3A_802 : i32 to index
          %get3A_804 = arith.index_cast %add3A_759 : i32 to index
          %get3A_805 = arith.constant 96 : index
          %get3A_806 = tpu.vector_load %arg5[%get3A_803, %get3A_804, %get3A_805] {strides = array<i32>} : memref<3x256x128xf32, #tpu.memory_space<vmem>>, vector<1x1x16xf32>,
          %get3A_807 = vector.shape_cast %get3A_806 : vector<1x1x16xf32> to vector<16xf32>
          %add3A_808 = arith.addf %add3A_746, %get3A_807 : vector<16xf32>
          %get3A_809 = arith.constant 2 : i32
          %get3A_810 = arith.index_cast %get3A_809 : i32 to index
          %get3A_811 = arith.index_cast %add3A_759 : i32 to index
          %get3A_812 = arith.constant 112 : index
          %get3A_813 = tpu.vector_load %arg5[%get3A_810, %get3A_811, %get3A_812] {strides = array<i32>} : memref<3x256x128xf32, #tpu.memory_space<vmem>>, vector<1x1x16xf32>,
          %get3A_814 = vector.shape_cast %get3A_813 : vector<1x1x16xf32> to vector<16xf32>
          %add3A_815 = arith.addf %add3A_753, %get3A_814 : vector<16xf32>
          %mul3A_816 = arith.constant 8 : i32
          %mul3A_817 = arith.muli %scan3A_497, %mul3A_816 : i32
          %add3A_818 = arith.constant 128 : i32
          %add3A_819 = arith.addi %add3A_818, %mul3A_817 : i32
          %add3A_820 = arith.constant 5 : i32
          %add3A_821 = arith.addi %add3A_819, %add3A_820 : i32
          %get3A_822 = arith.constant 2 : i32
          %get3A_823 = arith.index_cast %get3A_822 : i32 to index
          %get3A_824 = arith.index_cast %add3A_821 : i32 to index
          %get3A_825 = arith.constant 0 : index
          %get3A_826 = tpu.vector_load %arg5[%get3A_823, %get3A_824, %get3A_825] {strides = array<i32>} : memref<3x256x128xf32, #tpu.memory_space<vmem>>, vector<1x1x16xf32>,
          %get3A_827 = vector.shape_cast %get3A_826 : vector<1x1x16xf32> to vector<16xf32>
          %add3A_828 = arith.addf %add3A_766, %get3A_827 : vector<16xf32>
          %get3A_829 = arith.constant 2 : i32
          %get3A_830 = arith.index_cast %get3A_829 : i32 to index
          %get3A_831 = arith.index_cast %add3A_821 : i32 to index
          %get3A_832 = arith.constant 16 : index
          %get3A_833 = tpu.vector_load %arg5[%get3A_830, %get3A_831, %get3A_832] {strides = array<i32>} : memref<3x256x128xf32, #tpu.memory_space<vmem>>, vector<1x1x16xf32>,
          %get3A_834 = vector.shape_cast %get3A_833 : vector<1x1x16xf32> to vector<16xf32>
          %add3A_835 = arith.addf %add3A_773, %get3A_834 : vector<16xf32>
          %get3A_836 = arith.constant 2 : i32
          %get3A_837 = arith.index_cast %get3A_836 : i32 to index
          %get3A_838 = arith.index_cast %add3A_821 : i32 to index
          %get3A_839 = arith.constant 32 : index
          %get3A_840 = tpu.vector_load %arg5[%get3A_837, %get3A_838, %get3A_839] {strides = array<i32>} : memref<3x256x128xf32, #tpu.memory_space<vmem>>, vector<1x1x16xf32>,
          %get3A_841 = vector.shape_cast %get3A_840 : vector<1x1x16xf32> to vector<16xf32>
          %add3A_842 = arith.addf %add3A_780, %get3A_841 : vector<16xf32>
          %get3A_843 = arith.constant 2 : i32
          %get3A_844 = arith.index_cast %get3A_843 : i32 to index
          %get3A_845 = arith.index_cast %add3A_821 : i32 to index
          %get3A_846 = arith.constant 48 : index
          %get3A_847 = tpu.vector_load %arg5[%get3A_844, %get3A_845, %get3A_846] {strides = array<i32>} : memref<3x256x128xf32, #tpu.memory_space<vmem>>, vector<1x1x16xf32>,
          %get3A_848 = vector.shape_cast %get3A_847 : vector<1x1x16xf32> to vector<16xf32>
          %add3A_849 = arith.addf %add3A_787, %get3A_848 : vector<16xf32>
          %get3A_850 = arith.constant 2 : i32
          %get3A_851 = arith.index_cast %get3A_850 : i32 to index
          %get3A_852 = arith.index_cast %add3A_821 : i32 to index
          %get3A_853 = arith.constant 64 : index
          %get3A_854 = tpu.vector_load %arg5[%get3A_851, %get3A_852, %get3A_853] {strides = array<i32>} : memref<3x256x128xf32, #tpu.memory_space<vmem>>, vector<1x1x16xf32>,
          %get3A_855 = vector.shape_cast %get3A_854 : vector<1x1x16xf32> to vector<16xf32>
          %add3A_856 = arith.addf %add3A_794, %get3A_855 : vector<16xf32>
          %get3A_857 = arith.constant 2 : i32
          %get3A_858 = arith.index_cast %get3A_857 : i32 to index
          %get3A_859 = arith.index_cast %add3A_821 : i32 to index
          %get3A_860 = arith.constant 80 : index
          %get3A_861 = tpu.vector_load %arg5[%get3A_858, %get3A_859, %get3A_860] {strides = array<i32>} : memref<3x256x128xf32, #tpu.memory_space<vmem>>, vector<1x1x16xf32>,
          %get3A_862 = vector.shape_cast %get3A_861 : vector<1x1x16xf32> to vector<16xf32>
          %add3A_863 = arith.addf %add3A_801, %get3A_862 : vector<16xf32>
          %get3A_864 = arith.constant 2 : i32
          %get3A_865 = arith.index_cast %get3A_864 : i32 to index
          %get3A_866 = arith.index_cast %add3A_821 : i32 to index
          %get3A_867 = arith.constant 96 : index
          %get3A_868 = tpu.vector_load %arg5[%get3A_865, %get3A_866, %get3A_867] {strides = array<i32>} : memref<3x256x128xf32, #tpu.memory_space<vmem>>, vector<1x1x16xf32>,
          %get3A_869 = vector.shape_cast %get3A_868 : vector<1x1x16xf32> to vector<16xf32>
          %add3A_870 = arith.addf %add3A_808, %get3A_869 : vector<16xf32>
          %get3A_871 = arith.constant 2 : i32
          %get3A_872 = arith.index_cast %get3A_871 : i32 to index
          %get3A_873 = arith.index_cast %add3A_821 : i32 to index
          %get3A_874 = arith.constant 112 : index
          %get3A_875 = tpu.vector_load %arg5[%get3A_872, %get3A_873, %get3A_874] {strides = array<i32>} : memref<3x256x128xf32, #tpu.memory_space<vmem>>, vector<1x1x16xf32>,
          %get3A_876 = vector.shape_cast %get3A_875 : vector<1x1x16xf32> to vector<16xf32>
          %add3A_877 = arith.addf %add3A_815, %get3A_876 : vector<16xf32>
          %mul3A_878 = arith.constant 8 : i32
          %mul3A_879 = arith.muli %scan3A_497, %mul3A_878 : i32
          %add3A_880 = arith.constant 128 : i32
          %add3A_881 = arith.addi %add3A_880, %mul3A_879 : i32
          %add3A_882 = arith.constant 6 : i32
          %add3A_883 = arith.addi %add3A_881, %add3A_882 : i32
          %get3A_884 = arith.constant 2 : i32
          %get3A_885 = arith.index_cast %get3A_884 : i32 to index
          %get3A_886 = arith.index_cast %add3A_883 : i32 to index
          %get3A_887 = arith.constant 0 : index
          %get3A_888 = tpu.vector_load %arg5[%get3A_885, %get3A_886, %get3A_887] {strides = array<i32>} : memref<3x256x128xf32, #tpu.memory_space<vmem>>, vector<1x1x16xf32>,
          %get3A_889 = vector.shape_cast %get3A_888 : vector<1x1x16xf32> to vector<16xf32>
          %add3A_890 = arith.addf %add3A_828, %get3A_889 : vector<16xf32>
          %get3A_891 = arith.constant 2 : i32
          %get3A_892 = arith.index_cast %get3A_891 : i32 to index
          %get3A_893 = arith.index_cast %add3A_883 : i32 to index
          %get3A_894 = arith.constant 16 : index
          %get3A_895 = tpu.vector_load %arg5[%get3A_892, %get3A_893, %get3A_894] {strides = array<i32>} : memref<3x256x128xf32, #tpu.memory_space<vmem>>, vector<1x1x16xf32>,
          %get3A_896 = vector.shape_cast %get3A_895 : vector<1x1x16xf32> to vector<16xf32>
          %add3A_897 = arith.addf %add3A_835, %get3A_896 : vector<16xf32>
          %get3A_898 = arith.constant 2 : i32
          %get3A_899 = arith.index_cast %get3A_898 : i32 to index
          %get3A_900 = arith.index_cast %add3A_883 : i32 to index
          %get3A_901 = arith.constant 32 : index
          %get3A_902 = tpu.vector_load %arg5[%get3A_899, %get3A_900, %get3A_901] {strides = array<i32>} : memref<3x256x128xf32, #tpu.memory_space<vmem>>, vector<1x1x16xf32>,
          %get3A_903 = vector.shape_cast %get3A_902 : vector<1x1x16xf32> to vector<16xf32>
          %add3A_904 = arith.addf %add3A_842, %get3A_903 : vector<16xf32>
          %get3A_905 = arith.constant 2 : i32
          %get3A_906 = arith.index_cast %get3A_905 : i32 to index
          %get3A_907 = arith.index_cast %add3A_883 : i32 to index
          %get3A_908 = arith.constant 48 : index
          %get3A_909 = tpu.vector_load %arg5[%get3A_906, %get3A_907, %get3A_908] {strides = array<i32>} : memref<3x256x128xf32, #tpu.memory_space<vmem>>, vector<1x1x16xf32>,
          %get3A_910 = vector.shape_cast %get3A_909 : vector<1x1x16xf32> to vector<16xf32>
          %add3A_911 = arith.addf %add3A_849, %get3A_910 : vector<16xf32>
          %get3A_912 = arith.constant 2 : i32
          %get3A_913 = arith.index_cast %get3A_912 : i32 to index
          %get3A_914 = arith.index_cast %add3A_883 : i32 to index
          %get3A_915 = arith.constant 64 : index
          %get3A_916 = tpu.vector_load %arg5[%get3A_913, %get3A_914, %get3A_915] {strides = array<i32>} : memref<3x256x128xf32, #tpu.memory_space<vmem>>, vector<1x1x16xf32>,
          %get3A_917 = vector.shape_cast %get3A_916 : vector<1x1x16xf32> to vector<16xf32>
          %add3A_918 = arith.addf %add3A_856, %get3A_917 : vector<16xf32>
          %get3A_919 = arith.constant 2 : i32
          %get3A_920 = arith.index_cast %get3A_919 : i32 to index
          %get3A_921 = arith.index_cast %add3A_883 : i32 to index
          %get3A_922 = arith.constant 80 : index
          %get3A_923 = tpu.vector_load %arg5[%get3A_920, %get3A_921, %get3A_922] {strides = array<i32>} : memref<3x256x128xf32, #tpu.memory_space<vmem>>, vector<1x1x16xf32>,
          %get3A_924 = vector.shape_cast %get3A_923 : vector<1x1x16xf32> to vector<16xf32>
          %add3A_925 = arith.addf %add3A_863, %get3A_924 : vector<16xf32>
          %get3A_926 = arith.constant 2 : i32
          %get3A_927 = arith.index_cast %get3A_926 : i32 to index
          %get3A_928 = arith.index_cast %add3A_883 : i32 to index
          %get3A_929 = arith.constant 96 : index
          %get3A_930 = tpu.vector_load %arg5[%get3A_927, %get3A_928, %get3A_929] {strides = array<i32>} : memref<3x256x128xf32, #tpu.memory_space<vmem>>, vector<1x1x16xf32>,
          %get3A_931 = vector.shape_cast %get3A_930 : vector<1x1x16xf32> to vector<16xf32>
          %add3A_932 = arith.addf %add3A_870, %get3A_931 : vector<16xf32>
          %get3A_933 = arith.constant 2 : i32
          %get3A_934 = arith.index_cast %get3A_933 : i32 to index
          %get3A_935 = arith.index_cast %add3A_883 : i32 to index
          %get3A_936 = arith.constant 112 : index
          %get3A_937 = tpu.vector_load %arg5[%get3A_934, %get3A_935, %get3A_936] {strides = array<i32>} : memref<3x256x128xf32, #tpu.memory_space<vmem>>, vector<1x1x16xf32>,
          %get3A_938 = vector.shape_cast %get3A_937 : vector<1x1x16xf32> to vector<16xf32>
          %add3A_939 = arith.addf %add3A_877, %get3A_938 : vector<16xf32>
          %mul3A_940 = arith.constant 8 : i32
          %mul3A_941 = arith.muli %scan3A_497, %mul3A_940 : i32
          %add3A_942 = arith.constant 128 : i32
          %add3A_943 = arith.addi %add3A_942, %mul3A_941 : i32
          %add3A_944 = arith.constant 7 : i32
          %add3A_945 = arith.addi %add3A_943, %add3A_944 : i32
          %get3A_946 = arith.constant 2 : i32
          %get3A_947 = arith.index_cast %get3A_946 : i32 to index
          %get3A_948 = arith.index_cast %add3A_945 : i32 to index
          %get3A_949 = arith.constant 0 : index
          %get3A_950 = tpu.vector_load %arg5[%get3A_947, %get3A_948, %get3A_949] {strides = array<i32>} : memref<3x256x128xf32, #tpu.memory_space<vmem>>, vector<1x1x16xf32>,
          %get3A_951 = vector.shape_cast %get3A_950 : vector<1x1x16xf32> to vector<16xf32>
          %add3A_952 = arith.addf %add3A_890, %get3A_951 : vector<16xf32>
          %get3A_953 = arith.constant 2 : i32
          %get3A_954 = arith.index_cast %get3A_953 : i32 to index
          %get3A_955 = arith.index_cast %add3A_945 : i32 to index
          %get3A_956 = arith.constant 16 : index
          %get3A_957 = tpu.vector_load %arg5[%get3A_954, %get3A_955, %get3A_956] {strides = array<i32>} : memref<3x256x128xf32, #tpu.memory_space<vmem>>, vector<1x1x16xf32>,
          %get3A_958 = vector.shape_cast %get3A_957 : vector<1x1x16xf32> to vector<16xf32>
          %add3A_959 = arith.addf %add3A_897, %get3A_958 : vector<16xf32>
          %get3A_960 = arith.constant 2 : i32
          %get3A_961 = arith.index_cast %get3A_960 : i32 to index
          %get3A_962 = arith.index_cast %add3A_945 : i32 to index
          %get3A_963 = arith.constant 32 : index
          %get3A_964 = tpu.vector_load %arg5[%get3A_961, %get3A_962, %get3A_963] {strides = array<i32>} : memref<3x256x128xf32, #tpu.memory_space<vmem>>, vector<1x1x16xf32>,
          %get3A_965 = vector.shape_cast %get3A_964 : vector<1x1x16xf32> to vector<16xf32>
          %add3A_966 = arith.addf %add3A_904, %get3A_965 : vector<16xf32>
          %get3A_967 = arith.constant 2 : i32
          %get3A_968 = arith.index_cast %get3A_967 : i32 to index
          %get3A_969 = arith.index_cast %add3A_945 : i32 to index
          %get3A_970 = arith.constant 48 : index
          %get3A_971 = tpu.vector_load %arg5[%get3A_968, %get3A_969, %get3A_970] {strides = array<i32>} : memref<3x256x128xf32, #tpu.memory_space<vmem>>, vector<1x1x16xf32>,
          %get3A_972 = vector.shape_cast %get3A_971 : vector<1x1x16xf32> to vector<16xf32>
          %add3A_973 = arith.addf %add3A_911, %get3A_972 : vector<16xf32>
          %get3A_974 = arith.constant 2 : i32
          %get3A_975 = arith.index_cast %get3A_974 : i32 to index
          %get3A_976 = arith.index_cast %add3A_945 : i32 to index
          %get3A_977 = arith.constant 64 : index
          %get3A_978 = tpu.vector_load %arg5[%get3A_975, %get3A_976, %get3A_977] {strides = array<i32>} : memref<3x256x128xf32, #tpu.memory_space<vmem>>, vector<1x1x16xf32>,
          %get3A_979 = vector.shape_cast %get3A_978 : vector<1x1x16xf32> to vector<16xf32>
          %add3A_980 = arith.addf %add3A_918, %get3A_979 : vector<16xf32>
          %get3A_981 = arith.constant 2 : i32
          %get3A_982 = arith.index_cast %get3A_981 : i32 to index
          %get3A_983 = arith.index_cast %add3A_945 : i32 to index
          %get3A_984 = arith.constant 80 : index
          %get3A_985 = tpu.vector_load %arg5[%get3A_982, %get3A_983, %get3A_984] {strides = array<i32>} : memref<3x256x128xf32, #tpu.memory_space<vmem>>, vector<1x1x16xf32>,
          %get3A_986 = vector.shape_cast %get3A_985 : vector<1x1x16xf32> to vector<16xf32>
          %add3A_987 = arith.addf %add3A_925, %get3A_986 : vector<16xf32>
          %get3A_988 = arith.constant 2 : i32
          %get3A_989 = arith.index_cast %get3A_988 : i32 to index
          %get3A_990 = arith.index_cast %add3A_945 : i32 to index
          %get3A_991 = arith.constant 96 : index
          %get3A_992 = tpu.vector_load %arg5[%get3A_989, %get3A_990, %get3A_991] {strides = array<i32>} : memref<3x256x128xf32, #tpu.memory_space<vmem>>, vector<1x1x16xf32>,
          %get3A_993 = vector.shape_cast %get3A_992 : vector<1x1x16xf32> to vector<16xf32>
          %add3A_994 = arith.addf %add3A_932, %get3A_993 : vector<16xf32>
          %get3A_995 = arith.constant 2 : i32
          %get3A_996 = arith.index_cast %get3A_995 : i32 to index
          %get3A_997 = arith.index_cast %add3A_945 : i32 to index
          %get3A_998 = arith.constant 112 : index
          %get3A_999 = tpu.vector_load %arg5[%get3A_996, %get3A_997, %get3A_998] {strides = array<i32>} : memref<3x256x128xf32, #tpu.memory_space<vmem>>, vector<1x1x16xf32>,
          %get3A_1000 = vector.shape_cast %get3A_999 : vector<1x1x16xf32> to vector<16xf32>
          %add3A_1001 = arith.addf %add3A_939, %get3A_1000 : vector<16xf32>
          scf.yield %add3A_952, %add3A_959, %add3A_966, %add3A_973, %add3A_980, %add3A_987, %add3A_994, %add3A_1001 : vector<16xf32>, vector<16xf32>, vector<16xf32>, vector<16xf32>, vector<16xf32>, vector<16xf32>, vector<16xf32>, vector<16xf32>
        }
        %scan3A_416 = arith.constant 16 : i32
        %get3A_417 = arith.index_cast %sub3A_373 : i32 to index
        %get3A_418 = arith.constant 0 : index
        %get3A_419 = tpu.vector_load %arg8[%get3A_417, %get3A_418] {strides = array<i32>} : memref<64x128xf32, #tpu.memory_space<vmem>>, vector<1x16xf32>,
        %get3A_420 = vector.shape_cast %get3A_419 : vector<1x16xf32> to vector<16xf32>
        %add3A_421 = arith.addf %get3A_420, %scan3A_415#0 : vector<16xf32>
        %swap3A_422 = arith.index_cast %sub3A_373 : i32 to index
        %swap3A_423 = arith.constant 0 : index
        %swap3A_424 = tpu.vector_load %arg8[%swap3A_422, %swap3A_423] {strides = array<i32>} : memref<64x128xf32, #tpu.memory_space<vmem>>, vector<1x16xf32>,
        %swap3A_425 = vector.shape_cast %swap3A_424 : vector<1x16xf32> to vector<16xf32>
        %swap3A_426 = vector.shape_cast %add3A_421 : vector<16xf32> to vector<1x16xf32>
        tpu.vector_store %arg8[%swap3A_422, %swap3A_423], %swap3A_426 {strides = array<i32>} : memref<64x128xf32, #tpu.memory_space<vmem>>, vector<1x16xf32>,
        %get3A_427 = arith.index_cast %sub3A_373 : i32 to index
        %get3A_428 = arith.constant 16 : index
        %get3A_429 = tpu.vector_load %arg8[%get3A_427, %get3A_428] {strides = array<i32>} : memref<64x128xf32, #tpu.memory_space<vmem>>, vector<1x16xf32>,
        %get3A_430 = vector.shape_cast %get3A_429 : vector<1x16xf32> to vector<16xf32>
        %add3A_431 = arith.addf %get3A_430, %scan3A_415#1 : vector<16xf32>
        %swap3A_432 = arith.index_cast %sub3A_373 : i32 to index
        %swap3A_433 = arith.constant 16 : index
        %swap3A_434 = tpu.vector_load %arg8[%swap3A_432, %swap3A_433] {strides = array<i32>} : memref<64x128xf32, #tpu.memory_space<vmem>>, vector<1x16xf32>,
        %swap3A_435 = vector.shape_cast %swap3A_434 : vector<1x16xf32> to vector<16xf32>
        %swap3A_436 = vector.shape_cast %add3A_431 : vector<16xf32> to vector<1x16xf32>
        tpu.vector_store %arg8[%swap3A_432, %swap3A_433], %swap3A_436 {strides = array<i32>} : memref<64x128xf32, #tpu.memory_space<vmem>>, vector<1x16xf32>,
        %get3A_437 = arith.index_cast %sub3A_373 : i32 to index
        %get3A_438 = arith.constant 32 : index
        %get3A_439 = tpu.vector_load %arg8[%get3A_437, %get3A_438] {strides = array<i32>} : memref<64x128xf32, #tpu.memory_space<vmem>>, vector<1x16xf32>,
        %get3A_440 = vector.shape_cast %get3A_439 : vector<1x16xf32> to vector<16xf32>
        %add3A_441 = arith.addf %get3A_440, %scan3A_415#2 : vector<16xf32>
        %swap3A_442 = arith.index_cast %sub3A_373 : i32 to index
        %swap3A_443 = arith.constant 32 : index
        %swap3A_444 = tpu.vector_load %arg8[%swap3A_442, %swap3A_443] {strides = array<i32>} : memref<64x128xf32, #tpu.memory_space<vmem>>, vector<1x16xf32>,
        %swap3A_445 = vector.shape_cast %swap3A_444 : vector<1x16xf32> to vector<16xf32>
        %swap3A_446 = vector.shape_cast %add3A_441 : vector<16xf32> to vector<1x16xf32>
        tpu.vector_store %arg8[%swap3A_442, %swap3A_443], %swap3A_446 {strides = array<i32>} : memref<64x128xf32, #tpu.memory_space<vmem>>, vector<1x16xf32>,
        %get3A_447 = arith.index_cast %sub3A_373 : i32 to index
        %get3A_448 = arith.constant 48 : index
        %get3A_449 = tpu.vector_load %arg8[%get3A_447, %get3A_448] {strides = array<i32>} : memref<64x128xf32, #tpu.memory_space<vmem>>, vector<1x16xf32>,
        %get3A_450 = vector.shape_cast %get3A_449 : vector<1x16xf32> to vector<16xf32>
        %add3A_451 = arith.addf %get3A_450, %scan3A_415#3 : vector<16xf32>
        %swap3A_452 = arith.index_cast %sub3A_373 : i32 to index
        %swap3A_453 = arith.constant 48 : index
        %swap3A_454 = tpu.vector_load %arg8[%swap3A_452, %swap3A_453] {strides = array<i32>} : memref<64x128xf32, #tpu.memory_space<vmem>>, vector<1x16xf32>,
        %swap3A_455 = vector.shape_cast %swap3A_454 : vector<1x16xf32> to vector<16xf32>
        %swap3A_456 = vector.shape_cast %add3A_451 : vector<16xf32> to vector<1x16xf32>
        tpu.vector_store %arg8[%swap3A_452, %swap3A_453], %swap3A_456 {strides = array<i32>} : memref<64x128xf32, #tpu.memory_space<vmem>>, vector<1x16xf32>,
        %get3A_457 = arith.index_cast %sub3A_373 : i32 to index
        %get3A_458 = arith.constant 64 : index
        %get3A_459 = tpu.vector_load %arg8[%get3A_457, %get3A_458] {strides = array<i32>} : memref<64x128xf32, #tpu.memory_space<vmem>>, vector<1x16xf32>,
        %get3A_460 = vector.shape_cast %get3A_459 : vector<1x16xf32> to vector<16xf32>
        %add3A_461 = arith.addf %get3A_460, %scan3A_415#4 : vector<16xf32>
        %swap3A_462 = arith.index_cast %sub3A_373 : i32 to index
        %swap3A_463 = arith.constant 64 : index
        %swap3A_464 = tpu.vector_load %arg8[%swap3A_462, %swap3A_463] {strides = array<i32>} : memref<64x128xf32, #tpu.memory_space<vmem>>, vector<1x16xf32>,
        %swap3A_465 = vector.shape_cast %swap3A_464 : vector<1x16xf32> to vector<16xf32>
        %swap3A_466 = vector.shape_cast %add3A_461 : vector<16xf32> to vector<1x16xf32>
        tpu.vector_store %arg8[%swap3A_462, %swap3A_463], %swap3A_466 {strides = array<i32>} : memref<64x128xf32, #tpu.memory_space<vmem>>, vector<1x16xf32>,
        %get3A_467 = arith.index_cast %sub3A_373 : i32 to index
        %get3A_468 = arith.constant 80 : index
        %get3A_469 = tpu.vector_load %arg8[%get3A_467, %get3A_468] {strides = array<i32>} : memref<64x128xf32, #tpu.memory_space<vmem>>, vector<1x16xf32>,
        %get3A_470 = vector.shape_cast %get3A_469 : vector<1x16xf32> to vector<16xf32>
        %add3A_471 = arith.addf %get3A_470, %scan3A_415#5 : vector<16xf32>
        %swap3A_472 = arith.index_cast %sub3A_373 : i32 to index
        %swap3A_473 = arith.constant 80 : index
        %swap3A_474 = tpu.vector_load %arg8[%swap3A_472, %swap3A_473] {strides = array<i32>} : memref<64x128xf32, #tpu.memory_space<vmem>>, vector<1x16xf32>,
        %swap3A_475 = vector.shape_cast %swap3A_474 : vector<1x16xf32> to vector<16xf32>
        %swap3A_476 = vector.shape_cast %add3A_471 : vector<16xf32> to vector<1x16xf32>
        tpu.vector_store %arg8[%swap3A_472, %swap3A_473], %swap3A_476 {strides = array<i32>} : memref<64x128xf32, #tpu.memory_space<vmem>>, vector<1x16xf32>,
        %get3A_477 = arith.index_cast %sub3A_373 : i32 to index
        %get3A_478 = arith.constant 96 : index
        %get3A_479 = tpu.vector_load %arg8[%get3A_477, %get3A_478] {strides = array<i32>} : memref<64x128xf32, #tpu.memory_space<vmem>>, vector<1x16xf32>,
        %get3A_480 = vector.shape_cast %get3A_479 : vector<1x16xf32> to vector<16xf32>
        %add3A_481 = arith.addf %get3A_480, %scan3A_415#6 : vector<16xf32>
        %swap3A_482 = arith.index_cast %sub3A_373 : i32 to index
        %swap3A_483 = arith.constant 96 : index
        %swap3A_484 = tpu.vector_load %arg8[%swap3A_482, %swap3A_483] {strides = array<i32>} : memref<64x128xf32, #tpu.memory_space<vmem>>, vector<1x16xf32>,
        %swap3A_485 = vector.shape_cast %swap3A_484 : vector<1x16xf32> to vector<16xf32>
        %swap3A_486 = vector.shape_cast %add3A_481 : vector<16xf32> to vector<1x16xf32>
        tpu.vector_store %arg8[%swap3A_482, %swap3A_483], %swap3A_486 {strides = array<i32>} : memref<64x128xf32, #tpu.memory_space<vmem>>, vector<1x16xf32>,
        %get3A_487 = arith.index_cast %sub3A_373 : i32 to index
        %get3A_488 = arith.constant 112 : index
        %get3A_489 = tpu.vector_load %arg8[%get3A_487, %get3A_488] {strides = array<i32>} : memref<64x128xf32, #tpu.memory_space<vmem>>, vector<1x16xf32>,
        %get3A_490 = vector.shape_cast %get3A_489 : vector<1x16xf32> to vector<16xf32>
        %add3A_491 = arith.addf %get3A_490, %scan3A_415#7 : vector<16xf32>
        %swap3A_492 = arith.index_cast %sub3A_373 : i32 to index
        %swap3A_493 = arith.constant 112 : index
        %swap3A_494 = tpu.vector_load %arg8[%swap3A_492, %swap3A_493] {strides = array<i32>} : memref<64x128xf32, #tpu.memory_space<vmem>>, vector<1x16xf32>,
        %swap3A_495 = vector.shape_cast %swap3A_494 : vector<1x16xf32> to vector<16xf32>
        %swap3A_496 = vector.shape_cast %add3A_491 : vector<16xf32> to vector<1x16xf32>
        tpu.vector_store %arg8[%swap3A_492, %swap3A_493], %swap3A_496 {strides = array<i32>} : memref<64x128xf32, #tpu.memory_space<vmem>>, vector<1x16xf32>,
      } else {
      }
      %ne3A_381 = arith.cmpi ne, %squeeze3A_366, %squeeze3A_372 : i32
      %ge3A_382 = arith.constant 64 : i32
      %ge3A_383 = arith.cmpi sge, %sub3A_373, %ge3A_382 : i32
      %or3A_384 = arith.ori %ne3A_381, %ge3A_383 : i1
      %convert_element_type3A_385 = arith.extui %or3A_384 : i1 to i32
      %cond3A_386 = arith.constant 0 : i32
      %cond3A_387 = arith.cmpi ne, %convert_element_type3A_385, %cond3A_386 : i32
      scf.if %cond3A_387 {
        %run_scoped3A_395 = arith.constant 2 : i32
        "tpu.region"() ({
          %run_scoped3A_396 = tpu.sem_alloc : memref<!tpu.dma_semaphore, #tpu.memory_space<semaphore_mem>>
          %dma_start3A_397 = arith.constant 128 : i32
          %dma_start3A_398 = arith.constant 0 : i32
          %dma_start3A_399 = tpu.memref_slice %arg5[%run_scoped3A_395, %dma_start3A_397, %dma_start3A_398] : memref<3x256x128xf32, #tpu.memory_space<vmem>> -> memref<1x128x128xf32, #tpu.memory_space<vmem>>
          %dma_start3A_400 = tpu.memref_squeeze %dma_start3A_399 : memref<1x128x128xf32, #tpu.memory_space<vmem>> -> memref<128x128xf32, #tpu.memory_space<vmem>>
          %dma_start3A_401 = arith.constant 0 : i32
          %dma_start3A_402 = tpu.memref_slice %arg6[%add3A_360, %dma_start3A_401] : memref<80x128xi32, #tpu.memory_space<vmem>> -> memref<1x128xi32, #tpu.memory_space<vmem>>
          %dma_start3A_403 = tpu.memref_squeeze %dma_start3A_402 : memref<1x128xi32, #tpu.memory_space<vmem>> -> memref<128xi32, #tpu.memory_space<vmem>>
          %dma_start3A_404 = arith.constant 0 : i32
          %dma_start3A_405 = arith.constant 0 : i32
          %dma_start3A_406 = tpu.memref_slice %arg9[%dma_start3A_404, %dma_start3A_405] : memref<256x128xf32, #tpu.memory_space<vmem_shared>> -> memref<256x128xf32, #tpu.memory_space<vmem_shared>>
          tpu.enqueue_indirect_dma source(%dma_start3A_400 : memref<128x128xf32, #tpu.memory_space<vmem>>) target(%dma_start3A_406 : memref<256x128xf32, #tpu.memory_space<vmem_shared>>) offsets(%dma_start3A_403 : memref<128xi32, #tpu.memory_space<vmem>>) semaphore(%run_scoped3A_396 : memref<!tpu.dma_semaphore, #tpu.memory_space<semaphore_mem>>) {add = true}
          %dma_wait3A_407 = arith.constant 128 : i32
          %dma_wait3A_408 = arith.constant 0 : i32
          %dma_wait3A_409 = tpu.memref_slice %arg5[%run_scoped3A_395, %dma_wait3A_407, %dma_wait3A_408] : memref<3x256x128xf32, #tpu.memory_space<vmem>> -> memref<1x128x128xf32, #tpu.memory_space<vmem>>
          %dma_wait3A_410 = tpu.memref_squeeze %dma_wait3A_409 : memref<1x128x128xf32, #tpu.memory_space<vmem>> -> memref<128x128xf32, #tpu.memory_space<vmem>>
          %dma_wait3A_411 = arith.constant 0 : i32
          %dma_wait3A_412 = tpu.memref_slice %arg6[%add3A_360, %dma_wait3A_411] : memref<80x128xi32, #tpu.memory_space<vmem>> -> memref<1x128xi32, #tpu.memory_space<vmem>>
          %dma_wait3A_413 = tpu.memref_squeeze %dma_wait3A_412 : memref<1x128xi32, #tpu.memory_space<vmem>> -> memref<128xi32, #tpu.memory_space<vmem>>
          %dma_wait3A_414 = arith.constant 0 : i32
          %dma_wait3A_415 = arith.constant 0 : i32
          %dma_wait3A_416 = tpu.memref_slice %arg9[%dma_wait3A_414, %dma_wait3A_415] : memref<256x128xf32, #tpu.memory_space<vmem_shared>> -> memref<256x128xf32, #tpu.memory_space<vmem_shared>>
          tpu.wait_indirect_dma semaphore(%run_scoped3A_396 : memref<!tpu.dma_semaphore, #tpu.memory_space<semaphore_mem>>) src(%dma_wait3A_410 : memref<128x128xf32, #tpu.memory_space<vmem>>) dst(%dma_wait3A_416 : memref<256x128xf32, #tpu.memory_space<vmem_shared>>)
          tpu.yield
        }) : () -> ()
      } else {
      }
      %add3A_388 = arith.constant 3 : i32
      %add3A_389 = arith.addi %add3A_310, %add3A_388 : i32
      %lt3A_390 = arith.constant 39 : i32
      %lt3A_391 = arith.cmpi slt, %add3A_389, %lt3A_390 : i32
      %convert_element_type3A_392 = arith.extui %lt3A_391 : i1 to i32
      %cond3A_393 = arith.constant 0 : i32
      %cond3A_394 = arith.cmpi ne, %convert_element_type3A_392, %cond3A_393 : i32
      scf.if %cond3A_394 {
        %add3A_395 = arith.constant 3 : i32
        %add3A_396 = arith.addi %add3A_310, %add3A_395 : i32
        %mul3A_397 = arith.constant 256 : i32
        %mul3A_398 = arith.muli %add3A_396, %mul3A_397 : i32
        %add3A_399 = arith.addi %mul3A_2, %mul3A_398 : i32
        %dma_start3A_400 = arith.constant 2 : i32
        %dma_start3A_401 = arith.constant 0 : i32
        %dma_start3A_402 = arith.constant 0 : i32
        %dma_start3A_403 = tpu.memref_slice %arg5[%dma_start3A_400, %dma_start3A_401, %dma_start3A_402] : memref<3x256x128xf32, #tpu.memory_space<vmem>> -> memref<1x256x128xf32, #tpu.memory_space<vmem>>
        %dma_start3A_404 = tpu.memref_squeeze %dma_start3A_403 : memref<1x256x128xf32, #tpu.memory_space<vmem>> -> memref<256x128xf32, #tpu.memory_space<vmem>>
        %dma_start3A_405 = arith.constant 0 : i32
        %dma_start3A_406 = tpu.memref_slice %arg2[%add3A_399, %dma_start3A_405] : memref<320000x128xf32, #tpu.memory_space<hbm>> -> memref<256x128xf32, #tpu.memory_space<hbm>>
        %dma_start3A_407 = arith.constant 0 : i32
        %dma_start3A_408 = arith.constant 0 : i32
        %dma_start3A_409 = tpu.memref_slice %arg5[%dma_start3A_400, %dma_start3A_407, %dma_start3A_408] : memref<3x256x128xf32, #tpu.memory_space<vmem>> -> memref<1x256x128xf32, #tpu.memory_space<vmem>>
        %dma_start3A_410 = tpu.memref_squeeze %dma_start3A_409 : memref<1x256x128xf32, #tpu.memory_space<vmem>> -> memref<256x128xf32, #tpu.memory_space<vmem>>
        %dma_start3A_411 = arith.constant 0 : i32
        %dma_start3A_412 = tpu.memref_slice %arg2[%add3A_399, %dma_start3A_411] : memref<320000x128xf32, #tpu.memory_space<hbm>> -> memref<256x128xf32, #tpu.memory_space<hbm>>
        tpu.enqueue_dma source(%dma_start3A_412 : memref<256x128xf32, #tpu.memory_space<hbm>>) target(%dma_start3A_410 : memref<256x128xf32, #tpu.memory_space<vmem>>) target_semaphore(%arg12 : memref<!tpu.dma_semaphore, #tpu.memory_space<semaphore_mem>>)
      } else {
      }
    }
    %scan3A_127 = arith.constant 13 : i32
    %scan3A_128 = arith.constant 16 : i32
    %scan3A_129 = arith.constant 112 : i32
    %scan3A_130 = arith.addi %scan3A_128, %scan3A_129 : i32
    %scan3A_131 = arith.constant 1 : i32
    scf.for %scan3A_139 = %scan3A_128 to %scan3A_130 step %scan3A_131  : i32 {
      %swap3A_140 = arith.constant 0 : i32
      %swap3A_141 = arith.index_cast %swap3A_140 : i32 to index
      %swap3A_142 = arith.index_cast %scan3A_139 : i32 to index
      %swap3A_143 = arith.constant 0 : index
      %swap3A_144 = tpu.vector_load %arg5[%swap3A_141, %swap3A_142, %swap3A_143] {strides = array<i32>} : memref<3x256x128xf32, #tpu.memory_space<vmem>>, vector<1x1x16xf32>,
      %swap3A_145 = vector.shape_cast %swap3A_144 : vector<1x1x16xf32> to vector<16xf32>
      %swap3A_146 = vector.shape_cast %broadcast_in_dim3A_8 : vector<16xf32> to vector<1x1x16xf32>
      tpu.vector_store %arg5[%swap3A_141, %swap3A_142, %swap3A_143], %swap3A_146 {strides = array<i32>} : memref<3x256x128xf32, #tpu.memory_space<vmem>>, vector<1x1x16xf32>,
      %swap3A_147 = arith.constant 0 : i32
      %swap3A_148 = arith.index_cast %swap3A_147 : i32 to index
      %swap3A_149 = arith.index_cast %scan3A_139 : i32 to index
      %swap3A_150 = arith.constant 16 : index
      %swap3A_151 = tpu.vector_load %arg5[%swap3A_148, %swap3A_149, %swap3A_150] {strides = array<i32>} : memref<3x256x128xf32, #tpu.memory_space<vmem>>, vector<1x1x16xf32>,
      %swap3A_152 = vector.shape_cast %swap3A_151 : vector<1x1x16xf32> to vector<16xf32>
      %swap3A_153 = vector.shape_cast %broadcast_in_dim3A_8 : vector<16xf32> to vector<1x1x16xf32>
      tpu.vector_store %arg5[%swap3A_148, %swap3A_149, %swap3A_150], %swap3A_153 {strides = array<i32>} : memref<3x256x128xf32, #tpu.memory_space<vmem>>, vector<1x1x16xf32>,
      %swap3A_154 = arith.constant 0 : i32
      %swap3A_155 = arith.index_cast %swap3A_154 : i32 to index
      %swap3A_156 = arith.index_cast %scan3A_139 : i32 to index
      %swap3A_157 = arith.constant 32 : index
      %swap3A_158 = tpu.vector_load %arg5[%swap3A_155, %swap3A_156, %swap3A_157] {strides = array<i32>} : memref<3x256x128xf32, #tpu.memory_space<vmem>>, vector<1x1x16xf32>,
      %swap3A_159 = vector.shape_cast %swap3A_158 : vector<1x1x16xf32> to vector<16xf32>
      %swap3A_160 = vector.shape_cast %broadcast_in_dim3A_8 : vector<16xf32> to vector<1x1x16xf32>
      tpu.vector_store %arg5[%swap3A_155, %swap3A_156, %swap3A_157], %swap3A_160 {strides = array<i32>} : memref<3x256x128xf32, #tpu.memory_space<vmem>>, vector<1x1x16xf32>,
      %swap3A_161 = arith.constant 0 : i32
      %swap3A_162 = arith.index_cast %swap3A_161 : i32 to index
      %swap3A_163 = arith.index_cast %scan3A_139 : i32 to index
      %swap3A_164 = arith.constant 48 : index
      %swap3A_165 = tpu.vector_load %arg5[%swap3A_162, %swap3A_163, %swap3A_164] {strides = array<i32>} : memref<3x256x128xf32, #tpu.memory_space<vmem>>, vector<1x1x16xf32>,
      %swap3A_166 = vector.shape_cast %swap3A_165 : vector<1x1x16xf32> to vector<16xf32>
      %swap3A_167 = vector.shape_cast %broadcast_in_dim3A_8 : vector<16xf32> to vector<1x1x16xf32>
      tpu.vector_store %arg5[%swap3A_162, %swap3A_163, %swap3A_164], %swap3A_167 {strides = array<i32>} : memref<3x256x128xf32, #tpu.memory_space<vmem>>, vector<1x1x16xf32>,
      %swap3A_168 = arith.constant 0 : i32
      %swap3A_169 = arith.index_cast %swap3A_168 : i32 to index
      %swap3A_170 = arith.index_cast %scan3A_139 : i32 to index
      %swap3A_171 = arith.constant 64 : index
      %swap3A_172 = tpu.vector_load %arg5[%swap3A_169, %swap3A_170, %swap3A_171] {strides = array<i32>} : memref<3x256x128xf32, #tpu.memory_space<vmem>>, vector<1x1x16xf32>,
      %swap3A_173 = vector.shape_cast %swap3A_172 : vector<1x1x16xf32> to vector<16xf32>
      %swap3A_174 = vector.shape_cast %broadcast_in_dim3A_8 : vector<16xf32> to vector<1x1x16xf32>
      tpu.vector_store %arg5[%swap3A_169, %swap3A_170, %swap3A_171], %swap3A_174 {strides = array<i32>} : memref<3x256x128xf32, #tpu.memory_space<vmem>>, vector<1x1x16xf32>,
      %swap3A_175 = arith.constant 0 : i32
      %swap3A_176 = arith.index_cast %swap3A_175 : i32 to index
      %swap3A_177 = arith.index_cast %scan3A_139 : i32 to index
      %swap3A_178 = arith.constant 80 : index
      %swap3A_179 = tpu.vector_load %arg5[%swap3A_176, %swap3A_177, %swap3A_178] {strides = array<i32>} : memref<3x256x128xf32, #tpu.memory_space<vmem>>, vector<1x1x16xf32>,
      %swap3A_180 = vector.shape_cast %swap3A_179 : vector<1x1x16xf32> to vector<16xf32>
      %swap3A_181 = vector.shape_cast %broadcast_in_dim3A_8 : vector<16xf32> to vector<1x1x16xf32>
      tpu.vector_store %arg5[%swap3A_176, %swap3A_177, %swap3A_178], %swap3A_181 {strides = array<i32>} : memref<3x256x128xf32, #tpu.memory_space<vmem>>, vector<1x1x16xf32>,
      %swap3A_182 = arith.constant 0 : i32
      %swap3A_183 = arith.index_cast %swap3A_182 : i32 to index
      %swap3A_184 = arith.index_cast %scan3A_139 : i32 to index
      %swap3A_185 = arith.constant 96 : index
      %swap3A_186 = tpu.vector_load %arg5[%swap3A_183, %swap3A_184, %swap3A_185] {strides = array<i32>} : memref<3x256x128xf32, #tpu.memory_space<vmem>>, vector<1x1x16xf32>,
      %swap3A_187 = vector.shape_cast %swap3A_186 : vector<1x1x16xf32> to vector<16xf32>
      %swap3A_188 = vector.shape_cast %broadcast_in_dim3A_8 : vector<16xf32> to vector<1x1x16xf32>
      tpu.vector_store %arg5[%swap3A_183, %swap3A_184, %swap3A_185], %swap3A_188 {strides = array<i32>} : memref<3x256x128xf32, #tpu.memory_space<vmem>>, vector<1x1x16xf32>,
      %swap3A_189 = arith.constant 0 : i32
      %swap3A_190 = arith.index_cast %swap3A_189 : i32 to index
      %swap3A_191 = arith.index_cast %scan3A_139 : i32 to index
      %swap3A_192 = arith.constant 112 : index
      %swap3A_193 = tpu.vector_load %arg5[%swap3A_190, %swap3A_191, %swap3A_192] {strides = array<i32>} : memref<3x256x128xf32, #tpu.memory_space<vmem>>, vector<1x1x16xf32>,
      %swap3A_194 = vector.shape_cast %swap3A_193 : vector<1x1x16xf32> to vector<16xf32>
      %swap3A_195 = vector.shape_cast %broadcast_in_dim3A_8 : vector<16xf32> to vector<1x1x16xf32>
      tpu.vector_store %arg5[%swap3A_190, %swap3A_191, %swap3A_192], %swap3A_195 {strides = array<i32>} : memref<3x256x128xf32, #tpu.memory_space<vmem>>, vector<1x1x16xf32>,
    }
    %scan3A_132 = arith.constant 112 : i32
    %add3A_133 = arith.constant 9984 : i32
    %add3A_134 = arith.addi %mul3A_2, %add3A_133 : i32
    %run_scoped3A = arith.constant 0 : i32
    "tpu.region"() ({
      %run_scoped3A_139 = tpu.sem_alloc : memref<!tpu.dma_semaphore, #tpu.memory_space<semaphore_mem>>
      %dma_start3A_140 = arith.constant 0 : i32
      %dma_start3A_141 = arith.constant 0 : i32
      %dma_start3A_142 = tpu.memref_slice %arg5[%run_scoped3A, %dma_start3A_140, %dma_start3A_141] : memref<3x256x128xf32, #tpu.memory_space<vmem>> -> memref<1x16x128xf32, #tpu.memory_space<vmem>>
      %dma_start3A_143 = tpu.memref_squeeze %dma_start3A_142 : memref<1x16x128xf32, #tpu.memory_space<vmem>> -> memref<16x128xf32, #tpu.memory_space<vmem>>
      %dma_start3A_144 = arith.constant 0 : i32
      %dma_start3A_145 = tpu.memref_slice %arg2[%add3A_134, %dma_start3A_144] : memref<320000x128xf32, #tpu.memory_space<hbm>> -> memref<16x128xf32, #tpu.memory_space<hbm>>
      %dma_start3A_146 = arith.constant 0 : i32
      %dma_start3A_147 = arith.constant 0 : i32
      %dma_start3A_148 = tpu.memref_slice %arg5[%run_scoped3A, %dma_start3A_146, %dma_start3A_147] : memref<3x256x128xf32, #tpu.memory_space<vmem>> -> memref<1x16x128xf32, #tpu.memory_space<vmem>>
      %dma_start3A_149 = tpu.memref_squeeze %dma_start3A_148 : memref<1x16x128xf32, #tpu.memory_space<vmem>> -> memref<16x128xf32, #tpu.memory_space<vmem>>
      %dma_start3A_150 = arith.constant 0 : i32
      %dma_start3A_151 = tpu.memref_slice %arg2[%add3A_134, %dma_start3A_150] : memref<320000x128xf32, #tpu.memory_space<hbm>> -> memref<16x128xf32, #tpu.memory_space<hbm>>
      tpu.enqueue_dma source(%dma_start3A_151 : memref<16x128xf32, #tpu.memory_space<hbm>>) target(%dma_start3A_149 : memref<16x128xf32, #tpu.memory_space<vmem>>) target_semaphore(%run_scoped3A_139 : memref<!tpu.dma_semaphore, #tpu.memory_space<semaphore_mem>>)
      %dma_wait3A_152 = arith.constant 0 : i32
      %dma_wait3A_153 = arith.constant 0 : i32
      %dma_wait3A_154 = tpu.memref_slice %arg5[%run_scoped3A, %dma_wait3A_152, %dma_wait3A_153] : memref<3x256x128xf32, #tpu.memory_space<vmem>> -> memref<1x16x128xf32, #tpu.memory_space<vmem>>
      %dma_wait3A_155 = tpu.memref_squeeze %dma_wait3A_154 : memref<1x16x128xf32, #tpu.memory_space<vmem>> -> memref<16x128xf32, #tpu.memory_space<vmem>>
      %dma_wait3A_156 = arith.constant 0 : i32
      %dma_wait3A_157 = tpu.memref_slice %arg2[%add3A_134, %dma_wait3A_156] : memref<320000x128xf32, #tpu.memory_space<hbm>> -> memref<16x128xf32, #tpu.memory_space<hbm>>
      %dma_wait3A_158 = arith.constant 0 : i32
      %dma_wait3A_159 = arith.constant 0 : i32
      %dma_wait3A_160 = tpu.memref_slice %arg5[%run_scoped3A, %dma_wait3A_158, %dma_wait3A_159] : memref<3x256x128xf32, #tpu.memory_space<vmem>> -> memref<1x16x128xf32, #tpu.memory_space<vmem>>
      %dma_wait3A_161 = tpu.memref_squeeze %dma_wait3A_160 : memref<1x16x128xf32, #tpu.memory_space<vmem>> -> memref<16x128xf32, #tpu.memory_space<vmem>>
      %dma_wait3A_162 = arith.constant 0 : i32
      %dma_wait3A_163 = tpu.memref_slice %arg2[%add3A_134, %dma_wait3A_162] : memref<320000x128xf32, #tpu.memory_space<hbm>> -> memref<16x128xf32, #tpu.memory_space<hbm>>
      tpu.wait_dma2 semaphore(%run_scoped3A_139 : memref<!tpu.dma_semaphore, #tpu.memory_space<semaphore_mem>>) src(%dma_wait3A_163 : memref<16x128xf32, #tpu.memory_space<hbm>>) dst(%dma_wait3A_161 : memref<16x128xf32, #tpu.memory_space<vmem>>)
      tpu.yield
    }) : () -> ()
    %run_scoped3A_135 = arith.constant 0 : i32
    %run_scoped3A_136 = arith.constant 78 : i32
    "tpu.region"() ({
      %run_scoped3A_139 = tpu.sem_alloc : memref<!tpu.dma_semaphore, #tpu.memory_space<semaphore_mem>>
      %dma_start3A_140 = arith.constant 0 : i32
      %dma_start3A_141 = arith.constant 0 : i32
      %dma_start3A_142 = tpu.memref_slice %arg5[%run_scoped3A_135, %dma_start3A_140, %dma_start3A_141] : memref<3x256x128xf32, #tpu.memory_space<vmem>> -> memref<1x128x128xf32, #tpu.memory_space<vmem>>
      %dma_start3A_143 = tpu.memref_squeeze %dma_start3A_142 : memref<1x128x128xf32, #tpu.memory_space<vmem>> -> memref<128x128xf32, #tpu.memory_space<vmem>>
      %dma_start3A_144 = arith.constant 0 : i32
      %dma_start3A_145 = tpu.memref_slice %arg6[%run_scoped3A_136, %dma_start3A_144] : memref<80x128xi32, #tpu.memory_space<vmem>> -> memref<1x128xi32, #tpu.memory_space<vmem>>
      %dma_start3A_146 = tpu.memref_squeeze %dma_start3A_145 : memref<1x128xi32, #tpu.memory_space<vmem>> -> memref<128xi32, #tpu.memory_space<vmem>>
      %dma_start3A_147 = arith.constant 0 : i32
      %dma_start3A_148 = arith.constant 0 : i32
      %dma_start3A_149 = tpu.memref_slice %arg9[%dma_start3A_147, %dma_start3A_148] : memref<256x128xf32, #tpu.memory_space<vmem_shared>> -> memref<256x128xf32, #tpu.memory_space<vmem_shared>>
      tpu.enqueue_indirect_dma source(%dma_start3A_143 : memref<128x128xf32, #tpu.memory_space<vmem>>) target(%dma_start3A_149 : memref<256x128xf32, #tpu.memory_space<vmem_shared>>) offsets(%dma_start3A_146 : memref<128xi32, #tpu.memory_space<vmem>>) semaphore(%run_scoped3A_139 : memref<!tpu.dma_semaphore, #tpu.memory_space<semaphore_mem>>) {add = true}
      %dma_wait3A_150 = arith.constant 0 : i32
      %dma_wait3A_151 = arith.constant 0 : i32
      %dma_wait3A_152 = tpu.memref_slice %arg5[%run_scoped3A_135, %dma_wait3A_150, %dma_wait3A_151] : memref<3x256x128xf32, #tpu.memory_space<vmem>> -> memref<1x128x128xf32, #tpu.memory_space<vmem>>
      %dma_wait3A_153 = tpu.memref_squeeze %dma_wait3A_152 : memref<1x128x128xf32, #tpu.memory_space<vmem>> -> memref<128x128xf32, #tpu.memory_space<vmem>>
      %dma_wait3A_154 = arith.constant 0 : i32
      %dma_wait3A_155 = tpu.memref_slice %arg6[%run_scoped3A_136, %dma_wait3A_154] : memref<80x128xi32, #tpu.memory_space<vmem>> -> memref<1x128xi32, #tpu.memory_space<vmem>>
      %dma_wait3A_156 = tpu.memref_squeeze %dma_wait3A_155 : memref<1x128xi32, #tpu.memory_space<vmem>> -> memref<128xi32, #tpu.memory_space<vmem>>
      %dma_wait3A_157 = arith.constant 0 : i32
      %dma_wait3A_158 = arith.constant 0 : i32
      %dma_wait3A_159 = tpu.memref_slice %arg9[%dma_wait3A_157, %dma_wait3A_158] : memref<256x128xf32, #tpu.memory_space<vmem_shared>> -> memref<256x128xf32, #tpu.memory_space<vmem_shared>>
      tpu.wait_indirect_dma semaphore(%run_scoped3A_139 : memref<!tpu.dma_semaphore, #tpu.memory_space<semaphore_mem>>) src(%dma_wait3A_153 : memref<128x128xf32, #tpu.memory_space<vmem>>) dst(%dma_wait3A_159 : memref<256x128xf32, #tpu.memory_space<vmem_shared>>)
      tpu.yield
    }) : () -> ()
    %run_scoped3A_137 = arith.constant 0 : i32
    "tpu.region"() ({
      %run_scoped3A_139 = tpu.sem_alloc : memref<!tpu.dma_semaphore, #tpu.memory_space<semaphore_mem>>
      %dma_start3A_140 = arith.constant 0 : i32
      %dma_start3A_141 = tpu.memref_slice %arg7[%run_scoped3A_137, %dma_start3A_140] : memref<1x64xi32, #tpu.memory_space<vmem>> -> memref<1x64xi32, #tpu.memory_space<vmem>>
      %dma_start3A_142 = tpu.memref_squeeze %dma_start3A_141 : memref<1x64xi32, #tpu.memory_space<vmem>> -> memref<64xi32, #tpu.memory_space<vmem>>
      %dma_start3A_143 = arith.constant 0 : i32
      %dma_start3A_144 = arith.constant 0 : i32
      %dma_start3A_145 = tpu.memref_slice %arg9[%dma_start3A_143, %dma_start3A_144] : memref<256x128xf32, #tpu.memory_space<vmem_shared>> -> memref<256x128xf32, #tpu.memory_space<vmem_shared>>
      tpu.enqueue_indirect_dma source(%arg8 : memref<64x128xf32, #tpu.memory_space<vmem>>) target(%dma_start3A_145 : memref<256x128xf32, #tpu.memory_space<vmem_shared>>) offsets(%dma_start3A_142 : memref<64xi32, #tpu.memory_space<vmem>>) semaphore(%run_scoped3A_139 : memref<!tpu.dma_semaphore, #tpu.memory_space<semaphore_mem>>) {add = true}
      %dma_wait3A_146 = arith.constant 0 : i32
      %dma_wait3A_147 = tpu.memref_slice %arg7[%run_scoped3A_137, %dma_wait3A_146] : memref<1x64xi32, #tpu.memory_space<vmem>> -> memref<1x64xi32, #tpu.memory_space<vmem>>
      %dma_wait3A_148 = tpu.memref_squeeze %dma_wait3A_147 : memref<1x64xi32, #tpu.memory_space<vmem>> -> memref<64xi32, #tpu.memory_space<vmem>>
      %dma_wait3A_149 = arith.constant 0 : i32
      %dma_wait3A_150 = arith.constant 0 : i32
      %dma_wait3A_151 = tpu.memref_slice %arg9[%dma_wait3A_149, %dma_wait3A_150] : memref<256x128xf32, #tpu.memory_space<vmem_shared>> -> memref<256x128xf32, #tpu.memory_space<vmem_shared>>
      tpu.wait_indirect_dma semaphore(%run_scoped3A_139 : memref<!tpu.dma_semaphore, #tpu.memory_space<semaphore_mem>>) src(%arg8 : memref<64x128xf32, #tpu.memory_space<vmem>>) dst(%dma_wait3A_151 : memref<256x128xf32, #tpu.memory_space<vmem_shared>>)
      tpu.yield
    }) : () -> ()
    %barrier3A_138 = arith.constant 0 : index
    tpu.barrier barrier_id(%barrier3A_138)
    "tpu.region"() ({
      %run_scoped3A_139 = tpu.sem_alloc : memref<!tpu.dma_semaphore, #tpu.memory_space<semaphore_mem>>
      %dma_start3A_140 = arith.constant 0 : i32
      %dma_start3A_141 = tpu.memref_slice %arg4[%arg0, %mul3A_59, %dma_start3A_140] : memref<2x256x128xf32, #tpu.memory_space<hbm>> -> memref<1x16x128xf32, #tpu.memory_space<hbm>>
      %dma_start3A_142 = tpu.memref_squeeze %dma_start3A_141 : memref<1x16x128xf32, #tpu.memory_space<hbm>> -> memref<16x128xf32, #tpu.memory_space<hbm>>
      %dma_start3A_143 = arith.constant 0 : i32
      %dma_start3A_144 = tpu.memref_slice %arg9[%mul3A_59, %dma_start3A_143] : memref<256x128xf32, #tpu.memory_space<vmem_shared>> -> memref<16x128xf32, #tpu.memory_space<vmem_shared>>
      tpu.enqueue_dma source(%dma_start3A_144 : memref<16x128xf32, #tpu.memory_space<vmem_shared>>) target(%dma_start3A_142 : memref<16x128xf32, #tpu.memory_space<hbm>>) target_semaphore(%run_scoped3A_139 : memref<!tpu.dma_semaphore, #tpu.memory_space<semaphore_mem>>)
      %dma_wait3A_145 = arith.constant 0 : i32
      %dma_wait3A_146 = tpu.memref_slice %arg4[%arg0, %mul3A_59, %dma_wait3A_145] : memref<2x256x128xf32, #tpu.memory_space<hbm>> -> memref<1x16x128xf32, #tpu.memory_space<hbm>>
      %dma_wait3A_147 = tpu.memref_squeeze %dma_wait3A_146 : memref<1x16x128xf32, #tpu.memory_space<hbm>> -> memref<16x128xf32, #tpu.memory_space<hbm>>
      %dma_wait3A_148 = arith.constant 0 : i32
      %dma_wait3A_149 = tpu.memref_slice %arg9[%mul3A_59, %dma_wait3A_148] : memref<256x128xf32, #tpu.memory_space<vmem_shared>> -> memref<16x128xf32, #tpu.memory_space<vmem_shared>>
      tpu.wait_dma2 semaphore(%run_scoped3A_139 : memref<!tpu.dma_semaphore, #tpu.memory_space<semaphore_mem>>) src(%dma_wait3A_149 : memref<16x128xf32, #tpu.memory_space<vmem_shared>>) dst(%dma_wait3A_147 : memref<16x128xf32, #tpu.memory_space<hbm>>)
      tpu.yield
    }) : () -> ()
    return
  }
}

module attributes {stable_mosaic.version = 14 : i64} {
  func.func @_combine_body(%arg0: memref<2x256x128xf32, #tpu.memory_space<vmem>>, %arg1: memref<256x128xf32, #tpu.memory_space<vmem>>) attributes {dimension_semantics = [], scalar_prefetch = 0 : i64, scratch_operands = 0 : i64, tpu.core_type = #tpu.core_type<tc>} {
    %get3A = arith.constant 0 : index
    %get3A_0 = arith.constant 0 : index
    %get3A_1 = arith.constant 0 : index
    %get3A_2 = vector.load %arg0[%get3A, %get3A_0, %get3A_1] : memref<2x256x128xf32, #tpu.memory_space<vmem>>, vector<1x256x128xf32>
    %get3A_3 = vector.shape_cast %get3A_2 : vector<1x256x128xf32> to vector<256x128xf32>
    %get3A_4 = arith.constant 1 : index
    %get3A_5 = arith.constant 0 : index
    %get3A_6 = arith.constant 0 : index
    %get3A_7 = vector.load %arg0[%get3A_4, %get3A_5, %get3A_6] : memref<2x256x128xf32, #tpu.memory_space<vmem>>, vector<1x256x128xf32>
    %get3A_8 = vector.shape_cast %get3A_7 : vector<1x256x128xf32> to vector<256x128xf32>
    %add3A = arith.addf %get3A_3, %get3A_8 : vector<256x128xf32>
    %swap3A = arith.constant 0 : index
    %swap3A_9 = arith.constant 0 : index
    %swap3A_10 = vector.load %arg1[%swap3A, %swap3A_9] : memref<256x128xf32, #tpu.memory_space<vmem>>, vector<256x128xf32>
    tpu.vector_store %arg1[%swap3A, %swap3A_9], %add3A {strides = array<i32>} : memref<256x128xf32, #tpu.memory_space<vmem>>, vector<256x128xf32>,
    return
  }
}

</mosaic_0001>

<sc_bundles>
// kernel: kernel.4.cloned.1.call-start
scs
__scs_entry_jumppad:
0x0: {  	(pc) =	sbr.rel $0x88, $3  }
0x1: {  	(tag) =	ssettag $0x0;
	lr =	simm.s32 $0x1  }
0x2: {  	[smem:$0x3F9F] =	sst lr;
	_ =	strace $0xD0000000  }
0x3: {  	_ = 	snop  }
0x4: {  	_ = 	snop  }
0x5: {  	_ = 	snop  }
0x6: {  	_ = 	snop  }
0x7: {  	_ = 	snop  }
__scs_overlays_trampoline_lowered:
0x8: {  	[smem:$0x3FAE] =	sst s0  }
0x9: {  	[smem:$0x3FAF] =	sst s1  }
0xa: {  	[smem:$0x3FB0] =	sst s2  }
0xb: {  	[smem:$0x3FB1] =	sst s3  }
0xc: {  	[smem:$0x3FB2] =	sst s4  }
0xd: {  	[smem:$0x3FB3] =	sst s5  }
0xe: {  	[smem:$0x3FB4] =	sst s6  }
0xf: {  	[smem:$0x3FB5] =	sst s7  }
0x10: {  	[smem:$0x3FB6] =	sst s8  }
0x11: {  	[smem:$0x3FB7] =	sst s9;
	s0 =	simm.s32 @!p0 $0x0  }
0x12: {  	s1 =	sld [smem:$0x3F9D];
	s0 =	simm.s32 @p0 $0x1  }
0x13: {  	[smem:$0x3FB8] =	sst s0;
	s0 =	simm.s32 @!p1 $0x0  }
0x14: {  	s2 =	sld [smem:$0x3F9C];
	s0 =	simm.s32 @p1 $0x1  }
0x15: {  	[smem:$0x3FB9] =	sst s0;
	s0 =	simm.s32 @!p2 $0x0  }
0x16: {  	s3 =	sld [smem:$0x3FDB];
	s0 =	simm.s32 @p2 $0x1  }
0x17: {  	s4 =	simm.s32 $0x1BF5;
	[smem:$0x3FBB] =	sst s0  }
0x18: {  	s0 =	sld [smem:$0x3F9E];
	_ =	swait.ge [sflag:s4], $0x0  }
0x19: {  	s7 =	sld [smem:$0x3F9F]  }
0x1a: {  	s8 =	sadd.s32 $0xFFFFE003, lr  }
0x1b: {  	s9 =	sadd.s32 $0xFFFFFEF7, lr;
	s5 =	simm.s32 $0xFFFFFFFF;
	p2 =	slt.u32 s8, $0xFFFFF086  }
0x1c: {  	p1 =	slt.u32 s9, $0xF7A;
	s5 =	simm.s32 @!p2 $0x0  }
0x1d: {  	s5 =	simm.s32 @p1 $0x1;
	p0 =	seq.s32 s7, s2  }
0x1e: {  	s7 =	smul.u32 @!p0 $0xF7A, s2;
	p2 =	seq.s32 @!p0 s5, $0x0  }
0x1f: {  	s9 =	smul.u32 $0xF7A, s1;
	s8 =	simm.s32 @!p0 $0x1BF5;
	p2 =	por !p2, p0  }
0x20: {  	[sflag:s8] =	ssyncset.s32 @!p0 $0xFFFFF086;
	s6 =	sadd.s32 @!p0 s3, s7;
	s7 =	simm.s32 @!p0 $0x108  }
0x21: {  	s3 =	sadd.s32 s3, s9;
	s6 =	sadd.s32 @!p0 $0x88, s6;
	s7 =	simm.s32 @p2 $0x1082  }
0x22: {  	[simem:s7], [sflag:s8] =	dma.local @!p0 [hbm:s6], $0xF7A  }
0x23: {  	s9 =	sor.u32 $0xD0000000, s2;
	s6 =	simm.s32 $0x108;
	_ =	swait.ge @!p0 [sflag:s8], $0x0  }
0x24: {  	s3 =	sadd.s32 $0x88, s3;
	s6 =	simm.s32 @!p1 $0x1082;
	[sflag:s4] =	ssyncset.s32 $0xFFFFF086  }
0x25: {  	[simem:s6], [sflag:s4] =	dma.local [hbm:s3], $0xF7A  }
0x26: {  	[smem:$0x3F9F] =	sst s1;
	(tag) =	ssettag s2;
	_ =	strace s9  }
0x27: {  	s1 =	sld [smem:$0x3FAF]  }
0x28: {  	s2 =	sld [smem:$0x3FB0]  }
0x29: {  	s4 =	sld [smem:$0x3FB2]  }
0x2a: {  	p0 =	seq.s32 s5, $0x0;
	s5 =	sld [smem:$0x3FB3]  }
0x2b: {  	s6 =	sld [smem:$0x3FB4]  }
0x2c: {  	s7 =	sld [smem:$0x3FB5]  }
0x2d: {  	s3 =	simm.s32 $0x108;
	s8 =	sld [smem:$0x3FB6]  }
0x2e: {  	s3 =	simm.s32 @!p0 $0x1082;
	s9 =	sld [smem:$0x3FB7]  }
0x2f: {  	lr =	sadd.s32 s0, s3;
	s0 =	sld [smem:$0x3FAE]  }
0x30: {  	s3 =	sld [smem:$0x3FB1]  }
0x31: {  	[smem:$0x3FBA] =	sst s10  }
0x32: {  	s10 =	sld [smem:$0x3FB8];
	_ =	sdelay $0x3  }
0x33: {  	p0 =	seq.s32 s10, $0x1;
	s10 =	sld [smem:$0x3FBA];
	_ =	sdelay $0x3  }
0x34: {  	[smem:$0x3FBA] =	sst s10  }
0x35: {  	s10 =	sld [smem:$0x3FB9];
	_ =	sdelay $0x3  }
0x36: {  	p1 =	seq.s32 s10, $0x1;
	s10 =	sld [smem:$0x3FBA];
	_ =	sdelay $0x3  }
0x37: {  	[smem:$0x3FBA] =	sst s10  }
0x38: {  	s10 =	sld [smem:$0x3FBB]  }
0x39: {  	_ = 	snop;
	(pc) =	sbr.ind lr, $3  }
0x3a: {  	_ = 	snop  }
0x3b: {  	_ = 	snop  }
0x3c: {  	p2 =	seq.s32 s10, $0x1;
	s10 =	sld [smem:$0x3FBA]  }
0x3d: {  	_ =	shalt  }
0x3e: {  	_ =	shalt  }
0x3f: {  	_ =	shalt  }
0x40: {  	_ =	shalt  }
0x41: {  	_ =	shalt  }
0x42: {  	_ =	shalt  }
0x43: {  	_ =	shalt  }
0x44: {  	_ =	shalt  }
0x45: {  	_ =	shalt  }
0x46: {  	_ =	shalt  }
0x47: {  	_ =	shalt  }
0x48: {  	_ =	shalt  }
0x49: {  	_ =	shalt  }
0x4a: {  	_ =	shalt  }
0x4b: {  	_ =	shalt  }
0x4c: {  	_ =	shalt  }
0x4d: {  	_ =	shalt  }
0x4e: {  	_ =	shalt  }
0x4f: {  	_ =	shalt  }
0x50: {  	_ =	shalt  }
0x51: {  	_ =	shalt  }
0x52: {  	_ =	shalt  }
0x53: {  	_ =	shalt  }
0x54: {  	_ =	shalt  }
0x55: {  	_ =	shalt  }
0x56: {  	_ =	shalt  }
0x57: {  	_ =	shalt  }
0x58: {  	_ =	shalt  }
0x59: {  	_ =	shalt  }
0x5a: {  	_ =	shalt  }
0x5b: {  	_ =	shalt  }
0x5c: {  	_ =	shalt  }
0x5d: {  	_ =	shalt  }
0x5e: {  	_ =	shalt  }
0x5f: {  	_ =	shalt  }
0x60: {  	_ =	shalt  }
0x61: {  	_ =	shalt  }
0x62: {  	_ =	shalt  }
0x63: {  	_ =	shalt  }
0x64: {  	_ =	shalt  }
0x65: {  	_ =	shalt  }
0x66: {  	_ =	shalt  }
0x67: {  	_ =	shalt  }
0x68: {  	_ =	shalt  }
0x69: {  	_ =	shalt  }
0x6a: {  	_ =	shalt  }
0x6b: {  	_ =	shalt  }
0x6c: {  	_ =	shalt  }
0x6d: {  	_ =	shalt  }
0x6e: {  	_ =	shalt  }
0x6f: {  	_ =	shalt  }
0x70: {  	_ =	shalt  }
0x71: {  	_ =	shalt  }
0x72: {  	_ =	shalt  }
0x73: {  	_ =	shalt  }
0x74: {  	_ =	shalt  }
0x75: {  	_ =	shalt  }
0x76: {  	_ =	shalt  }
0x77: {  	_ =	shalt  }
0x78: {  	_ =	shalt  }
0x79: {  	_ =	shalt  }
0x7a: {  	_ =	shalt  }
0x7b: {  	_ =	shalt  }
0x7c: {  	_ =	shalt  }
0x7d: {  	_ =	shalt  }
0x7e: {  	_ =	shalt  }
0x7f: {  	_ =	shalt  }
0x80: {  	_ =	shalt  }
0x81: {  	_ =	shalt  }
0x82: {  	_ =	shalt  }
0x83: {  	_ =	shalt  }
0x84: {  	_ =	shalt  }
0x85: {  	_ =	shalt  }
0x86: {  	_ =	shalt  }
0x87: {  	_ =	shalt  }
.Lfunc_end0:
.L_simem_size_0:
called_computation_lowered:
.L_overlay_start_0:
0x88: {  	s2 =	sld [smem:$0x3FD9]  }
0x89: {  	s3 =	sld [smem:$0x3FFE];
	_ =	sdelay $0x1  }
0x8a: {  	s1 =	srdreg.scid  }
0x8b: {  	s0 =	sand.u32 $0x1, s1  }
0x8c: {  	s17 =	sshll.u32 s0, $0xA;
	s2 =	sadd.s32 s3, s2  }
0x8d: {  	s2 =	sadd.s32 s2, s17  }
0x8e: {  	[smem:$0x3FC6] =	sst s2  }
0x8f: {  	_ = 	snop  }
0x90: {  	s2 =	sld [smem:$0x3FC9];
	(tm) =	ssettm $0x1  }
0x91: {  	s18 =	sld [smem:$0x3FFB];
	_ =	sdelay $0x3  }
0x92: {  	_ =	strace s18  }
0x93: {  	s3 =	sld [smem:$0x3FFC];
	_ =	sdelay $0x3  }
0x94: {  	_ =	strace s3  }
0x95: {  	s3 =	sld [smem:$0x3FFD];
	_ =	sdelay $0x3  }
0x96: {  	_ =	strace s3  }
0x97: {  	_ =	strace $0x8FFFFFFF  }
0x98: {  	s19 =	sld [smem:$0x3FDB];
	_ =	sdelay $0x1  }
0x99: {  	s4 =	simm.s32 $_scs_section_size  }
0x9a: {  	s5 =	simm.s32 $_size__tile_overlayer_lowered;
	s6 =	simm.s32 $_tile_overlayer_lowered  }
0x9b: {  	s22 =	simm.s32 $0x1BFF;
	s21 =	sshll.u32 s6, $0x1;
	s3 =	sadd.s32 s4, s19  }
0x9c: {  	s7 =	simm.s32 $0x0;
	s20 =	sshll.u32 s5, $0x1;
	s5 =	sadd.s32 s21, s3  }
0x9d: {  	[timem:s7], [sflag:s22] =	dma.local [hbm:s5], s20  }
0x9e: {  	_ =	swait.ge [sflag:s22], s20  }
0x9f: {  	s4 =	ssub.s32 $0x0, s20;
	[sflag:s22] =	ssyncset.done $0x0  }
0xa0: {  	[sflag:s22] =	ssyncadd.s32 s4;
	_ =	sdelay $0x1  }
0xa1: {  	s23 =	simm.s32 $0x1B8B  }
0xa2: {  	_ =	swait.ge [sflag:s23], $0x1  }
0xa3: {  	[sflag:s23] =	ssyncset.done $0x0  }
0xa4: {  	s25 =	simm.s32 $0x1B8E;
	s24 =	sld [smem:$0x3FFE];
	[sflag:s23] =	ssyncadd.s32 $0xFFFFFFFF  }
0xa5: {  	s26 =	simm.s32 $execute0_lowered;
	[smem:$0x3FD2] =	sst s25  }
0xa6: {  	s5 =	sshll.u32 s26, $0x1;
	_ =	strace $0x80000046;
	[dreg:$0x1] =	wrdreg $0xFFFFFFFF  }
0xa7: {  	s28 =	simm.s32 $_size_execute0_lowered;
	s3 =	sadd.s32 s3, s5;
	[dreg:$0x0] =	wrdreg $0x0  }
0xa8: {  	s5 =	sshll.u32 s28, $0x1;
	[dreg:$0x2] =	wrdreg s3  }
0xa9: {  	[dreg:$0x3] =	wrdreg s5  }
0xaa: {  	[dreg:$0x4] =	wrdreg $0xC0  }
0xab: {  	_ =	task [dreg:s7], $0x5FFFF  }
0xac: {  	[dreg:$0x1] =	wrdreg $0xFFFFFFFF  }
0xad: {  	[dreg:$0x0] =	wrdreg $0x60  }
0xae: {  	[dreg:$0x2] =	wrdreg s2  }
0xaf: {  	[dreg:$0x3] =	wrdreg s24  }
0xb0: {  	[dreg:$0x4] =	wrdreg $0x1C8800  }
0xb1: {  	[dreg:$0x5] =	wrdreg $0x9  }
0xb2: {  	_ =	task.clear_ibuf [dreg:s7], $0x6FFFF;
	_ =	strace $0x90000046  }
0xb3: {  	s29 =	simm.s32 $0x9;
	_ =	strace $0x80000048  }
0xb4: {  	_ =	swait.ge [sflag:s29], $0x1  }
0xb5: {  	[sflag:s29] =	ssyncadd.s32 $0xFFFFFFFF  }
0xb6: {  	_ =	strace $0x90000048  }
0xb7: {  	_ =	sfence  }
0xb8: {  	s30 =	sld [smem:$0x0];
	_ =	sdelay $0x2  }
0xb9: {  	s31 =	sshll.u32 s1, $0xD;
	s1 =	sshrl.u32 s1, $0x2  }
0xba: {  	s3 =	sand.u32 $0x4000, s31;
	s1 =	sadd.s32 s1, s30  }
0xbb: {  	s0 =	sor.u32 s3, s0;
	s1 =	sshll.u32 s1, $0x11  }
0xbc: {  	s0 =	sor.u32 s1, s0  }
0xbd: {  	s0 =	sadd.s32 $0x8F2B, s0  }
0xbe: {  	[sflag:s0] =	ssyncadd.remote.s32 $0x1  }
0xbf: {  	_ =	sfence.sel $0xFFFF  }
0xc0: {  	[dreg:$0x0] =	wrdreg $0xFFFFFFFF;
	(pc) =	sbr.abs _section_cstart, $3  }
0xc1: {  	[dreg:$0x1] =	wrdreg $0xFFFFFFFF  }
0xc2: {  	_ =	task.clear_ibuf [dreg:s7], $0x2FFFF;
	_ =	strace $0x9FFFFFFF  }
0xc3: {  	(tm) =	ssettm $0x7FFFFFFF  }
tec
execute0_lowered:
.L_overlay_start_1:
0x0: {  	(tag) =	ssettag $0x1  }
0x1: {  	s1 =	rddreg [dreg:$0x0]  }
0x2: {  	s0 =	rddreg [dreg:$0x1];
	s2 =	srdreg.scid  }
0x3: {  	s10 =	stileid.u32;
	s3 =	rddreg [dreg:$0x2]  }
0x4: {  	s4 =	simm.s32 $0x0;
	s17 =	simm.s32 $0x8000;
	s18 =	simm.s32 $0x10000  }
0x5: {  	s20 =	simm.s32 $0x5;
	s21 =	simm.s32 $0x4;
	s22 =	simm.s32 $0x1  }
0x6: {  	s23 =	simm.s32 $0x80;
	s28 =	simm.s32 $0x3;
	s29 =	simm.s32 $0x14000  }
0x7: {  	s16 =	simm.s32 $0x0;
	s2 =	sand.u32 $0x1, s2;
	s5 =	sshll.u32 s10, $0x1  }
0x8: {  	s31 =	simm.s32 $0x0;
	[smem:$0x7FF] =	sst s4;
	s5 =	sor.u32 s2, s5  }
0x9: {  	s7 =	sshll.u32 s10, $0x8;
	s30 =	sshll.u32 s10, $0xB;
	s6 =	smul.u32 $0x500, s5  }
0xa: {  	_ =	strace $0x80000047;
	s24 =	ssub.s32 $0x2, s2;
	s12 =	smul.u32 $0x138800, s5  }
0xb: {  	s2 =	sshll.u32 s2, $0xC;
	s8 =	sshrl.u32 s24, $0x1;
	s5 =	smul.u32 $0x27100, s5  }
0xc: {  	s6 =	sadd.s32 s6, s0;
	s0 =	sadd.s32 s7, s0;
	s9 =	sshrl.u32 s12, $0x3  }
0xd: {  	s7 =	ssub.s32 s24, s8;
	s5 =	sadd.s32 s1, s5;
	s10 =	sadd.s32 $0x18000, s12  }
0xe: {  	s11 =	sadd.s32 $0x20000, s12;
	s12 =	sadd.s32 $0x28000, s12;
	s24 =	simm.s32 $0x4000  }
0xf: {  	s6 =	sadd.s32 $0x600, s6;
	s25 =	sadd.s32 s1, s9;
	[dreg:$0x5] =	wrdreg s5  }
0x10: {  	s9 =	sadd.s32 s30, s3;
	s0 =	sadd.s32 s2, s0;
	s15 =	smax.u32 s7, $0x1  }
0x11: {  	s5 =	simm.s32 $0x1A880;
	[dreg:$0x4] =	wrdreg s6;
	s26 =	sadd.s32 $0x1000, s25  }
0x12: {  	v0 =	vimm.f32 $0.0e+00;
	v1 =	vlaneseq.u32;
	s8 =	sadd.s32 $0x2000, s25;
	s13 =	sadd.s32 $0x27000, s25;
	s14 =	sadd.s32 $0xA600, s0  }
0x13: {  	v2 =	vor.u32 $0x10, v1;
	v3 =	vor.u32 $0x20, v1;
	v4 =	vor.u32 $0x30, v1;
	s25 =	simm.s32 $0x2;
	[dreg:$0x6] =	wrdreg s26;
	s26 =	simm.s32 $0xC000  }
.LBB2_1:
0x14: {  	s0 =	rddreg [dreg:$0x4];
	s2 =	simm.s32 $0x18000  }
0x15: {  	[tilespmem:s2], [sflag:$0x4] =	stream.linear.gather [hbm4b:s0+s4], $0x2800, $0x38;
	[tilespmem:$0x1D080] =	vst v63  }
0x16: {  	s19 =	rddreg [dreg:$0x5]  }
0x17: {  	[tilespmem:s4], [sflag:$0x1] =	stream.linear.gather [hbm4b:s19+s4], $0x8000, $0x38;
	[tilespmem:$0x1D080] =	vst v63  }
0x18: {  	s30 =	rddreg [dreg:$0x6]  }
0x19: {  	[tilespmem:s17], [sflag:$0x2] =	stream.linear.gather [hbm4b:s30+s4], $0x8000, $0x38;
	[tilespmem:$0x1D080] =	vst v63  }
0x1a: {  	s0 =	simm.s32 $0x0;
	s2 =	simm.s32 $0x200  }
0x1b: {  	[tilespmem:s18], [sflag:$0x3] =	stream.linear.gather [hbm4b:s8+s4], $0x8000, $0x38;
	[tilespmem:$0x1D080] =	vst v63  }
.LBB2_2:
0x1c: {  	p0 =	sne.s32 s2, $0x7E00;
	[tilespmem:s0+$0x1A8F0] =	vst v0  }
0x1d: {  	[tilespmem:s0+$0x1A880] =	vst v0  }
0x1e: {  	[tilespmem:s0+$0x1A890] =	vst v0  }
.Ltmp0:
0x1f: {  	[tilespmem:s0+$0x1A8A0] =	vst v0;
	(pc) =	sbr.rel @p0 .LBB2_2-.Ltmp0, $4  }
0x20: {  	[tilespmem:s0+$0x1A8B0] =	vst v0  }
0x21: {  	[tilespmem:s0+$0x1A8C0] =	vst v0  }
0x22: {  	[tilespmem:s0+$0x1A8D0] =	vst v0  }
0x23: {  	[tilespmem:s0+$0x1A8E0] =	vst v0;
	s0 =	sshra.s32 s2, $0x2;
	s2 =	sadd.s32 $0x200, s2  }
0x24: {  	[tilespmem:s0+$0x1A8F0] =	vst v0  }
0x25: {  	[tilespmem:s0+$0x1A880] =	vst v0  }
0x26: {  	[tilespmem:s0+$0x1A890] =	vst v0  }
0x27: {  	[tilespmem:s0+$0x1A8A0] =	vst v0  }
0x28: {  	[tilespmem:s0+$0x1A8B0] =	vst v0  }
0x29: {  	[tilespmem:s0+$0x1A8C0] =	vst v0  }
0x2a: {  	[tilespmem:s0+$0x1A8D0] =	vst v0  }
0x2b: {  	[tilespmem:s0+$0x1A8E0] =	vst v0  }
0x2c: {  	[spmem:s9] =	stream.linear.scatter [tilespmem:s5], [sflag:$0x5], $0x800, $0x38;
	[tilespmem:$0x1D080] =	vst v63  }
0x2d: {  	_ =	swait.ge [sflag:s20], $0x800  }
0x2e: {  	[sflag:s20] =	ssyncset.done $0x0  }
0x2f: {  	[sflag:s20] =	ssyncadd.s32 $0xFFFFF800  }
0x30: {  	[bflag:$0x0] =	sbarrier.arrive $0xFFFF  }
0x31: {  	_ =	swait.ge [sflag:s21], $0x2800  }
0x32: {  	[sflag:s21] =	ssyncset.done $0x0  }
0x33: {  	[sflag:s21] =	ssyncadd.s32 $0xFFFFD800  }
0x34: {  	v5 =	vld [tilespmem:$0x18000];
	_ =	sdelay $0x4  }
0x35: {  	(v2sf) =	vpush v5, $0x0;
	_ =	sdelay $0x6  }
0x36: {  	v5 =	vbroadcast v5, $0x0;
	_ =	sdelay $0x1  }
0x37: {  	v6 =	vadd.s32 v1, v5;
	v7 =	vadd.s32 v2, v5  }
0x38: {  	v8 =	vadd.s32 v3, v5;
	v5 =	vadd.s32 v4, v5;
	vm0 =	vlt.s32 v6, $0xFF  }
0x39: {  	vm15 =	vlt.s32 v5, $0xFF;
	v6 =	vnsel vm0, $0xFF, v6  }
0x3a: {  	vm13 =	vlt.s32 v7, $0xFF;
	v5 =	vnsel vm15, $0xFF, v5;
	[tilespmem:$0x1A800] =	vst v6  }
0x3b: {  	vm14 =	vlt.s32 v8, $0xFF;
	v6 =	vnsel vm13, $0xFF, v7;
	[tilespmem:$0x1A830] =	vst v5  }
0x3c: {  	[tilespmem:$0x1A810] =	vst v6;
	v6 =	vnsel vm14, $0xFF, v8  }
0x3d: {  	s2 =	simm.s32 $0x0;
	[tilespmem:$0x1A820] =	vst v6;
	s30 =	spop (v2sf)  }
.LBB2_4:
0x3e: {  	_ =	swait.ge [sflag:s22], $0x8000;
	s0 =	smul.u32 $0xC00, s2  }
0x3f: {  	[sflag:s22] =	ssyncset.done $0x0  }
0x40: {  	[sflag:s22] =	ssyncadd.s32 $0xFFFF8000;
	s0 =	sshra.s32 s0, $0x2  }
0x41: {  	v5 =	vld [tilespmem:s0+$0x18000]  }
0x42: {  	v6 =	vld [tilespmem:s0+$0x18070];
	_ =	sdelay $0x3  }
0x43: {  	(v2sf) =	vpush v5, $0x0  }
0x44: {  	(v2sf) =	vpush v6, $0xF;
	_ =	sdelay $0xd  }
0x45: {  	s5 =	spop (v2sf)  }
0x46: {  	s6 =	spop (v2sf)  }
0x47: {  	s19 =	ssub.s32 s5, s30;
	p0 =	sne.s32 s5, s6  }
0x48: {  	p1 =	sgt.s32 @!p0 s19, $0x3F  }
0x49: {  	p1 =	por p0, p1  }
.Ltmp1:
0x4a: {  	_ = 	snop;
	(pc) =	sbr.rel @p1 .LBB2_8-.Ltmp1, $2  }
0x4b: {  	_ =	sdelay $0x2  }
0x4c: {  	v11 =	vimm.f32 $0.0e+00  }
0x4d: {  	s5 =	sshra.s32 s31, $0x2  }
0x4e: {  	v12 =	vld [tilespmem:s5+$0x380]  }
0x4f: {  	v13 =	vld [tilespmem:s5+$0x390]  }
0x50: {  	v14 =	vld [tilespmem:s5+$0x3A0]  }
0x51: {  	v16 =	vld [tilespmem:s5+$0x3B0]  }
0x52: {  	v5 =	vld [tilespmem:s5+$0x3C0]  }
0x53: {  	v6 =	vld [tilespmem:s5+$0x3D0]  }
0x54: {  	v19 =	vld [tilespmem:s5+$0x300]  }
0x55: {  	v21 =	vld [tilespmem:s5+$0x310]  }
0x56: {  	v18 =	vld [tilespmem:s5+$0x320]  }
0x57: {  	v20 =	vld [tilespmem:s5+$0x330]  }
0x58: {  	v7 =	vld [tilespmem:s5+$0x340]  }
0x59: {  	v8 =	vld [tilespmem:s5+$0x350]  }
0x5a: {  	v22 =	vld [tilespmem:s5+$0x280]  }
0x5b: {  	v23 =	vld [tilespmem:s5+$0x290]  }
0x5c: {  	v24 =	vld [tilespmem:s5+$0x2A0]  }
0x5d: {  	v30 =	vld [tilespmem:s5+$0x2B0]  }
0x5e: {  	v9 =	vld [tilespmem:s5+$0x2C0]  }
0x5f: {  	v10 =	vld [tilespmem:s5+$0x2D0]  }
0x60: {  	v27 =	vld [tilespmem:s5+$0x200]  }
0x61: {  	v28 =	vld [tilespmem:s5+$0x210]  }
0x62: {  	v29 =	vld [tilespmem:s5+$0x220]  }
0x63: {  	v35 =	vld [tilespmem:s5+$0x230]  }
0x64: {  	v15 =	vld [tilespmem:s5+$0x240]  }
0x65: {  	v32 =	vld [tilespmem:s5+$0x180]  }
0x66: {  	v33 =	vld [tilespmem:s5+$0x190]  }
0x67: {  	v26 =	vld [tilespmem:s5+$0x100]  }
0x68: {  	v31 =	vld [tilespmem:s5+$0x110]  }
0x69: {  	v17 =	vld [tilespmem:s5+$0x80]  }
0x6a: {  	v25 =	vld [tilespmem:s5+$0x90]  }
0x6b: {  	v34 =	vld [tilespmem:s5+$0x0]  }
0x6c: {  	v36 =	vld [tilespmem:s5+$0x10]  }
0x6d: {  	v37 =	vld [tilespmem:s5+$0x20]  }
0x6e: {  	v38 =	vld [tilespmem:s5+$0x30]  }
0x6f: {  	v39 =	vld [tilespmem:s5+$0xA0]  }
0x70: {  	v40 =	vld [tilespmem:s5+$0xB0]  }
0x71: {  	v41 =	vld [tilespmem:s5+$0x120]  }
0x72: {  	v42 =	vld [tilespmem:s5+$0x130];
	v34 =	vadd.f32 v34, v11;
	v36 =	vadd.f32 v36, v11  }
0x73: {  	v43 =	vld [tilespmem:s5+$0x1A0];
	v37 =	vadd.f32 v37, v11;
	v38 =	vadd.f32 v38, v11  }
0x74: {  	v44 =	vld [tilespmem:s5+$0x1B0];
	v34 =	vadd.f32 v17, v34;
	v36 =	vadd.f32 v25, v36  }
0x75: {  	v17 =	vld [tilespmem:s5+$0x250];
	v37 =	vadd.f32 v39, v37;
	v38 =	vadd.f32 v40, v38  }
0x76: {  	v25 =	vld [tilespmem:s5+$0x1C0];
	v34 =	vadd.f32 v26, v34;
	v36 =	vadd.f32 v31, v36  }
0x77: {  	v26 =	vld [tilespmem:s5+$0x1D0];
	v37 =	vadd.f32 v41, v37;
	v38 =	vadd.f32 v42, v38  }
0x78: {  	v31 =	vld [tilespmem:s5+$0x140];
	v34 =	vadd.f32 v32, v34;
	v36 =	vadd.f32 v33, v36  }
0x79: {  	v32 =	vld [tilespmem:s5+$0x150];
	v37 =	vadd.f32 v43, v37;
	v38 =	vadd.f32 v44, v38  }
0x7a: {  	v33 =	vld [tilespmem:s5+$0xC0];
	v27 =	vadd.f32 v27, v34;
	v28 =	vadd.f32 v28, v36  }
0x7b: {  	v34 =	vld [tilespmem:s5+$0xD0];
	v29 =	vadd.f32 v29, v37;
	v63 =	vadd.f32 v35, v38  }
0x7c: {  	v35 =	vld [tilespmem:s5+$0x40];
	v27 =	vadd.f32 v22, v27;
	v28 =	vadd.f32 v23, v28  }
0x7d: {  	v36 =	vld [tilespmem:s5+$0x50];
	v29 =	vadd.f32 v24, v29;
	v30 =	vadd.f32 v30, v63  }
0x7e: {  	s6 =	sadd.s32 $0x1000, s31;
	v37 =	vld [tilespmem:s5+$0x60];
	v24 =	vimm.f32 $0.0e+00;
	v22 =	vimm.f32 $0.0e+00;
	v23 =	vimm.f32 $0.0e+00  }
.LBB2_6:
0x7f: {  	p1 =	sne.s32 s6, $0xF000;
	v38 =	vld [tilespmem:s5+$0x70];
	v19 =	vadd.f32 v19, v27;
	v21 =	vadd.f32 v21, v28  }
0x80: {  	v39 =	vld [tilespmem:s5+$0xE0];
	v18 =	vadd.f32 v18, v29;
	v20 =	vadd.f32 v20, v30  }
0x81: {  	v40 =	vld [tilespmem:s5+$0xF0];
	v27 =	vadd.f32 v12, v19;
	v28 =	vadd.f32 v13, v21  }
0x82: {  	v12 =	vld [tilespmem:s5+$0x160];
	v29 =	vadd.f32 v14, v18;
	v30 =	vadd.f32 v16, v20  }
0x83: {  	v11 =	vadd.f32 v35, v11;
	v13 =	vadd.f32 v36, v24;
	v14 =	vld [tilespmem:s5+$0x170]  }
0x84: {  	v16 =	vadd.f32 v37, v22;
	v18 =	vadd.f32 v38, v23;
	v19 =	vld [tilespmem:s5+$0x1E0]  }
0x85: {  	v11 =	vadd.f32 v33, v11;
	v13 =	vadd.f32 v34, v13;
	v20 =	vld [tilespmem:s5+$0x1F0]  }
0x86: {  	v16 =	vadd.f32 v39, v16;
	v18 =	vadd.f32 v40, v18;
	v21 =	vld [tilespmem:s5+$0x260]  }
0x87: {  	v11 =	vadd.f32 v31, v11;
	v13 =	vadd.f32 v32, v13;
	v22 =	vld [tilespmem:s5+$0x270]  }
0x88: {  	v12 =	vadd.f32 v12, v16;
	v14 =	vadd.f32 v14, v18;
	v16 =	vld [tilespmem:s5+$0x2E0]  }
0x89: {  	v11 =	vadd.f32 v25, v11;
	v13 =	vadd.f32 v26, v13;
	v18 =	vld [tilespmem:s5+$0x2F0]  }
0x8a: {  	v12 =	vadd.f32 v19, v12;
	v14 =	vadd.f32 v20, v14;
	v19 =	vld [tilespmem:s5+$0x360]  }
0x8b: {  	v11 =	vadd.f32 v15, v11;
	v13 =	vadd.f32 v17, v13;
	v15 =	vld [tilespmem:s5+$0x370]  }
0x8c: {  	v17 =	vadd.f32 v21, v12;
	v14 =	vadd.f32 v22, v14;
	v20 =	vld [tilespmem:s5+$0x3E0]  }
0x8d: {  	v9 =	vadd.f32 v9, v11;
	v10 =	vadd.f32 v10, v13;
	v21 =	vld [tilespmem:s5+$0x3F0];
	s5 =	sshra.s32 s6, $0x2  }
0x8e: {  	v11 =	vadd.f32 v16, v17;
	v12 =	vld [tilespmem:s5+$0x380];
	v16 =	vadd.f32 v18, v14  }
0x8f: {  	v7 =	vadd.f32 v7, v9;
	v8 =	vadd.f32 v8, v10;
	v13 =	vld [tilespmem:s5+$0x390]  }
0x90: {  	v9 =	vadd.f32 v19, v11;
	v14 =	vld [tilespmem:s5+$0x3A0];
	v10 =	vadd.f32 v15, v16  }
0x91: {  	v11 =	vadd.f32 v5, v7;
	v24 =	vadd.f32 v6, v8;
	v16 =	vld [tilespmem:s5+$0x3B0]  }
0x92: {  	v22 =	vadd.f32 v20, v9;
	v5 =	vld [tilespmem:s5+$0x3C0];
	v23 =	vadd.f32 v21, v10  }
0x93: {  	v6 =	vld [tilespmem:s5+$0x3D0]  }
0x94: {  	v19 =	vld [tilespmem:s5+$0x300]  }
0x95: {  	v21 =	vld [tilespmem:s5+$0x310]  }
0x96: {  	v18 =	vld [tilespmem:s5+$0x320]  }
0x97: {  	v20 =	vld [tilespmem:s5+$0x330]  }
0x98: {  	v7 =	vld [tilespmem:s5+$0x340]  }
0x99: {  	v8 =	vld [tilespmem:s5+$0x350]  }
0x9a: {  	v37 =	vld [tilespmem:s5+$0x280]  }
0x9b: {  	v38 =	vld [tilespmem:s5+$0x290]  }
0x9c: {  	v39 =	vld [tilespmem:s5+$0x2A0]  }
0x9d: {  	v40 =	vld [tilespmem:s5+$0x2B0]  }
0x9e: {  	v9 =	vld [tilespmem:s5+$0x2C0]  }
0x9f: {  	v10 =	vld [tilespmem:s5+$0x2D0]  }
0xa0: {  	v35 =	vld [tilespmem:s5+$0x200]  }
0xa1: {  	v36 =	vld [tilespmem:s5+$0x210]  }
0xa2: {  	v41 =	vld [tilespmem:s5+$0x220]  }
0xa3: {  	v42 =	vld [tilespmem:s5+$0x230]  }
0xa4: {  	v15 =	vld [tilespmem:s5+$0x240]  }
0xa5: {  	v17 =	vld [tilespmem:s5+$0x250]  }
0xa6: {  	v33 =	vld [tilespmem:s5+$0x180]  }
0xa7: {  	v34 =	vld [tilespmem:s5+$0x190]  }
0xa8: {  	v26 =	vld [tilespmem:s5+$0x100]  }
0xa9: {  	v31 =	vld [tilespmem:s5+$0x110]  }
0xaa: {  	v25 =	vld [tilespmem:s5+$0x80]  }
0xab: {  	v32 =	vld [tilespmem:s5+$0x90]  }
0xac: {  	v43 =	vld [tilespmem:s5+$0x0]  }
0xad: {  	v44 =	vld [tilespmem:s5+$0x10]  }
0xae: {  	v45 =	vld [tilespmem:s5+$0x20]  }
0xaf: {  	v46 =	vld [tilespmem:s5+$0x30]  }
0xb0: {  	v47 =	vld [tilespmem:s5+$0xA0]  }
0xb1: {  	v48 =	vld [tilespmem:s5+$0xB0]  }
0xb2: {  	v49 =	vld [tilespmem:s5+$0x120]  }
0xb3: {  	v27 =	vadd.f32 v43, v27;
	v28 =	vadd.f32 v44, v28;
	v43 =	vld [tilespmem:s5+$0x130]  }
0xb4: {  	v29 =	vadd.f32 v45, v29;
	v30 =	vadd.f32 v46, v30;
	v44 =	vld [tilespmem:s5+$0x1A0]  }
0xb5: {  	v27 =	vadd.f32 v25, v27;
	v28 =	vadd.f32 v32, v28;
	v45 =	vld [tilespmem:s5+$0x1B0]  }
0xb6: {  	v29 =	vadd.f32 v47, v29;
	v30 =	vadd.f32 v48, v30;
	v25 =	vld [tilespmem:s5+$0x1C0]  }
0xb7: {  	v27 =	vadd.f32 v26, v27;
	v28 =	vadd.f32 v31, v28;
	v26 =	vld [tilespmem:s5+$0x1D0]  }
0xb8: {  	v29 =	vadd.f32 v49, v29;
	v30 =	vadd.f32 v43, v30;
	v31 =	vld [tilespmem:s5+$0x140]  }
0xb9: {  	v27 =	vadd.f32 v33, v27;
	v28 =	vadd.f32 v34, v28;
	v32 =	vld [tilespmem:s5+$0x150]  }
.Ltmp2:
0xba: {  	v29 =	vadd.f32 v44, v29;
	v33 =	vld [tilespmem:s5+$0xC0];
	v30 =	vadd.f32 v45, v30;
	(pc) =	sbr.rel @p1 .LBB2_6-.Ltmp2, $4  }
0xbb: {  	v27 =	vadd.f32 v35, v27;
	v28 =	vadd.f32 v36, v28;
	v34 =	vld [tilespmem:s5+$0xD0]  }
0xbc: {  	v29 =	vadd.f32 v41, v29;
	v35 =	vld [tilespmem:s5+$0x40];
	v30 =	vadd.f32 v42, v30  }
0xbd: {  	v27 =	vadd.f32 v37, v27;
	v28 =	vadd.f32 v38, v28;
	v36 =	vld [tilespmem:s5+$0x50]  }
0xbe: {  	s6 =	sadd.s32 $0x1000, s6;
	v29 =	vadd.f32 v39, v29;
	v37 =	vld [tilespmem:s5+$0x60];
	v30 =	vadd.f32 v40, v30  }
0xbf: {  	v38 =	vld [tilespmem:s5+$0x70]  }
0xc0: {  	v39 =	vld [tilespmem:s5+$0xE0]  }
0xc1: {  	v40 =	vld [tilespmem:s5+$0xF0]  }
0xc2: {  	v19 =	vadd.f32 v19, v27;
	v21 =	vadd.f32 v21, v28;
	v61 =	vld [tilespmem:s5+$0x160]  }
0xc3: {  	v62 =	vld [tilespmem:s5+$0x170];
	s6 =	sshll.u32 s19, $0x9;
	v18 =	vadd.f32 v18, v29;
	v20 =	vadd.f32 v20, v30  }
0xc4: {  	v63 =	vld [tilespmem:s5+$0x1E0];
	s7 =	sshra.s32 s6, $0x2;
	v12 =	vadd.f32 v12, v19;
	v13 =	vadd.f32 v13, v21  }
0xc5: {  	v11 =	vadd.f32 v35, v11;
	v52 =	vld [tilespmem:s7+$0x1A880];
	v14 =	vadd.f32 v14, v18  }
0xc6: {  	v53 =	vld [tilespmem:s7+$0x1A890];
	v16 =	vadd.f32 v16, v20;
	v42 =	vadd.f32 v36, v24  }
0xc7: {  	v41 =	vld [tilespmem:s5+$0x1F0];
	v22 =	vadd.f32 v37, v22;
	v11 =	vadd.f32 v33, v11  }
0xc8: {  	v43 =	vld [tilespmem:s5+$0x260];
	v23 =	vadd.f32 v38, v23;
	v20 =	vadd.f32 v34, v42  }
0xc9: {  	v44 =	vld [tilespmem:s5+$0x270];
	v22 =	vadd.f32 v39, v22;
	v11 =	vadd.f32 v31, v11  }
0xca: {  	v56 =	vld [tilespmem:s7+$0x1A8B0];
	v23 =	vadd.f32 v40, v23;
	v20 =	vadd.f32 v32, v20  }
0xcb: {  	v45 =	vld [tilespmem:s5+$0x2E0];
	v12 =	vadd.f32 v52, v12;
	v13 =	vadd.f32 v53, v13  }
0xcc: {  	v46 =	vld [tilespmem:s5+$0x2F0];
	v22 =	vadd.f32 v61, v22;
	v11 =	vadd.f32 v25, v11  }
0xcd: {  	v47 =	vld [tilespmem:s5+$0x360];
	v23 =	vadd.f32 v62, v23;
	v20 =	vadd.f32 v26, v20  }
0xce: {  	v48 =	vld [tilespmem:s5+$0x370];
	v19 =	vadd.f32 v63, v22;
	v11 =	vadd.f32 v15, v11  }
0xcf: {  	v49 =	vld [tilespmem:s5+$0x3E0];
	v63 =	vadd.f32 v56, v16;
	v18 =	vadd.f32 v41, v23  }
0xd0: {  	v54 =	vld [tilespmem:s7+$0x1A8A0];
	v51 =	vadd.f32 v17, v20;
	v19 =	vadd.f32 v43, v19  }
0xd1: {  	v50 =	vld [tilespmem:s5+$0x3F0];
	v9 =	vadd.f32 v9, v11;
	v18 =	vadd.f32 v44, v18  }
0xd2: {  	v57 =	vld [tilespmem:s7+$0x1A8C0];
	v10 =	vadd.f32 v10, v51;
	v55 =	vadd.f32 v45, v19  }
0xd3: {  	v59 =	vld [tilespmem:s7+$0x1A8D0];
	v7 =	vadd.f32 v7, v9;
	v18 =	vadd.f32 v46, v18  }
0xd4: {  	v61 =	vld [tilespmem:s7+$0x1A8E0];
	v8 =	vadd.f32 v8, v10;
	v58 =	vadd.f32 v47, v55  }
0xd5: {  	[tilespmem:s7+$0x1A880] =	vst v12;
	v62 =	vld [tilespmem:s7+$0x1A8F0];
	v5 =	vadd.f32 v5, v7;
	v7 =	vadd.f32 v54, v14  }
0xd6: {  	[tilespmem:s7+$0x1A890] =	vst v13;
	v60 =	vadd.f32 v48, v18;
	v6 =	vadd.f32 v6, v8  }
0xd7: {  	[tilespmem:s7+$0x1A8B0] =	vst v63;
	v10 =	vadd.f32 v49, v58;
	v5 =	vadd.f32 v57, v5  }
0xd8: {  	[tilespmem:s7+$0x1A8A0] =	vst v7;
	v7 =	vadd.f32 v50, v60;
	v6 =	vadd.f32 v59, v6  }
0xd9: {  	[tilespmem:s7+$0x1A8C0] =	vst v5;
	v5 =	vadd.f32 v61, v10  }
0xda: {  	[tilespmem:s7+$0x1A8D0] =	vst v6;
	v6 =	vadd.f32 v62, v7  }
0xdb: {  	[tilespmem:s7+$0x1A8E0] =	vst v5  }
0xdc: {  	[tilespmem:s7+$0x1A8F0] =	vst v6  }
.LBB2_8:
0xdd: {  	p1 =	slt.s32 @!p0 s19, $0x40  }
0xde: {  	p0 =	por p0, !p1  }
0xdf: {  	s5 =	sadd.s32 @p0 $0x18000, s0  }
0xe0: {  	[spmem:s3] =	stream.indirect.scatter.add.f32 @p0 [tilespmem:s4], [sflag:$0x5], $0x80, s5, s23, $0xb8;
	[tilespmem:$0x1D080] =	vst v63  }
0xe1: {  	_ =	swait.ge @p0 [sflag:s20], $0x4000  }
0xe2: {  	[sflag:s20] =	ssyncset.done @p0 $0x0  }
0xe3: {  	[sflag:s20] =	ssyncadd.s32 @p0 $0xFFFFC000  }
0xe4: {  	v5 =	vld [tilespmem:s0+$0x18080]  }
0xe5: {  	v6 =	vld [tilespmem:s0+$0x180F0];
	_ =	sdelay $0x3  }
0xe6: {  	(v2sf) =	vpush v5, $0x0  }
0xe7: {  	(v2sf) =	vpush v6, $0xF;
	_ =	sdelay $0xd  }
0xe8: {  	s7 =	spop (v2sf)  }
0xe9: {  	s6 =	spop (v2sf)  }
0xea: {  	s19 =	ssub.s32 s7, s30;
	p0 =	sne.s32 s7, s6  }
0xeb: {  	p1 =	sgt.s32 @!p0 s19, $0x3F  }
0xec: {  	p1 =	por p0, p1  }
.Ltmp3:
0xed: {  	_ = 	snop;
	(pc) =	sbr.rel @p1 .LBB2_12-.Ltmp3, $1  }
0xee: {  	_ =	sdelay $0x3  }
0xef: {  	s5 =	simm.s32 $0x0  }
0xf0: {  	v11 =	vld [tilespmem:s5+$0x4380]  }
0xf1: {  	v12 =	vld [tilespmem:s5+$0x4390]  }
0xf2: {  	v13 =	vld [tilespmem:s5+$0x43A0]  }
0xf3: {  	v15 =	vld [tilespmem:s5+$0x43B0]  }
0xf4: {  	v5 =	vld [tilespmem:s5+$0x43C0]  }
0xf5: {  	v6 =	vld [tilespmem:s5+$0x43D0]  }
0xf6: {  	v19 =	vld [tilespmem:s5+$0x4300]  }
0xf7: {  	v21 =	vld [tilespmem:s5+$0x4310]  }
0xf8: {  	v18 =	vld [tilespmem:s5+$0x4320]  }
0xf9: {  	v20 =	vld [tilespmem:s5+$0x4330]  }
0xfa: {  	v7 =	vld [tilespmem:s5+$0x4340]  }
0xfb: {  	v8 =	vld [tilespmem:s5+$0x4350]  }
0xfc: {  	v22 =	vld [tilespmem:s5+$0x4280]  }
0xfd: {  	v23 =	vld [tilespmem:s5+$0x4290]  }
0xfe: {  	v24 =	vld [tilespmem:s5+$0x42A0]  }
0xff: {  	v30 =	vld [tilespmem:s5+$0x42B0]  }
0x100: {  	v9 =	vld [tilespmem:s5+$0x42C0]  }
0x101: {  	v10 =	vld [tilespmem:s5+$0x42D0]  }
0x102: {  	v27 =	vld [tilespmem:s5+$0x4200]  }
0x103: {  	v28 =	vld [tilespmem:s5+$0x4210]  }
0x104: {  	v29 =	vld [tilespmem:s5+$0x4220]  }
0x105: {  	v35 =	vld [tilespmem:s5+$0x4230]  }
0x106: {  	v14 =	vld [tilespmem:s5+$0x4240]  }
0x107: {  	v32 =	vld [tilespmem:s5+$0x4180]  }
0x108: {  	v33 =	vld [tilespmem:s5+$0x4190]  }
0x109: {  	v26 =	vld [tilespmem:s5+$0x4100]  }
0x10a: {  	v31 =	vld [tilespmem:s5+$0x4110]  }
0x10b: {  	v16 =	vld [tilespmem:s5+$0x4080]  }
0x10c: {  	v25 =	vld [tilespmem:s5+$0x4090]  }
0x10d: {  	v34 =	vld [tilespmem:s5+$0x4000]  }
0x10e: {  	v36 =	vld [tilespmem:s5+$0x4010]  }
0x10f: {  	v37 =	vld [tilespmem:s5+$0x4020]  }
0x110: {  	v38 =	vld [tilespmem:s5+$0x4030]  }
0x111: {  	v39 =	vld [tilespmem:s5+$0x40A0]  }
0x112: {  	v40 =	vld [tilespmem:s5+$0x40B0]  }
0x113: {  	v17 =	vimm.f32 $0.0e+00;
	v41 =	vld [tilespmem:s5+$0x4120]  }
0x114: {  	v42 =	vld [tilespmem:s5+$0x4130];
	v34 =	vadd.f32 v34, v17;
	v36 =	vadd.f32 v36, v17  }
0x115: {  	v43 =	vld [tilespmem:s5+$0x41A0];
	v37 =	vadd.f32 v37, v17;
	v38 =	vadd.f32 v38, v17  }
0x116: {  	v44 =	vld [tilespmem:s5+$0x41B0];
	v34 =	vadd.f32 v16, v34;
	v36 =	vadd.f32 v25, v36  }
0x117: {  	v16 =	vld [tilespmem:s5+$0x4250];
	v37 =	vadd.f32 v39, v37;
	v38 =	vadd.f32 v40, v38  }
0x118: {  	v25 =	vld [tilespmem:s5+$0x41C0];
	v34 =	vadd.f32 v26, v34;
	v36 =	vadd.f32 v31, v36  }
0x119: {  	v26 =	vld [tilespmem:s5+$0x41D0];
	v37 =	vadd.f32 v41, v37;
	v38 =	vadd.f32 v42, v38  }
0x11a: {  	v31 =	vld [tilespmem:s5+$0x4140];
	v34 =	vadd.f32 v32, v34;
	v36 =	vadd.f32 v33, v36  }
0x11b: {  	v32 =	vld [tilespmem:s5+$0x4150];
	v37 =	vadd.f32 v43, v37;
	v38 =	vadd.f32 v44, v38  }
0x11c: {  	v33 =	vld [tilespmem:s5+$0x40C0];
	v27 =	vadd.f32 v27, v34;
	v28 =	vadd.f32 v28, v36  }
0x11d: {  	v34 =	vld [tilespmem:s5+$0x40D0];
	v29 =	vadd.f32 v29, v37;
	v63 =	vadd.f32 v35, v38  }
0x11e: {  	v35 =	vld [tilespmem:s5+$0x4040];
	v27 =	vadd.f32 v22, v27;
	v28 =	vadd.f32 v23, v28  }
0x11f: {  	v36 =	vld [tilespmem:s5+$0x4050];
	v29 =	vadd.f32 v24, v29;
	v30 =	vadd.f32 v30, v63  }
0x120: {  	s6 =	simm.s32 $0x1000;
	v37 =	vld [tilespmem:s5+$0x4060];
	v24 =	vimm.f32 $0.0e+00;
	v22 =	vimm.f32 $0.0e+00;
	v23 =	vimm.f32 $0.0e+00  }
.LBB2_10:
0x121: {  	p1 =	sne.s32 s6, $0xF000;
	v38 =	vld [tilespmem:s5+$0x4070];
	v19 =	vadd.f32 v19, v27;
	v21 =	vadd.f32 v21, v28  }
0x122: {  	v39 =	vld [tilespmem:s5+$0x40E0];
	v18 =	vadd.f32 v18, v29;
	v20 =	vadd.f32 v20, v30  }
0x123: {  	v40 =	vld [tilespmem:s5+$0x40F0];
	v27 =	vadd.f32 v11, v19;
	v28 =	vadd.f32 v12, v21  }
0x124: {  	v11 =	vld [tilespmem:s5+$0x4160];
	v29 =	vadd.f32 v13, v18;
	v30 =	vadd.f32 v15, v20  }
0x125: {  	v12 =	vadd.f32 v35, v17;
	v13 =	vadd.f32 v36, v24;
	v15 =	vld [tilespmem:s5+$0x4170]  }
0x126: {  	v17 =	vadd.f32 v37, v22;
	v18 =	vadd.f32 v38, v23;
	v19 =	vld [tilespmem:s5+$0x41E0]  }
0x127: {  	v12 =	vadd.f32 v33, v12;
	v13 =	vadd.f32 v34, v13;
	v20 =	vld [tilespmem:s5+$0x41F0]  }
0x128: {  	v17 =	vadd.f32 v39, v17;
	v18 =	vadd.f32 v40, v18;
	v21 =	vld [tilespmem:s5+$0x4260]  }
0x129: {  	v12 =	vadd.f32 v31, v12;
	v13 =	vadd.f32 v32, v13;
	v22 =	vld [tilespmem:s5+$0x4270]  }
0x12a: {  	v11 =	vadd.f32 v11, v17;
	v15 =	vadd.f32 v15, v18;
	v17 =	vld [tilespmem:s5+$0x42E0]  }
0x12b: {  	v12 =	vadd.f32 v25, v12;
	v13 =	vadd.f32 v26, v13;
	v18 =	vld [tilespmem:s5+$0x42F0]  }
0x12c: {  	v11 =	vadd.f32 v19, v11;
	v15 =	vadd.f32 v20, v15;
	v19 =	vld [tilespmem:s5+$0x4360]  }
0x12d: {  	v12 =	vadd.f32 v14, v12;
	v13 =	vadd.f32 v16, v13;
	v14 =	vld [tilespmem:s5+$0x4370]  }
0x12e: {  	v16 =	vadd.f32 v21, v11;
	v15 =	vadd.f32 v22, v15;
	v20 =	vld [tilespmem:s5+$0x43E0]  }
0x12f: {  	v9 =	vadd.f32 v9, v12;
	v10 =	vadd.f32 v10, v13;
	v21 =	vld [tilespmem:s5+$0x43F0];
	s5 =	sshra.s32 s6, $0x2  }
0x130: {  	v16 =	vadd.f32 v17, v16;
	v11 =	vld [tilespmem:s5+$0x4380];
	v15 =	vadd.f32 v18, v15  }
0x131: {  	v7 =	vadd.f32 v7, v9;
	v8 =	vadd.f32 v8, v10;
	v12 =	vld [tilespmem:s5+$0x4390]  }
0x132: {  	v9 =	vadd.f32 v19, v16;
	v13 =	vld [tilespmem:s5+$0x43A0];
	v10 =	vadd.f32 v14, v15  }
0x133: {  	v17 =	vadd.f32 v5, v7;
	v24 =	vadd.f32 v6, v8;
	v15 =	vld [tilespmem:s5+$0x43B0]  }
0x134: {  	v22 =	vadd.f32 v20, v9;
	v5 =	vld [tilespmem:s5+$0x43C0];
	v23 =	vadd.f32 v21, v10  }
0x135: {  	v6 =	vld [tilespmem:s5+$0x43D0]  }
0x136: {  	v19 =	vld [tilespmem:s5+$0x4300]  }
0x137: {  	v21 =	vld [tilespmem:s5+$0x4310]  }
0x138: {  	v18 =	vld [tilespmem:s5+$0x4320]  }
0x139: {  	v20 =	vld [tilespmem:s5+$0x4330]  }
0x13a: {  	v7 =	vld [tilespmem:s5+$0x4340]  }
0x13b: {  	v8 =	vld [tilespmem:s5+$0x4350]  }
0x13c: {  	v37 =	vld [tilespmem:s5+$0x4280]  }
0x13d: {  	v38 =	vld [tilespmem:s5+$0x4290]  }
0x13e: {  	v39 =	vld [tilespmem:s5+$0x42A0]  }
0x13f: {  	v40 =	vld [tilespmem:s5+$0x42B0]  }
0x140: {  	v9 =	vld [tilespmem:s5+$0x42C0]  }
0x141: {  	v10 =	vld [tilespmem:s5+$0x42D0]  }
0x142: {  	v35 =	vld [tilespmem:s5+$0x4200]  }
0x143: {  	v36 =	vld [tilespmem:s5+$0x4210]  }
0x144: {  	v41 =	vld [tilespmem:s5+$0x4220]  }
0x145: {  	v42 =	vld [tilespmem:s5+$0x4230]  }
0x146: {  	v14 =	vld [tilespmem:s5+$0x4240]  }
0x147: {  	v16 =	vld [tilespmem:s5+$0x4250]  }
0x148: {  	v33 =	vld [tilespmem:s5+$0x4180]  }
0x149: {  	v34 =	vld [tilespmem:s5+$0x4190]  }
0x14a: {  	v26 =	vld [tilespmem:s5+$0x4100]  }
0x14b: {  	v31 =	vld [tilespmem:s5+$0x4110]  }
0x14c: {  	v25 =	vld [tilespmem:s5+$0x4080]  }
0x14d: {  	v32 =	vld [tilespmem:s5+$0x4090]  }
0x14e: {  	v43 =	vld [tilespmem:s5+$0x4000]  }
0x14f: {  	v44 =	vld [tilespmem:s5+$0x4010]  }
0x150: {  	v45 =	vld [tilespmem:s5+$0x4020]  }
0x151: {  	v46 =	vld [tilespmem:s5+$0x4030]  }
0x152: {  	v47 =	vld [tilespmem:s5+$0x40A0]  }
0x153: {  	v48 =	vld [tilespmem:s5+$0x40B0]  }
0x154: {  	v49 =	vld [tilespmem:s5+$0x4120]  }
0x155: {  	v27 =	vadd.f32 v43, v27;
	v28 =	vadd.f32 v44, v28;
	v43 =	vld [tilespmem:s5+$0x4130]  }
0x156: {  	v29 =	vadd.f32 v45, v29;
	v30 =	vadd.f32 v46, v30;
	v44 =	vld [tilespmem:s5+$0x41A0]  }
0x157: {  	v27 =	vadd.f32 v25, v27;
	v28 =	vadd.f32 v32, v28;
	v45 =	vld [tilespmem:s5+$0x41B0]  }
0x158: {  	v29 =	vadd.f32 v47, v29;
	v30 =	vadd.f32 v48, v30;
	v25 =	vld [tilespmem:s5+$0x41C0]  }
0x159: {  	v27 =	vadd.f32 v26, v27;
	v28 =	vadd.f32 v31, v28;
	v26 =	vld [tilespmem:s5+$0x41D0]  }
0x15a: {  	v29 =	vadd.f32 v49, v29;
	v30 =	vadd.f32 v43, v30;
	v31 =	vld [tilespmem:s5+$0x4140]  }
0x15b: {  	v27 =	vadd.f32 v33, v27;
	v28 =	vadd.f32 v34, v28;
	v32 =	vld [tilespmem:s5+$0x4150]  }
.Ltmp4:
0x15c: {  	v29 =	vadd.f32 v44, v29;
	v33 =	vld [tilespmem:s5+$0x40C0];
	v30 =	vadd.f32 v45, v30;
	(pc) =	sbr.rel @p1 .LBB2_10-.Ltmp4, $4  }
0x15d: {  	v27 =	vadd.f32 v35, v27;
	v28 =	vadd.f32 v36, v28;
	v34 =	vld [tilespmem:s5+$0x40D0]  }
0x15e: {  	v29 =	vadd.f32 v41, v29;
	v35 =	vld [tilespmem:s5+$0x4040];
	v30 =	vadd.f32 v42, v30  }
0x15f: {  	v27 =	vadd.f32 v37, v27;
	v28 =	vadd.f32 v38, v28;
	v36 =	vld [tilespmem:s5+$0x4050]  }
0x160: {  	s6 =	sadd.s32 $0x1000, s6;
	v29 =	vadd.f32 v39, v29;
	v37 =	vld [tilespmem:s5+$0x4060];
	v30 =	vadd.f32 v40, v30  }
0x161: {  	v38 =	vld [tilespmem:s5+$0x4070]  }
0x162: {  	v39 =	vld [tilespmem:s5+$0x40E0]  }
0x163: {  	v40 =	vld [tilespmem:s5+$0x40F0]  }
0x164: {  	v19 =	vadd.f32 v19, v27;
	v21 =	vadd.f32 v21, v28;
	v62 =	vld [tilespmem:s5+$0x4160]  }
0x165: {  	v63 =	vld [tilespmem:s5+$0x4170];
	s6 =	sshll.u32 s19, $0x9;
	v18 =	vadd.f32 v18, v29;
	v20 =	vadd.f32 v20, v30  }
0x166: {  	v41 =	vld [tilespmem:s5+$0x41E0];
	s7 =	sshra.s32 s6, $0x2;
	v11 =	vadd.f32 v11, v19;
	v12 =	vadd.f32 v12, v21  }
0x167: {  	v17 =	vadd.f32 v35, v17;
	v52 =	vld [tilespmem:s7+$0x1A880];
	v13 =	vadd.f32 v13, v18  }
0x168: {  	v53 =	vld [tilespmem:s7+$0x1A890];
	v15 =	vadd.f32 v15, v20;
	v43 =	vadd.f32 v36, v24  }
0x169: {  	v42 =	vld [tilespmem:s5+$0x41F0];
	v22 =	vadd.f32 v37, v22;
	v17 =	vadd.f32 v33, v17  }
0x16a: {  	v44 =	vld [tilespmem:s5+$0x4260];
	v23 =	vadd.f32 v38, v23;
	v20 =	vadd.f32 v34, v43  }
0x16b: {  	v56 =	vld [tilespmem:s7+$0x1A8B0];
	v22 =	vadd.f32 v39, v22;
	v17 =	vadd.f32 v31, v17  }
0x16c: {  	v45 =	vld [tilespmem:s5+$0x4270];
	v23 =	vadd.f32 v40, v23;
	v20 =	vadd.f32 v32, v20  }
0x16d: {  	v46 =	vld [tilespmem:s5+$0x42E0];
	v11 =	vadd.f32 v52, v11;
	v12 =	vadd.f32 v53, v12  }
0x16e: {  	v47 =	vld [tilespmem:s5+$0x42F0];
	v22 =	vadd.f32 v62, v22;
	v17 =	vadd.f32 v25, v17  }
0x16f: {  	v48 =	vld [tilespmem:s5+$0x4360];
	v23 =	vadd.f32 v63, v23;
	v20 =	vadd.f32 v26, v20  }
0x170: {  	v49 =	vld [tilespmem:s5+$0x4370];
	v63 =	vadd.f32 v56, v15;
	v19 =	vadd.f32 v41, v22  }
0x171: {  	v50 =	vld [tilespmem:s5+$0x43E0];
	v14 =	vadd.f32 v14, v17;
	v18 =	vadd.f32 v42, v23  }
0x172: {  	v54 =	vld [tilespmem:s7+$0x1A8A0];
	v16 =	vadd.f32 v16, v20;
	v19 =	vadd.f32 v44, v19  }
0x173: {  	v51 =	vld [tilespmem:s5+$0x43F0];
	v9 =	vadd.f32 v9, v14;
	v18 =	vadd.f32 v45, v18  }
0x174: {  	v57 =	vld [tilespmem:s7+$0x1A8C0];
	v10 =	vadd.f32 v10, v16;
	v55 =	vadd.f32 v46, v19  }
0x175: {  	v59 =	vld [tilespmem:s7+$0x1A8D0];
	v7 =	vadd.f32 v7, v9;
	v18 =	vadd.f32 v47, v18  }
0x176: {  	v61 =	vld [tilespmem:s7+$0x1A8E0];
	v8 =	vadd.f32 v8, v10;
	v58 =	vadd.f32 v48, v55  }
0x177: {  	v62 =	vld [tilespmem:s7+$0x1A8F0];
	[tilespmem:s7+$0x1A880] =	vst v11;
	v5 =	vadd.f32 v5, v7;
	v7 =	vadd.f32 v54, v13  }
0x178: {  	[tilespmem:s7+$0x1A890] =	vst v12;
	v60 =	vadd.f32 v49, v18;
	v6 =	vadd.f32 v6, v8  }
0x179: {  	[tilespmem:s7+$0x1A8B0] =	vst v63;
	v10 =	vadd.f32 v50, v58;
	v5 =	vadd.f32 v57, v5  }
0x17a: {  	[tilespmem:s7+$0x1A8A0] =	vst v7;
	v7 =	vadd.f32 v51, v60;
	v6 =	vadd.f32 v59, v6  }
0x17b: {  	[tilespmem:s7+$0x1A8C0] =	vst v5;
	v5 =	vadd.f32 v61, v10  }
0x17c: {  	[tilespmem:s7+$0x1A8D0] =	vst v6;
	v6 =	vadd.f32 v62, v7  }
0x17d: {  	[tilespmem:s7+$0x1A8E0] =	vst v5  }
0x17e: {  	[tilespmem:s7+$0x1A8F0] =	vst v6  }
.LBB2_12:
0x17f: {  	p1 =	slt.s32 @!p0 s19, $0x40  }
0x180: {  	p0 =	por p0, !p1  }
0x181: {  	s5 =	sadd.s32 @p0 $0x18080, s0  }
0x182: {  	[spmem:s3] =	stream.indirect.scatter.add.f32 @p0 [tilespmem:s24], [sflag:$0x5], $0x80, s5, s23, $0xb8;
	[tilespmem:$0x1D080] =	vst v63  }
0x183: {  	_ =	swait.ge @p0 [sflag:s20], $0x4000  }
0x184: {  	[sflag:s20] =	ssyncset.done @p0 $0x0  }
0x185: {  	[sflag:s20] =	ssyncadd.s32 @p0 $0xFFFFC000;
	p0 =	seq.s32 s2, $0xC  }
0x186: {  	s19 =	smul.u32 @!p0 $0x18000, s2;
	_ =	sdelay $0x1  }
0x187: {  	s5 =	sadd.s32 @!p0 s19, s10  }
0x188: {  	s5 =	sshrl.u32 @!p0 s5, $0x3  }
0x189: {  	s6 =	simm.s32 @!p0 $0x0;
	s5 =	sadd.s32 @!p0 s1, s5  }
0x18a: {  	[tilespmem:s6], [sflag:$0x1] =	stream.linear.gather @!p0 [hbm4b:s5+s6], $0x8000, $0x38;
	[tilespmem:$0x1D080] =	vst v63  }
0x18b: {  	_ =	swait.ge [sflag:s25], $0x8000  }
0x18c: {  	[sflag:s25] =	ssyncset.done $0x0  }
0x18d: {  	[sflag:s25] =	ssyncadd.s32 $0xFFFF8000  }
0x18e: {  	v5 =	vld [tilespmem:s0+$0x18100]  }
0x18f: {  	v6 =	vld [tilespmem:s0+$0x18170];
	_ =	sdelay $0x3  }
0x190: {  	(v2sf) =	vpush v5, $0x0  }
0x191: {  	(v2sf) =	vpush v6, $0xF;
	_ =	sdelay $0xd  }
0x192: {  	s6 =	spop (v2sf)  }
0x193: {  	s7 =	spop (v2sf)  }
0x194: {  	s5 =	ssub.s32 s6, s30;
	p1 =	sne.s32 s6, s7  }
0x195: {  	p2 =	sgt.s32 @!p1 s5, $0x3F  }
0x196: {  	p2 =	por p1, p2  }
.Ltmp5:
0x197: {  	_ = 	snop;
	(pc) =	sbr.rel @p2 .LBB2_16-.Ltmp5, $1  }
0x198: {  	_ =	sdelay $0x3  }
0x199: {  	s6 =	simm.s32 $0x0  }
0x19a: {  	v11 =	vld [tilespmem:s6+$0x8380]  }
0x19b: {  	v12 =	vld [tilespmem:s6+$0x8390]  }
0x19c: {  	v13 =	vld [tilespmem:s6+$0x83A0]  }
0x19d: {  	v15 =	vld [tilespmem:s6+$0x83B0]  }
0x19e: {  	v5 =	vld [tilespmem:s6+$0x83C0]  }
0x19f: {  	v6 =	vld [tilespmem:s6+$0x83D0]  }
0x1a0: {  	v19 =	vld [tilespmem:s6+$0x8300]  }
0x1a1: {  	v21 =	vld [tilespmem:s6+$0x8310]  }
0x1a2: {  	v18 =	vld [tilespmem:s6+$0x8320]  }
0x1a3: {  	v20 =	vld [tilespmem:s6+$0x8330]  }
0x1a4: {  	v7 =	vld [tilespmem:s6+$0x8340]  }
0x1a5: {  	v8 =	vld [tilespmem:s6+$0x8350]  }
0x1a6: {  	v22 =	vld [tilespmem:s6+$0x8280]  }
0x1a7: {  	v23 =	vld [tilespmem:s6+$0x8290]  }
0x1a8: {  	v24 =	vld [tilespmem:s6+$0x82A0]  }
0x1a9: {  	v30 =	vld [tilespmem:s6+$0x82B0]  }
0x1aa: {  	v9 =	vld [tilespmem:s6+$0x82C0]  }
0x1ab: {  	v10 =	vld [tilespmem:s6+$0x82D0]  }
0x1ac: {  	v27 =	vld [tilespmem:s6+$0x8200]  }
0x1ad: {  	v28 =	vld [tilespmem:s6+$0x8210]  }
0x1ae: {  	v29 =	vld [tilespmem:s6+$0x8220]  }
0x1af: {  	v35 =	vld [tilespmem:s6+$0x8230]  }
0x1b0: {  	v14 =	vld [tilespmem:s6+$0x8240]  }
0x1b1: {  	v32 =	vld [tilespmem:s6+$0x8180]  }
0x1b2: {  	v33 =	vld [tilespmem:s6+$0x8190]  }
0x1b3: {  	v26 =	vld [tilespmem:s6+$0x8100]  }
0x1b4: {  	v31 =	vld [tilespmem:s6+$0x8110]  }
0x1b5: {  	v16 =	vld [tilespmem:s6+$0x8080]  }
0x1b6: {  	v25 =	vld [tilespmem:s6+$0x8090]  }
0x1b7: {  	v34 =	vld [tilespmem:s6+$0x8000]  }
0x1b8: {  	v36 =	vld [tilespmem:s6+$0x8010]  }
0x1b9: {  	v37 =	vld [tilespmem:s6+$0x8020]  }
0x1ba: {  	v38 =	vld [tilespmem:s6+$0x8030]  }
0x1bb: {  	v39 =	vld [tilespmem:s6+$0x80A0]  }
0x1bc: {  	v40 =	vld [tilespmem:s6+$0x80B0]  }
0x1bd: {  	v17 =	vimm.f32 $0.0e+00;
	v41 =	vld [tilespmem:s6+$0x8120]  }
0x1be: {  	v42 =	vld [tilespmem:s6+$0x8130];
	v34 =	vadd.f32 v34, v17;
	v36 =	vadd.f32 v36, v17  }
0x1bf: {  	v43 =	vld [tilespmem:s6+$0x81A0];
	v37 =	vadd.f32 v37, v17;
	v38 =	vadd.f32 v38, v17  }
0x1c0: {  	v44 =	vld [tilespmem:s6+$0x81B0];
	v34 =	vadd.f32 v16, v34;
	v36 =	vadd.f32 v25, v36  }
0x1c1: {  	v16 =	vld [tilespmem:s6+$0x8250];
	v37 =	vadd.f32 v39, v37;
	v38 =	vadd.f32 v40, v38  }
0x1c2: {  	v25 =	vld [tilespmem:s6+$0x81C0];
	v34 =	vadd.f32 v26, v34;
	v36 =	vadd.f32 v31, v36  }
0x1c3: {  	v26 =	vld [tilespmem:s6+$0x81D0];
	v37 =	vadd.f32 v41, v37;
	v38 =	vadd.f32 v42, v38  }
0x1c4: {  	v31 =	vld [tilespmem:s6+$0x8140];
	v34 =	vadd.f32 v32, v34;
	v36 =	vadd.f32 v33, v36  }
0x1c5: {  	v32 =	vld [tilespmem:s6+$0x8150];
	v37 =	vadd.f32 v43, v37;
	v38 =	vadd.f32 v44, v38  }
0x1c6: {  	v33 =	vld [tilespmem:s6+$0x80C0];
	v27 =	vadd.f32 v27, v34;
	v28 =	vadd.f32 v28, v36  }
0x1c7: {  	v34 =	vld [tilespmem:s6+$0x80D0];
	v29 =	vadd.f32 v29, v37;
	v63 =	vadd.f32 v35, v38  }
0x1c8: {  	v35 =	vld [tilespmem:s6+$0x8040];
	v27 =	vadd.f32 v22, v27;
	v28 =	vadd.f32 v23, v28  }
0x1c9: {  	v36 =	vld [tilespmem:s6+$0x8050];
	v29 =	vadd.f32 v24, v29;
	v30 =	vadd.f32 v30, v63  }
0x1ca: {  	s7 =	simm.s32 $0x1000;
	v37 =	vld [tilespmem:s6+$0x8060];
	v24 =	vimm.f32 $0.0e+00;
	v22 =	vimm.f32 $0.0e+00;
	v23 =	vimm.f32 $0.0e+00  }
.LBB2_14:
0x1cb: {  	p2 =	sne.s32 s7, $0xF000;
	v38 =	vld [tilespmem:s6+$0x8070];
	v19 =	vadd.f32 v19, v27;
	v21 =	vadd.f32 v21, v28  }
0x1cc: {  	v39 =	vld [tilespmem:s6+$0x80E0];
	v18 =	vadd.f32 v18, v29;
	v20 =	vadd.f32 v20, v30  }
0x1cd: {  	v40 =	vld [tilespmem:s6+$0x80F0];
	v27 =	vadd.f32 v11, v19;
	v28 =	vadd.f32 v12, v21  }
0x1ce: {  	v11 =	vld [tilespmem:s6+$0x8160];
	v29 =	vadd.f32 v13, v18;
	v30 =	vadd.f32 v15, v20  }
0x1cf: {  	v12 =	vadd.f32 v35, v17;
	v13 =	vadd.f32 v36, v24;
	v15 =	vld [tilespmem:s6+$0x8170]  }
0x1d0: {  	v17 =	vadd.f32 v37, v22;
	v18 =	vadd.f32 v38, v23;
	v19 =	vld [tilespmem:s6+$0x81E0]  }
0x1d1: {  	v12 =	vadd.f32 v33, v12;
	v13 =	vadd.f32 v34, v13;
	v20 =	vld [tilespmem:s6+$0x81F0]  }
0x1d2: {  	v17 =	vadd.f32 v39, v17;
	v18 =	vadd.f32 v40, v18;
	v21 =	vld [tilespmem:s6+$0x8260]  }
0x1d3: {  	v12 =	vadd.f32 v31, v12;
	v13 =	vadd.f32 v32, v13;
	v22 =	vld [tilespmem:s6+$0x8270]  }
0x1d4: {  	v11 =	vadd.f32 v11, v17;
	v15 =	vadd.f32 v15, v18;
	v17 =	vld [tilespmem:s6+$0x82E0]  }
0x1d5: {  	v12 =	vadd.f32 v25, v12;
	v13 =	vadd.f32 v26, v13;
	v18 =	vld [tilespmem:s6+$0x82F0]  }
0x1d6: {  	v11 =	vadd.f32 v19, v11;
	v15 =	vadd.f32 v20, v15;
	v19 =	vld [tilespmem:s6+$0x8360]  }
0x1d7: {  	v12 =	vadd.f32 v14, v12;
	v13 =	vadd.f32 v16, v13;
	v14 =	vld [tilespmem:s6+$0x8370]  }
0x1d8: {  	v16 =	vadd.f32 v21, v11;
	v15 =	vadd.f32 v22, v15;
	v20 =	vld [tilespmem:s6+$0x83E0]  }
0x1d9: {  	v9 =	vadd.f32 v9, v12;
	v10 =	vadd.f32 v10, v13;
	v21 =	vld [tilespmem:s6+$0x83F0];
	s6 =	sshra.s32 s7, $0x2  }
0x1da: {  	v16 =	vadd.f32 v17, v16;
	v11 =	vld [tilespmem:s6+$0x8380];
	v15 =	vadd.f32 v18, v15  }
0x1db: {  	v7 =	vadd.f32 v7, v9;
	v8 =	vadd.f32 v8, v10;
	v12 =	vld [tilespmem:s6+$0x8390]  }
0x1dc: {  	v9 =	vadd.f32 v19, v16;
	v13 =	vld [tilespmem:s6+$0x83A0];
	v10 =	vadd.f32 v14, v15  }
0x1dd: {  	v17 =	vadd.f32 v5, v7;
	v24 =	vadd.f32 v6, v8;
	v15 =	vld [tilespmem:s6+$0x83B0]  }
0x1de: {  	v22 =	vadd.f32 v20, v9;
	v5 =	vld [tilespmem:s6+$0x83C0];
	v23 =	vadd.f32 v21, v10  }
0x1df: {  	v6 =	vld [tilespmem:s6+$0x83D0]  }
0x1e0: {  	v19 =	vld [tilespmem:s6+$0x8300]  }
0x1e1: {  	v21 =	vld [tilespmem:s6+$0x8310]  }
0x1e2: {  	v18 =	vld [tilespmem:s6+$0x8320]  }
0x1e3: {  	v20 =	vld [tilespmem:s6+$0x8330]  }
0x1e4: {  	v7 =	vld [tilespmem:s6+$0x8340]  }
0x1e5: {  	v8 =	vld [tilespmem:s6+$0x8350]  }
0x1e6: {  	v37 =	vld [tilespmem:s6+$0x8280]  }
0x1e7: {  	v38 =	vld [tilespmem:s6+$0x8290]  }
0x1e8: {  	v39 =	vld [tilespmem:s6+$0x82A0]  }
0x1e9: {  	v40 =	vld [tilespmem:s6+$0x82B0]  }
0x1ea: {  	v9 =	vld [tilespmem:s6+$0x82C0]  }
0x1eb: {  	v10 =	vld [tilespmem:s6+$0x82D0]  }
0x1ec: {  	v35 =	vld [tilespmem:s6+$0x8200]  }
0x1ed: {  	v36 =	vld [tilespmem:s6+$0x8210]  }
0x1ee: {  	v41 =	vld [tilespmem:s6+$0x8220]  }
0x1ef: {  	v42 =	vld [tilespmem:s6+$0x8230]  }
0x1f0: {  	v14 =	vld [tilespmem:s6+$0x8240]  }
0x1f1: {  	v16 =	vld [tilespmem:s6+$0x8250]  }
0x1f2: {  	v33 =	vld [tilespmem:s6+$0x8180]  }
0x1f3: {  	v34 =	vld [tilespmem:s6+$0x8190]  }
0x1f4: {  	v26 =	vld [tilespmem:s6+$0x8100]  }
0x1f5: {  	v31 =	vld [tilespmem:s6+$0x8110]  }
0x1f6: {  	v25 =	vld [tilespmem:s6+$0x8080]  }
0x1f7: {  	v32 =	vld [tilespmem:s6+$0x8090]  }
0x1f8: {  	v43 =	vld [tilespmem:s6+$0x8000]  }
0x1f9: {  	v44 =	vld [tilespmem:s6+$0x8010]  }
0x1fa: {  	v45 =	vld [tilespmem:s6+$0x8020]  }
0x1fb: {  	v46 =	vld [tilespmem:s6+$0x8030]  }
0x1fc: {  	v47 =	vld [tilespmem:s6+$0x80A0]  }
0x1fd: {  	v48 =	vld [tilespmem:s6+$0x80B0]  }
0x1fe: {  	v49 =	vld [tilespmem:s6+$0x8120]  }
0x1ff: {  	v27 =	vadd.f32 v43, v27;
	v28 =	vadd.f32 v44, v28;
	v43 =	vld [tilespmem:s6+$0x8130]  }
0x200: {  	v29 =	vadd.f32 v45, v29;
	v30 =	vadd.f32 v46, v30;
	v44 =	vld [tilespmem:s6+$0x81A0]  }
0x201: {  	v27 =	vadd.f32 v25, v27;
	v28 =	vadd.f32 v32, v28;
	v45 =	vld [tilespmem:s6+$0x81B0]  }
0x202: {  	v29 =	vadd.f32 v47, v29;
	v30 =	vadd.f32 v48, v30;
	v25 =	vld [tilespmem:s6+$0x81C0]  }
0x203: {  	v27 =	vadd.f32 v26, v27;
	v28 =	vadd.f32 v31, v28;
	v26 =	vld [tilespmem:s6+$0x81D0]  }
0x204: {  	v29 =	vadd.f32 v49, v29;
	v30 =	vadd.f32 v43, v30;
	v31 =	vld [tilespmem:s6+$0x8140]  }
0x205: {  	v27 =	vadd.f32 v33, v27;
	v28 =	vadd.f32 v34, v28;
	v32 =	vld [tilespmem:s6+$0x8150]  }
.Ltmp6:
0x206: {  	v29 =	vadd.f32 v44, v29;
	v33 =	vld [tilespmem:s6+$0x80C0];
	v30 =	vadd.f32 v45, v30;
	(pc) =	sbr.rel @p2 .LBB2_14-.Ltmp6, $4  }
0x207: {  	v27 =	vadd.f32 v35, v27;
	v28 =	vadd.f32 v36, v28;
	v34 =	vld [tilespmem:s6+$0x80D0]  }
0x208: {  	v29 =	vadd.f32 v41, v29;
	v35 =	vld [tilespmem:s6+$0x8040];
	v30 =	vadd.f32 v42, v30  }
0x209: {  	v27 =	vadd.f32 v37, v27;
	v28 =	vadd.f32 v38, v28;
	v36 =	vld [tilespmem:s6+$0x8050]  }
0x20a: {  	s7 =	sadd.s32 $0x1000, s7;
	v29 =	vadd.f32 v39, v29;
	v37 =	vld [tilespmem:s6+$0x8060];
	v30 =	vadd.f32 v40, v30  }
0x20b: {  	v38 =	vld [tilespmem:s6+$0x8070]  }
0x20c: {  	v39 =	vld [tilespmem:s6+$0x80E0]  }
0x20d: {  	v40 =	vld [tilespmem:s6+$0x80F0]  }
0x20e: {  	v19 =	vadd.f32 v19, v27;
	v21 =	vadd.f32 v21, v28;
	v62 =	vld [tilespmem:s6+$0x8160]  }
0x20f: {  	v63 =	vld [tilespmem:s6+$0x8170];
	s7 =	sshll.u32 s5, $0x9;
	v18 =	vadd.f32 v18, v29;
	v20 =	vadd.f32 v20, v30  }
0x210: {  	v41 =	vld [tilespmem:s6+$0x81E0];
	s7 =	sshra.s32 s7, $0x2;
	v11 =	vadd.f32 v11, v19;
	v12 =	vadd.f32 v12, v21  }
0x211: {  	v17 =	vadd.f32 v35, v17;
	v52 =	vld [tilespmem:s7+$0x1A880];
	v13 =	vadd.f32 v13, v18  }
0x212: {  	v53 =	vld [tilespmem:s7+$0x1A890];
	v15 =	vadd.f32 v15, v20;
	v43 =	vadd.f32 v36, v24  }
0x213: {  	v42 =	vld [tilespmem:s6+$0x81F0];
	v22 =	vadd.f32 v37, v22;
	v17 =	vadd.f32 v33, v17  }
0x214: {  	v44 =	vld [tilespmem:s6+$0x8260];
	v23 =	vadd.f32 v38, v23;
	v20 =	vadd.f32 v34, v43  }
0x215: {  	v56 =	vld [tilespmem:s7+$0x1A8B0];
	v22 =	vadd.f32 v39, v22;
	v17 =	vadd.f32 v31, v17  }
0x216: {  	v45 =	vld [tilespmem:s6+$0x8270];
	v23 =	vadd.f32 v40, v23;
	v20 =	vadd.f32 v32, v20  }
0x217: {  	v46 =	vld [tilespmem:s6+$0x82E0];
	v11 =	vadd.f32 v52, v11;
	v12 =	vadd.f32 v53, v12  }
0x218: {  	v47 =	vld [tilespmem:s6+$0x82F0];
	v22 =	vadd.f32 v62, v22;
	v17 =	vadd.f32 v25, v17  }
0x219: {  	v48 =	vld [tilespmem:s6+$0x8360];
	v23 =	vadd.f32 v63, v23;
	v20 =	vadd.f32 v26, v20  }
0x21a: {  	v49 =	vld [tilespmem:s6+$0x8370];
	v63 =	vadd.f32 v56, v15;
	v19 =	vadd.f32 v41, v22  }
0x21b: {  	v50 =	vld [tilespmem:s6+$0x83E0];
	v14 =	vadd.f32 v14, v17;
	v18 =	vadd.f32 v42, v23  }
0x21c: {  	v54 =	vld [tilespmem:s7+$0x1A8A0];
	v16 =	vadd.f32 v16, v20;
	v19 =	vadd.f32 v44, v19  }
0x21d: {  	v51 =	vld [tilespmem:s6+$0x83F0];
	v9 =	vadd.f32 v9, v14;
	v18 =	vadd.f32 v45, v18  }
0x21e: {  	v57 =	vld [tilespmem:s7+$0x1A8C0];
	v10 =	vadd.f32 v10, v16;
	v55 =	vadd.f32 v46, v19  }
0x21f: {  	v59 =	vld [tilespmem:s7+$0x1A8D0];
	v7 =	vadd.f32 v7, v9;
	v18 =	vadd.f32 v47, v18  }
0x220: {  	v61 =	vld [tilespmem:s7+$0x1A8E0];
	v8 =	vadd.f32 v8, v10;
	v58 =	vadd.f32 v48, v55  }
0x221: {  	v62 =	vld [tilespmem:s7+$0x1A8F0];
	[tilespmem:s7+$0x1A880] =	vst v11;
	v5 =	vadd.f32 v5, v7;
	v7 =	vadd.f32 v54, v13  }
0x222: {  	[tilespmem:s7+$0x1A890] =	vst v12;
	v60 =	vadd.f32 v49, v18;
	v6 =	vadd.f32 v6, v8  }
0x223: {  	[tilespmem:s7+$0x1A8B0] =	vst v63;
	v10 =	vadd.f32 v50, v58;
	v5 =	vadd.f32 v57, v5  }
0x224: {  	[tilespmem:s7+$0x1A8A0] =	vst v7;
	v7 =	vadd.f32 v51, v60;
	v6 =	vadd.f32 v59, v6  }
0x225: {  	[tilespmem:s7+$0x1A8C0] =	vst v5;
	v5 =	vadd.f32 v61, v10  }
0x226: {  	[tilespmem:s7+$0x1A8D0] =	vst v6;
	v6 =	vadd.f32 v62, v7  }
0x227: {  	[tilespmem:s7+$0x1A8E0] =	vst v5  }
0x228: {  	[tilespmem:s7+$0x1A8F0] =	vst v6  }
.LBB2_16:
0x229: {  	p2 =	slt.s32 @!p1 s5, $0x40  }
0x22a: {  	p1 =	por p1, !p2  }
0x22b: {  	s5 =	sadd.s32 @p1 $0x18100, s0  }
0x22c: {  	[spmem:s3] =	stream.indirect.scatter.add.f32 @p1 [tilespmem:s17], [sflag:$0x5], $0x80, s5, s23, $0xb8;
	[tilespmem:$0x1D080] =	vst v63  }
0x22d: {  	_ =	swait.ge @p1 [sflag:s20], $0x4000  }
0x22e: {  	[sflag:s20] =	ssyncset.done @p1 $0x0  }
0x22f: {  	[sflag:s20] =	ssyncadd.s32 @p1 $0xFFFFC000  }
0x230: {  	v5 =	vld [tilespmem:s0+$0x18180]  }
0x231: {  	v6 =	vld [tilespmem:s0+$0x181F0];
	_ =	sdelay $0x3  }
0x232: {  	(v2sf) =	vpush v5, $0x0  }
0x233: {  	(v2sf) =	vpush v6, $0xF;
	_ =	sdelay $0xd  }
0x234: {  	s6 =	spop (v2sf)  }
0x235: {  	s7 =	spop (v2sf)  }
0x236: {  	s5 =	ssub.s32 s6, s30;
	p1 =	sne.s32 s6, s7  }
0x237: {  	p2 =	sgt.s32 @!p1 s5, $0x3F  }
0x238: {  	p2 =	por p1, p2  }
.Ltmp7:
0x239: {  	_ = 	snop;
	(pc) =	sbr.rel @p2 .LBB2_20-.Ltmp7, $1  }
0x23a: {  	_ =	sdelay $0x3  }
0x23b: {  	s6 =	simm.s32 $0x0  }
0x23c: {  	v11 =	vld [tilespmem:s6+$0xC380]  }
0x23d: {  	v12 =	vld [tilespmem:s6+$0xC390]  }
0x23e: {  	v13 =	vld [tilespmem:s6+$0xC3A0]  }
0x23f: {  	v15 =	vld [tilespmem:s6+$0xC3B0]  }
0x240: {  	v5 =	vld [tilespmem:s6+$0xC3C0]  }
0x241: {  	v6 =	vld [tilespmem:s6+$0xC3D0]  }
0x242: {  	v19 =	vld [tilespmem:s6+$0xC300]  }
0x243: {  	v21 =	vld [tilespmem:s6+$0xC310]  }
0x244: {  	v18 =	vld [tilespmem:s6+$0xC320]  }
0x245: {  	v20 =	vld [tilespmem:s6+$0xC330]  }
0x246: {  	v7 =	vld [tilespmem:s6+$0xC340]  }
0x247: {  	v8 =	vld [tilespmem:s6+$0xC350]  }
0x248: {  	v22 =	vld [tilespmem:s6+$0xC280]  }
0x249: {  	v23 =	vld [tilespmem:s6+$0xC290]  }
0x24a: {  	v24 =	vld [tilespmem:s6+$0xC2A0]  }
0x24b: {  	v30 =	vld [tilespmem:s6+$0xC2B0]  }
0x24c: {  	v9 =	vld [tilespmem:s6+$0xC2C0]  }
0x24d: {  	v10 =	vld [tilespmem:s6+$0xC2D0]  }
0x24e: {  	v27 =	vld [tilespmem:s6+$0xC200]  }
0x24f: {  	v28 =	vld [tilespmem:s6+$0xC210]  }
0x250: {  	v29 =	vld [tilespmem:s6+$0xC220]  }
0x251: {  	v35 =	vld [tilespmem:s6+$0xC230]  }
0x252: {  	v14 =	vld [tilespmem:s6+$0xC240]  }
0x253: {  	v32 =	vld [tilespmem:s6+$0xC180]  }
0x254: {  	v33 =	vld [tilespmem:s6+$0xC190]  }
0x255: {  	v26 =	vld [tilespmem:s6+$0xC100]  }
0x256: {  	v31 =	vld [tilespmem:s6+$0xC110]  }
0x257: {  	v16 =	vld [tilespmem:s6+$0xC080]  }
0x258: {  	v25 =	vld [tilespmem:s6+$0xC090]  }
0x259: {  	v34 =	vld [tilespmem:s6+$0xC000]  }
0x25a: {  	v36 =	vld [tilespmem:s6+$0xC010]  }
0x25b: {  	v37 =	vld [tilespmem:s6+$0xC020]  }
0x25c: {  	v38 =	vld [tilespmem:s6+$0xC030]  }
0x25d: {  	v39 =	vld [tilespmem:s6+$0xC0A0]  }
0x25e: {  	v40 =	vld [tilespmem:s6+$0xC0B0]  }
0x25f: {  	v17 =	vimm.f32 $0.0e+00;
	v41 =	vld [tilespmem:s6+$0xC120]  }
0x260: {  	v42 =	vld [tilespmem:s6+$0xC130];
	v34 =	vadd.f32 v34, v17;
	v36 =	vadd.f32 v36, v17  }
0x261: {  	v43 =	vld [tilespmem:s6+$0xC1A0];
	v37 =	vadd.f32 v37, v17;
	v38 =	vadd.f32 v38, v17  }
0x262: {  	v44 =	vld [tilespmem:s6+$0xC1B0];
	v34 =	vadd.f32 v16, v34;
	v36 =	vadd.f32 v25, v36  }
0x263: {  	v16 =	vld [tilespmem:s6+$0xC250];
	v37 =	vadd.f32 v39, v37;
	v38 =	vadd.f32 v40, v38  }
0x264: {  	v25 =	vld [tilespmem:s6+$0xC1C0];
	v34 =	vadd.f32 v26, v34;
	v36 =	vadd.f32 v31, v36  }
0x265: {  	v26 =	vld [tilespmem:s6+$0xC1D0];
	v37 =	vadd.f32 v41, v37;
	v38 =	vadd.f32 v42, v38  }
0x266: {  	v31 =	vld [tilespmem:s6+$0xC140];
	v34 =	vadd.f32 v32, v34;
	v36 =	vadd.f32 v33, v36  }
0x267: {  	v32 =	vld [tilespmem:s6+$0xC150];
	v37 =	vadd.f32 v43, v37;
	v38 =	vadd.f32 v44, v38  }
0x268: {  	v33 =	vld [tilespmem:s6+$0xC0C0];
	v27 =	vadd.f32 v27, v34;
	v28 =	vadd.f32 v28, v36  }
0x269: {  	v34 =	vld [tilespmem:s6+$0xC0D0];
	v29 =	vadd.f32 v29, v37;
	v63 =	vadd.f32 v35, v38  }
0x26a: {  	v35 =	vld [tilespmem:s6+$0xC040];
	v27 =	vadd.f32 v22, v27;
	v28 =	vadd.f32 v23, v28  }
0x26b: {  	v36 =	vld [tilespmem:s6+$0xC050];
	v29 =	vadd.f32 v24, v29;
	v30 =	vadd.f32 v30, v63  }
0x26c: {  	s7 =	simm.s32 $0x1000;
	v37 =	vld [tilespmem:s6+$0xC060];
	v24 =	vimm.f32 $0.0e+00;
	v22 =	vimm.f32 $0.0e+00;
	v23 =	vimm.f32 $0.0e+00  }
.LBB2_18:
0x26d: {  	p2 =	sne.s32 s7, $0xF000;
	v38 =	vld [tilespmem:s6+$0xC070];
	v19 =	vadd.f32 v19, v27;
	v21 =	vadd.f32 v21, v28  }
0x26e: {  	v39 =	vld [tilespmem:s6+$0xC0E0];
	v18 =	vadd.f32 v18, v29;
	v20 =	vadd.f32 v20, v30  }
0x26f: {  	v40 =	vld [tilespmem:s6+$0xC0F0];
	v27 =	vadd.f32 v11, v19;
	v28 =	vadd.f32 v12, v21  }
0x270: {  	v11 =	vld [tilespmem:s6+$0xC160];
	v29 =	vadd.f32 v13, v18;
	v30 =	vadd.f32 v15, v20  }
0x271: {  	v12 =	vadd.f32 v35, v17;
	v13 =	vadd.f32 v36, v24;
	v15 =	vld [tilespmem:s6+$0xC170]  }
0x272: {  	v17 =	vadd.f32 v37, v22;
	v18 =	vadd.f32 v38, v23;
	v19 =	vld [tilespmem:s6+$0xC1E0]  }
0x273: {  	v12 =	vadd.f32 v33, v12;
	v13 =	vadd.f32 v34, v13;
	v20 =	vld [tilespmem:s6+$0xC1F0]  }
0x274: {  	v17 =	vadd.f32 v39, v17;
	v18 =	vadd.f32 v40, v18;
	v21 =	vld [tilespmem:s6+$0xC260]  }
0x275: {  	v12 =	vadd.f32 v31, v12;
	v13 =	vadd.f32 v32, v13;
	v22 =	vld [tilespmem:s6+$0xC270]  }
0x276: {  	v11 =	vadd.f32 v11, v17;
	v15 =	vadd.f32 v15, v18;
	v17 =	vld [tilespmem:s6+$0xC2E0]  }
0x277: {  	v12 =	vadd.f32 v25, v12;
	v13 =	vadd.f32 v26, v13;
	v18 =	vld [tilespmem:s6+$0xC2F0]  }
0x278: {  	v11 =	vadd.f32 v19, v11;
	v15 =	vadd.f32 v20, v15;
	v19 =	vld [tilespmem:s6+$0xC360]  }
0x279: {  	v12 =	vadd.f32 v14, v12;
	v13 =	vadd.f32 v16, v13;
	v14 =	vld [tilespmem:s6+$0xC370]  }
0x27a: {  	v16 =	vadd.f32 v21, v11;
	v15 =	vadd.f32 v22, v15;
	v20 =	vld [tilespmem:s6+$0xC3E0]  }
0x27b: {  	v9 =	vadd.f32 v9, v12;
	v10 =	vadd.f32 v10, v13;
	v21 =	vld [tilespmem:s6+$0xC3F0];
	s6 =	sshra.s32 s7, $0x2  }
0x27c: {  	v16 =	vadd.f32 v17, v16;
	v11 =	vld [tilespmem:s6+$0xC380];
	v15 =	vadd.f32 v18, v15  }
0x27d: {  	v7 =	vadd.f32 v7, v9;
	v8 =	vadd.f32 v8, v10;
	v12 =	vld [tilespmem:s6+$0xC390]  }
0x27e: {  	v9 =	vadd.f32 v19, v16;
	v13 =	vld [tilespmem:s6+$0xC3A0];
	v10 =	vadd.f32 v14, v15  }
0x27f: {  	v17 =	vadd.f32 v5, v7;
	v24 =	vadd.f32 v6, v8;
	v15 =	vld [tilespmem:s6+$0xC3B0]  }
0x280: {  	v22 =	vadd.f32 v20, v9;
	v5 =	vld [tilespmem:s6+$0xC3C0];
	v23 =	vadd.f32 v21, v10  }
0x281: {  	v6 =	vld [tilespmem:s6+$0xC3D0]  }
0x282: {  	v19 =	vld [tilespmem:s6+$0xC300]  }
0x283: {  	v21 =	vld [tilespmem:s6+$0xC310]  }
0x284: {  	v18 =	vld [tilespmem:s6+$0xC320]  }
0x285: {  	v20 =	vld [tilespmem:s6+$0xC330]  }
0x286: {  	v7 =	vld [tilespmem:s6+$0xC340]  }
0x287: {  	v8 =	vld [tilespmem:s6+$0xC350]  }
0x288: {  	v37 =	vld [tilespmem:s6+$0xC280]  }
0x289: {  	v38 =	vld [tilespmem:s6+$0xC290]  }
0x28a: {  	v39 =	vld [tilespmem:s6+$0xC2A0]  }
0x28b: {  	v40 =	vld [tilespmem:s6+$0xC2B0]  }
0x28c: {  	v9 =	vld [tilespmem:s6+$0xC2C0]  }
0x28d: {  	v10 =	vld [tilespmem:s6+$0xC2D0]  }
0x28e: {  	v35 =	vld [tilespmem:s6+$0xC200]  }
0x28f: {  	v36 =	vld [tilespmem:s6+$0xC210]  }
0x290: {  	v41 =	vld [tilespmem:s6+$0xC220]  }
0x291: {  	v42 =	vld [tilespmem:s6+$0xC230]  }
0x292: {  	v14 =	vld [tilespmem:s6+$0xC240]  }
0x293: {  	v16 =	vld [tilespmem:s6+$0xC250]  }
0x294: {  	v33 =	vld [tilespmem:s6+$0xC180]  }
0x295: {  	v34 =	vld [tilespmem:s6+$0xC190]  }
0x296: {  	v26 =	vld [tilespmem:s6+$0xC100]  }
0x297: {  	v31 =	vld [tilespmem:s6+$0xC110]  }
0x298: {  	v25 =	vld [tilespmem:s6+$0xC080]  }
0x299: {  	v32 =	vld [tilespmem:s6+$0xC090]  }
0x29a: {  	v43 =	vld [tilespmem:s6+$0xC000]  }
0x29b: {  	v44 =	vld [tilespmem:s6+$0xC010]  }
0x29c: {  	v45 =	vld [tilespmem:s6+$0xC020]  }
0x29d: {  	v46 =	vld [tilespmem:s6+$0xC030]  }
0x29e: {  	v47 =	vld [tilespmem:s6+$0xC0A0]  }
0x29f: {  	v48 =	vld [tilespmem:s6+$0xC0B0]  }
0x2a0: {  	v49 =	vld [tilespmem:s6+$0xC120]  }
0x2a1: {  	v27 =	vadd.f32 v43, v27;
	v28 =	vadd.f32 v44, v28;
	v43 =	vld [tilespmem:s6+$0xC130]  }
0x2a2: {  	v29 =	vadd.f32 v45, v29;
	v30 =	vadd.f32 v46, v30;
	v44 =	vld [tilespmem:s6+$0xC1A0]  }
0x2a3: {  	v27 =	vadd.f32 v25, v27;
	v28 =	vadd.f32 v32, v28;
	v45 =	vld [tilespmem:s6+$0xC1B0]  }
0x2a4: {  	v29 =	vadd.f32 v47, v29;
	v30 =	vadd.f32 v48, v30;
	v25 =	vld [tilespmem:s6+$0xC1C0]  }
0x2a5: {  	v27 =	vadd.f32 v26, v27;
	v28 =	vadd.f32 v31, v28;
	v26 =	vld [tilespmem:s6+$0xC1D0]  }
0x2a6: {  	v29 =	vadd.f32 v49, v29;
	v30 =	vadd.f32 v43, v30;
	v31 =	vld [tilespmem:s6+$0xC140]  }
0x2a7: {  	v27 =	vadd.f32 v33, v27;
	v28 =	vadd.f32 v34, v28;
	v32 =	vld [tilespmem:s6+$0xC150]  }
.Ltmp8:
0x2a8: {  	v29 =	vadd.f32 v44, v29;
	v33 =	vld [tilespmem:s6+$0xC0C0];
	v30 =	vadd.f32 v45, v30;
	(pc) =	sbr.rel @p2 .LBB2_18-.Ltmp8, $4  }
0x2a9: {  	v27 =	vadd.f32 v35, v27;
	v28 =	vadd.f32 v36, v28;
	v34 =	vld [tilespmem:s6+$0xC0D0]  }
0x2aa: {  	v29 =	vadd.f32 v41, v29;
	v35 =	vld [tilespmem:s6+$0xC040];
	v30 =	vadd.f32 v42, v30  }
0x2ab: {  	v27 =	vadd.f32 v37, v27;
	v28 =	vadd.f32 v38, v28;
	v36 =	vld [tilespmem:s6+$0xC050]  }
0x2ac: {  	s7 =	sadd.s32 $0x1000, s7;
	v29 =	vadd.f32 v39, v29;
	v37 =	vld [tilespmem:s6+$0xC060];
	v30 =	vadd.f32 v40, v30  }
0x2ad: {  	v38 =	vld [tilespmem:s6+$0xC070]  }
0x2ae: {  	v39 =	vld [tilespmem:s6+$0xC0E0]  }
0x2af: {  	v40 =	vld [tilespmem:s6+$0xC0F0]  }
0x2b0: {  	v19 =	vadd.f32 v19, v27;
	v21 =	vadd.f32 v21, v28;
	v62 =	vld [tilespmem:s6+$0xC160]  }
0x2b1: {  	v63 =	vld [tilespmem:s6+$0xC170];
	s7 =	sshll.u32 s5, $0x9;
	v18 =	vadd.f32 v18, v29;
	v20 =	vadd.f32 v20, v30  }
0x2b2: {  	v41 =	vld [tilespmem:s6+$0xC1E0];
	s7 =	sshra.s32 s7, $0x2;
	v11 =	vadd.f32 v11, v19;
	v12 =	vadd.f32 v12, v21  }
0x2b3: {  	v17 =	vadd.f32 v35, v17;
	v52 =	vld [tilespmem:s7+$0x1A880];
	v13 =	vadd.f32 v13, v18  }
0x2b4: {  	v53 =	vld [tilespmem:s7+$0x1A890];
	v15 =	vadd.f32 v15, v20;
	v43 =	vadd.f32 v36, v24  }
0x2b5: {  	v42 =	vld [tilespmem:s6+$0xC1F0];
	v22 =	vadd.f32 v37, v22;
	v17 =	vadd.f32 v33, v17  }
0x2b6: {  	v44 =	vld [tilespmem:s6+$0xC260];
	v23 =	vadd.f32 v38, v23;
	v20 =	vadd.f32 v34, v43  }
0x2b7: {  	v56 =	vld [tilespmem:s7+$0x1A8B0];
	v22 =	vadd.f32 v39, v22;
	v17 =	vadd.f32 v31, v17  }
0x2b8: {  	v45 =	vld [tilespmem:s6+$0xC270];
	v23 =	vadd.f32 v40, v23;
	v20 =	vadd.f32 v32, v20  }
0x2b9: {  	v46 =	vld [tilespmem:s6+$0xC2E0];
	v11 =	vadd.f32 v52, v11;
	v12 =	vadd.f32 v53, v12  }
0x2ba: {  	v47 =	vld [tilespmem:s6+$0xC2F0];
	v22 =	vadd.f32 v62, v22;
	v17 =	vadd.f32 v25, v17  }
0x2bb: {  	v48 =	vld [tilespmem:s6+$0xC360];
	v23 =	vadd.f32 v63, v23;
	v20 =	vadd.f32 v26, v20  }
0x2bc: {  	v49 =	vld [tilespmem:s6+$0xC370];
	v63 =	vadd.f32 v56, v15;
	v19 =	vadd.f32 v41, v22  }
0x2bd: {  	v50 =	vld [tilespmem:s6+$0xC3E0];
	v14 =	vadd.f32 v14, v17;
	v18 =	vadd.f32 v42, v23  }
0x2be: {  	v54 =	vld [tilespmem:s7+$0x1A8A0];
	v16 =	vadd.f32 v16, v20;
	v19 =	vadd.f32 v44, v19  }
0x2bf: {  	v51 =	vld [tilespmem:s6+$0xC3F0];
	v9 =	vadd.f32 v9, v14;
	v18 =	vadd.f32 v45, v18  }
0x2c0: {  	v57 =	vld [tilespmem:s7+$0x1A8C0];
	v10 =	vadd.f32 v10, v16;
	v55 =	vadd.f32 v46, v19  }
0x2c1: {  	v59 =	vld [tilespmem:s7+$0x1A8D0];
	v7 =	vadd.f32 v7, v9;
	v18 =	vadd.f32 v47, v18  }
0x2c2: {  	v61 =	vld [tilespmem:s7+$0x1A8E0];
	v8 =	vadd.f32 v8, v10;
	v58 =	vadd.f32 v48, v55  }
0x2c3: {  	v62 =	vld [tilespmem:s7+$0x1A8F0];
	[tilespmem:s7+$0x1A880] =	vst v11;
	v5 =	vadd.f32 v5, v7;
	v7 =	vadd.f32 v54, v13  }
0x2c4: {  	[tilespmem:s7+$0x1A890] =	vst v12;
	v60 =	vadd.f32 v49, v18;
	v6 =	vadd.f32 v6, v8  }
0x2c5: {  	[tilespmem:s7+$0x1A8B0] =	vst v63;
	v10 =	vadd.f32 v50, v58;
	v5 =	vadd.f32 v57, v5  }
0x2c6: {  	[tilespmem:s7+$0x1A8A0] =	vst v7;
	v7 =	vadd.f32 v51, v60;
	v6 =	vadd.f32 v59, v6  }
0x2c7: {  	[tilespmem:s7+$0x1A8C0] =	vst v5;
	v5 =	vadd.f32 v61, v10  }
0x2c8: {  	[tilespmem:s7+$0x1A8D0] =	vst v6;
	v6 =	vadd.f32 v62, v7  }
0x2c9: {  	[tilespmem:s7+$0x1A8E0] =	vst v5  }
0x2ca: {  	[tilespmem:s7+$0x1A8F0] =	vst v6  }
.LBB2_20:
0x2cb: {  	p2 =	slt.s32 @!p1 s5, $0x40  }
0x2cc: {  	p1 =	por p1, !p2  }
0x2cd: {  	s5 =	sadd.s32 @p1 $0x18180, s0  }
0x2ce: {  	[spmem:s3] =	stream.indirect.scatter.add.f32 @p1 [tilespmem:s26], [sflag:$0x5], $0x80, s5, s23, $0xb8;
	[tilespmem:$0x1D080] =	vst v63  }
0x2cf: {  	s5 =	sadd.s32 @!p0 s19, s11;
	_ =	swait.ge @p1 [sflag:s20], $0x4000  }
0x2d0: {  	s6 =	simm.s32 @!p0 $0x0;
	s5 =	sshrl.u32 @!p0 s5, $0x3;
	[sflag:s20] =	ssyncset.done @p1 $0x0  }
0x2d1: {  	s7 =	simm.s32 @!p0 $0x8000;
	s5 =	sadd.s32 @!p0 s1, s5;
	[sflag:s20] =	ssyncadd.s32 @p1 $0xFFFFC000  }
0x2d2: {  	[tilespmem:s7], [sflag:$0x2] =	stream.linear.gather @!p0 [hbm4b:s5+s6], $0x8000, $0x38;
	[tilespmem:$0x1D080] =	vst v63  }
0x2d3: {  	_ =	swait.ge [sflag:s28], $0x8000  }
0x2d4: {  	[sflag:s28] =	ssyncset.done $0x0  }
0x2d5: {  	[sflag:s28] =	ssyncadd.s32 $0xFFFF8000  }
0x2d6: {  	v5 =	vld [tilespmem:s0+$0x18200]  }
0x2d7: {  	v6 =	vld [tilespmem:s0+$0x18270];
	_ =	sdelay $0x3  }
0x2d8: {  	(v2sf) =	vpush v5, $0x0  }
0x2d9: {  	(v2sf) =	vpush v6, $0xF;
	_ =	sdelay $0xd  }
0x2da: {  	s7 =	spop (v2sf)  }
0x2db: {  	s19 =	spop (v2sf)  }
0x2dc: {  	s5 =	ssub.s32 s7, s30;
	p1 =	sne.s32 s7, s19  }
0x2dd: {  	p2 =	sgt.s32 @!p1 s5, $0x3F  }
0x2de: {  	p2 =	por p1, p2  }
.Ltmp9:
0x2df: {  	_ = 	snop;
	(pc) =	sbr.rel @p2 .LBB2_24-.Ltmp9, $1  }
0x2e0: {  	_ =	sdelay $0x3  }
0x2e1: {  	s6 =	simm.s32 $0x0  }
0x2e2: {  	v11 =	vld [tilespmem:s6+$0x10380]  }
0x2e3: {  	v12 =	vld [tilespmem:s6+$0x10390]  }
0x2e4: {  	v13 =	vld [tilespmem:s6+$0x103A0]  }
0x2e5: {  	v15 =	vld [tilespmem:s6+$0x103B0]  }
0x2e6: {  	v5 =	vld [tilespmem:s6+$0x103C0]  }
0x2e7: {  	v6 =	vld [tilespmem:s6+$0x103D0]  }
0x2e8: {  	v19 =	vld [tilespmem:s6+$0x10300]  }
0x2e9: {  	v21 =	vld [tilespmem:s6+$0x10310]  }
0x2ea: {  	v18 =	vld [tilespmem:s6+$0x10320]  }
0x2eb: {  	v20 =	vld [tilespmem:s6+$0x10330]  }
0x2ec: {  	v7 =	vld [tilespmem:s6+$0x10340]  }
0x2ed: {  	v8 =	vld [tilespmem:s6+$0x10350]  }
0x2ee: {  	v22 =	vld [tilespmem:s6+$0x10280]  }
0x2ef: {  	v23 =	vld [tilespmem:s6+$0x10290]  }
0x2f0: {  	v24 =	vld [tilespmem:s6+$0x102A0]  }
0x2f1: {  	v30 =	vld [tilespmem:s6+$0x102B0]  }
0x2f2: {  	v9 =	vld [tilespmem:s6+$0x102C0]  }
0x2f3: {  	v10 =	vld [tilespmem:s6+$0x102D0]  }
0x2f4: {  	v27 =	vld [tilespmem:s6+$0x10200]  }
0x2f5: {  	v28 =	vld [tilespmem:s6+$0x10210]  }
0x2f6: {  	v29 =	vld [tilespmem:s6+$0x10220]  }
0x2f7: {  	v35 =	vld [tilespmem:s6+$0x10230]  }
0x2f8: {  	v14 =	vld [tilespmem:s6+$0x10240]  }
0x2f9: {  	v32 =	vld [tilespmem:s6+$0x10180]  }
0x2fa: {  	v33 =	vld [tilespmem:s6+$0x10190]  }
0x2fb: {  	v26 =	vld [tilespmem:s6+$0x10100]  }
0x2fc: {  	v31 =	vld [tilespmem:s6+$0x10110]  }
0x2fd: {  	v16 =	vld [tilespmem:s6+$0x10080]  }
0x2fe: {  	v25 =	vld [tilespmem:s6+$0x10090]  }
0x2ff: {  	v34 =	vld [tilespmem:s6+$0x10000]  }
0x300: {  	v36 =	vld [tilespmem:s6+$0x10010]  }
0x301: {  	v37 =	vld [tilespmem:s6+$0x10020]  }
0x302: {  	v38 =	vld [tilespmem:s6+$0x10030]  }
0x303: {  	v39 =	vld [tilespmem:s6+$0x100A0]  }
0x304: {  	v40 =	vld [tilespmem:s6+$0x100B0]  }
0x305: {  	v17 =	vimm.f32 $0.0e+00;
	v41 =	vld [tilespmem:s6+$0x10120]  }
0x306: {  	v42 =	vld [tilespmem:s6+$0x10130];
	v34 =	vadd.f32 v34, v17;
	v36 =	vadd.f32 v36, v17  }
0x307: {  	v43 =	vld [tilespmem:s6+$0x101A0];
	v37 =	vadd.f32 v37, v17;
	v38 =	vadd.f32 v38, v17  }
0x308: {  	v44 =	vld [tilespmem:s6+$0x101B0];
	v34 =	vadd.f32 v16, v34;
	v36 =	vadd.f32 v25, v36  }
0x309: {  	v16 =	vld [tilespmem:s6+$0x10250];
	v37 =	vadd.f32 v39, v37;
	v38 =	vadd.f32 v40, v38  }
0x30a: {  	v25 =	vld [tilespmem:s6+$0x101C0];
	v34 =	vadd.f32 v26, v34;
	v36 =	vadd.f32 v31, v36  }
0x30b: {  	v26 =	vld [tilespmem:s6+$0x101D0];
	v37 =	vadd.f32 v41, v37;
	v38 =	vadd.f32 v42, v38  }
0x30c: {  	v31 =	vld [tilespmem:s6+$0x10140];
	v34 =	vadd.f32 v32, v34;
	v36 =	vadd.f32 v33, v36  }
0x30d: {  	v32 =	vld [tilespmem:s6+$0x10150];
	v37 =	vadd.f32 v43, v37;
	v38 =	vadd.f32 v44, v38  }
0x30e: {  	v33 =	vld [tilespmem:s6+$0x100C0];
	v27 =	vadd.f32 v27, v34;
	v28 =	vadd.f32 v28, v36  }
0x30f: {  	v34 =	vld [tilespmem:s6+$0x100D0];
	v29 =	vadd.f32 v29, v37;
	v63 =	vadd.f32 v35, v38  }
0x310: {  	v35 =	vld [tilespmem:s6+$0x10040];
	v27 =	vadd.f32 v22, v27;
	v28 =	vadd.f32 v23, v28  }
0x311: {  	v36 =	vld [tilespmem:s6+$0x10050];
	v29 =	vadd.f32 v24, v29;
	v30 =	vadd.f32 v30, v63  }
0x312: {  	s7 =	simm.s32 $0x1000;
	v37 =	vld [tilespmem:s6+$0x10060];
	v24 =	vimm.f32 $0.0e+00;
	v22 =	vimm.f32 $0.0e+00;
	v23 =	vimm.f32 $0.0e+00  }
.LBB2_22:
0x313: {  	p2 =	sne.s32 s7, $0xF000;
	v38 =	vld [tilespmem:s6+$0x10070];
	v19 =	vadd.f32 v19, v27;
	v21 =	vadd.f32 v21, v28  }
0x314: {  	v39 =	vld [tilespmem:s6+$0x100E0];
	v18 =	vadd.f32 v18, v29;
	v20 =	vadd.f32 v20, v30  }
0x315: {  	v40 =	vld [tilespmem:s6+$0x100F0];
	v27 =	vadd.f32 v11, v19;
	v28 =	vadd.f32 v12, v21  }
0x316: {  	v11 =	vld [tilespmem:s6+$0x10160];
	v29 =	vadd.f32 v13, v18;
	v30 =	vadd.f32 v15, v20  }
0x317: {  	v12 =	vadd.f32 v35, v17;
	v13 =	vadd.f32 v36, v24;
	v15 =	vld [tilespmem:s6+$0x10170]  }
0x318: {  	v17 =	vadd.f32 v37, v22;
	v18 =	vadd.f32 v38, v23;
	v19 =	vld [tilespmem:s6+$0x101E0]  }
0x319: {  	v12 =	vadd.f32 v33, v12;
	v13 =	vadd.f32 v34, v13;
	v20 =	vld [tilespmem:s6+$0x101F0]  }
0x31a: {  	v17 =	vadd.f32 v39, v17;
	v18 =	vadd.f32 v40, v18;
	v21 =	vld [tilespmem:s6+$0x10260]  }
0x31b: {  	v12 =	vadd.f32 v31, v12;
	v13 =	vadd.f32 v32, v13;
	v22 =	vld [tilespmem:s6+$0x10270]  }
0x31c: {  	v11 =	vadd.f32 v11, v17;
	v15 =	vadd.f32 v15, v18;
	v17 =	vld [tilespmem:s6+$0x102E0]  }
0x31d: {  	v12 =	vadd.f32 v25, v12;
	v13 =	vadd.f32 v26, v13;
	v18 =	vld [tilespmem:s6+$0x102F0]  }
0x31e: {  	v11 =	vadd.f32 v19, v11;
	v15 =	vadd.f32 v20, v15;
	v19 =	vld [tilespmem:s6+$0x10360]  }
0x31f: {  	v12 =	vadd.f32 v14, v12;
	v13 =	vadd.f32 v16, v13;
	v14 =	vld [tilespmem:s6+$0x10370]  }
0x320: {  	v16 =	vadd.f32 v21, v11;
	v15 =	vadd.f32 v22, v15;
	v20 =	vld [tilespmem:s6+$0x103E0]  }
0x321: {  	v9 =	vadd.f32 v9, v12;
	v10 =	vadd.f32 v10, v13;
	v21 =	vld [tilespmem:s6+$0x103F0];
	s6 =	sshra.s32 s7, $0x2  }
0x322: {  	v16 =	vadd.f32 v17, v16;
	v11 =	vld [tilespmem:s6+$0x10380];
	v15 =	vadd.f32 v18, v15  }
0x323: {  	v7 =	vadd.f32 v7, v9;
	v8 =	vadd.f32 v8, v10;
	v12 =	vld [tilespmem:s6+$0x10390]  }
0x324: {  	v9 =	vadd.f32 v19, v16;
	v13 =	vld [tilespmem:s6+$0x103A0];
	v10 =	vadd.f32 v14, v15  }
0x325: {  	v17 =	vadd.f32 v5, v7;
	v24 =	vadd.f32 v6, v8;
	v15 =	vld [tilespmem:s6+$0x103B0]  }
0x326: {  	v22 =	vadd.f32 v20, v9;
	v5 =	vld [tilespmem:s6+$0x103C0];
	v23 =	vadd.f32 v21, v10  }
0x327: {  	v6 =	vld [tilespmem:s6+$0x103D0]  }
0x328: {  	v19 =	vld [tilespmem:s6+$0x10300]  }
0x329: {  	v21 =	vld [tilespmem:s6+$0x10310]  }
0x32a: {  	v18 =	vld [tilespmem:s6+$0x10320]  }
0x32b: {  	v20 =	vld [tilespmem:s6+$0x10330]  }
0x32c: {  	v7 =	vld [tilespmem:s6+$0x10340]  }
0x32d: {  	v8 =	vld [tilespmem:s6+$0x10350]  }
0x32e: {  	v37 =	vld [tilespmem:s6+$0x10280]  }
0x32f: {  	v38 =	vld [tilespmem:s6+$0x10290]  }
0x330: {  	v39 =	vld [tilespmem:s6+$0x102A0]  }
0x331: {  	v40 =	vld [tilespmem:s6+$0x102B0]  }
0x332: {  	v9 =	vld [tilespmem:s6+$0x102C0]  }
0x333: {  	v10 =	vld [tilespmem:s6+$0x102D0]  }
0x334: {  	v35 =	vld [tilespmem:s6+$0x10200]  }
0x335: {  	v36 =	vld [tilespmem:s6+$0x10210]  }
0x336: {  	v41 =	vld [tilespmem:s6+$0x10220]  }
0x337: {  	v42 =	vld [tilespmem:s6+$0x10230]  }
0x338: {  	v14 =	vld [tilespmem:s6+$0x10240]  }
0x339: {  	v16 =	vld [tilespmem:s6+$0x10250]  }
0x33a: {  	v33 =	vld [tilespmem:s6+$0x10180]  }
0x33b: {  	v34 =	vld [tilespmem:s6+$0x10190]  }
0x33c: {  	v26 =	vld [tilespmem:s6+$0x10100]  }
0x33d: {  	v31 =	vld [tilespmem:s6+$0x10110]  }
0x33e: {  	v25 =	vld [tilespmem:s6+$0x10080]  }
0x33f: {  	v32 =	vld [tilespmem:s6+$0x10090]  }
0x340: {  	v43 =	vld [tilespmem:s6+$0x10000]  }
0x341: {  	v44 =	vld [tilespmem:s6+$0x10010]  }
0x342: {  	v45 =	vld [tilespmem:s6+$0x10020]  }
0x343: {  	v46 =	vld [tilespmem:s6+$0x10030]  }
0x344: {  	v47 =	vld [tilespmem:s6+$0x100A0]  }
0x345: {  	v48 =	vld [tilespmem:s6+$0x100B0]  }
0x346: {  	v49 =	vld [tilespmem:s6+$0x10120]  }
0x347: {  	v27 =	vadd.f32 v43, v27;
	v28 =	vadd.f32 v44, v28;
	v43 =	vld [tilespmem:s6+$0x10130]  }
0x348: {  	v29 =	vadd.f32 v45, v29;
	v30 =	vadd.f32 v46, v30;
	v44 =	vld [tilespmem:s6+$0x101A0]  }
0x349: {  	v27 =	vadd.f32 v25, v27;
	v28 =	vadd.f32 v32, v28;
	v45 =	vld [tilespmem:s6+$0x101B0]  }
0x34a: {  	v29 =	vadd.f32 v47, v29;
	v30 =	vadd.f32 v48, v30;
	v25 =	vld [tilespmem:s6+$0x101C0]  }
0x34b: {  	v27 =	vadd.f32 v26, v27;
	v28 =	vadd.f32 v31, v28;
	v26 =	vld [tilespmem:s6+$0x101D0]  }
0x34c: {  	v29 =	vadd.f32 v49, v29;
	v30 =	vadd.f32 v43, v30;
	v31 =	vld [tilespmem:s6+$0x10140]  }
0x34d: {  	v27 =	vadd.f32 v33, v27;
	v28 =	vadd.f32 v34, v28;
	v32 =	vld [tilespmem:s6+$0x10150]  }
.Ltmp10:
0x34e: {  	v29 =	vadd.f32 v44, v29;
	v33 =	vld [tilespmem:s6+$0x100C0];
	v30 =	vadd.f32 v45, v30;
	(pc) =	sbr.rel @p2 .LBB2_22-.Ltmp10, $4  }
0x34f: {  	v27 =	vadd.f32 v35, v27;
	v28 =	vadd.f32 v36, v28;
	v34 =	vld [tilespmem:s6+$0x100D0]  }
0x350: {  	v29 =	vadd.f32 v41, v29;
	v35 =	vld [tilespmem:s6+$0x10040];
	v30 =	vadd.f32 v42, v30  }
0x351: {  	v27 =	vadd.f32 v37, v27;
	v28 =	vadd.f32 v38, v28;
	v36 =	vld [tilespmem:s6+$0x10050]  }
0x352: {  	s7 =	sadd.s32 $0x1000, s7;
	v29 =	vadd.f32 v39, v29;
	v37 =	vld [tilespmem:s6+$0x10060];
	v30 =	vadd.f32 v40, v30  }
0x353: {  	v38 =	vld [tilespmem:s6+$0x10070]  }
0x354: {  	v39 =	vld [tilespmem:s6+$0x100E0]  }
0x355: {  	v40 =	vld [tilespmem:s6+$0x100F0]  }
0x356: {  	v19 =	vadd.f32 v19, v27;
	v21 =	vadd.f32 v21, v28;
	v62 =	vld [tilespmem:s6+$0x10160]  }
0x357: {  	v63 =	vld [tilespmem:s6+$0x10170];
	s7 =	sshll.u32 s5, $0x9;
	v18 =	vadd.f32 v18, v29;
	v20 =	vadd.f32 v20, v30  }
0x358: {  	v41 =	vld [tilespmem:s6+$0x101E0];
	s19 =	sshra.s32 s7, $0x2;
	v11 =	vadd.f32 v11, v19;
	v12 =	vadd.f32 v12, v21  }
0x359: {  	v17 =	vadd.f32 v35, v17;
	v52 =	vld [tilespmem:s19+$0x1A880];
	v13 =	vadd.f32 v13, v18  }
0x35a: {  	v53 =	vld [tilespmem:s19+$0x1A890];
	v15 =	vadd.f32 v15, v20;
	v43 =	vadd.f32 v36, v24  }
0x35b: {  	v42 =	vld [tilespmem:s6+$0x101F0];
	v22 =	vadd.f32 v37, v22;
	v17 =	vadd.f32 v33, v17  }
0x35c: {  	v44 =	vld [tilespmem:s6+$0x10260];
	v23 =	vadd.f32 v38, v23;
	v20 =	vadd.f32 v34, v43  }
0x35d: {  	v56 =	vld [tilespmem:s19+$0x1A8B0];
	v22 =	vadd.f32 v39, v22;
	v17 =	vadd.f32 v31, v17  }
0x35e: {  	v45 =	vld [tilespmem:s6+$0x10270];
	v23 =	vadd.f32 v40, v23;
	v20 =	vadd.f32 v32, v20  }
0x35f: {  	v46 =	vld [tilespmem:s6+$0x102E0];
	v11 =	vadd.f32 v52, v11;
	v12 =	vadd.f32 v53, v12  }
0x360: {  	v47 =	vld [tilespmem:s6+$0x102F0];
	v22 =	vadd.f32 v62, v22;
	v17 =	vadd.f32 v25, v17  }
0x361: {  	v48 =	vld [tilespmem:s6+$0x10360];
	v23 =	vadd.f32 v63, v23;
	v20 =	vadd.f32 v26, v20  }
0x362: {  	v49 =	vld [tilespmem:s6+$0x10370];
	v63 =	vadd.f32 v56, v15;
	v19 =	vadd.f32 v41, v22  }
0x363: {  	v50 =	vld [tilespmem:s6+$0x103E0];
	v14 =	vadd.f32 v14, v17;
	v18 =	vadd.f32 v42, v23  }
0x364: {  	v54 =	vld [tilespmem:s19+$0x1A8A0];
	v16 =	vadd.f32 v16, v20;
	v19 =	vadd.f32 v44, v19  }
0x365: {  	v51 =	vld [tilespmem:s6+$0x103F0];
	v9 =	vadd.f32 v9, v14;
	v18 =	vadd.f32 v45, v18  }
0x366: {  	v57 =	vld [tilespmem:s19+$0x1A8C0];
	v10 =	vadd.f32 v10, v16;
	v55 =	vadd.f32 v46, v19  }
0x367: {  	v59 =	vld [tilespmem:s19+$0x1A8D0];
	v7 =	vadd.f32 v7, v9;
	v18 =	vadd.f32 v47, v18  }
0x368: {  	v61 =	vld [tilespmem:s19+$0x1A8E0];
	v8 =	vadd.f32 v8, v10;
	v58 =	vadd.f32 v48, v55  }
0x369: {  	v62 =	vld [tilespmem:s19+$0x1A8F0];
	[tilespmem:s19+$0x1A880] =	vst v11;
	v5 =	vadd.f32 v5, v7;
	v7 =	vadd.f32 v54, v13  }
0x36a: {  	[tilespmem:s19+$0x1A890] =	vst v12;
	v60 =	vadd.f32 v49, v18;
	v6 =	vadd.f32 v6, v8  }
0x36b: {  	[tilespmem:s19+$0x1A8B0] =	vst v63;
	v10 =	vadd.f32 v50, v58;
	v5 =	vadd.f32 v57, v5  }
0x36c: {  	[tilespmem:s19+$0x1A8A0] =	vst v7;
	v7 =	vadd.f32 v51, v60;
	v6 =	vadd.f32 v59, v6  }
0x36d: {  	[tilespmem:s19+$0x1A8C0] =	vst v5;
	v5 =	vadd.f32 v61, v10  }
0x36e: {  	[tilespmem:s19+$0x1A8D0] =	vst v6;
	v6 =	vadd.f32 v62, v7  }
0x36f: {  	[tilespmem:s19+$0x1A8E0] =	vst v5  }
0x370: {  	[tilespmem:s19+$0x1A8F0] =	vst v6  }
.LBB2_24:
0x371: {  	p2 =	slt.s32 @!p1 s5, $0x40  }
0x372: {  	p1 =	por p1, !p2  }
0x373: {  	s5 =	sadd.s32 @p1 $0x18200, s0  }
0x374: {  	[spmem:s3] =	stream.indirect.scatter.add.f32 @p1 [tilespmem:s18], [sflag:$0x5], $0x80, s5, s23, $0xb8;
	[tilespmem:$0x1D080] =	vst v63  }
0x375: {  	_ =	swait.ge @p1 [sflag:s20], $0x4000  }
0x376: {  	[sflag:s20] =	ssyncset.done @p1 $0x0  }
0x377: {  	[sflag:s20] =	ssyncadd.s32 @p1 $0xFFFFC000  }
0x378: {  	v5 =	vld [tilespmem:s0+$0x18280]  }
0x379: {  	v6 =	vld [tilespmem:s0+$0x182F0];
	_ =	sdelay $0x3  }
0x37a: {  	(v2sf) =	vpush v5, $0x0  }
0x37b: {  	(v2sf) =	vpush v6, $0xF;
	_ =	sdelay $0xd  }
0x37c: {  	s6 =	spop (v2sf)  }
0x37d: {  	s7 =	spop (v2sf)  }
0x37e: {  	s5 =	ssub.s32 s6, s30;
	p1 =	sne.s32 s6, s7  }
0x37f: {  	p2 =	sgt.s32 @!p1 s5, $0x3F  }
0x380: {  	p2 =	por p1, p2  }
.Ltmp11:
0x381: {  	_ = 	snop;
	(pc) =	sbr.rel @p2 .LBB2_28-.Ltmp11, $1  }
0x382: {  	_ =	sdelay $0x3  }
0x383: {  	s6 =	simm.s32 $0x0  }
0x384: {  	v11 =	vld [tilespmem:s6+$0x14380]  }
0x385: {  	v12 =	vld [tilespmem:s6+$0x14390]  }
0x386: {  	v13 =	vld [tilespmem:s6+$0x143A0]  }
0x387: {  	v15 =	vld [tilespmem:s6+$0x143B0]  }
0x388: {  	v5 =	vld [tilespmem:s6+$0x143C0]  }
0x389: {  	v6 =	vld [tilespmem:s6+$0x143D0]  }
0x38a: {  	v19 =	vld [tilespmem:s6+$0x14300]  }
0x38b: {  	v21 =	vld [tilespmem:s6+$0x14310]  }
0x38c: {  	v18 =	vld [tilespmem:s6+$0x14320]  }
0x38d: {  	v20 =	vld [tilespmem:s6+$0x14330]  }
0x38e: {  	v7 =	vld [tilespmem:s6+$0x14340]  }
0x38f: {  	v8 =	vld [tilespmem:s6+$0x14350]  }
0x390: {  	v22 =	vld [tilespmem:s6+$0x14280]  }
0x391: {  	v23 =	vld [tilespmem:s6+$0x14290]  }
0x392: {  	v24 =	vld [tilespmem:s6+$0x142A0]  }
0x393: {  	v30 =	vld [tilespmem:s6+$0x142B0]  }
0x394: {  	v9 =	vld [tilespmem:s6+$0x142C0]  }
0x395: {  	v10 =	vld [tilespmem:s6+$0x142D0]  }
0x396: {  	v27 =	vld [tilespmem:s6+$0x14200]  }
0x397: {  	v28 =	vld [tilespmem:s6+$0x14210]  }
0x398: {  	v29 =	vld [tilespmem:s6+$0x14220]  }
0x399: {  	v35 =	vld [tilespmem:s6+$0x14230]  }
0x39a: {  	v14 =	vld [tilespmem:s6+$0x14240]  }
0x39b: {  	v32 =	vld [tilespmem:s6+$0x14180]  }
0x39c: {  	v33 =	vld [tilespmem:s6+$0x14190]  }
0x39d: {  	v26 =	vld [tilespmem:s6+$0x14100]  }
0x39e: {  	v31 =	vld [tilespmem:s6+$0x14110]  }
0x39f: {  	v16 =	vld [tilespmem:s6+$0x14080]  }
0x3a0: {  	v25 =	vld [tilespmem:s6+$0x14090]  }
0x3a1: {  	v34 =	vld [tilespmem:s6+$0x14000]  }
0x3a2: {  	v36 =	vld [tilespmem:s6+$0x14010]  }
0x3a3: {  	v37 =	vld [tilespmem:s6+$0x14020]  }
0x3a4: {  	v38 =	vld [tilespmem:s6+$0x14030]  }
0x3a5: {  	v39 =	vld [tilespmem:s6+$0x140A0]  }
0x3a6: {  	v40 =	vld [tilespmem:s6+$0x140B0]  }
0x3a7: {  	v17 =	vimm.f32 $0.0e+00;
	v41 =	vld [tilespmem:s6+$0x14120]  }
0x3a8: {  	v42 =	vld [tilespmem:s6+$0x14130];
	v34 =	vadd.f32 v34, v17;
	v36 =	vadd.f32 v36, v17  }
0x3a9: {  	v43 =	vld [tilespmem:s6+$0x141A0];
	v37 =	vadd.f32 v37, v17;
	v38 =	vadd.f32 v38, v17  }
0x3aa: {  	v44 =	vld [tilespmem:s6+$0x141B0];
	v34 =	vadd.f32 v16, v34;
	v36 =	vadd.f32 v25, v36  }
0x3ab: {  	v16 =	vld [tilespmem:s6+$0x14250];
	v37 =	vadd.f32 v39, v37;
	v38 =	vadd.f32 v40, v38  }
0x3ac: {  	v25 =	vld [tilespmem:s6+$0x141C0];
	v34 =	vadd.f32 v26, v34;
	v36 =	vadd.f32 v31, v36  }
0x3ad: {  	v26 =	vld [tilespmem:s6+$0x141D0];
	v37 =	vadd.f32 v41, v37;
	v38 =	vadd.f32 v42, v38  }
0x3ae: {  	v31 =	vld [tilespmem:s6+$0x14140];
	v34 =	vadd.f32 v32, v34;
	v36 =	vadd.f32 v33, v36  }
0x3af: {  	v32 =	vld [tilespmem:s6+$0x14150];
	v37 =	vadd.f32 v43, v37;
	v38 =	vadd.f32 v44, v38  }
0x3b0: {  	v33 =	vld [tilespmem:s6+$0x140C0];
	v27 =	vadd.f32 v27, v34;
	v28 =	vadd.f32 v28, v36  }
0x3b1: {  	v34 =	vld [tilespmem:s6+$0x140D0];
	v29 =	vadd.f32 v29, v37;
	v63 =	vadd.f32 v35, v38  }
0x3b2: {  	v35 =	vld [tilespmem:s6+$0x14040];
	v27 =	vadd.f32 v22, v27;
	v28 =	vadd.f32 v23, v28  }
0x3b3: {  	v36 =	vld [tilespmem:s6+$0x14050];
	v29 =	vadd.f32 v24, v29;
	v30 =	vadd.f32 v30, v63  }
0x3b4: {  	s7 =	simm.s32 $0x1000;
	v37 =	vld [tilespmem:s6+$0x14060];
	v24 =	vimm.f32 $0.0e+00;
	v22 =	vimm.f32 $0.0e+00;
	v23 =	vimm.f32 $0.0e+00  }
.LBB2_26:
0x3b5: {  	p2 =	sne.s32 s7, $0xF000;
	v38 =	vld [tilespmem:s6+$0x14070];
	v19 =	vadd.f32 v19, v27;
	v21 =	vadd.f32 v21, v28  }
0x3b6: {  	v39 =	vld [tilespmem:s6+$0x140E0];
	v18 =	vadd.f32 v18, v29;
	v20 =	vadd.f32 v20, v30  }
0x3b7: {  	v40 =	vld [tilespmem:s6+$0x140F0];
	v27 =	vadd.f32 v11, v19;
	v28 =	vadd.f32 v12, v21  }
0x3b8: {  	v11 =	vld [tilespmem:s6+$0x14160];
	v29 =	vadd.f32 v13, v18;
	v30 =	vadd.f32 v15, v20  }
0x3b9: {  	v12 =	vadd.f32 v35, v17;
	v13 =	vadd.f32 v36, v24;
	v15 =	vld [tilespmem:s6+$0x14170]  }
0x3ba: {  	v17 =	vadd.f32 v37, v22;
	v18 =	vadd.f32 v38, v23;
	v19 =	vld [tilespmem:s6+$0x141E0]  }
0x3bb: {  	v12 =	vadd.f32 v33, v12;
	v13 =	vadd.f32 v34, v13;
	v20 =	vld [tilespmem:s6+$0x141F0]  }
0x3bc: {  	v17 =	vadd.f32 v39, v17;
	v18 =	vadd.f32 v40, v18;
	v21 =	vld [tilespmem:s6+$0x14260]  }
0x3bd: {  	v12 =	vadd.f32 v31, v12;
	v13 =	vadd.f32 v32, v13;
	v22 =	vld [tilespmem:s6+$0x14270]  }
0x3be: {  	v11 =	vadd.f32 v11, v17;
	v15 =	vadd.f32 v15, v18;
	v17 =	vld [tilespmem:s6+$0x142E0]  }
0x3bf: {  	v12 =	vadd.f32 v25, v12;
	v13 =	vadd.f32 v26, v13;
	v18 =	vld [tilespmem:s6+$0x142F0]  }
0x3c0: {  	v11 =	vadd.f32 v19, v11;
	v15 =	vadd.f32 v20, v15;
	v19 =	vld [tilespmem:s6+$0x14360]  }
0x3c1: {  	v12 =	vadd.f32 v14, v12;
	v13 =	vadd.f32 v16, v13;
	v14 =	vld [tilespmem:s6+$0x14370]  }
0x3c2: {  	v16 =	vadd.f32 v21, v11;
	v15 =	vadd.f32 v22, v15;
	v20 =	vld [tilespmem:s6+$0x143E0]  }
0x3c3: {  	v9 =	vadd.f32 v9, v12;
	v10 =	vadd.f32 v10, v13;
	v21 =	vld [tilespmem:s6+$0x143F0];
	s6 =	sshra.s32 s7, $0x2  }
0x3c4: {  	v16 =	vadd.f32 v17, v16;
	v11 =	vld [tilespmem:s6+$0x14380];
	v15 =	vadd.f32 v18, v15  }
0x3c5: {  	v7 =	vadd.f32 v7, v9;
	v8 =	vadd.f32 v8, v10;
	v12 =	vld [tilespmem:s6+$0x14390]  }
0x3c6: {  	v9 =	vadd.f32 v19, v16;
	v13 =	vld [tilespmem:s6+$0x143A0];
	v10 =	vadd.f32 v14, v15  }
0x3c7: {  	v17 =	vadd.f32 v5, v7;
	v24 =	vadd.f32 v6, v8;
	v15 =	vld [tilespmem:s6+$0x143B0]  }
0x3c8: {  	v22 =	vadd.f32 v20, v9;
	v5 =	vld [tilespmem:s6+$0x143C0];
	v23 =	vadd.f32 v21, v10  }
0x3c9: {  	v6 =	vld [tilespmem:s6+$0x143D0]  }
0x3ca: {  	v19 =	vld [tilespmem:s6+$0x14300]  }
0x3cb: {  	v21 =	vld [tilespmem:s6+$0x14310]  }
0x3cc: {  	v18 =	vld [tilespmem:s6+$0x14320]  }
0x3cd: {  	v20 =	vld [tilespmem:s6+$0x14330]  }
0x3ce: {  	v7 =	vld [tilespmem:s6+$0x14340]  }
0x3cf: {  	v8 =	vld [tilespmem:s6+$0x14350]  }
0x3d0: {  	v37 =	vld [tilespmem:s6+$0x14280]  }
0x3d1: {  	v38 =	vld [tilespmem:s6+$0x14290]  }
0x3d2: {  	v39 =	vld [tilespmem:s6+$0x142A0]  }
0x3d3: {  	v40 =	vld [tilespmem:s6+$0x142B0]  }
0x3d4: {  	v9 =	vld [tilespmem:s6+$0x142C0]  }
0x3d5: {  	v10 =	vld [tilespmem:s6+$0x142D0]  }
0x3d6: {  	v35 =	vld [tilespmem:s6+$0x14200]  }
0x3d7: {  	v36 =	vld [tilespmem:s6+$0x14210]  }
0x3d8: {  	v41 =	vld [tilespmem:s6+$0x14220]  }
0x3d9: {  	v42 =	vld [tilespmem:s6+$0x14230]  }
0x3da: {  	v14 =	vld [tilespmem:s6+$0x14240]  }
0x3db: {  	v16 =	vld [tilespmem:s6+$0x14250]  }
0x3dc: {  	v33 =	vld [tilespmem:s6+$0x14180]  }
0x3dd: {  	v34 =	vld [tilespmem:s6+$0x14190]  }
0x3de: {  	v26 =	vld [tilespmem:s6+$0x14100]  }
0x3df: {  	v31 =	vld [tilespmem:s6+$0x14110]  }
0x3e0: {  	v25 =	vld [tilespmem:s6+$0x14080]  }
0x3e1: {  	v32 =	vld [tilespmem:s6+$0x14090]  }
0x3e2: {  	v43 =	vld [tilespmem:s6+$0x14000]  }
0x3e3: {  	v44 =	vld [tilespmem:s6+$0x14010]  }
0x3e4: {  	v45 =	vld [tilespmem:s6+$0x14020]  }
0x3e5: {  	v46 =	vld [tilespmem:s6+$0x14030]  }
0x3e6: {  	v47 =	vld [tilespmem:s6+$0x140A0]  }
0x3e7: {  	v48 =	vld [tilespmem:s6+$0x140B0]  }
0x3e8: {  	v49 =	vld [tilespmem:s6+$0x14120]  }
0x3e9: {  	v27 =	vadd.f32 v43, v27;
	v28 =	vadd.f32 v44, v28;
	v43 =	vld [tilespmem:s6+$0x14130]  }
0x3ea: {  	v29 =	vadd.f32 v45, v29;
	v30 =	vadd.f32 v46, v30;
	v44 =	vld [tilespmem:s6+$0x141A0]  }
0x3eb: {  	v27 =	vadd.f32 v25, v27;
	v28 =	vadd.f32 v32, v28;
	v45 =	vld [tilespmem:s6+$0x141B0]  }
0x3ec: {  	v29 =	vadd.f32 v47, v29;
	v30 =	vadd.f32 v48, v30;
	v25 =	vld [tilespmem:s6+$0x141C0]  }
0x3ed: {  	v27 =	vadd.f32 v26, v27;
	v28 =	vadd.f32 v31, v28;
	v26 =	vld [tilespmem:s6+$0x141D0]  }
0x3ee: {  	v29 =	vadd.f32 v49, v29;
	v30 =	vadd.f32 v43, v30;
	v31 =	vld [tilespmem:s6+$0x14140]  }
0x3ef: {  	v27 =	vadd.f32 v33, v27;
	v28 =	vadd.f32 v34, v28;
	v32 =	vld [tilespmem:s6+$0x14150]  }
.Ltmp12:
0x3f0: {  	v29 =	vadd.f32 v44, v29;
	v33 =	vld [tilespmem:s6+$0x140C0];
	v30 =	vadd.f32 v45, v30;
	(pc) =	sbr.rel @p2 .LBB2_26-.Ltmp12, $4  }
0x3f1: {  	v27 =	vadd.f32 v35, v27;
	v28 =	vadd.f32 v36, v28;
	v34 =	vld [tilespmem:s6+$0x140D0]  }
0x3f2: {  	v29 =	vadd.f32 v41, v29;
	v35 =	vld [tilespmem:s6+$0x14040];
	v30 =	vadd.f32 v42, v30  }
0x3f3: {  	v27 =	vadd.f32 v37, v27;
	v28 =	vadd.f32 v38, v28;
	v36 =	vld [tilespmem:s6+$0x14050]  }
0x3f4: {  	s7 =	sadd.s32 $0x1000, s7;
	v29 =	vadd.f32 v39, v29;
	v37 =	vld [tilespmem:s6+$0x14060];
	v30 =	vadd.f32 v40, v30  }
0x3f5: {  	v38 =	vld [tilespmem:s6+$0x14070]  }
0x3f6: {  	v39 =	vld [tilespmem:s6+$0x140E0]  }
0x3f7: {  	v40 =	vld [tilespmem:s6+$0x140F0]  }
0x3f8: {  	v19 =	vadd.f32 v19, v27;
	v21 =	vadd.f32 v21, v28;
	v62 =	vld [tilespmem:s6+$0x14160]  }
0x3f9: {  	v63 =	vld [tilespmem:s6+$0x14170];
	s7 =	sshll.u32 s5, $0x9;
	v18 =	vadd.f32 v18, v29;
	v20 =	vadd.f32 v20, v30  }
0x3fa: {  	v41 =	vld [tilespmem:s6+$0x141E0];
	s19 =	sshra.s32 s7, $0x2;
	v11 =	vadd.f32 v11, v19;
	v12 =	vadd.f32 v12, v21  }
0x3fb: {  	v17 =	vadd.f32 v35, v17;
	v52 =	vld [tilespmem:s19+$0x1A880];
	v13 =	vadd.f32 v13, v18  }
0x3fc: {  	v53 =	vld [tilespmem:s19+$0x1A890];
	v15 =	vadd.f32 v15, v20;
	v43 =	vadd.f32 v36, v24  }
0x3fd: {  	v42 =	vld [tilespmem:s6+$0x141F0];
	v22 =	vadd.f32 v37, v22;
	v17 =	vadd.f32 v33, v17  }
0x3fe: {  	v44 =	vld [tilespmem:s6+$0x14260];
	v23 =	vadd.f32 v38, v23;
	v20 =	vadd.f32 v34, v43  }
0x3ff: {  	v56 =	vld [tilespmem:s19+$0x1A8B0];
	v22 =	vadd.f32 v39, v22;
	v17 =	vadd.f32 v31, v17  }
0x400: {  	v45 =	vld [tilespmem:s6+$0x14270];
	v23 =	vadd.f32 v40, v23;
	v20 =	vadd.f32 v32, v20  }
0x401: {  	v46 =	vld [tilespmem:s6+$0x142E0];
	v11 =	vadd.f32 v52, v11;
	v12 =	vadd.f32 v53, v12  }
0x402: {  	v47 =	vld [tilespmem:s6+$0x142F0];
	v22 =	vadd.f32 v62, v22;
	v17 =	vadd.f32 v25, v17  }
0x403: {  	v48 =	vld [tilespmem:s6+$0x14360];
	v23 =	vadd.f32 v63, v23;
	v20 =	vadd.f32 v26, v20  }
0x404: {  	v49 =	vld [tilespmem:s6+$0x14370];
	v63 =	vadd.f32 v56, v15;
	v19 =	vadd.f32 v41, v22  }
0x405: {  	v50 =	vld [tilespmem:s6+$0x143E0];
	v14 =	vadd.f32 v14, v17;
	v18 =	vadd.f32 v42, v23  }
0x406: {  	v54 =	vld [tilespmem:s19+$0x1A8A0];
	v16 =	vadd.f32 v16, v20;
	v19 =	vadd.f32 v44, v19  }
0x407: {  	v51 =	vld [tilespmem:s6+$0x143F0];
	v9 =	vadd.f32 v9, v14;
	v18 =	vadd.f32 v45, v18  }
0x408: {  	v57 =	vld [tilespmem:s19+$0x1A8C0];
	v10 =	vadd.f32 v10, v16;
	v55 =	vadd.f32 v46, v19  }
0x409: {  	v59 =	vld [tilespmem:s19+$0x1A8D0];
	v7 =	vadd.f32 v7, v9;
	v18 =	vadd.f32 v47, v18  }
0x40a: {  	v61 =	vld [tilespmem:s19+$0x1A8E0];
	v8 =	vadd.f32 v8, v10;
	v58 =	vadd.f32 v48, v55  }
0x40b: {  	v62 =	vld [tilespmem:s19+$0x1A8F0];
	[tilespmem:s19+$0x1A880] =	vst v11;
	v5 =	vadd.f32 v5, v7;
	v7 =	vadd.f32 v54, v13  }
0x40c: {  	[tilespmem:s19+$0x1A890] =	vst v12;
	v60 =	vadd.f32 v49, v18;
	v6 =	vadd.f32 v6, v8  }
0x40d: {  	[tilespmem:s19+$0x1A8B0] =	vst v63;
	v10 =	vadd.f32 v50, v58;
	v5 =	vadd.f32 v57, v5  }
0x40e: {  	[tilespmem:s19+$0x1A8A0] =	vst v7;
	v7 =	vadd.f32 v51, v60;
	v6 =	vadd.f32 v59, v6  }
0x40f: {  	[tilespmem:s19+$0x1A8C0] =	vst v5;
	v5 =	vadd.f32 v61, v10  }
0x410: {  	[tilespmem:s19+$0x1A8D0] =	vst v6;
	v6 =	vadd.f32 v62, v7  }
0x411: {  	[tilespmem:s19+$0x1A8E0] =	vst v5  }
0x412: {  	[tilespmem:s19+$0x1A8F0] =	vst v6  }
.LBB2_28:
0x413: {  	p2 =	slt.s32 @!p1 s5, $0x40  }
0x414: {  	p1 =	por p1, !p2  }
.Ltmp13:
0x415: {  	s0 =	sadd.s32 @p1 $0x18280, s0;
	(pc) =	sbr.rel @p0 .LBB2_30-.Ltmp13, $4  }
0x416: {  	[spmem:s3] =	stream.indirect.scatter.add.f32 @p1 [tilespmem:s29], [sflag:$0x5], $0x80, s0, s23, $0xb8;
	[tilespmem:$0x1D080] =	vst v63  }
0x417: {  	_ =	swait.ge @p1 [sflag:s20], $0x4000  }
0x418: {  	[sflag:s20] =	ssyncset.done @p1 $0x0  }
0x419: {  	[sflag:s20] =	ssyncadd.s32 @p1 $0xFFFFC000  }
0x41a: {  	s0 =	smul.u32 $0x18000, s2  }
.Ltmp14:
0x41b: {  	_ = 	snop;
	(pc) =	sbr.rel .LBB2_4-.Ltmp14, $4  }
0x41c: {  	s0 =	sadd.s32 s0, s12  }
0x41d: {  	s0 =	sshrl.u32 s0, $0x3  }
0x41e: {  	s2 =	sadd.s32 $0x1, s2;
	s0 =	sadd.s32 s1, s0  }
0x41f: {  	[tilespmem:s18], [sflag:$0x3] =	stream.linear.gather [hbm4b:s0+s4], $0x8000, $0x38;
	[tilespmem:$0x1D080] =	vst v63  }
.LBB2_30:
0x420: {  	s0 =	simm.s32 $0x0;
	s2 =	simm.s32 $0x200;
	s5 =	simm.s32 $0x1A880  }
.LBB2_31:
0x421: {  	p0 =	sne.s32 s2, $0xDE00;
	[tilespmem:s0+$0x870] =	vst v0  }
0x422: {  	[tilespmem:s0+$0x800] =	vst v0  }
0x423: {  	[tilespmem:s0+$0x810] =	vst v0  }
.Ltmp15:
0x424: {  	[tilespmem:s0+$0x820] =	vst v0;
	(pc) =	sbr.rel @p0 .LBB2_31-.Ltmp15, $4  }
0x425: {  	[tilespmem:s0+$0x830] =	vst v0  }
0x426: {  	[tilespmem:s0+$0x840] =	vst v0  }
0x427: {  	[tilespmem:s0+$0x850] =	vst v0  }
0x428: {  	[tilespmem:s0+$0x860] =	vst v0;
	s0 =	sshra.s32 s2, $0x2;
	s2 =	sadd.s32 $0x200, s2  }
0x429: {  	[tilespmem:s0+$0x870] =	vst v0  }
0x42a: {  	[tilespmem:s0+$0x800] =	vst v0  }
0x42b: {  	[tilespmem:s0+$0x810] =	vst v0  }
0x42c: {  	[tilespmem:s0+$0x820] =	vst v0  }
0x42d: {  	[tilespmem:s0+$0x830] =	vst v0  }
0x42e: {  	[tilespmem:s0+$0x840] =	vst v0  }
0x42f: {  	[tilespmem:s0+$0x850] =	vst v0  }
0x430: {  	[tilespmem:s0+$0x860] =	vst v0  }
0x431: {  	[tilespmem:s4], [sflag:$0x5] =	stream.linear.gather [hbm4b:s13+s4], $0x800, $0x38;
	[tilespmem:$0x1D080] =	vst v63  }
0x432: {  	_ =	swait.ge [sflag:s20], $0x800  }
0x433: {  	[sflag:s20] =	ssyncset.done $0x0  }
0x434: {  	s6 =	simm.s32 $0x1A700;
	[sflag:s20] =	ssyncadd.s32 $0xFFFFF800  }
0x435: {  	[spmem:s3] =	stream.indirect.scatter.add.f32 [tilespmem:s4], [sflag:$0x5], $0x80, s6, s23, $0xb8;
	[tilespmem:$0x1D080] =	vst v63  }
0x436: {  	_ =	swait.ge [sflag:s20], $0x4000  }
0x437: {  	[sflag:s20] =	ssyncset.done $0x0  }
0x438: {  	s7 =	simm.s32 $0x40;
	s2 =	simm.s32 $0x1A800;
	[sflag:s20] =	ssyncadd.s32 $0xFFFFC000  }
0x439: {  	[spmem:s3] =	stream.indirect.scatter.add.f32 [tilespmem:s5], [sflag:$0x5], $0x80, s2, s7, $0xb8;
	[tilespmem:$0x1D080] =	vst v63  }
0x43a: {  	s19 =	stileid.u32;
	_ =	swait.ge [sflag:s20], $0x2000  }
0x43b: {  	s30 =	sshrl.u32 s9, $0x3;
	s16 =	sadd.s32 $0x1, s16;
	[sflag:s20] =	ssyncset.done $0x0  }
0x43c: {  	s0 =	sshll.u32 s19, $0x6;
	p0 =	sne.s32 s16, s15;
	[sflag:s20] =	ssyncadd.s32 $0xFFFFE000  }
.Ltmp16:
0x43d: {  	s0 =	sor.u32 $0x1C05, s0;
	[bflag:$0x0] =	sbarrier.arrive $0xFFFF;
	(pc) =	sbr.rel @p0 .LBB2_1-.Ltmp16, $4  }
0x43e: {  	[hbm:s14], [sflag:s0] =	dma.local [spmem:s30], $0x100  }
0x43f: {  	_ =	swait.ge [sflag:s20], $0x100  }
0x440: {  	[sflag:s20] =	ssyncset.done $0x0  }
0x441: {  	[sflag:s20] =	ssyncadd.s32 $0xFFFFFF00  }
0x442: {  	_ =	sfence.sel $0x180000  }
0x443: {  	[bflag:$0x0] =	sbarrier.arrive $0xFFFF  }
0x444: {  	_ =	strace $0x90000047  }
0x445: {  	s0 =	stileid.u32;
	[bflag:$0x2] =	sbarrier.arrive $0xFFFF  }
0x446: {  	p0 =	sne.s32 s0, $0x0;
	s0 =	rddreg [dreg:$0x3]  }
0x447: {  	s0 =	sadd.s32 @!p0 $0x100000, s0  }
0x448: {  	[sflag:s0] =	ssyncadd.tile.s32 @!p0 $0x1;
	_ =	shalt  }
.Lfunc_end2:
_tile_overlayer_lowered:
.L_overlay_start_2:
0x449: {  	(tag) =	ssettag $0x2  }
0x44a: {  	s0 =	rddreg [dreg:$0x0];
	s2 =	stileid.u32  }
0x44b: {  	s1 =	rddreg [dreg:$0x1];
	p0 =	sne.s32 s2, $0x0  }
0x44c: {  	s3 =	rddreg [dreg:$0x2];
	[bflag:$0x3] =	sbarrier.arrive $0xFFFF;
	s2 =	simm.s32 @!p0 $0x1C05  }
0x44d: {  	[timem:s3], [sflag:s2] =	dma.local @!p0 [hbm:s0], s1  }
0x44e: {  	s0 =	simm.s32 @!p0 $0x5  }
0x44f: {  	_ =	swait.ge @!p0 [sflag:s0], s1  }
0x450: {  	s1 =	ssub.s32 @!p0 $0x0, s1;
	[sflag:s0] =	ssyncset.done @!p0 $0x0  }
0x451: {  	[sflag:s0] =	ssyncadd.s32 @!p0 s1  }
0x452: {  	[bflag:$0x3] =	sbarrier.arrive $0xFFFF  }
0x453: {  	_ =	shalt  }

</sc_bundles>
